<compile_context>
chip_gen: v7x
topology: tpu7x:2x2x1
jax: 0.10.2.dev20260603
libtpu: 0.0.44.dev20260713+nightly
codegen_flags: <defaults>
</compile_context>

<pallas_src>
import functools

import jax
import jax.numpy as jnp
from jax import lax
from jax.experimental import pallas as pl
from jax.experimental.pallas import tpu as pltpu
from jax.experimental.pallas import tpu_sc as plsc

_DIM = 128
_MARGIN = 0.5
_NC = 2
_NS = 16
_L = 16
_NW = _NC * _NS
_C = 64
_ROWS = 3 * _C


def _rsqrt_scalar(x):
    i = lax.bitcast_convert_type(x, jnp.int32)
    i = jnp.int32(0x5F3759DF) - lax.shift_right_logical(i, 1)
    y = lax.bitcast_convert_type(i, jnp.float32)
    half_x = x * 0.5
    for _ in range(3):
        y = y * (1.5 - half_x * y * y)
    return y


def _make_sc_call(batch):
    tpw = batch // _NW
    nchunk = tpw // _C
    wlen = 3 * tpw

    mesh = plsc.VectorSubcoreMesh(
        core_axis_name="c", subcore_axis_name="s",
        num_cores=_NC, num_subcores=_NS)

    @functools.partial(
        pl.kernel,
        out_type=jax.ShapeDtypeStruct((_NW, _L), jnp.float32),
        mesh=mesh,
        compiler_params=pltpu.CompilerParams(needs_layout_passes=False),
        scratch_types=[
            pltpu.VMEM((_C, 3), jnp.int32),
            pltpu.VMEM((2 * wlen,), jnp.int32),
            pltpu.VMEM((2 * _ROWS, _DIM), jnp.float32),
            pltpu.VMEM((2 * _ROWS, _DIM), jnp.float32),
            pltpu.VMEM((_L,), jnp.float32),
            pltpu.SemaphoreType.DMA,
            pltpu.SemaphoreType.DMA,
        ],
    )
    def sc_call(tbl, idxp, idxn, out, idx2_v, idx_v, rows0, rows1,
                res_v, s0, s1):
        wid = lax.axis_index("s") * _NC + lax.axis_index("c")
        iota16 = lax.iota(jnp.int32, _L)
        for side, src in ((0, idxp), (1, idxn)):
            for c in range(nchunk):
                pltpu.sync_copy(
                    src.at[pl.ds(wid * tpw + c * _C, _C)], idx2_v)
                off = side * wlen + c * _ROWS

                def flat_body(g, cc, _off=off):
                    p = g * _L + iota16
                    rvec = p // 3
                    cvec = p - rvec * 3
                    v = plsc.load_gather(idx2_v, [rvec, cvec])
                    idx_v[pl.ds(_off + g * _L, _L)] = v
                    return cc

                lax.fori_loop(0, _ROWS // _L, flat_body, 0)

        def start_gather(c, rows_v, sem):
            base = c * _ROWS
            for j in range(2):
                for (off, ln) in ((0, _DIM), (_DIM, _ROWS - _DIM)):
                    pltpu.async_copy(
                        tbl.at[idx_v.at[pl.ds(j * wlen + base + off, ln)]],
                        rows_v.at[pl.ds(j * _ROWS + off, ln)], sem)

        def wait_gather(rows_v, sem):
            for j in range(2):
                for (off, ln) in ((0, _DIM), (_DIM, _ROWS - _DIM)):
                    pltpu.make_async_copy(
                        tbl.at[idx_v.at[pl.ds(j * wlen + off, ln)]],
                        rows_v.at[pl.ds(j * _ROWS + off, ln)], sem).wait()

        def compute_chunk(rows_v, partial):

            def tscore(r0):
                invs = []
                for r in (r0, r0 + 1, r0 + 2):
                    a0 = None
                    a1 = None
                    for k in range(0, _DIM // _L, 2):
                        v0 = rows_v[r, pl.ds(k * _L, _L)]
                        v1 = rows_v[r, pl.ds((k + 1) * _L, _L)]
                        a0 = v0 * v0 if a0 is None else a0 + v0 * v0
                        a1 = v1 * v1 if a1 is None else a1 + v1 * v1
                    invs.append(_rsqrt_scalar(jnp.sum(a0 + a1)))
                inh, int_, inr = invs
                nint = -int_
                accs = [None] * 4
                for k in range(_DIM // _L):
                    sl = pl.ds(k * _L, _L)
                    v = (rows_v[r0, sl] * inh + rows_v[r0 + 2, sl] * inr
                         + rows_v[r0 + 1, sl] * nint)
                    av = jnp.abs(v)
                    accs[k % 4] = av if accs[k % 4] is None \
                        else accs[k % 4] + av
                return jnp.sum((accs[0] + accs[1]) + (accs[2] + accs[3]))

            def pair_body(j, part):
                posd = tscore(3 * j)
                negd = tscore(_ROWS + 3 * j)
                return part + jnp.maximum(negd - posd + _MARGIN, 0.0)

            return plsc.parallel_loop(0, _C, carry=partial)(pair_body)

        start_gather(0, rows0, s0)

        def ring_body(cc, partial):
            c0 = 2 * cc
            wait_gather(rows0, s0)
            start_gather(c0 + 1, rows1, s1)
            partial = compute_chunk(rows0, partial)
            wait_gather(rows1, s1)

            @pl.when(cc < nchunk // 2 - 1)
            def _():
                start_gather(c0 + 2, rows0, s0)

            return compute_chunk(rows1, partial)

        partial = lax.fori_loop(0, nchunk // 2, ring_body, jnp.float32(0.0))
        res_v[...] = jnp.zeros((_L,), jnp.float32) + partial
        pltpu.sync_copy(res_v, out.at[wid])

    return sc_call


def kernel(entity_emb, rel_emb, pos_batch, neg_batch):
    batch = pos_batch.shape[0]
    partials = _make_sc_call(batch)(entity_emb, pos_batch, neg_batch)
    return jnp.sum(partials) / (_L * batch)

# --- scband reference (transcript-rebuilt; emitter-appended) ---
"""Pipeline reference for scband-trans-e-59554016526863 (READ-ONLY COPY).

The authoritative reference and input builder live on the scoring server;
editing this copy changes nothing except your own understanding.
"""

import jax, jax.numpy as jnp
import numpy as np

ENTITY_LEN = 100000
REL_LEN = 1000
DIM = 128
MARGIN = 0.5
BATCH = 16384


def setup_inputs(seed: int = 0) -> dict:
    key = jax.random.key(seed)
    k1, k2, k3, k4 = jax.random.split(key, 4)
    bound = 6.0 / np.sqrt(DIM)
    entity_emb = jax.random.uniform(k1, (ENTITY_LEN, DIM), minval=-bound, maxval=bound, dtype=jnp.float32)
    rel_emb = jax.random.uniform(k2, (REL_LEN, DIM), minval=-bound, maxval=bound, dtype=jnp.float32)
    # __init__ normalizes relation embeddings to unit L2 norm
    rel_norms = jnp.linalg.norm(rel_emb, ord=2, axis=1, keepdims=True)
    rel_emb = rel_emb / rel_norms
    pos_batch = jax.random.randint(k3, (BATCH, 3), 0, ENTITY_LEN, dtype=jnp.int32)
    neg_batch = jax.random.randint(k4, (BATCH, 3), 0, ENTITY_LEN, dtype=jnp.int32)
    return {"entity_emb": entity_emb, "rel_emb": rel_emb, "pos_batch": pos_batch, "neg_batch": neg_batch}


def _score_triplets(table, triplets):
    # score_triplets renormalizes the full entity table in-place via .data (detached norms)
    norms = jax.lax.stop_gradient(jnp.linalg.norm(table, axis=1, keepdims=True))
    t = table / norms
    heads = t[triplets[:, 0]]
    tails = t[triplets[:, 1]]
    # NB: original code looks up relations in the ENTITY embedding table (faithful bug)
    rels = t[triplets[:, 2]]
    sum_res = heads + rels - tails
    distances = jnp.sum(jnp.abs(sum_res), axis=1)  # L1 norm per row
    return distances.reshape(-1), t


def reference(entity_emb, rel_emb, pos_batch, neg_batch):
    # first scoring call normalizes the table; the mutated table is then used for neg scoring
    pos_score, table_after = _score_triplets(entity_emb, pos_batch)
    neg_score, _ = _score_triplets(table_after, neg_batch)
    # MarginRankingLoss(margin=0.5) with y = 1: mean(max(0, -(pos - neg) + margin))
    loss = jnp.mean(jnp.maximum(0.0, -(pos_score - neg_score) + MARGIN))
    return loss

if __name__ == "__main__":
    import jax
    _d = setup_inputs()
    print(jax.jit(kernel)(*tuple(_d.values())))

</pallas_src>

<mosaic_0001>
#map = affine_map<(d0, d1) -> (0, 0)>
module attributes {stable_mosaic.version = 14 : i64} {
  func.func @sc_call(%arg0: i32, %arg1: i32, %arg2: memref<100000x128xf32, #tpu.memory_space<hbm>>, %arg3: memref<16384x3xi32, #tpu.memory_space<hbm>>, %arg4: memref<16384x3xi32, #tpu.memory_space<hbm>>, %arg5: memref<32x16xf32, #tpu.memory_space<hbm>>, %arg6: memref<64x3xi32, #tpu.memory_space<vmem>>, %arg7: memref<3072xi32, #tpu.memory_space<vmem>>, %arg8: memref<384x128xf32, #tpu.memory_space<vmem>>, %arg9: memref<384x128xf32, #tpu.memory_space<vmem>>, %arg10: memref<16xf32, #tpu.memory_space<vmem>>, %arg11: memref<!tpu.dma_semaphore, #tpu.memory_space<semaphore_mem>>, %arg12: memref<!tpu.dma_semaphore, #tpu.memory_space<semaphore_mem>>) attributes {dimension_semantics = [#tpu.dimension_semantics<core_parallel>, #tpu.dimension_semantics<subcore_parallel>], iteration_bounds = array<i64: 2, 16>, scalar_prefetch = 0 : i64, scratch_operands = 7 : i64, tpu.core_type = #tpu.core_type<sc_vector_subcore>, window_params = [{transform_indices = #map}, {transform_indices = #map}, {transform_indices = #map}, {transform_indices = #map}]} {
    %mul3A = arith.constant 2 : i32
    %mul3A_0 = arith.muli %arg1, %mul3A : i32
    %add3A = arith.addi %mul3A_0, %arg0 : i32
    %iota3A = tpu.iota {dimensions = array<i32: 0>} : vector<16xi32>
    %mul3A_1 = arith.constant 512 : i32
    %mul3A_2 = arith.muli %add3A, %mul3A_1 : i32
    %add3A_3 = arith.constant 0 : i32
    %add3A_4 = arith.addi %mul3A_2, %add3A_3 : i32
    "tpu.region"() ({
      %run_scoped3A = tpu.sem_alloc : memref<!tpu.dma_semaphore, #tpu.memory_space<semaphore_mem>>
      %dma_start3A_202 = arith.constant 0 : i32
      %dma_start3A_203 = tpu.memref_slice %arg3[%add3A_4, %dma_start3A_202] : memref<16384x3xi32, #tpu.memory_space<hbm>> -> memref<64x3xi32, #tpu.memory_space<hbm>>
      %dma_start3A_204 = arith.constant 0 : i32
      %dma_start3A_205 = tpu.memref_slice %arg3[%add3A_4, %dma_start3A_204] : memref<16384x3xi32, #tpu.memory_space<hbm>> -> memref<64x3xi32, #tpu.memory_space<hbm>>
      tpu.enqueue_dma source(%dma_start3A_205 : memref<64x3xi32, #tpu.memory_space<hbm>>) target(%arg6 : memref<64x3xi32, #tpu.memory_space<vmem>>) target_semaphore(%run_scoped3A : memref<!tpu.dma_semaphore, #tpu.memory_space<semaphore_mem>>)
      %dma_wait3A = arith.constant 0 : i32
      %dma_wait3A_206 = tpu.memref_slice %arg3[%add3A_4, %dma_wait3A] : memref<16384x3xi32, #tpu.memory_space<hbm>> -> memref<64x3xi32, #tpu.memory_space<hbm>>
      %dma_wait3A_207 = arith.constant 0 : i32
      %dma_wait3A_208 = tpu.memref_slice %arg3[%add3A_4, %dma_wait3A_207] : memref<16384x3xi32, #tpu.memory_space<hbm>> -> memref<64x3xi32, #tpu.memory_space<hbm>>
      tpu.wait_dma2 semaphore(%run_scoped3A : memref<!tpu.dma_semaphore, #tpu.memory_space<semaphore_mem>>) src(%dma_wait3A_208 : memref<64x3xi32, #tpu.memory_space<hbm>>) dst(%arg6 : memref<64x3xi32, #tpu.memory_space<vmem>>)
      tpu.yield
    }) : () -> ()
    %scan3A = arith.constant 0 : i32
    %scan3A_5 = arith.constant 0 : i32
    %scan3A_6 = arith.constant 12 : i32
    %scan3A_7 = arith.addi %scan3A_5, %scan3A_6 : i32
    %scan3A_8 = arith.constant 1 : i32
    scf.for %scan3A_202 = %scan3A_5 to %scan3A_7 step %scan3A_8  : i32 {
      %mul3A_203 = arith.constant 16 : i32
      %mul3A_204 = arith.muli %scan3A_202, %mul3A_203 : i32
      %add3A_205 = vector.broadcast %mul3A_204 : i32 to vector<16xi32>
      %add3A_206 = arith.addi %add3A_205, %iota3A : vector<16xi32>
      %jit3A = arith.constant 3 : i32
      %div3A = vector.broadcast %jit3A : i32 to vector<16xi32>
      %div3A_207 = arith.divsi %add3A_206, %div3A : vector<16xi32>
      %sign3A = arith.constant 0 : i32
      %sign3A_208 = vector.broadcast %sign3A : i32 to vector<16xi32>
      %sign3A_209 = arith.cmpi sgt, %add3A_206, %sign3A_208 : vector<16xi32>
      %sign3A_210 = arith.extui %sign3A_209 : vector<16xi1> to vector<16xi32>
      %sign3A_211 = arith.constant 0 : i32
      %sign3A_212 = vector.broadcast %sign3A_211 : i32 to vector<16xi32>
      %sign3A_213 = arith.cmpi slt, %add3A_206, %sign3A_212 : vector<16xi32>
      %sign3A_214 = arith.extui %sign3A_213 : vector<16xi1> to vector<16xi32>
      %sign3A_215 = arith.subi %sign3A_210, %sign3A_214 : vector<16xi32>
      %sign3A_216 = arith.constant 0 : i32
      %sign3A_217 = arith.cmpi sgt, %jit3A, %sign3A_216 : i32
      %sign3A_218 = arith.extui %sign3A_217 : i1 to i32
      %sign3A_219 = arith.constant 0 : i32
      %sign3A_220 = arith.cmpi slt, %jit3A, %sign3A_219 : i32
      %sign3A_221 = arith.extui %sign3A_220 : i1 to i32
      %sign3A_222 = arith.subi %sign3A_218, %sign3A_221 : i32
      %ne3A = vector.broadcast %sign3A_222 : i32 to vector<16xi32>
      %ne3A_223 = arith.cmpi ne, %sign3A_215, %ne3A : vector<16xi32>
      %rem3A = vector.broadcast %jit3A : i32 to vector<16xi32>
      %rem3A_224 = arith.remsi %add3A_206, %rem3A : vector<16xi32>
      %ne3A_225 = arith.constant 0 : i32
      %ne3A_226 = vector.broadcast %ne3A_225 : i32 to vector<16xi32>
      %ne3A_227 = arith.cmpi ne, %rem3A_224, %ne3A_226 : vector<16xi32>
      %and3A = arith.andi %ne3A_223, %ne3A_227 : vector<16xi1>
      %sub3A = arith.constant 1 : i32
      %sub3A_228 = vector.broadcast %sub3A : i32 to vector<16xi32>
      %sub3A_229 = arith.subi %div3A_207, %sub3A_228 : vector<16xi32>
      %select_n3A = arith.select %and3A, %sub3A_229, %div3A_207 : vector<16xi1>, vector<16xi32>
      %mul3A_230 = arith.constant 3 : i32
      %mul3A_231 = vector.broadcast %mul3A_230 : i32 to vector<16xi32>
      %mul3A_232 = arith.muli %select_n3A, %mul3A_231 : vector<16xi32>
      %sub3A_233 = arith.subi %add3A_206, %mul3A_232 : vector<16xi32>
      %gather3A = tpu.vector_load_idx %arg6[%select_n3A, %sub3A_233] : memref<64x3xi32, #tpu.memory_space<vmem>>[vector<16xi32>, vector<16xi32>], vector<16xi32>,
      %mul3A_234 = arith.constant 16 : i32
      %mul3A_235 = arith.muli %scan3A_202, %mul3A_234 : i32
      %add3A_236 = arith.constant 0 : i32
      %add3A_237 = arith.addi %add3A_236, %mul3A_235 : i32
      %swap3A_238 = arith.index_cast %add3A_237 : i32 to index
      %swap3A_239 = tpu.vector_load %arg7[%swap3A_238] {strides = array<i32>} : memref<3072xi32, #tpu.memory_space<vmem>>, vector<16xi32>,
      tpu.vector_store %arg7[%swap3A_238], %gather3A {strides = array<i32>} : memref<3072xi32, #tpu.memory_space<vmem>>, vector<16xi32>,
    }
    %scan3A_9 = arith.constant 12 : i32
    %mul3A_10 = arith.constant 512 : i32
    %mul3A_11 = arith.muli %add3A, %mul3A_10 : i32
    %add3A_12 = arith.constant 64 : i32
    %add3A_13 = arith.addi %mul3A_11, %add3A_12 : i32
    "tpu.region"() ({
      %run_scoped3A = tpu.sem_alloc : memref<!tpu.dma_semaphore, #tpu.memory_space<semaphore_mem>>
      %dma_start3A_202 = arith.constant 0 : i32
      %dma_start3A_203 = tpu.memref_slice %arg3[%add3A_13, %dma_start3A_202] : memref<16384x3xi32, #tpu.memory_space<hbm>> -> memref<64x3xi32, #tpu.memory_space<hbm>>
      %dma_start3A_204 = arith.constant 0 : i32
      %dma_start3A_205 = tpu.memref_slice %arg3[%add3A_13, %dma_start3A_204] : memref<16384x3xi32, #tpu.memory_space<hbm>> -> memref<64x3xi32, #tpu.memory_space<hbm>>
      tpu.enqueue_dma source(%dma_start3A_205 : memref<64x3xi32, #tpu.memory_space<hbm>>) target(%arg6 : memref<64x3xi32, #tpu.memory_space<vmem>>) target_semaphore(%run_scoped3A : memref<!tpu.dma_semaphore, #tpu.memory_space<semaphore_mem>>)
      %dma_wait3A = arith.constant 0 : i32
      %dma_wait3A_206 = tpu.memref_slice %arg3[%add3A_13, %dma_wait3A] : memref<16384x3xi32, #tpu.memory_space<hbm>> -> memref<64x3xi32, #tpu.memory_space<hbm>>
      %dma_wait3A_207 = arith.constant 0 : i32
      %dma_wait3A_208 = tpu.memref_slice %arg3[%add3A_13, %dma_wait3A_207] : memref<16384x3xi32, #tpu.memory_space<hbm>> -> memref<64x3xi32, #tpu.memory_space<hbm>>
      tpu.wait_dma2 semaphore(%run_scoped3A : memref<!tpu.dma_semaphore, #tpu.memory_space<semaphore_mem>>) src(%dma_wait3A_208 : memref<64x3xi32, #tpu.memory_space<hbm>>) dst(%arg6 : memref<64x3xi32, #tpu.memory_space<vmem>>)
      tpu.yield
    }) : () -> ()
    %scan3A_14 = arith.constant 0 : i32
    %scan3A_15 = arith.constant 0 : i32
    %scan3A_16 = arith.constant 12 : i32
    %scan3A_17 = arith.addi %scan3A_15, %scan3A_16 : i32
    %scan3A_18 = arith.constant 1 : i32
    scf.for %scan3A_202 = %scan3A_15 to %scan3A_17 step %scan3A_18  : i32 {
      %mul3A_203 = arith.constant 16 : i32
      %mul3A_204 = arith.muli %scan3A_202, %mul3A_203 : i32
      %add3A_205 = vector.broadcast %mul3A_204 : i32 to vector<16xi32>
      %add3A_206 = arith.addi %add3A_205, %iota3A : vector<16xi32>
      %jit3A = arith.constant 3 : i32
      %div3A = vector.broadcast %jit3A : i32 to vector<16xi32>
      %div3A_207 = arith.divsi %add3A_206, %div3A : vector<16xi32>
      %sign3A = arith.constant 0 : i32
      %sign3A_208 = vector.broadcast %sign3A : i32 to vector<16xi32>
      %sign3A_209 = arith.cmpi sgt, %add3A_206, %sign3A_208 : vector<16xi32>
      %sign3A_210 = arith.extui %sign3A_209 : vector<16xi1> to vector<16xi32>
      %sign3A_211 = arith.constant 0 : i32
      %sign3A_212 = vector.broadcast %sign3A_211 : i32 to vector<16xi32>
      %sign3A_213 = arith.cmpi slt, %add3A_206, %sign3A_212 : vector<16xi32>
      %sign3A_214 = arith.extui %sign3A_213 : vector<16xi1> to vector<16xi32>
      %sign3A_215 = arith.subi %sign3A_210, %sign3A_214 : vector<16xi32>
      %sign3A_216 = arith.constant 0 : i32
      %sign3A_217 = arith.cmpi sgt, %jit3A, %sign3A_216 : i32
      %sign3A_218 = arith.extui %sign3A_217 : i1 to i32
      %sign3A_219 = arith.constant 0 : i32
      %sign3A_220 = arith.cmpi slt, %jit3A, %sign3A_219 : i32
      %sign3A_221 = arith.extui %sign3A_220 : i1 to i32
      %sign3A_222 = arith.subi %sign3A_218, %sign3A_221 : i32
      %ne3A = vector.broadcast %sign3A_222 : i32 to vector<16xi32>
      %ne3A_223 = arith.cmpi ne, %sign3A_215, %ne3A : vector<16xi32>
      %rem3A = vector.broadcast %jit3A : i32 to vector<16xi32>
      %rem3A_224 = arith.remsi %add3A_206, %rem3A : vector<16xi32>
      %ne3A_225 = arith.constant 0 : i32
      %ne3A_226 = vector.broadcast %ne3A_225 : i32 to vector<16xi32>
      %ne3A_227 = arith.cmpi ne, %rem3A_224, %ne3A_226 : vector<16xi32>
      %and3A = arith.andi %ne3A_223, %ne3A_227 : vector<16xi1>
      %sub3A = arith.constant 1 : i32
      %sub3A_228 = vector.broadcast %sub3A : i32 to vector<16xi32>
      %sub3A_229 = arith.subi %div3A_207, %sub3A_228 : vector<16xi32>
      %select_n3A = arith.select %and3A, %sub3A_229, %div3A_207 : vector<16xi1>, vector<16xi32>
      %mul3A_230 = arith.constant 3 : i32
      %mul3A_231 = vector.broadcast %mul3A_230 : i32 to vector<16xi32>
      %mul3A_232 = arith.muli %select_n3A, %mul3A_231 : vector<16xi32>
      %sub3A_233 = arith.subi %add3A_206, %mul3A_232 : vector<16xi32>
      %gather3A = tpu.vector_load_idx %arg6[%select_n3A, %sub3A_233] : memref<64x3xi32, #tpu.memory_space<vmem>>[vector<16xi32>, vector<16xi32>], vector<16xi32>,
      %mul3A_234 = arith.constant 16 : i32
      %mul3A_235 = arith.muli %scan3A_202, %mul3A_234 : i32
      %add3A_236 = arith.constant 192 : i32
      %add3A_237 = arith.addi %add3A_236, %mul3A_235 : i32
      %swap3A_238 = arith.index_cast %add3A_237 : i32 to index
      %swap3A_239 = tpu.vector_load %arg7[%swap3A_238] {strides = array<i32>} : memref<3072xi32, #tpu.memory_space<vmem>>, vector<16xi32>,
      tpu.vector_store %arg7[%swap3A_238], %gather3A {strides = array<i32>} : memref<3072xi32, #tpu.memory_space<vmem>>, vector<16xi32>,
    }
    %scan3A_19 = arith.constant 12 : i32
    %mul3A_20 = arith.constant 512 : i32
    %mul3A_21 = arith.muli %add3A, %mul3A_20 : i32
    %add3A_22 = arith.constant 128 : i32
    %add3A_23 = arith.addi %mul3A_21, %add3A_22 : i32
    "tpu.region"() ({
      %run_scoped3A = tpu.sem_alloc : memref<!tpu.dma_semaphore, #tpu.memory_space<semaphore_mem>>
      %dma_start3A_202 = arith.constant 0 : i32
      %dma_start3A_203 = tpu.memref_slice %arg3[%add3A_23, %dma_start3A_202] : memref<16384x3xi32, #tpu.memory_space<hbm>> -> memref<64x3xi32, #tpu.memory_space<hbm>>
      %dma_start3A_204 = arith.constant 0 : i32
      %dma_start3A_205 = tpu.memref_slice %arg3[%add3A_23, %dma_start3A_204] : memref<16384x3xi32, #tpu.memory_space<hbm>> -> memref<64x3xi32, #tpu.memory_space<hbm>>
      tpu.enqueue_dma source(%dma_start3A_205 : memref<64x3xi32, #tpu.memory_space<hbm>>) target(%arg6 : memref<64x3xi32, #tpu.memory_space<vmem>>) target_semaphore(%run_scoped3A : memref<!tpu.dma_semaphore, #tpu.memory_space<semaphore_mem>>)
      %dma_wait3A = arith.constant 0 : i32
      %dma_wait3A_206 = tpu.memref_slice %arg3[%add3A_23, %dma_wait3A] : memref<16384x3xi32, #tpu.memory_space<hbm>> -> memref<64x3xi32, #tpu.memory_space<hbm>>
      %dma_wait3A_207 = arith.constant 0 : i32
      %dma_wait3A_208 = tpu.memref_slice %arg3[%add3A_23, %dma_wait3A_207] : memref<16384x3xi32, #tpu.memory_space<hbm>> -> memref<64x3xi32, #tpu.memory_space<hbm>>
      tpu.wait_dma2 semaphore(%run_scoped3A : memref<!tpu.dma_semaphore, #tpu.memory_space<semaphore_mem>>) src(%dma_wait3A_208 : memref<64x3xi32, #tpu.memory_space<hbm>>) dst(%arg6 : memref<64x3xi32, #tpu.memory_space<vmem>>)
      tpu.yield
    }) : () -> ()
    %scan3A_24 = arith.constant 0 : i32
    %scan3A_25 = arith.constant 0 : i32
    %scan3A_26 = arith.constant 12 : i32
    %scan3A_27 = arith.addi %scan3A_25, %scan3A_26 : i32
    %scan3A_28 = arith.constant 1 : i32
    scf.for %scan3A_202 = %scan3A_25 to %scan3A_27 step %scan3A_28  : i32 {
      %mul3A_203 = arith.constant 16 : i32
      %mul3A_204 = arith.muli %scan3A_202, %mul3A_203 : i32
      %add3A_205 = vector.broadcast %mul3A_204 : i32 to vector<16xi32>
      %add3A_206 = arith.addi %add3A_205, %iota3A : vector<16xi32>
      %jit3A = arith.constant 3 : i32
      %div3A = vector.broadcast %jit3A : i32 to vector<16xi32>
      %div3A_207 = arith.divsi %add3A_206, %div3A : vector<16xi32>
      %sign3A = arith.constant 0 : i32
      %sign3A_208 = vector.broadcast %sign3A : i32 to vector<16xi32>
      %sign3A_209 = arith.cmpi sgt, %add3A_206, %sign3A_208 : vector<16xi32>
      %sign3A_210 = arith.extui %sign3A_209 : vector<16xi1> to vector<16xi32>
      %sign3A_211 = arith.constant 0 : i32
      %sign3A_212 = vector.broadcast %sign3A_211 : i32 to vector<16xi32>
      %sign3A_213 = arith.cmpi slt, %add3A_206, %sign3A_212 : vector<16xi32>
      %sign3A_214 = arith.extui %sign3A_213 : vector<16xi1> to vector<16xi32>
      %sign3A_215 = arith.subi %sign3A_210, %sign3A_214 : vector<16xi32>
      %sign3A_216 = arith.constant 0 : i32
      %sign3A_217 = arith.cmpi sgt, %jit3A, %sign3A_216 : i32
      %sign3A_218 = arith.extui %sign3A_217 : i1 to i32
      %sign3A_219 = arith.constant 0 : i32
      %sign3A_220 = arith.cmpi slt, %jit3A, %sign3A_219 : i32
      %sign3A_221 = arith.extui %sign3A_220 : i1 to i32
      %sign3A_222 = arith.subi %sign3A_218, %sign3A_221 : i32
      %ne3A = vector.broadcast %sign3A_222 : i32 to vector<16xi32>
      %ne3A_223 = arith.cmpi ne, %sign3A_215, %ne3A : vector<16xi32>
      %rem3A = vector.broadcast %jit3A : i32 to vector<16xi32>
      %rem3A_224 = arith.remsi %add3A_206, %rem3A : vector<16xi32>
      %ne3A_225 = arith.constant 0 : i32
      %ne3A_226 = vector.broadcast %ne3A_225 : i32 to vector<16xi32>
      %ne3A_227 = arith.cmpi ne, %rem3A_224, %ne3A_226 : vector<16xi32>
      %and3A = arith.andi %ne3A_223, %ne3A_227 : vector<16xi1>
      %sub3A = arith.constant 1 : i32
      %sub3A_228 = vector.broadcast %sub3A : i32 to vector<16xi32>
      %sub3A_229 = arith.subi %div3A_207, %sub3A_228 : vector<16xi32>
      %select_n3A = arith.select %and3A, %sub3A_229, %div3A_207 : vector<16xi1>, vector<16xi32>
      %mul3A_230 = arith.constant 3 : i32
      %mul3A_231 = vector.broadcast %mul3A_230 : i32 to vector<16xi32>
      %mul3A_232 = arith.muli %select_n3A, %mul3A_231 : vector<16xi32>
      %sub3A_233 = arith.subi %add3A_206, %mul3A_232 : vector<16xi32>
      %gather3A = tpu.vector_load_idx %arg6[%select_n3A, %sub3A_233] : memref<64x3xi32, #tpu.memory_space<vmem>>[vector<16xi32>, vector<16xi32>], vector<16xi32>,
      %mul3A_234 = arith.constant 16 : i32
      %mul3A_235 = arith.muli %scan3A_202, %mul3A_234 : i32
      %add3A_236 = arith.constant 384 : i32
      %add3A_237 = arith.addi %add3A_236, %mul3A_235 : i32
      %swap3A_238 = arith.index_cast %add3A_237 : i32 to index
      %swap3A_239 = tpu.vector_load %arg7[%swap3A_238] {strides = array<i32>} : memref<3072xi32, #tpu.memory_space<vmem>>, vector<16xi32>,
      tpu.vector_store %arg7[%swap3A_238], %gather3A {strides = array<i32>} : memref<3072xi32, #tpu.memory_space<vmem>>, vector<16xi32>,
    }
    %scan3A_29 = arith.constant 12 : i32
    %mul3A_30 = arith.constant 512 : i32
    %mul3A_31 = arith.muli %add3A, %mul3A_30 : i32
    %add3A_32 = arith.constant 192 : i32
    %add3A_33 = arith.addi %mul3A_31, %add3A_32 : i32
    "tpu.region"() ({
      %run_scoped3A = tpu.sem_alloc : memref<!tpu.dma_semaphore, #tpu.memory_space<semaphore_mem>>
      %dma_start3A_202 = arith.constant 0 : i32
      %dma_start3A_203 = tpu.memref_slice %arg3[%add3A_33, %dma_start3A_202] : memref<16384x3xi32, #tpu.memory_space<hbm>> -> memref<64x3xi32, #tpu.memory_space<hbm>>
      %dma_start3A_204 = arith.constant 0 : i32
      %dma_start3A_205 = tpu.memref_slice %arg3[%add3A_33, %dma_start3A_204] : memref<16384x3xi32, #tpu.memory_space<hbm>> -> memref<64x3xi32, #tpu.memory_space<hbm>>
      tpu.enqueue_dma source(%dma_start3A_205 : memref<64x3xi32, #tpu.memory_space<hbm>>) target(%arg6 : memref<64x3xi32, #tpu.memory_space<vmem>>) target_semaphore(%run_scoped3A : memref<!tpu.dma_semaphore, #tpu.memory_space<semaphore_mem>>)
      %dma_wait3A = arith.constant 0 : i32
      %dma_wait3A_206 = tpu.memref_slice %arg3[%add3A_33, %dma_wait3A] : memref<16384x3xi32, #tpu.memory_space<hbm>> -> memref<64x3xi32, #tpu.memory_space<hbm>>
      %dma_wait3A_207 = arith.constant 0 : i32
      %dma_wait3A_208 = tpu.memref_slice %arg3[%add3A_33, %dma_wait3A_207] : memref<16384x3xi32, #tpu.memory_space<hbm>> -> memref<64x3xi32, #tpu.memory_space<hbm>>
      tpu.wait_dma2 semaphore(%run_scoped3A : memref<!tpu.dma_semaphore, #tpu.memory_space<semaphore_mem>>) src(%dma_wait3A_208 : memref<64x3xi32, #tpu.memory_space<hbm>>) dst(%arg6 : memref<64x3xi32, #tpu.memory_space<vmem>>)
      tpu.yield
    }) : () -> ()
    %scan3A_34 = arith.constant 0 : i32
    %scan3A_35 = arith.constant 0 : i32
    %scan3A_36 = arith.constant 12 : i32
    %scan3A_37 = arith.addi %scan3A_35, %scan3A_36 : i32
    %scan3A_38 = arith.constant 1 : i32
    scf.for %scan3A_202 = %scan3A_35 to %scan3A_37 step %scan3A_38  : i32 {
      %mul3A_203 = arith.constant 16 : i32
      %mul3A_204 = arith.muli %scan3A_202, %mul3A_203 : i32
      %add3A_205 = vector.broadcast %mul3A_204 : i32 to vector<16xi32>
      %add3A_206 = arith.addi %add3A_205, %iota3A : vector<16xi32>
      %jit3A = arith.constant 3 : i32
      %div3A = vector.broadcast %jit3A : i32 to vector<16xi32>
      %div3A_207 = arith.divsi %add3A_206, %div3A : vector<16xi32>
      %sign3A = arith.constant 0 : i32
      %sign3A_208 = vector.broadcast %sign3A : i32 to vector<16xi32>
      %sign3A_209 = arith.cmpi sgt, %add3A_206, %sign3A_208 : vector<16xi32>
      %sign3A_210 = arith.extui %sign3A_209 : vector<16xi1> to vector<16xi32>
      %sign3A_211 = arith.constant 0 : i32
      %sign3A_212 = vector.broadcast %sign3A_211 : i32 to vector<16xi32>
      %sign3A_213 = arith.cmpi slt, %add3A_206, %sign3A_212 : vector<16xi32>
      %sign3A_214 = arith.extui %sign3A_213 : vector<16xi1> to vector<16xi32>
      %sign3A_215 = arith.subi %sign3A_210, %sign3A_214 : vector<16xi32>
      %sign3A_216 = arith.constant 0 : i32
      %sign3A_217 = arith.cmpi sgt, %jit3A, %sign3A_216 : i32
      %sign3A_218 = arith.extui %sign3A_217 : i1 to i32
      %sign3A_219 = arith.constant 0 : i32
      %sign3A_220 = arith.cmpi slt, %jit3A, %sign3A_219 : i32
      %sign3A_221 = arith.extui %sign3A_220 : i1 to i32
      %sign3A_222 = arith.subi %sign3A_218, %sign3A_221 : i32
      %ne3A = vector.broadcast %sign3A_222 : i32 to vector<16xi32>
      %ne3A_223 = arith.cmpi ne, %sign3A_215, %ne3A : vector<16xi32>
      %rem3A = vector.broadcast %jit3A : i32 to vector<16xi32>
      %rem3A_224 = arith.remsi %add3A_206, %rem3A : vector<16xi32>
      %ne3A_225 = arith.constant 0 : i32
      %ne3A_226 = vector.broadcast %ne3A_225 : i32 to vector<16xi32>
      %ne3A_227 = arith.cmpi ne, %rem3A_224, %ne3A_226 : vector<16xi32>
      %and3A = arith.andi %ne3A_223, %ne3A_227 : vector<16xi1>
      %sub3A = arith.constant 1 : i32
      %sub3A_228 = vector.broadcast %sub3A : i32 to vector<16xi32>
      %sub3A_229 = arith.subi %div3A_207, %sub3A_228 : vector<16xi32>
      %select_n3A = arith.select %and3A, %sub3A_229, %div3A_207 : vector<16xi1>, vector<16xi32>
      %mul3A_230 = arith.constant 3 : i32
      %mul3A_231 = vector.broadcast %mul3A_230 : i32 to vector<16xi32>
      %mul3A_232 = arith.muli %select_n3A, %mul3A_231 : vector<16xi32>
      %sub3A_233 = arith.subi %add3A_206, %mul3A_232 : vector<16xi32>
      %gather3A = tpu.vector_load_idx %arg6[%select_n3A, %sub3A_233] : memref<64x3xi32, #tpu.memory_space<vmem>>[vector<16xi32>, vector<16xi32>], vector<16xi32>,
      %mul3A_234 = arith.constant 16 : i32
      %mul3A_235 = arith.muli %scan3A_202, %mul3A_234 : i32
      %add3A_236 = arith.constant 576 : i32
      %add3A_237 = arith.addi %add3A_236, %mul3A_235 : i32
      %swap3A_238 = arith.index_cast %add3A_237 : i32 to index
      %swap3A_239 = tpu.vector_load %arg7[%swap3A_238] {strides = array<i32>} : memref<3072xi32, #tpu.memory_space<vmem>>, vector<16xi32>,
      tpu.vector_store %arg7[%swap3A_238], %gather3A {strides = array<i32>} : memref<3072xi32, #tpu.memory_space<vmem>>, vector<16xi32>,
    }
    %scan3A_39 = arith.constant 12 : i32
    %mul3A_40 = arith.constant 512 : i32
    %mul3A_41 = arith.muli %add3A, %mul3A_40 : i32
    %add3A_42 = arith.constant 256 : i32
    %add3A_43 = arith.addi %mul3A_41, %add3A_42 : i32
    "tpu.region"() ({
      %run_scoped3A = tpu.sem_alloc : memref<!tpu.dma_semaphore, #tpu.memory_space<semaphore_mem>>
      %dma_start3A_202 = arith.constant 0 : i32
      %dma_start3A_203 = tpu.memref_slice %arg3[%add3A_43, %dma_start3A_202] : memref<16384x3xi32, #tpu.memory_space<hbm>> -> memref<64x3xi32, #tpu.memory_space<hbm>>
      %dma_start3A_204 = arith.constant 0 : i32
      %dma_start3A_205 = tpu.memref_slice %arg3[%add3A_43, %dma_start3A_204] : memref<16384x3xi32, #tpu.memory_space<hbm>> -> memref<64x3xi32, #tpu.memory_space<hbm>>
      tpu.enqueue_dma source(%dma_start3A_205 : memref<64x3xi32, #tpu.memory_space<hbm>>) target(%arg6 : memref<64x3xi32, #tpu.memory_space<vmem>>) target_semaphore(%run_scoped3A : memref<!tpu.dma_semaphore, #tpu.memory_space<semaphore_mem>>)
      %dma_wait3A = arith.constant 0 : i32
      %dma_wait3A_206 = tpu.memref_slice %arg3[%add3A_43, %dma_wait3A] : memref<16384x3xi32, #tpu.memory_space<hbm>> -> memref<64x3xi32, #tpu.memory_space<hbm>>
      %dma_wait3A_207 = arith.constant 0 : i32
      %dma_wait3A_208 = tpu.memref_slice %arg3[%add3A_43, %dma_wait3A_207] : memref<16384x3xi32, #tpu.memory_space<hbm>> -> memref<64x3xi32, #tpu.memory_space<hbm>>
      tpu.wait_dma2 semaphore(%run_scoped3A : memref<!tpu.dma_semaphore, #tpu.memory_space<semaphore_mem>>) src(%dma_wait3A_208 : memref<64x3xi32, #tpu.memory_space<hbm>>) dst(%arg6 : memref<64x3xi32, #tpu.memory_space<vmem>>)
      tpu.yield
    }) : () -> ()
    %scan3A_44 = arith.constant 0 : i32
    %scan3A_45 = arith.constant 0 : i32
    %scan3A_46 = arith.constant 12 : i32
    %scan3A_47 = arith.addi %scan3A_45, %scan3A_46 : i32
    %scan3A_48 = arith.constant 1 : i32
    scf.for %scan3A_202 = %scan3A_45 to %scan3A_47 step %scan3A_48  : i32 {
      %mul3A_203 = arith.constant 16 : i32
      %mul3A_204 = arith.muli %scan3A_202, %mul3A_203 : i32
      %add3A_205 = vector.broadcast %mul3A_204 : i32 to vector<16xi32>
      %add3A_206 = arith.addi %add3A_205, %iota3A : vector<16xi32>
      %jit3A = arith.constant 3 : i32
      %div3A = vector.broadcast %jit3A : i32 to vector<16xi32>
      %div3A_207 = arith.divsi %add3A_206, %div3A : vector<16xi32>
      %sign3A = arith.constant 0 : i32
      %sign3A_208 = vector.broadcast %sign3A : i32 to vector<16xi32>
      %sign3A_209 = arith.cmpi sgt, %add3A_206, %sign3A_208 : vector<16xi32>
      %sign3A_210 = arith.extui %sign3A_209 : vector<16xi1> to vector<16xi32>
      %sign3A_211 = arith.constant 0 : i32
      %sign3A_212 = vector.broadcast %sign3A_211 : i32 to vector<16xi32>
      %sign3A_213 = arith.cmpi slt, %add3A_206, %sign3A_212 : vector<16xi32>
      %sign3A_214 = arith.extui %sign3A_213 : vector<16xi1> to vector<16xi32>
      %sign3A_215 = arith.subi %sign3A_210, %sign3A_214 : vector<16xi32>
      %sign3A_216 = arith.constant 0 : i32
      %sign3A_217 = arith.cmpi sgt, %jit3A, %sign3A_216 : i32
      %sign3A_218 = arith.extui %sign3A_217 : i1 to i32
      %sign3A_219 = arith.constant 0 : i32
      %sign3A_220 = arith.cmpi slt, %jit3A, %sign3A_219 : i32
      %sign3A_221 = arith.extui %sign3A_220 : i1 to i32
      %sign3A_222 = arith.subi %sign3A_218, %sign3A_221 : i32
      %ne3A = vector.broadcast %sign3A_222 : i32 to vector<16xi32>
      %ne3A_223 = arith.cmpi ne, %sign3A_215, %ne3A : vector<16xi32>
      %rem3A = vector.broadcast %jit3A : i32 to vector<16xi32>
      %rem3A_224 = arith.remsi %add3A_206, %rem3A : vector<16xi32>
      %ne3A_225 = arith.constant 0 : i32
      %ne3A_226 = vector.broadcast %ne3A_225 : i32 to vector<16xi32>
      %ne3A_227 = arith.cmpi ne, %rem3A_224, %ne3A_226 : vector<16xi32>
      %and3A = arith.andi %ne3A_223, %ne3A_227 : vector<16xi1>
      %sub3A = arith.constant 1 : i32
      %sub3A_228 = vector.broadcast %sub3A : i32 to vector<16xi32>
      %sub3A_229 = arith.subi %div3A_207, %sub3A_228 : vector<16xi32>
      %select_n3A = arith.select %and3A, %sub3A_229, %div3A_207 : vector<16xi1>, vector<16xi32>
      %mul3A_230 = arith.constant 3 : i32
      %mul3A_231 = vector.broadcast %mul3A_230 : i32 to vector<16xi32>
      %mul3A_232 = arith.muli %select_n3A, %mul3A_231 : vector<16xi32>
      %sub3A_233 = arith.subi %add3A_206, %mul3A_232 : vector<16xi32>
      %gather3A = tpu.vector_load_idx %arg6[%select_n3A, %sub3A_233] : memref<64x3xi32, #tpu.memory_space<vmem>>[vector<16xi32>, vector<16xi32>], vector<16xi32>,
      %mul3A_234 = arith.constant 16 : i32
      %mul3A_235 = arith.muli %scan3A_202, %mul3A_234 : i32
      %add3A_236 = arith.constant 768 : i32
      %add3A_237 = arith.addi %add3A_236, %mul3A_235 : i32
      %swap3A_238 = arith.index_cast %add3A_237 : i32 to index
      %swap3A_239 = tpu.vector_load %arg7[%swap3A_238] {strides = array<i32>} : memref<3072xi32, #tpu.memory_space<vmem>>, vector<16xi32>,
      tpu.vector_store %arg7[%swap3A_238], %gather3A {strides = array<i32>} : memref<3072xi32, #tpu.memory_space<vmem>>, vector<16xi32>,
    }
    %scan3A_49 = arith.constant 12 : i32
    %mul3A_50 = arith.constant 512 : i32
    %mul3A_51 = arith.muli %add3A, %mul3A_50 : i32
    %add3A_52 = arith.constant 320 : i32
    %add3A_53 = arith.addi %mul3A_51, %add3A_52 : i32
    "tpu.region"() ({
      %run_scoped3A = tpu.sem_alloc : memref<!tpu.dma_semaphore, #tpu.memory_space<semaphore_mem>>
      %dma_start3A_202 = arith.constant 0 : i32
      %dma_start3A_203 = tpu.memref_slice %arg3[%add3A_53, %dma_start3A_202] : memref<16384x3xi32, #tpu.memory_space<hbm>> -> memref<64x3xi32, #tpu.memory_space<hbm>>
      %dma_start3A_204 = arith.constant 0 : i32
      %dma_start3A_205 = tpu.memref_slice %arg3[%add3A_53, %dma_start3A_204] : memref<16384x3xi32, #tpu.memory_space<hbm>> -> memref<64x3xi32, #tpu.memory_space<hbm>>
      tpu.enqueue_dma source(%dma_start3A_205 : memref<64x3xi32, #tpu.memory_space<hbm>>) target(%arg6 : memref<64x3xi32, #tpu.memory_space<vmem>>) target_semaphore(%run_scoped3A : memref<!tpu.dma_semaphore, #tpu.memory_space<semaphore_mem>>)
      %dma_wait3A = arith.constant 0 : i32
      %dma_wait3A_206 = tpu.memref_slice %arg3[%add3A_53, %dma_wait3A] : memref<16384x3xi32, #tpu.memory_space<hbm>> -> memref<64x3xi32, #tpu.memory_space<hbm>>
      %dma_wait3A_207 = arith.constant 0 : i32
      %dma_wait3A_208 = tpu.memref_slice %arg3[%add3A_53, %dma_wait3A_207] : memref<16384x3xi32, #tpu.memory_space<hbm>> -> memref<64x3xi32, #tpu.memory_space<hbm>>
      tpu.wait_dma2 semaphore(%run_scoped3A : memref<!tpu.dma_semaphore, #tpu.memory_space<semaphore_mem>>) src(%dma_wait3A_208 : memref<64x3xi32, #tpu.memory_space<hbm>>) dst(%arg6 : memref<64x3xi32, #tpu.memory_space<vmem>>)
      tpu.yield
    }) : () -> ()
    %scan3A_54 = arith.constant 0 : i32
    %scan3A_55 = arith.constant 0 : i32
    %scan3A_56 = arith.constant 12 : i32
    %scan3A_57 = arith.addi %scan3A_55, %scan3A_56 : i32
    %scan3A_58 = arith.constant 1 : i32
    scf.for %scan3A_202 = %scan3A_55 to %scan3A_57 step %scan3A_58  : i32 {
      %mul3A_203 = arith.constant 16 : i32
      %mul3A_204 = arith.muli %scan3A_202, %mul3A_203 : i32
      %add3A_205 = vector.broadcast %mul3A_204 : i32 to vector<16xi32>
      %add3A_206 = arith.addi %add3A_205, %iota3A : vector<16xi32>
      %jit3A = arith.constant 3 : i32
      %div3A = vector.broadcast %jit3A : i32 to vector<16xi32>
      %div3A_207 = arith.divsi %add3A_206, %div3A : vector<16xi32>
      %sign3A = arith.constant 0 : i32
      %sign3A_208 = vector.broadcast %sign3A : i32 to vector<16xi32>
      %sign3A_209 = arith.cmpi sgt, %add3A_206, %sign3A_208 : vector<16xi32>
      %sign3A_210 = arith.extui %sign3A_209 : vector<16xi1> to vector<16xi32>
      %sign3A_211 = arith.constant 0 : i32
      %sign3A_212 = vector.broadcast %sign3A_211 : i32 to vector<16xi32>
      %sign3A_213 = arith.cmpi slt, %add3A_206, %sign3A_212 : vector<16xi32>
      %sign3A_214 = arith.extui %sign3A_213 : vector<16xi1> to vector<16xi32>
      %sign3A_215 = arith.subi %sign3A_210, %sign3A_214 : vector<16xi32>
      %sign3A_216 = arith.constant 0 : i32
      %sign3A_217 = arith.cmpi sgt, %jit3A, %sign3A_216 : i32
      %sign3A_218 = arith.extui %sign3A_217 : i1 to i32
      %sign3A_219 = arith.constant 0 : i32
      %sign3A_220 = arith.cmpi slt, %jit3A, %sign3A_219 : i32
      %sign3A_221 = arith.extui %sign3A_220 : i1 to i32
      %sign3A_222 = arith.subi %sign3A_218, %sign3A_221 : i32
      %ne3A = vector.broadcast %sign3A_222 : i32 to vector<16xi32>
      %ne3A_223 = arith.cmpi ne, %sign3A_215, %ne3A : vector<16xi32>
      %rem3A = vector.broadcast %jit3A : i32 to vector<16xi32>
      %rem3A_224 = arith.remsi %add3A_206, %rem3A : vector<16xi32>
      %ne3A_225 = arith.constant 0 : i32
      %ne3A_226 = vector.broadcast %ne3A_225 : i32 to vector<16xi32>
      %ne3A_227 = arith.cmpi ne, %rem3A_224, %ne3A_226 : vector<16xi32>
      %and3A = arith.andi %ne3A_223, %ne3A_227 : vector<16xi1>
      %sub3A = arith.constant 1 : i32
      %sub3A_228 = vector.broadcast %sub3A : i32 to vector<16xi32>
      %sub3A_229 = arith.subi %div3A_207, %sub3A_228 : vector<16xi32>
      %select_n3A = arith.select %and3A, %sub3A_229, %div3A_207 : vector<16xi1>, vector<16xi32>
      %mul3A_230 = arith.constant 3 : i32
      %mul3A_231 = vector.broadcast %mul3A_230 : i32 to vector<16xi32>
      %mul3A_232 = arith.muli %select_n3A, %mul3A_231 : vector<16xi32>
      %sub3A_233 = arith.subi %add3A_206, %mul3A_232 : vector<16xi32>
      %gather3A = tpu.vector_load_idx %arg6[%select_n3A, %sub3A_233] : memref<64x3xi32, #tpu.memory_space<vmem>>[vector<16xi32>, vector<16xi32>], vector<16xi32>,
      %mul3A_234 = arith.constant 16 : i32
      %mul3A_235 = arith.muli %scan3A_202, %mul3A_234 : i32
      %add3A_236 = arith.constant 960 : i32
      %add3A_237 = arith.addi %add3A_236, %mul3A_235 : i32
      %swap3A_238 = arith.index_cast %add3A_237 : i32 to index
      %swap3A_239 = tpu.vector_load %arg7[%swap3A_238] {strides = array<i32>} : memref<3072xi32, #tpu.memory_space<vmem>>, vector<16xi32>,
      tpu.vector_store %arg7[%swap3A_238], %gather3A {strides = array<i32>} : memref<3072xi32, #tpu.memory_space<vmem>>, vector<16xi32>,
    }
    %scan3A_59 = arith.constant 12 : i32
    %mul3A_60 = arith.constant 512 : i32
    %mul3A_61 = arith.muli %add3A, %mul3A_60 : i32
    %add3A_62 = arith.constant 384 : i32
    %add3A_63 = arith.addi %mul3A_61, %add3A_62 : i32
    "tpu.region"() ({
      %run_scoped3A = tpu.sem_alloc : memref<!tpu.dma_semaphore, #tpu.memory_space<semaphore_mem>>
      %dma_start3A_202 = arith.constant 0 : i32
      %dma_start3A_203 = tpu.memref_slice %arg3[%add3A_63, %dma_start3A_202] : memref<16384x3xi32, #tpu.memory_space<hbm>> -> memref<64x3xi32, #tpu.memory_space<hbm>>
      %dma_start3A_204 = arith.constant 0 : i32
      %dma_start3A_205 = tpu.memref_slice %arg3[%add3A_63, %dma_start3A_204] : memref<16384x3xi32, #tpu.memory_space<hbm>> -> memref<64x3xi32, #tpu.memory_space<hbm>>
      tpu.enqueue_dma source(%dma_start3A_205 : memref<64x3xi32, #tpu.memory_space<hbm>>) target(%arg6 : memref<64x3xi32, #tpu.memory_space<vmem>>) target_semaphore(%run_scoped3A : memref<!tpu.dma_semaphore, #tpu.memory_space<semaphore_mem>>)
      %dma_wait3A = arith.constant 0 : i32
      %dma_wait3A_206 = tpu.memref_slice %arg3[%add3A_63, %dma_wait3A] : memref<16384x3xi32, #tpu.memory_space<hbm>> -> memref<64x3xi32, #tpu.memory_space<hbm>>
      %dma_wait3A_207 = arith.constant 0 : i32
      %dma_wait3A_208 = tpu.memref_slice %arg3[%add3A_63, %dma_wait3A_207] : memref<16384x3xi32, #tpu.memory_space<hbm>> -> memref<64x3xi32, #tpu.memory_space<hbm>>
      tpu.wait_dma2 semaphore(%run_scoped3A : memref<!tpu.dma_semaphore, #tpu.memory_space<semaphore_mem>>) src(%dma_wait3A_208 : memref<64x3xi32, #tpu.memory_space<hbm>>) dst(%arg6 : memref<64x3xi32, #tpu.memory_space<vmem>>)
      tpu.yield
    }) : () -> ()
    %scan3A_64 = arith.constant 0 : i32
    %scan3A_65 = arith.constant 0 : i32
    %scan3A_66 = arith.constant 12 : i32
    %scan3A_67 = arith.addi %scan3A_65, %scan3A_66 : i32
    %scan3A_68 = arith.constant 1 : i32
    scf.for %scan3A_202 = %scan3A_65 to %scan3A_67 step %scan3A_68  : i32 {
      %mul3A_203 = arith.constant 16 : i32
      %mul3A_204 = arith.muli %scan3A_202, %mul3A_203 : i32
      %add3A_205 = vector.broadcast %mul3A_204 : i32 to vector<16xi32>
      %add3A_206 = arith.addi %add3A_205, %iota3A : vector<16xi32>
      %jit3A = arith.constant 3 : i32
      %div3A = vector.broadcast %jit3A : i32 to vector<16xi32>
      %div3A_207 = arith.divsi %add3A_206, %div3A : vector<16xi32>
      %sign3A = arith.constant 0 : i32
      %sign3A_208 = vector.broadcast %sign3A : i32 to vector<16xi32>
      %sign3A_209 = arith.cmpi sgt, %add3A_206, %sign3A_208 : vector<16xi32>
      %sign3A_210 = arith.extui %sign3A_209 : vector<16xi1> to vector<16xi32>
      %sign3A_211 = arith.constant 0 : i32
      %sign3A_212 = vector.broadcast %sign3A_211 : i32 to vector<16xi32>
      %sign3A_213 = arith.cmpi slt, %add3A_206, %sign3A_212 : vector<16xi32>
      %sign3A_214 = arith.extui %sign3A_213 : vector<16xi1> to vector<16xi32>
      %sign3A_215 = arith.subi %sign3A_210, %sign3A_214 : vector<16xi32>
      %sign3A_216 = arith.constant 0 : i32
      %sign3A_217 = arith.cmpi sgt, %jit3A, %sign3A_216 : i32
      %sign3A_218 = arith.extui %sign3A_217 : i1 to i32
      %sign3A_219 = arith.constant 0 : i32
      %sign3A_220 = arith.cmpi slt, %jit3A, %sign3A_219 : i32
      %sign3A_221 = arith.extui %sign3A_220 : i1 to i32
      %sign3A_222 = arith.subi %sign3A_218, %sign3A_221 : i32
      %ne3A = vector.broadcast %sign3A_222 : i32 to vector<16xi32>
      %ne3A_223 = arith.cmpi ne, %sign3A_215, %ne3A : vector<16xi32>
      %rem3A = vector.broadcast %jit3A : i32 to vector<16xi32>
      %rem3A_224 = arith.remsi %add3A_206, %rem3A : vector<16xi32>
      %ne3A_225 = arith.constant 0 : i32
      %ne3A_226 = vector.broadcast %ne3A_225 : i32 to vector<16xi32>
      %ne3A_227 = arith.cmpi ne, %rem3A_224, %ne3A_226 : vector<16xi32>
      %and3A = arith.andi %ne3A_223, %ne3A_227 : vector<16xi1>
      %sub3A = arith.constant 1 : i32
      %sub3A_228 = vector.broadcast %sub3A : i32 to vector<16xi32>
      %sub3A_229 = arith.subi %div3A_207, %sub3A_228 : vector<16xi32>
      %select_n3A = arith.select %and3A, %sub3A_229, %div3A_207 : vector<16xi1>, vector<16xi32>
      %mul3A_230 = arith.constant 3 : i32
      %mul3A_231 = vector.broadcast %mul3A_230 : i32 to vector<16xi32>
      %mul3A_232 = arith.muli %select_n3A, %mul3A_231 : vector<16xi32>
      %sub3A_233 = arith.subi %add3A_206, %mul3A_232 : vector<16xi32>
      %gather3A = tpu.vector_load_idx %arg6[%select_n3A, %sub3A_233] : memref<64x3xi32, #tpu.memory_space<vmem>>[vector<16xi32>, vector<16xi32>], vector<16xi32>,
      %mul3A_234 = arith.constant 16 : i32
      %mul3A_235 = arith.muli %scan3A_202, %mul3A_234 : i32
      %add3A_236 = arith.constant 1152 : i32
      %add3A_237 = arith.addi %add3A_236, %mul3A_235 : i32
      %swap3A_238 = arith.index_cast %add3A_237 : i32 to index
      %swap3A_239 = tpu.vector_load %arg7[%swap3A_238] {strides = array<i32>} : memref<3072xi32, #tpu.memory_space<vmem>>, vector<16xi32>,
      tpu.vector_store %arg7[%swap3A_238], %gather3A {strides = array<i32>} : memref<3072xi32, #tpu.memory_space<vmem>>, vector<16xi32>,
    }
    %scan3A_69 = arith.constant 12 : i32
    %mul3A_70 = arith.constant 512 : i32
    %mul3A_71 = arith.muli %add3A, %mul3A_70 : i32
    %add3A_72 = arith.constant 448 : i32
    %add3A_73 = arith.addi %mul3A_71, %add3A_72 : i32
    "tpu.region"() ({
      %run_scoped3A = tpu.sem_alloc : memref<!tpu.dma_semaphore, #tpu.memory_space<semaphore_mem>>
      %dma_start3A_202 = arith.constant 0 : i32
      %dma_start3A_203 = tpu.memref_slice %arg3[%add3A_73, %dma_start3A_202] : memref<16384x3xi32, #tpu.memory_space<hbm>> -> memref<64x3xi32, #tpu.memory_space<hbm>>
      %dma_start3A_204 = arith.constant 0 : i32
      %dma_start3A_205 = tpu.memref_slice %arg3[%add3A_73, %dma_start3A_204] : memref<16384x3xi32, #tpu.memory_space<hbm>> -> memref<64x3xi32, #tpu.memory_space<hbm>>
      tpu.enqueue_dma source(%dma_start3A_205 : memref<64x3xi32, #tpu.memory_space<hbm>>) target(%arg6 : memref<64x3xi32, #tpu.memory_space<vmem>>) target_semaphore(%run_scoped3A : memref<!tpu.dma_semaphore, #tpu.memory_space<semaphore_mem>>)
      %dma_wait3A = arith.constant 0 : i32
      %dma_wait3A_206 = tpu.memref_slice %arg3[%add3A_73, %dma_wait3A] : memref<16384x3xi32, #tpu.memory_space<hbm>> -> memref<64x3xi32, #tpu.memory_space<hbm>>
      %dma_wait3A_207 = arith.constant 0 : i32
      %dma_wait3A_208 = tpu.memref_slice %arg3[%add3A_73, %dma_wait3A_207] : memref<16384x3xi32, #tpu.memory_space<hbm>> -> memref<64x3xi32, #tpu.memory_space<hbm>>
      tpu.wait_dma2 semaphore(%run_scoped3A : memref<!tpu.dma_semaphore, #tpu.memory_space<semaphore_mem>>) src(%dma_wait3A_208 : memref<64x3xi32, #tpu.memory_space<hbm>>) dst(%arg6 : memref<64x3xi32, #tpu.memory_space<vmem>>)
      tpu.yield
    }) : () -> ()
    %scan3A_74 = arith.constant 0 : i32
    %scan3A_75 = arith.constant 0 : i32
    %scan3A_76 = arith.constant 12 : i32
    %scan3A_77 = arith.addi %scan3A_75, %scan3A_76 : i32
    %scan3A_78 = arith.constant 1 : i32
    scf.for %scan3A_202 = %scan3A_75 to %scan3A_77 step %scan3A_78  : i32 {
      %mul3A_203 = arith.constant 16 : i32
      %mul3A_204 = arith.muli %scan3A_202, %mul3A_203 : i32
      %add3A_205 = vector.broadcast %mul3A_204 : i32 to vector<16xi32>
      %add3A_206 = arith.addi %add3A_205, %iota3A : vector<16xi32>
      %jit3A = arith.constant 3 : i32
      %div3A = vector.broadcast %jit3A : i32 to vector<16xi32>
      %div3A_207 = arith.divsi %add3A_206, %div3A : vector<16xi32>
      %sign3A = arith.constant 0 : i32
      %sign3A_208 = vector.broadcast %sign3A : i32 to vector<16xi32>
      %sign3A_209 = arith.cmpi sgt, %add3A_206, %sign3A_208 : vector<16xi32>
      %sign3A_210 = arith.extui %sign3A_209 : vector<16xi1> to vector<16xi32>
      %sign3A_211 = arith.constant 0 : i32
      %sign3A_212 = vector.broadcast %sign3A_211 : i32 to vector<16xi32>
      %sign3A_213 = arith.cmpi slt, %add3A_206, %sign3A_212 : vector<16xi32>
      %sign3A_214 = arith.extui %sign3A_213 : vector<16xi1> to vector<16xi32>
      %sign3A_215 = arith.subi %sign3A_210, %sign3A_214 : vector<16xi32>
      %sign3A_216 = arith.constant 0 : i32
      %sign3A_217 = arith.cmpi sgt, %jit3A, %sign3A_216 : i32
      %sign3A_218 = arith.extui %sign3A_217 : i1 to i32
      %sign3A_219 = arith.constant 0 : i32
      %sign3A_220 = arith.cmpi slt, %jit3A, %sign3A_219 : i32
      %sign3A_221 = arith.extui %sign3A_220 : i1 to i32
      %sign3A_222 = arith.subi %sign3A_218, %sign3A_221 : i32
      %ne3A = vector.broadcast %sign3A_222 : i32 to vector<16xi32>
      %ne3A_223 = arith.cmpi ne, %sign3A_215, %ne3A : vector<16xi32>
      %rem3A = vector.broadcast %jit3A : i32 to vector<16xi32>
      %rem3A_224 = arith.remsi %add3A_206, %rem3A : vector<16xi32>
      %ne3A_225 = arith.constant 0 : i32
      %ne3A_226 = vector.broadcast %ne3A_225 : i32 to vector<16xi32>
      %ne3A_227 = arith.cmpi ne, %rem3A_224, %ne3A_226 : vector<16xi32>
      %and3A = arith.andi %ne3A_223, %ne3A_227 : vector<16xi1>
      %sub3A = arith.constant 1 : i32
      %sub3A_228 = vector.broadcast %sub3A : i32 to vector<16xi32>
      %sub3A_229 = arith.subi %div3A_207, %sub3A_228 : vector<16xi32>
      %select_n3A = arith.select %and3A, %sub3A_229, %div3A_207 : vector<16xi1>, vector<16xi32>
      %mul3A_230 = arith.constant 3 : i32
      %mul3A_231 = vector.broadcast %mul3A_230 : i32 to vector<16xi32>
      %mul3A_232 = arith.muli %select_n3A, %mul3A_231 : vector<16xi32>
      %sub3A_233 = arith.subi %add3A_206, %mul3A_232 : vector<16xi32>
      %gather3A = tpu.vector_load_idx %arg6[%select_n3A, %sub3A_233] : memref<64x3xi32, #tpu.memory_space<vmem>>[vector<16xi32>, vector<16xi32>], vector<16xi32>,
      %mul3A_234 = arith.constant 16 : i32
      %mul3A_235 = arith.muli %scan3A_202, %mul3A_234 : i32
      %add3A_236 = arith.constant 1344 : i32
      %add3A_237 = arith.addi %add3A_236, %mul3A_235 : i32
      %swap3A_238 = arith.index_cast %add3A_237 : i32 to index
      %swap3A_239 = tpu.vector_load %arg7[%swap3A_238] {strides = array<i32>} : memref<3072xi32, #tpu.memory_space<vmem>>, vector<16xi32>,
      tpu.vector_store %arg7[%swap3A_238], %gather3A {strides = array<i32>} : memref<3072xi32, #tpu.memory_space<vmem>>, vector<16xi32>,
    }
    %scan3A_79 = arith.constant 12 : i32
    %mul3A_80 = arith.constant 512 : i32
    %mul3A_81 = arith.muli %add3A, %mul3A_80 : i32
    %add3A_82 = arith.constant 0 : i32
    %add3A_83 = arith.addi %mul3A_81, %add3A_82 : i32
    "tpu.region"() ({
      %run_scoped3A = tpu.sem_alloc : memref<!tpu.dma_semaphore, #tpu.memory_space<semaphore_mem>>
      %dma_start3A_202 = arith.constant 0 : i32
      %dma_start3A_203 = tpu.memref_slice %arg4[%add3A_83, %dma_start3A_202] : memref<16384x3xi32, #tpu.memory_space<hbm>> -> memref<64x3xi32, #tpu.memory_space<hbm>>
      %dma_start3A_204 = arith.constant 0 : i32
      %dma_start3A_205 = tpu.memref_slice %arg4[%add3A_83, %dma_start3A_204] : memref<16384x3xi32, #tpu.memory_space<hbm>> -> memref<64x3xi32, #tpu.memory_space<hbm>>
      tpu.enqueue_dma source(%dma_start3A_205 : memref<64x3xi32, #tpu.memory_space<hbm>>) target(%arg6 : memref<64x3xi32, #tpu.memory_space<vmem>>) target_semaphore(%run_scoped3A : memref<!tpu.dma_semaphore, #tpu.memory_space<semaphore_mem>>)
      %dma_wait3A = arith.constant 0 : i32
      %dma_wait3A_206 = tpu.memref_slice %arg4[%add3A_83, %dma_wait3A] : memref<16384x3xi32, #tpu.memory_space<hbm>> -> memref<64x3xi32, #tpu.memory_space<hbm>>
      %dma_wait3A_207 = arith.constant 0 : i32
      %dma_wait3A_208 = tpu.memref_slice %arg4[%add3A_83, %dma_wait3A_207] : memref<16384x3xi32, #tpu.memory_space<hbm>> -> memref<64x3xi32, #tpu.memory_space<hbm>>
      tpu.wait_dma2 semaphore(%run_scoped3A : memref<!tpu.dma_semaphore, #tpu.memory_space<semaphore_mem>>) src(%dma_wait3A_208 : memref<64x3xi32, #tpu.memory_space<hbm>>) dst(%arg6 : memref<64x3xi32, #tpu.memory_space<vmem>>)
      tpu.yield
    }) : () -> ()
    %scan3A_84 = arith.constant 0 : i32
    %scan3A_85 = arith.constant 0 : i32
    %scan3A_86 = arith.constant 12 : i32
    %scan3A_87 = arith.addi %scan3A_85, %scan3A_86 : i32
    %scan3A_88 = arith.constant 1 : i32
    scf.for %scan3A_202 = %scan3A_85 to %scan3A_87 step %scan3A_88  : i32 {
      %mul3A_203 = arith.constant 16 : i32
      %mul3A_204 = arith.muli %scan3A_202, %mul3A_203 : i32
      %add3A_205 = vector.broadcast %mul3A_204 : i32 to vector<16xi32>
      %add3A_206 = arith.addi %add3A_205, %iota3A : vector<16xi32>
      %jit3A = arith.constant 3 : i32
      %div3A = vector.broadcast %jit3A : i32 to vector<16xi32>
      %div3A_207 = arith.divsi %add3A_206, %div3A : vector<16xi32>
      %sign3A = arith.constant 0 : i32
      %sign3A_208 = vector.broadcast %sign3A : i32 to vector<16xi32>
      %sign3A_209 = arith.cmpi sgt, %add3A_206, %sign3A_208 : vector<16xi32>
      %sign3A_210 = arith.extui %sign3A_209 : vector<16xi1> to vector<16xi32>
      %sign3A_211 = arith.constant 0 : i32
      %sign3A_212 = vector.broadcast %sign3A_211 : i32 to vector<16xi32>
      %sign3A_213 = arith.cmpi slt, %add3A_206, %sign3A_212 : vector<16xi32>
      %sign3A_214 = arith.extui %sign3A_213 : vector<16xi1> to vector<16xi32>
      %sign3A_215 = arith.subi %sign3A_210, %sign3A_214 : vector<16xi32>
      %sign3A_216 = arith.constant 0 : i32
      %sign3A_217 = arith.cmpi sgt, %jit3A, %sign3A_216 : i32
      %sign3A_218 = arith.extui %sign3A_217 : i1 to i32
      %sign3A_219 = arith.constant 0 : i32
      %sign3A_220 = arith.cmpi slt, %jit3A, %sign3A_219 : i32
      %sign3A_221 = arith.extui %sign3A_220 : i1 to i32
      %sign3A_222 = arith.subi %sign3A_218, %sign3A_221 : i32
      %ne3A = vector.broadcast %sign3A_222 : i32 to vector<16xi32>
      %ne3A_223 = arith.cmpi ne, %sign3A_215, %ne3A : vector<16xi32>
      %rem3A = vector.broadcast %jit3A : i32 to vector<16xi32>
      %rem3A_224 = arith.remsi %add3A_206, %rem3A : vector<16xi32>
      %ne3A_225 = arith.constant 0 : i32
      %ne3A_226 = vector.broadcast %ne3A_225 : i32 to vector<16xi32>
      %ne3A_227 = arith.cmpi ne, %rem3A_224, %ne3A_226 : vector<16xi32>
      %and3A = arith.andi %ne3A_223, %ne3A_227 : vector<16xi1>
      %sub3A = arith.constant 1 : i32
      %sub3A_228 = vector.broadcast %sub3A : i32 to vector<16xi32>
      %sub3A_229 = arith.subi %div3A_207, %sub3A_228 : vector<16xi32>
      %select_n3A = arith.select %and3A, %sub3A_229, %div3A_207 : vector<16xi1>, vector<16xi32>
      %mul3A_230 = arith.constant 3 : i32
      %mul3A_231 = vector.broadcast %mul3A_230 : i32 to vector<16xi32>
      %mul3A_232 = arith.muli %select_n3A, %mul3A_231 : vector<16xi32>
      %sub3A_233 = arith.subi %add3A_206, %mul3A_232 : vector<16xi32>
      %gather3A = tpu.vector_load_idx %arg6[%select_n3A, %sub3A_233] : memref<64x3xi32, #tpu.memory_space<vmem>>[vector<16xi32>, vector<16xi32>], vector<16xi32>,
      %mul3A_234 = arith.constant 16 : i32
      %mul3A_235 = arith.muli %scan3A_202, %mul3A_234 : i32
      %add3A_236 = arith.constant 1536 : i32
      %add3A_237 = arith.addi %add3A_236, %mul3A_235 : i32
      %swap3A_238 = arith.index_cast %add3A_237 : i32 to index
      %swap3A_239 = tpu.vector_load %arg7[%swap3A_238] {strides = array<i32>} : memref<3072xi32, #tpu.memory_space<vmem>>, vector<16xi32>,
      tpu.vector_store %arg7[%swap3A_238], %gather3A {strides = array<i32>} : memref<3072xi32, #tpu.memory_space<vmem>>, vector<16xi32>,
    }
    %scan3A_89 = arith.constant 12 : i32
    %mul3A_90 = arith.constant 512 : i32
    %mul3A_91 = arith.muli %add3A, %mul3A_90 : i32
    %add3A_92 = arith.constant 64 : i32
    %add3A_93 = arith.addi %mul3A_91, %add3A_92 : i32
    "tpu.region"() ({
      %run_scoped3A = tpu.sem_alloc : memref<!tpu.dma_semaphore, #tpu.memory_space<semaphore_mem>>
      %dma_start3A_202 = arith.constant 0 : i32
      %dma_start3A_203 = tpu.memref_slice %arg4[%add3A_93, %dma_start3A_202] : memref<16384x3xi32, #tpu.memory_space<hbm>> -> memref<64x3xi32, #tpu.memory_space<hbm>>
      %dma_start3A_204 = arith.constant 0 : i32
      %dma_start3A_205 = tpu.memref_slice %arg4[%add3A_93, %dma_start3A_204] : memref<16384x3xi32, #tpu.memory_space<hbm>> -> memref<64x3xi32, #tpu.memory_space<hbm>>
      tpu.enqueue_dma source(%dma_start3A_205 : memref<64x3xi32, #tpu.memory_space<hbm>>) target(%arg6 : memref<64x3xi32, #tpu.memory_space<vmem>>) target_semaphore(%run_scoped3A : memref<!tpu.dma_semaphore, #tpu.memory_space<semaphore_mem>>)
      %dma_wait3A = arith.constant 0 : i32
      %dma_wait3A_206 = tpu.memref_slice %arg4[%add3A_93, %dma_wait3A] : memref<16384x3xi32, #tpu.memory_space<hbm>> -> memref<64x3xi32, #tpu.memory_space<hbm>>
      %dma_wait3A_207 = arith.constant 0 : i32
      %dma_wait3A_208 = tpu.memref_slice %arg4[%add3A_93, %dma_wait3A_207] : memref<16384x3xi32, #tpu.memory_space<hbm>> -> memref<64x3xi32, #tpu.memory_space<hbm>>
      tpu.wait_dma2 semaphore(%run_scoped3A : memref<!tpu.dma_semaphore, #tpu.memory_space<semaphore_mem>>) src(%dma_wait3A_208 : memref<64x3xi32, #tpu.memory_space<hbm>>) dst(%arg6 : memref<64x3xi32, #tpu.memory_space<vmem>>)
      tpu.yield
    }) : () -> ()
    %scan3A_94 = arith.constant 0 : i32
    %scan3A_95 = arith.constant 0 : i32
    %scan3A_96 = arith.constant 12 : i32
    %scan3A_97 = arith.addi %scan3A_95, %scan3A_96 : i32
    %scan3A_98 = arith.constant 1 : i32
    scf.for %scan3A_202 = %scan3A_95 to %scan3A_97 step %scan3A_98  : i32 {
      %mul3A_203 = arith.constant 16 : i32
      %mul3A_204 = arith.muli %scan3A_202, %mul3A_203 : i32
      %add3A_205 = vector.broadcast %mul3A_204 : i32 to vector<16xi32>
      %add3A_206 = arith.addi %add3A_205, %iota3A : vector<16xi32>
      %jit3A = arith.constant 3 : i32
      %div3A = vector.broadcast %jit3A : i32 to vector<16xi32>
      %div3A_207 = arith.divsi %add3A_206, %div3A : vector<16xi32>
      %sign3A = arith.constant 0 : i32
      %sign3A_208 = vector.broadcast %sign3A : i32 to vector<16xi32>
      %sign3A_209 = arith.cmpi sgt, %add3A_206, %sign3A_208 : vector<16xi32>
      %sign3A_210 = arith.extui %sign3A_209 : vector<16xi1> to vector<16xi32>
      %sign3A_211 = arith.constant 0 : i32
      %sign3A_212 = vector.broadcast %sign3A_211 : i32 to vector<16xi32>
      %sign3A_213 = arith.cmpi slt, %add3A_206, %sign3A_212 : vector<16xi32>
      %sign3A_214 = arith.extui %sign3A_213 : vector<16xi1> to vector<16xi32>
      %sign3A_215 = arith.subi %sign3A_210, %sign3A_214 : vector<16xi32>
      %sign3A_216 = arith.constant 0 : i32
      %sign3A_217 = arith.cmpi sgt, %jit3A, %sign3A_216 : i32
      %sign3A_218 = arith.extui %sign3A_217 : i1 to i32
      %sign3A_219 = arith.constant 0 : i32
      %sign3A_220 = arith.cmpi slt, %jit3A, %sign3A_219 : i32
      %sign3A_221 = arith.extui %sign3A_220 : i1 to i32
      %sign3A_222 = arith.subi %sign3A_218, %sign3A_221 : i32
      %ne3A = vector.broadcast %sign3A_222 : i32 to vector<16xi32>
      %ne3A_223 = arith.cmpi ne, %sign3A_215, %ne3A : vector<16xi32>
      %rem3A = vector.broadcast %jit3A : i32 to vector<16xi32>
      %rem3A_224 = arith.remsi %add3A_206, %rem3A : vector<16xi32>
      %ne3A_225 = arith.constant 0 : i32
      %ne3A_226 = vector.broadcast %ne3A_225 : i32 to vector<16xi32>
      %ne3A_227 = arith.cmpi ne, %rem3A_224, %ne3A_226 : vector<16xi32>
      %and3A = arith.andi %ne3A_223, %ne3A_227 : vector<16xi1>
      %sub3A = arith.constant 1 : i32
      %sub3A_228 = vector.broadcast %sub3A : i32 to vector<16xi32>
      %sub3A_229 = arith.subi %div3A_207, %sub3A_228 : vector<16xi32>
      %select_n3A = arith.select %and3A, %sub3A_229, %div3A_207 : vector<16xi1>, vector<16xi32>
      %mul3A_230 = arith.constant 3 : i32
      %mul3A_231 = vector.broadcast %mul3A_230 : i32 to vector<16xi32>
      %mul3A_232 = arith.muli %select_n3A, %mul3A_231 : vector<16xi32>
      %sub3A_233 = arith.subi %add3A_206, %mul3A_232 : vector<16xi32>
      %gather3A = tpu.vector_load_idx %arg6[%select_n3A, %sub3A_233] : memref<64x3xi32, #tpu.memory_space<vmem>>[vector<16xi32>, vector<16xi32>], vector<16xi32>,
      %mul3A_234 = arith.constant 16 : i32
      %mul3A_235 = arith.muli %scan3A_202, %mul3A_234 : i32
      %add3A_236 = arith.constant 1728 : i32
      %add3A_237 = arith.addi %add3A_236, %mul3A_235 : i32
      %swap3A_238 = arith.index_cast %add3A_237 : i32 to index
      %swap3A_239 = tpu.vector_load %arg7[%swap3A_238] {strides = array<i32>} : memref<3072xi32, #tpu.memory_space<vmem>>, vector<16xi32>,
      tpu.vector_store %arg7[%swap3A_238], %gather3A {strides = array<i32>} : memref<3072xi32, #tpu.memory_space<vmem>>, vector<16xi32>,
    }
    %scan3A_99 = arith.constant 12 : i32
    %mul3A_100 = arith.constant 512 : i32
    %mul3A_101 = arith.muli %add3A, %mul3A_100 : i32
    %add3A_102 = arith.constant 128 : i32
    %add3A_103 = arith.addi %mul3A_101, %add3A_102 : i32
    "tpu.region"() ({
      %run_scoped3A = tpu.sem_alloc : memref<!tpu.dma_semaphore, #tpu.memory_space<semaphore_mem>>
      %dma_start3A_202 = arith.constant 0 : i32
      %dma_start3A_203 = tpu.memref_slice %arg4[%add3A_103, %dma_start3A_202] : memref<16384x3xi32, #tpu.memory_space<hbm>> -> memref<64x3xi32, #tpu.memory_space<hbm>>
      %dma_start3A_204 = arith.constant 0 : i32
      %dma_start3A_205 = tpu.memref_slice %arg4[%add3A_103, %dma_start3A_204] : memref<16384x3xi32, #tpu.memory_space<hbm>> -> memref<64x3xi32, #tpu.memory_space<hbm>>
      tpu.enqueue_dma source(%dma_start3A_205 : memref<64x3xi32, #tpu.memory_space<hbm>>) target(%arg6 : memref<64x3xi32, #tpu.memory_space<vmem>>) target_semaphore(%run_scoped3A : memref<!tpu.dma_semaphore, #tpu.memory_space<semaphore_mem>>)
      %dma_wait3A = arith.constant 0 : i32
      %dma_wait3A_206 = tpu.memref_slice %arg4[%add3A_103, %dma_wait3A] : memref<16384x3xi32, #tpu.memory_space<hbm>> -> memref<64x3xi32, #tpu.memory_space<hbm>>
      %dma_wait3A_207 = arith.constant 0 : i32
      %dma_wait3A_208 = tpu.memref_slice %arg4[%add3A_103, %dma_wait3A_207] : memref<16384x3xi32, #tpu.memory_space<hbm>> -> memref<64x3xi32, #tpu.memory_space<hbm>>
      tpu.wait_dma2 semaphore(%run_scoped3A : memref<!tpu.dma_semaphore, #tpu.memory_space<semaphore_mem>>) src(%dma_wait3A_208 : memref<64x3xi32, #tpu.memory_space<hbm>>) dst(%arg6 : memref<64x3xi32, #tpu.memory_space<vmem>>)
      tpu.yield
    }) : () -> ()
    %scan3A_104 = arith.constant 0 : i32
    %scan3A_105 = arith.constant 0 : i32
    %scan3A_106 = arith.constant 12 : i32
    %scan3A_107 = arith.addi %scan3A_105, %scan3A_106 : i32
    %scan3A_108 = arith.constant 1 : i32
    scf.for %scan3A_202 = %scan3A_105 to %scan3A_107 step %scan3A_108  : i32 {
      %mul3A_203 = arith.constant 16 : i32
      %mul3A_204 = arith.muli %scan3A_202, %mul3A_203 : i32
      %add3A_205 = vector.broadcast %mul3A_204 : i32 to vector<16xi32>
      %add3A_206 = arith.addi %add3A_205, %iota3A : vector<16xi32>
      %jit3A = arith.constant 3 : i32
      %div3A = vector.broadcast %jit3A : i32 to vector<16xi32>
      %div3A_207 = arith.divsi %add3A_206, %div3A : vector<16xi32>
      %sign3A = arith.constant 0 : i32
      %sign3A_208 = vector.broadcast %sign3A : i32 to vector<16xi32>
      %sign3A_209 = arith.cmpi sgt, %add3A_206, %sign3A_208 : vector<16xi32>
      %sign3A_210 = arith.extui %sign3A_209 : vector<16xi1> to vector<16xi32>
      %sign3A_211 = arith.constant 0 : i32
      %sign3A_212 = vector.broadcast %sign3A_211 : i32 to vector<16xi32>
      %sign3A_213 = arith.cmpi slt, %add3A_206, %sign3A_212 : vector<16xi32>
      %sign3A_214 = arith.extui %sign3A_213 : vector<16xi1> to vector<16xi32>
      %sign3A_215 = arith.subi %sign3A_210, %sign3A_214 : vector<16xi32>
      %sign3A_216 = arith.constant 0 : i32
      %sign3A_217 = arith.cmpi sgt, %jit3A, %sign3A_216 : i32
      %sign3A_218 = arith.extui %sign3A_217 : i1 to i32
      %sign3A_219 = arith.constant 0 : i32
      %sign3A_220 = arith.cmpi slt, %jit3A, %sign3A_219 : i32
      %sign3A_221 = arith.extui %sign3A_220 : i1 to i32
      %sign3A_222 = arith.subi %sign3A_218, %sign3A_221 : i32
      %ne3A = vector.broadcast %sign3A_222 : i32 to vector<16xi32>
      %ne3A_223 = arith.cmpi ne, %sign3A_215, %ne3A : vector<16xi32>
      %rem3A = vector.broadcast %jit3A : i32 to vector<16xi32>
      %rem3A_224 = arith.remsi %add3A_206, %rem3A : vector<16xi32>
      %ne3A_225 = arith.constant 0 : i32
      %ne3A_226 = vector.broadcast %ne3A_225 : i32 to vector<16xi32>
      %ne3A_227 = arith.cmpi ne, %rem3A_224, %ne3A_226 : vector<16xi32>
      %and3A = arith.andi %ne3A_223, %ne3A_227 : vector<16xi1>
      %sub3A = arith.constant 1 : i32
      %sub3A_228 = vector.broadcast %sub3A : i32 to vector<16xi32>
      %sub3A_229 = arith.subi %div3A_207, %sub3A_228 : vector<16xi32>
      %select_n3A = arith.select %and3A, %sub3A_229, %div3A_207 : vector<16xi1>, vector<16xi32>
      %mul3A_230 = arith.constant 3 : i32
      %mul3A_231 = vector.broadcast %mul3A_230 : i32 to vector<16xi32>
      %mul3A_232 = arith.muli %select_n3A, %mul3A_231 : vector<16xi32>
      %sub3A_233 = arith.subi %add3A_206, %mul3A_232 : vector<16xi32>
      %gather3A = tpu.vector_load_idx %arg6[%select_n3A, %sub3A_233] : memref<64x3xi32, #tpu.memory_space<vmem>>[vector<16xi32>, vector<16xi32>], vector<16xi32>,
      %mul3A_234 = arith.constant 16 : i32
      %mul3A_235 = arith.muli %scan3A_202, %mul3A_234 : i32
      %add3A_236 = arith.constant 1920 : i32
      %add3A_237 = arith.addi %add3A_236, %mul3A_235 : i32
      %swap3A_238 = arith.index_cast %add3A_237 : i32 to index
      %swap3A_239 = tpu.vector_load %arg7[%swap3A_238] {strides = array<i32>} : memref<3072xi32, #tpu.memory_space<vmem>>, vector<16xi32>,
      tpu.vector_store %arg7[%swap3A_238], %gather3A {strides = array<i32>} : memref<3072xi32, #tpu.memory_space<vmem>>, vector<16xi32>,
    }
    %scan3A_109 = arith.constant 12 : i32
    %mul3A_110 = arith.constant 512 : i32
    %mul3A_111 = arith.muli %add3A, %mul3A_110 : i32
    %add3A_112 = arith.constant 192 : i32
    %add3A_113 = arith.addi %mul3A_111, %add3A_112 : i32
    "tpu.region"() ({
      %run_scoped3A = tpu.sem_alloc : memref<!tpu.dma_semaphore, #tpu.memory_space<semaphore_mem>>
      %dma_start3A_202 = arith.constant 0 : i32
      %dma_start3A_203 = tpu.memref_slice %arg4[%add3A_113, %dma_start3A_202] : memref<16384x3xi32, #tpu.memory_space<hbm>> -> memref<64x3xi32, #tpu.memory_space<hbm>>
      %dma_start3A_204 = arith.constant 0 : i32
      %dma_start3A_205 = tpu.memref_slice %arg4[%add3A_113, %dma_start3A_204] : memref<16384x3xi32, #tpu.memory_space<hbm>> -> memref<64x3xi32, #tpu.memory_space<hbm>>
      tpu.enqueue_dma source(%dma_start3A_205 : memref<64x3xi32, #tpu.memory_space<hbm>>) target(%arg6 : memref<64x3xi32, #tpu.memory_space<vmem>>) target_semaphore(%run_scoped3A : memref<!tpu.dma_semaphore, #tpu.memory_space<semaphore_mem>>)
      %dma_wait3A = arith.constant 0 : i32
      %dma_wait3A_206 = tpu.memref_slice %arg4[%add3A_113, %dma_wait3A] : memref<16384x3xi32, #tpu.memory_space<hbm>> -> memref<64x3xi32, #tpu.memory_space<hbm>>
      %dma_wait3A_207 = arith.constant 0 : i32
      %dma_wait3A_208 = tpu.memref_slice %arg4[%add3A_113, %dma_wait3A_207] : memref<16384x3xi32, #tpu.memory_space<hbm>> -> memref<64x3xi32, #tpu.memory_space<hbm>>
      tpu.wait_dma2 semaphore(%run_scoped3A : memref<!tpu.dma_semaphore, #tpu.memory_space<semaphore_mem>>) src(%dma_wait3A_208 : memref<64x3xi32, #tpu.memory_space<hbm>>) dst(%arg6 : memref<64x3xi32, #tpu.memory_space<vmem>>)
      tpu.yield
    }) : () -> ()
    %scan3A_114 = arith.constant 0 : i32
    %scan3A_115 = arith.constant 0 : i32
    %scan3A_116 = arith.constant 12 : i32
    %scan3A_117 = arith.addi %scan3A_115, %scan3A_116 : i32
    %scan3A_118 = arith.constant 1 : i32
    scf.for %scan3A_202 = %scan3A_115 to %scan3A_117 step %scan3A_118  : i32 {
      %mul3A_203 = arith.constant 16 : i32
      %mul3A_204 = arith.muli %scan3A_202, %mul3A_203 : i32
      %add3A_205 = vector.broadcast %mul3A_204 : i32 to vector<16xi32>
      %add3A_206 = arith.addi %add3A_205, %iota3A : vector<16xi32>
      %jit3A = arith.constant 3 : i32
      %div3A = vector.broadcast %jit3A : i32 to vector<16xi32>
      %div3A_207 = arith.divsi %add3A_206, %div3A : vector<16xi32>
      %sign3A = arith.constant 0 : i32
      %sign3A_208 = vector.broadcast %sign3A : i32 to vector<16xi32>
      %sign3A_209 = arith.cmpi sgt, %add3A_206, %sign3A_208 : vector<16xi32>
      %sign3A_210 = arith.extui %sign3A_209 : vector<16xi1> to vector<16xi32>
      %sign3A_211 = arith.constant 0 : i32
      %sign3A_212 = vector.broadcast %sign3A_211 : i32 to vector<16xi32>
      %sign3A_213 = arith.cmpi slt, %add3A_206, %sign3A_212 : vector<16xi32>
      %sign3A_214 = arith.extui %sign3A_213 : vector<16xi1> to vector<16xi32>
      %sign3A_215 = arith.subi %sign3A_210, %sign3A_214 : vector<16xi32>
      %sign3A_216 = arith.constant 0 : i32
      %sign3A_217 = arith.cmpi sgt, %jit3A, %sign3A_216 : i32
      %sign3A_218 = arith.extui %sign3A_217 : i1 to i32
      %sign3A_219 = arith.constant 0 : i32
      %sign3A_220 = arith.cmpi slt, %jit3A, %sign3A_219 : i32
      %sign3A_221 = arith.extui %sign3A_220 : i1 to i32
      %sign3A_222 = arith.subi %sign3A_218, %sign3A_221 : i32
      %ne3A = vector.broadcast %sign3A_222 : i32 to vector<16xi32>
      %ne3A_223 = arith.cmpi ne, %sign3A_215, %ne3A : vector<16xi32>
      %rem3A = vector.broadcast %jit3A : i32 to vector<16xi32>
      %rem3A_224 = arith.remsi %add3A_206, %rem3A : vector<16xi32>
      %ne3A_225 = arith.constant 0 : i32
      %ne3A_226 = vector.broadcast %ne3A_225 : i32 to vector<16xi32>
      %ne3A_227 = arith.cmpi ne, %rem3A_224, %ne3A_226 : vector<16xi32>
      %and3A = arith.andi %ne3A_223, %ne3A_227 : vector<16xi1>
      %sub3A = arith.constant 1 : i32
      %sub3A_228 = vector.broadcast %sub3A : i32 to vector<16xi32>
      %sub3A_229 = arith.subi %div3A_207, %sub3A_228 : vector<16xi32>
      %select_n3A = arith.select %and3A, %sub3A_229, %div3A_207 : vector<16xi1>, vector<16xi32>
      %mul3A_230 = arith.constant 3 : i32
      %mul3A_231 = vector.broadcast %mul3A_230 : i32 to vector<16xi32>
      %mul3A_232 = arith.muli %select_n3A, %mul3A_231 : vector<16xi32>
      %sub3A_233 = arith.subi %add3A_206, %mul3A_232 : vector<16xi32>
      %gather3A = tpu.vector_load_idx %arg6[%select_n3A, %sub3A_233] : memref<64x3xi32, #tpu.memory_space<vmem>>[vector<16xi32>, vector<16xi32>], vector<16xi32>,
      %mul3A_234 = arith.constant 16 : i32
      %mul3A_235 = arith.muli %scan3A_202, %mul3A_234 : i32
      %add3A_236 = arith.constant 2112 : i32
      %add3A_237 = arith.addi %add3A_236, %mul3A_235 : i32
      %swap3A_238 = arith.index_cast %add3A_237 : i32 to index
      %swap3A_239 = tpu.vector_load %arg7[%swap3A_238] {strides = array<i32>} : memref<3072xi32, #tpu.memory_space<vmem>>, vector<16xi32>,
      tpu.vector_store %arg7[%swap3A_238], %gather3A {strides = array<i32>} : memref<3072xi32, #tpu.memory_space<vmem>>, vector<16xi32>,
    }
    %scan3A_119 = arith.constant 12 : i32
    %mul3A_120 = arith.constant 512 : i32
    %mul3A_121 = arith.muli %add3A, %mul3A_120 : i32
    %add3A_122 = arith.constant 256 : i32
    %add3A_123 = arith.addi %mul3A_121, %add3A_122 : i32
    "tpu.region"() ({
      %run_scoped3A = tpu.sem_alloc : memref<!tpu.dma_semaphore, #tpu.memory_space<semaphore_mem>>
      %dma_start3A_202 = arith.constant 0 : i32
      %dma_start3A_203 = tpu.memref_slice %arg4[%add3A_123, %dma_start3A_202] : memref<16384x3xi32, #tpu.memory_space<hbm>> -> memref<64x3xi32, #tpu.memory_space<hbm>>
      %dma_start3A_204 = arith.constant 0 : i32
      %dma_start3A_205 = tpu.memref_slice %arg4[%add3A_123, %dma_start3A_204] : memref<16384x3xi32, #tpu.memory_space<hbm>> -> memref<64x3xi32, #tpu.memory_space<hbm>>
      tpu.enqueue_dma source(%dma_start3A_205 : memref<64x3xi32, #tpu.memory_space<hbm>>) target(%arg6 : memref<64x3xi32, #tpu.memory_space<vmem>>) target_semaphore(%run_scoped3A : memref<!tpu.dma_semaphore, #tpu.memory_space<semaphore_mem>>)
      %dma_wait3A = arith.constant 0 : i32
      %dma_wait3A_206 = tpu.memref_slice %arg4[%add3A_123, %dma_wait3A] : memref<16384x3xi32, #tpu.memory_space<hbm>> -> memref<64x3xi32, #tpu.memory_space<hbm>>
      %dma_wait3A_207 = arith.constant 0 : i32
      %dma_wait3A_208 = tpu.memref_slice %arg4[%add3A_123, %dma_wait3A_207] : memref<16384x3xi32, #tpu.memory_space<hbm>> -> memref<64x3xi32, #tpu.memory_space<hbm>>
      tpu.wait_dma2 semaphore(%run_scoped3A : memref<!tpu.dma_semaphore, #tpu.memory_space<semaphore_mem>>) src(%dma_wait3A_208 : memref<64x3xi32, #tpu.memory_space<hbm>>) dst(%arg6 : memref<64x3xi32, #tpu.memory_space<vmem>>)
      tpu.yield
    }) : () -> ()
    %scan3A_124 = arith.constant 0 : i32
    %scan3A_125 = arith.constant 0 : i32
    %scan3A_126 = arith.constant 12 : i32
    %scan3A_127 = arith.addi %scan3A_125, %scan3A_126 : i32
    %scan3A_128 = arith.constant 1 : i32
    scf.for %scan3A_202 = %scan3A_125 to %scan3A_127 step %scan3A_128  : i32 {
      %mul3A_203 = arith.constant 16 : i32
      %mul3A_204 = arith.muli %scan3A_202, %mul3A_203 : i32
      %add3A_205 = vector.broadcast %mul3A_204 : i32 to vector<16xi32>
      %add3A_206 = arith.addi %add3A_205, %iota3A : vector<16xi32>
      %jit3A = arith.constant 3 : i32
      %div3A = vector.broadcast %jit3A : i32 to vector<16xi32>
      %div3A_207 = arith.divsi %add3A_206, %div3A : vector<16xi32>
      %sign3A = arith.constant 0 : i32
      %sign3A_208 = vector.broadcast %sign3A : i32 to vector<16xi32>
      %sign3A_209 = arith.cmpi sgt, %add3A_206, %sign3A_208 : vector<16xi32>
      %sign3A_210 = arith.extui %sign3A_209 : vector<16xi1> to vector<16xi32>
      %sign3A_211 = arith.constant 0 : i32
      %sign3A_212 = vector.broadcast %sign3A_211 : i32 to vector<16xi32>
      %sign3A_213 = arith.cmpi slt, %add3A_206, %sign3A_212 : vector<16xi32>
      %sign3A_214 = arith.extui %sign3A_213 : vector<16xi1> to vector<16xi32>
      %sign3A_215 = arith.subi %sign3A_210, %sign3A_214 : vector<16xi32>
      %sign3A_216 = arith.constant 0 : i32
      %sign3A_217 = arith.cmpi sgt, %jit3A, %sign3A_216 : i32
      %sign3A_218 = arith.extui %sign3A_217 : i1 to i32
      %sign3A_219 = arith.constant 0 : i32
      %sign3A_220 = arith.cmpi slt, %jit3A, %sign3A_219 : i32
      %sign3A_221 = arith.extui %sign3A_220 : i1 to i32
      %sign3A_222 = arith.subi %sign3A_218, %sign3A_221 : i32
      %ne3A = vector.broadcast %sign3A_222 : i32 to vector<16xi32>
      %ne3A_223 = arith.cmpi ne, %sign3A_215, %ne3A : vector<16xi32>
      %rem3A = vector.broadcast %jit3A : i32 to vector<16xi32>
      %rem3A_224 = arith.remsi %add3A_206, %rem3A : vector<16xi32>
      %ne3A_225 = arith.constant 0 : i32
      %ne3A_226 = vector.broadcast %ne3A_225 : i32 to vector<16xi32>
      %ne3A_227 = arith.cmpi ne, %rem3A_224, %ne3A_226 : vector<16xi32>
      %and3A = arith.andi %ne3A_223, %ne3A_227 : vector<16xi1>
      %sub3A = arith.constant 1 : i32
      %sub3A_228 = vector.broadcast %sub3A : i32 to vector<16xi32>
      %sub3A_229 = arith.subi %div3A_207, %sub3A_228 : vector<16xi32>
      %select_n3A = arith.select %and3A, %sub3A_229, %div3A_207 : vector<16xi1>, vector<16xi32>
      %mul3A_230 = arith.constant 3 : i32
      %mul3A_231 = vector.broadcast %mul3A_230 : i32 to vector<16xi32>
      %mul3A_232 = arith.muli %select_n3A, %mul3A_231 : vector<16xi32>
      %sub3A_233 = arith.subi %add3A_206, %mul3A_232 : vector<16xi32>
      %gather3A = tpu.vector_load_idx %arg6[%select_n3A, %sub3A_233] : memref<64x3xi32, #tpu.memory_space<vmem>>[vector<16xi32>, vector<16xi32>], vector<16xi32>,
      %mul3A_234 = arith.constant 16 : i32
      %mul3A_235 = arith.muli %scan3A_202, %mul3A_234 : i32
      %add3A_236 = arith.constant 2304 : i32
      %add3A_237 = arith.addi %add3A_236, %mul3A_235 : i32
      %swap3A_238 = arith.index_cast %add3A_237 : i32 to index
      %swap3A_239 = tpu.vector_load %arg7[%swap3A_238] {strides = array<i32>} : memref<3072xi32, #tpu.memory_space<vmem>>, vector<16xi32>,
      tpu.vector_store %arg7[%swap3A_238], %gather3A {strides = array<i32>} : memref<3072xi32, #tpu.memory_space<vmem>>, vector<16xi32>,
    }
    %scan3A_129 = arith.constant 12 : i32
    %mul3A_130 = arith.constant 512 : i32
    %mul3A_131 = arith.muli %add3A, %mul3A_130 : i32
    %add3A_132 = arith.constant 320 : i32
    %add3A_133 = arith.addi %mul3A_131, %add3A_132 : i32
    "tpu.region"() ({
      %run_scoped3A = tpu.sem_alloc : memref<!tpu.dma_semaphore, #tpu.memory_space<semaphore_mem>>
      %dma_start3A_202 = arith.constant 0 : i32
      %dma_start3A_203 = tpu.memref_slice %arg4[%add3A_133, %dma_start3A_202] : memref<16384x3xi32, #tpu.memory_space<hbm>> -> memref<64x3xi32, #tpu.memory_space<hbm>>
      %dma_start3A_204 = arith.constant 0 : i32
      %dma_start3A_205 = tpu.memref_slice %arg4[%add3A_133, %dma_start3A_204] : memref<16384x3xi32, #tpu.memory_space<hbm>> -> memref<64x3xi32, #tpu.memory_space<hbm>>
      tpu.enqueue_dma source(%dma_start3A_205 : memref<64x3xi32, #tpu.memory_space<hbm>>) target(%arg6 : memref<64x3xi32, #tpu.memory_space<vmem>>) target_semaphore(%run_scoped3A : memref<!tpu.dma_semaphore, #tpu.memory_space<semaphore_mem>>)
      %dma_wait3A = arith.constant 0 : i32
      %dma_wait3A_206 = tpu.memref_slice %arg4[%add3A_133, %dma_wait3A] : memref<16384x3xi32, #tpu.memory_space<hbm>> -> memref<64x3xi32, #tpu.memory_space<hbm>>
      %dma_wait3A_207 = arith.constant 0 : i32
      %dma_wait3A_208 = tpu.memref_slice %arg4[%add3A_133, %dma_wait3A_207] : memref<16384x3xi32, #tpu.memory_space<hbm>> -> memref<64x3xi32, #tpu.memory_space<hbm>>
      tpu.wait_dma2 semaphore(%run_scoped3A : memref<!tpu.dma_semaphore, #tpu.memory_space<semaphore_mem>>) src(%dma_wait3A_208 : memref<64x3xi32, #tpu.memory_space<hbm>>) dst(%arg6 : memref<64x3xi32, #tpu.memory_space<vmem>>)
      tpu.yield
    }) : () -> ()
    %scan3A_134 = arith.constant 0 : i32
    %scan3A_135 = arith.constant 0 : i32
    %scan3A_136 = arith.constant 12 : i32
    %scan3A_137 = arith.addi %scan3A_135, %scan3A_136 : i32
    %scan3A_138 = arith.constant 1 : i32
    scf.for %scan3A_202 = %scan3A_135 to %scan3A_137 step %scan3A_138  : i32 {
      %mul3A_203 = arith.constant 16 : i32
      %mul3A_204 = arith.muli %scan3A_202, %mul3A_203 : i32
      %add3A_205 = vector.broadcast %mul3A_204 : i32 to vector<16xi32>
      %add3A_206 = arith.addi %add3A_205, %iota3A : vector<16xi32>
      %jit3A = arith.constant 3 : i32
      %div3A = vector.broadcast %jit3A : i32 to vector<16xi32>
      %div3A_207 = arith.divsi %add3A_206, %div3A : vector<16xi32>
      %sign3A = arith.constant 0 : i32
      %sign3A_208 = vector.broadcast %sign3A : i32 to vector<16xi32>
      %sign3A_209 = arith.cmpi sgt, %add3A_206, %sign3A_208 : vector<16xi32>
      %sign3A_210 = arith.extui %sign3A_209 : vector<16xi1> to vector<16xi32>
      %sign3A_211 = arith.constant 0 : i32
      %sign3A_212 = vector.broadcast %sign3A_211 : i32 to vector<16xi32>
      %sign3A_213 = arith.cmpi slt, %add3A_206, %sign3A_212 : vector<16xi32>
      %sign3A_214 = arith.extui %sign3A_213 : vector<16xi1> to vector<16xi32>
      %sign3A_215 = arith.subi %sign3A_210, %sign3A_214 : vector<16xi32>
      %sign3A_216 = arith.constant 0 : i32
      %sign3A_217 = arith.cmpi sgt, %jit3A, %sign3A_216 : i32
      %sign3A_218 = arith.extui %sign3A_217 : i1 to i32
      %sign3A_219 = arith.constant 0 : i32
      %sign3A_220 = arith.cmpi slt, %jit3A, %sign3A_219 : i32
      %sign3A_221 = arith.extui %sign3A_220 : i1 to i32
      %sign3A_222 = arith.subi %sign3A_218, %sign3A_221 : i32
      %ne3A = vector.broadcast %sign3A_222 : i32 to vector<16xi32>
      %ne3A_223 = arith.cmpi ne, %sign3A_215, %ne3A : vector<16xi32>
      %rem3A = vector.broadcast %jit3A : i32 to vector<16xi32>
      %rem3A_224 = arith.remsi %add3A_206, %rem3A : vector<16xi32>
      %ne3A_225 = arith.constant 0 : i32
      %ne3A_226 = vector.broadcast %ne3A_225 : i32 to vector<16xi32>
      %ne3A_227 = arith.cmpi ne, %rem3A_224, %ne3A_226 : vector<16xi32>
      %and3A = arith.andi %ne3A_223, %ne3A_227 : vector<16xi1>
      %sub3A = arith.constant 1 : i32
      %sub3A_228 = vector.broadcast %sub3A : i32 to vector<16xi32>
      %sub3A_229 = arith.subi %div3A_207, %sub3A_228 : vector<16xi32>
      %select_n3A = arith.select %and3A, %sub3A_229, %div3A_207 : vector<16xi1>, vector<16xi32>
      %mul3A_230 = arith.constant 3 : i32
      %mul3A_231 = vector.broadcast %mul3A_230 : i32 to vector<16xi32>
      %mul3A_232 = arith.muli %select_n3A, %mul3A_231 : vector<16xi32>
      %sub3A_233 = arith.subi %add3A_206, %mul3A_232 : vector<16xi32>
      %gather3A = tpu.vector_load_idx %arg6[%select_n3A, %sub3A_233] : memref<64x3xi32, #tpu.memory_space<vmem>>[vector<16xi32>, vector<16xi32>], vector<16xi32>,
      %mul3A_234 = arith.constant 16 : i32
      %mul3A_235 = arith.muli %scan3A_202, %mul3A_234 : i32
      %add3A_236 = arith.constant 2496 : i32
      %add3A_237 = arith.addi %add3A_236, %mul3A_235 : i32
      %swap3A_238 = arith.index_cast %add3A_237 : i32 to index
      %swap3A_239 = tpu.vector_load %arg7[%swap3A_238] {strides = array<i32>} : memref<3072xi32, #tpu.memory_space<vmem>>, vector<16xi32>,
      tpu.vector_store %arg7[%swap3A_238], %gather3A {strides = array<i32>} : memref<3072xi32, #tpu.memory_space<vmem>>, vector<16xi32>,
    }
    %scan3A_139 = arith.constant 12 : i32
    %mul3A_140 = arith.constant 512 : i32
    %mul3A_141 = arith.muli %add3A, %mul3A_140 : i32
    %add3A_142 = arith.constant 384 : i32
    %add3A_143 = arith.addi %mul3A_141, %add3A_142 : i32
    "tpu.region"() ({
      %run_scoped3A = tpu.sem_alloc : memref<!tpu.dma_semaphore, #tpu.memory_space<semaphore_mem>>
      %dma_start3A_202 = arith.constant 0 : i32
      %dma_start3A_203 = tpu.memref_slice %arg4[%add3A_143, %dma_start3A_202] : memref<16384x3xi32, #tpu.memory_space<hbm>> -> memref<64x3xi32, #tpu.memory_space<hbm>>
      %dma_start3A_204 = arith.constant 0 : i32
      %dma_start3A_205 = tpu.memref_slice %arg4[%add3A_143, %dma_start3A_204] : memref<16384x3xi32, #tpu.memory_space<hbm>> -> memref<64x3xi32, #tpu.memory_space<hbm>>
      tpu.enqueue_dma source(%dma_start3A_205 : memref<64x3xi32, #tpu.memory_space<hbm>>) target(%arg6 : memref<64x3xi32, #tpu.memory_space<vmem>>) target_semaphore(%run_scoped3A : memref<!tpu.dma_semaphore, #tpu.memory_space<semaphore_mem>>)
      %dma_wait3A = arith.constant 0 : i32
      %dma_wait3A_206 = tpu.memref_slice %arg4[%add3A_143, %dma_wait3A] : memref<16384x3xi32, #tpu.memory_space<hbm>> -> memref<64x3xi32, #tpu.memory_space<hbm>>
      %dma_wait3A_207 = arith.constant 0 : i32
      %dma_wait3A_208 = tpu.memref_slice %arg4[%add3A_143, %dma_wait3A_207] : memref<16384x3xi32, #tpu.memory_space<hbm>> -> memref<64x3xi32, #tpu.memory_space<hbm>>
      tpu.wait_dma2 semaphore(%run_scoped3A : memref<!tpu.dma_semaphore, #tpu.memory_space<semaphore_mem>>) src(%dma_wait3A_208 : memref<64x3xi32, #tpu.memory_space<hbm>>) dst(%arg6 : memref<64x3xi32, #tpu.memory_space<vmem>>)
      tpu.yield
    }) : () -> ()
    %scan3A_144 = arith.constant 0 : i32
    %scan3A_145 = arith.constant 0 : i32
    %scan3A_146 = arith.constant 12 : i32
    %scan3A_147 = arith.addi %scan3A_145, %scan3A_146 : i32
    %scan3A_148 = arith.constant 1 : i32
    scf.for %scan3A_202 = %scan3A_145 to %scan3A_147 step %scan3A_148  : i32 {
      %mul3A_203 = arith.constant 16 : i32
      %mul3A_204 = arith.muli %scan3A_202, %mul3A_203 : i32
      %add3A_205 = vector.broadcast %mul3A_204 : i32 to vector<16xi32>
      %add3A_206 = arith.addi %add3A_205, %iota3A : vector<16xi32>
      %jit3A = arith.constant 3 : i32
      %div3A = vector.broadcast %jit3A : i32 to vector<16xi32>
      %div3A_207 = arith.divsi %add3A_206, %div3A : vector<16xi32>
      %sign3A = arith.constant 0 : i32
      %sign3A_208 = vector.broadcast %sign3A : i32 to vector<16xi32>
      %sign3A_209 = arith.cmpi sgt, %add3A_206, %sign3A_208 : vector<16xi32>
      %sign3A_210 = arith.extui %sign3A_209 : vector<16xi1> to vector<16xi32>
      %sign3A_211 = arith.constant 0 : i32
      %sign3A_212 = vector.broadcast %sign3A_211 : i32 to vector<16xi32>
      %sign3A_213 = arith.cmpi slt, %add3A_206, %sign3A_212 : vector<16xi32>
      %sign3A_214 = arith.extui %sign3A_213 : vector<16xi1> to vector<16xi32>
      %sign3A_215 = arith.subi %sign3A_210, %sign3A_214 : vector<16xi32>
      %sign3A_216 = arith.constant 0 : i32
      %sign3A_217 = arith.cmpi sgt, %jit3A, %sign3A_216 : i32
      %sign3A_218 = arith.extui %sign3A_217 : i1 to i32
      %sign3A_219 = arith.constant 0 : i32
      %sign3A_220 = arith.cmpi slt, %jit3A, %sign3A_219 : i32
      %sign3A_221 = arith.extui %sign3A_220 : i1 to i32
      %sign3A_222 = arith.subi %sign3A_218, %sign3A_221 : i32
      %ne3A = vector.broadcast %sign3A_222 : i32 to vector<16xi32>
      %ne3A_223 = arith.cmpi ne, %sign3A_215, %ne3A : vector<16xi32>
      %rem3A = vector.broadcast %jit3A : i32 to vector<16xi32>
      %rem3A_224 = arith.remsi %add3A_206, %rem3A : vector<16xi32>
      %ne3A_225 = arith.constant 0 : i32
      %ne3A_226 = vector.broadcast %ne3A_225 : i32 to vector<16xi32>
      %ne3A_227 = arith.cmpi ne, %rem3A_224, %ne3A_226 : vector<16xi32>
      %and3A = arith.andi %ne3A_223, %ne3A_227 : vector<16xi1>
      %sub3A = arith.constant 1 : i32
      %sub3A_228 = vector.broadcast %sub3A : i32 to vector<16xi32>
      %sub3A_229 = arith.subi %div3A_207, %sub3A_228 : vector<16xi32>
      %select_n3A = arith.select %and3A, %sub3A_229, %div3A_207 : vector<16xi1>, vector<16xi32>
      %mul3A_230 = arith.constant 3 : i32
      %mul3A_231 = vector.broadcast %mul3A_230 : i32 to vector<16xi32>
      %mul3A_232 = arith.muli %select_n3A, %mul3A_231 : vector<16xi32>
      %sub3A_233 = arith.subi %add3A_206, %mul3A_232 : vector<16xi32>
      %gather3A = tpu.vector_load_idx %arg6[%select_n3A, %sub3A_233] : memref<64x3xi32, #tpu.memory_space<vmem>>[vector<16xi32>, vector<16xi32>], vector<16xi32>,
      %mul3A_234 = arith.constant 16 : i32
      %mul3A_235 = arith.muli %scan3A_202, %mul3A_234 : i32
      %add3A_236 = arith.constant 2688 : i32
      %add3A_237 = arith.addi %add3A_236, %mul3A_235 : i32
      %swap3A_238 = arith.index_cast %add3A_237 : i32 to index
      %swap3A_239 = tpu.vector_load %arg7[%swap3A_238] {strides = array<i32>} : memref<3072xi32, #tpu.memory_space<vmem>>, vector<16xi32>,
      tpu.vector_store %arg7[%swap3A_238], %gather3A {strides = array<i32>} : memref<3072xi32, #tpu.memory_space<vmem>>, vector<16xi32>,
    }
    %scan3A_149 = arith.constant 12 : i32
    %mul3A_150 = arith.constant 512 : i32
    %mul3A_151 = arith.muli %add3A, %mul3A_150 : i32
    %add3A_152 = arith.constant 448 : i32
    %add3A_153 = arith.addi %mul3A_151, %add3A_152 : i32
    "tpu.region"() ({
      %run_scoped3A = tpu.sem_alloc : memref<!tpu.dma_semaphore, #tpu.memory_space<semaphore_mem>>
      %dma_start3A_202 = arith.constant 0 : i32
      %dma_start3A_203 = tpu.memref_slice %arg4[%add3A_153, %dma_start3A_202] : memref<16384x3xi32, #tpu.memory_space<hbm>> -> memref<64x3xi32, #tpu.memory_space<hbm>>
      %dma_start3A_204 = arith.constant 0 : i32
      %dma_start3A_205 = tpu.memref_slice %arg4[%add3A_153, %dma_start3A_204] : memref<16384x3xi32, #tpu.memory_space<hbm>> -> memref<64x3xi32, #tpu.memory_space<hbm>>
      tpu.enqueue_dma source(%dma_start3A_205 : memref<64x3xi32, #tpu.memory_space<hbm>>) target(%arg6 : memref<64x3xi32, #tpu.memory_space<vmem>>) target_semaphore(%run_scoped3A : memref<!tpu.dma_semaphore, #tpu.memory_space<semaphore_mem>>)
      %dma_wait3A = arith.constant 0 : i32
      %dma_wait3A_206 = tpu.memref_slice %arg4[%add3A_153, %dma_wait3A] : memref<16384x3xi32, #tpu.memory_space<hbm>> -> memref<64x3xi32, #tpu.memory_space<hbm>>
      %dma_wait3A_207 = arith.constant 0 : i32
      %dma_wait3A_208 = tpu.memref_slice %arg4[%add3A_153, %dma_wait3A_207] : memref<16384x3xi32, #tpu.memory_space<hbm>> -> memref<64x3xi32, #tpu.memory_space<hbm>>
      tpu.wait_dma2 semaphore(%run_scoped3A : memref<!tpu.dma_semaphore, #tpu.memory_space<semaphore_mem>>) src(%dma_wait3A_208 : memref<64x3xi32, #tpu.memory_space<hbm>>) dst(%arg6 : memref<64x3xi32, #tpu.memory_space<vmem>>)
      tpu.yield
    }) : () -> ()
    %scan3A_154 = arith.constant 0 : i32
    %scan3A_155 = arith.constant 0 : i32
    %scan3A_156 = arith.constant 12 : i32
    %scan3A_157 = arith.addi %scan3A_155, %scan3A_156 : i32
    %scan3A_158 = arith.constant 1 : i32
    scf.for %scan3A_202 = %scan3A_155 to %scan3A_157 step %scan3A_158  : i32 {
      %mul3A_203 = arith.constant 16 : i32
      %mul3A_204 = arith.muli %scan3A_202, %mul3A_203 : i32
      %add3A_205 = vector.broadcast %mul3A_204 : i32 to vector<16xi32>
      %add3A_206 = arith.addi %add3A_205, %iota3A : vector<16xi32>
      %jit3A = arith.constant 3 : i32
      %div3A = vector.broadcast %jit3A : i32 to vector<16xi32>
      %div3A_207 = arith.divsi %add3A_206, %div3A : vector<16xi32>
      %sign3A = arith.constant 0 : i32
      %sign3A_208 = vector.broadcast %sign3A : i32 to vector<16xi32>
      %sign3A_209 = arith.cmpi sgt, %add3A_206, %sign3A_208 : vector<16xi32>
      %sign3A_210 = arith.extui %sign3A_209 : vector<16xi1> to vector<16xi32>
      %sign3A_211 = arith.constant 0 : i32
      %sign3A_212 = vector.broadcast %sign3A_211 : i32 to vector<16xi32>
      %sign3A_213 = arith.cmpi slt, %add3A_206, %sign3A_212 : vector<16xi32>
      %sign3A_214 = arith.extui %sign3A_213 : vector<16xi1> to vector<16xi32>
      %sign3A_215 = arith.subi %sign3A_210, %sign3A_214 : vector<16xi32>
      %sign3A_216 = arith.constant 0 : i32
      %sign3A_217 = arith.cmpi sgt, %jit3A, %sign3A_216 : i32
      %sign3A_218 = arith.extui %sign3A_217 : i1 to i32
      %sign3A_219 = arith.constant 0 : i32
      %sign3A_220 = arith.cmpi slt, %jit3A, %sign3A_219 : i32
      %sign3A_221 = arith.extui %sign3A_220 : i1 to i32
      %sign3A_222 = arith.subi %sign3A_218, %sign3A_221 : i32
      %ne3A = vector.broadcast %sign3A_222 : i32 to vector<16xi32>
      %ne3A_223 = arith.cmpi ne, %sign3A_215, %ne3A : vector<16xi32>
      %rem3A = vector.broadcast %jit3A : i32 to vector<16xi32>
      %rem3A_224 = arith.remsi %add3A_206, %rem3A : vector<16xi32>
      %ne3A_225 = arith.constant 0 : i32
      %ne3A_226 = vector.broadcast %ne3A_225 : i32 to vector<16xi32>
      %ne3A_227 = arith.cmpi ne, %rem3A_224, %ne3A_226 : vector<16xi32>
      %and3A = arith.andi %ne3A_223, %ne3A_227 : vector<16xi1>
      %sub3A = arith.constant 1 : i32
      %sub3A_228 = vector.broadcast %sub3A : i32 to vector<16xi32>
      %sub3A_229 = arith.subi %div3A_207, %sub3A_228 : vector<16xi32>
      %select_n3A = arith.select %and3A, %sub3A_229, %div3A_207 : vector<16xi1>, vector<16xi32>
      %mul3A_230 = arith.constant 3 : i32
      %mul3A_231 = vector.broadcast %mul3A_230 : i32 to vector<16xi32>
      %mul3A_232 = arith.muli %select_n3A, %mul3A_231 : vector<16xi32>
      %sub3A_233 = arith.subi %add3A_206, %mul3A_232 : vector<16xi32>
      %gather3A = tpu.vector_load_idx %arg6[%select_n3A, %sub3A_233] : memref<64x3xi32, #tpu.memory_space<vmem>>[vector<16xi32>, vector<16xi32>], vector<16xi32>,
      %mul3A_234 = arith.constant 16 : i32
      %mul3A_235 = arith.muli %scan3A_202, %mul3A_234 : i32
      %add3A_236 = arith.constant 2880 : i32
      %add3A_237 = arith.addi %add3A_236, %mul3A_235 : i32
      %swap3A_238 = arith.index_cast %add3A_237 : i32 to index
      %swap3A_239 = tpu.vector_load %arg7[%swap3A_238] {strides = array<i32>} : memref<3072xi32, #tpu.memory_space<vmem>>, vector<16xi32>,
      tpu.vector_store %arg7[%swap3A_238], %gather3A {strides = array<i32>} : memref<3072xi32, #tpu.memory_space<vmem>>, vector<16xi32>,
    }
    %scan3A_159 = arith.constant 12 : i32
    %dma_start3A = arith.constant 0 : i32
    %dma_start3A_160 = arith.constant 0 : i32
    %dma_start3A_161 = tpu.memref_slice %arg8[%dma_start3A, %dma_start3A_160] : memref<384x128xf32, #tpu.memory_space<vmem>> -> memref<128x128xf32, #tpu.memory_space<vmem>>
    %dma_start3A_162 = arith.constant 0 : i32
    %dma_start3A_163 = tpu.memref_slice %arg7[%dma_start3A_162] : memref<3072xi32, #tpu.memory_space<vmem>> -> memref<128xi32, #tpu.memory_space<vmem>>
    %dma_start3A_164 = arith.constant 0 : i32
    %dma_start3A_165 = arith.constant 0 : i32
    %dma_start3A_166 = tpu.memref_slice %arg2[%dma_start3A_164, %dma_start3A_165] : memref<100000x128xf32, #tpu.memory_space<hbm>> -> memref<100000x128xf32, #tpu.memory_space<hbm>>
    tpu.enqueue_indirect_dma source(%dma_start3A_166 : memref<100000x128xf32, #tpu.memory_space<hbm>>) target(%dma_start3A_161 : memref<128x128xf32, #tpu.memory_space<vmem>>) offsets(%dma_start3A_163 : memref<128xi32, #tpu.memory_space<vmem>>) semaphore(%arg11 : memref<!tpu.dma_semaphore, #tpu.memory_space<semaphore_mem>>)
    %dma_start3A_167 = arith.constant 128 : i32
    %dma_start3A_168 = arith.constant 0 : i32
    %dma_start3A_169 = tpu.memref_slice %arg8[%dma_start3A_167, %dma_start3A_168] : memref<384x128xf32, #tpu.memory_space<vmem>> -> memref<64x128xf32, #tpu.memory_space<vmem>>
    %dma_start3A_170 = arith.constant 128 : i32
    %dma_start3A_171 = tpu.memref_slice %arg7[%dma_start3A_170] : memref<3072xi32, #tpu.memory_space<vmem>> -> memref<64xi32, #tpu.memory_space<vmem>>
    %dma_start3A_172 = arith.constant 0 : i32
    %dma_start3A_173 = arith.constant 0 : i32
    %dma_start3A_174 = tpu.memref_slice %arg2[%dma_start3A_172, %dma_start3A_173] : memref<100000x128xf32, #tpu.memory_space<hbm>> -> memref<100000x128xf32, #tpu.memory_space<hbm>>
    tpu.enqueue_indirect_dma source(%dma_start3A_174 : memref<100000x128xf32, #tpu.memory_space<hbm>>) target(%dma_start3A_169 : memref<64x128xf32, #tpu.memory_space<vmem>>) offsets(%dma_start3A_171 : memref<64xi32, #tpu.memory_space<vmem>>) semaphore(%arg11 : memref<!tpu.dma_semaphore, #tpu.memory_space<semaphore_mem>>)
    %dma_start3A_175 = arith.constant 192 : i32
    %dma_start3A_176 = arith.constant 0 : i32
    %dma_start3A_177 = tpu.memref_slice %arg8[%dma_start3A_175, %dma_start3A_176] : memref<384x128xf32, #tpu.memory_space<vmem>> -> memref<128x128xf32, #tpu.memory_space<vmem>>
    %dma_start3A_178 = arith.constant 1536 : i32
    %dma_start3A_179 = tpu.memref_slice %arg7[%dma_start3A_178] : memref<3072xi32, #tpu.memory_space<vmem>> -> memref<128xi32, #tpu.memory_space<vmem>>
    %dma_start3A_180 = arith.constant 0 : i32
    %dma_start3A_181 = arith.constant 0 : i32
    %dma_start3A_182 = tpu.memref_slice %arg2[%dma_start3A_180, %dma_start3A_181] : memref<100000x128xf32, #tpu.memory_space<hbm>> -> memref<100000x128xf32, #tpu.memory_space<hbm>>
    tpu.enqueue_indirect_dma source(%dma_start3A_182 : memref<100000x128xf32, #tpu.memory_space<hbm>>) target(%dma_start3A_177 : memref<128x128xf32, #tpu.memory_space<vmem>>) offsets(%dma_start3A_179 : memref<128xi32, #tpu.memory_space<vmem>>) semaphore(%arg11 : memref<!tpu.dma_semaphore, #tpu.memory_space<semaphore_mem>>)
    %dma_start3A_183 = arith.constant 320 : i32
    %dma_start3A_184 = arith.constant 0 : i32
    %dma_start3A_185 = tpu.memref_slice %arg8[%dma_start3A_183, %dma_start3A_184] : memref<384x128xf32, #tpu.memory_space<vmem>> -> memref<64x128xf32, #tpu.memory_space<vmem>>
    %dma_start3A_186 = arith.constant 1664 : i32
    %dma_start3A_187 = tpu.memref_slice %arg7[%dma_start3A_186] : memref<3072xi32, #tpu.memory_space<vmem>> -> memref<64xi32, #tpu.memory_space<vmem>>
    %dma_start3A_188 = arith.constant 0 : i32
    %dma_start3A_189 = arith.constant 0 : i32
    %dma_start3A_190 = tpu.memref_slice %arg2[%dma_start3A_188, %dma_start3A_189] : memref<100000x128xf32, #tpu.memory_space<hbm>> -> memref<100000x128xf32, #tpu.memory_space<hbm>>
    tpu.enqueue_indirect_dma source(%dma_start3A_190 : memref<100000x128xf32, #tpu.memory_space<hbm>>) target(%dma_start3A_185 : memref<64x128xf32, #tpu.memory_space<vmem>>) offsets(%dma_start3A_187 : memref<64xi32, #tpu.memory_space<vmem>>) semaphore(%arg11 : memref<!tpu.dma_semaphore, #tpu.memory_space<semaphore_mem>>)
    %scan3A_191 = arith.constant 0.000000e+00 : f32
    %scan3A_192 = arith.constant 0 : i32
    %scan3A_193 = arith.constant 4 : i32
    %scan3A_194 = arith.addi %scan3A_192, %scan3A_193 : i32
    %scan3A_195 = arith.constant 1 : i32
    %scan3A_196 = scf.for %scan3A_202 = %scan3A_192 to %scan3A_194 step %scan3A_195 iter_args(%scan3A_203 = %scan3A_191) -> (f32)  : i32 {
      %mul3A_204 = arith.constant 2 : i32
      %mul3A_205 = arith.muli %mul3A_204, %scan3A_202 : i32
      %dma_wait3A = arith.constant 0 : i32
      %dma_wait3A_206 = arith.constant 0 : i32
      %dma_wait3A_207 = tpu.memref_slice %arg8[%dma_wait3A, %dma_wait3A_206] : memref<384x128xf32, #tpu.memory_space<vmem>> -> memref<128x128xf32, #tpu.memory_space<vmem>>
      %dma_wait3A_208 = arith.constant 0 : i32
      %dma_wait3A_209 = tpu.memref_slice %arg7[%dma_wait3A_208] : memref<3072xi32, #tpu.memory_space<vmem>> -> memref<128xi32, #tpu.memory_space<vmem>>
      %dma_wait3A_210 = arith.constant 0 : i32
      %dma_wait3A_211 = arith.constant 0 : i32
      %dma_wait3A_212 = tpu.memref_slice %arg2[%dma_wait3A_210, %dma_wait3A_211] : memref<100000x128xf32, #tpu.memory_space<hbm>> -> memref<100000x128xf32, #tpu.memory_space<hbm>>
      tpu.wait_indirect_dma semaphore(%arg11 : memref<!tpu.dma_semaphore, #tpu.memory_space<semaphore_mem>>) src(%dma_wait3A_212 : memref<100000x128xf32, #tpu.memory_space<hbm>>) dst(%dma_wait3A_207 : memref<128x128xf32, #tpu.memory_space<vmem>>)
      %dma_wait3A_213 = arith.constant 128 : i32
      %dma_wait3A_214 = arith.constant 0 : i32
      %dma_wait3A_215 = tpu.memref_slice %arg8[%dma_wait3A_213, %dma_wait3A_214] : memref<384x128xf32, #tpu.memory_space<vmem>> -> memref<64x128xf32, #tpu.memory_space<vmem>>
      %dma_wait3A_216 = arith.constant 128 : i32
      %dma_wait3A_217 = tpu.memref_slice %arg7[%dma_wait3A_216] : memref<3072xi32, #tpu.memory_space<vmem>> -> memref<64xi32, #tpu.memory_space<vmem>>
      %dma_wait3A_218 = arith.constant 0 : i32
      %dma_wait3A_219 = arith.constant 0 : i32
      %dma_wait3A_220 = tpu.memref_slice %arg2[%dma_wait3A_218, %dma_wait3A_219] : memref<100000x128xf32, #tpu.memory_space<hbm>> -> memref<100000x128xf32, #tpu.memory_space<hbm>>
      tpu.wait_indirect_dma semaphore(%arg11 : memref<!tpu.dma_semaphore, #tpu.memory_space<semaphore_mem>>) src(%dma_wait3A_220 : memref<100000x128xf32, #tpu.memory_space<hbm>>) dst(%dma_wait3A_215 : memref<64x128xf32, #tpu.memory_space<vmem>>)
      %dma_wait3A_221 = arith.constant 192 : i32
      %dma_wait3A_222 = arith.constant 0 : i32
      %dma_wait3A_223 = tpu.memref_slice %arg8[%dma_wait3A_221, %dma_wait3A_222] : memref<384x128xf32, #tpu.memory_space<vmem>> -> memref<128x128xf32, #tpu.memory_space<vmem>>
      %dma_wait3A_224 = arith.constant 1536 : i32
      %dma_wait3A_225 = tpu.memref_slice %arg7[%dma_wait3A_224] : memref<3072xi32, #tpu.memory_space<vmem>> -> memref<128xi32, #tpu.memory_space<vmem>>
      %dma_wait3A_226 = arith.constant 0 : i32
      %dma_wait3A_227 = arith.constant 0 : i32
      %dma_wait3A_228 = tpu.memref_slice %arg2[%dma_wait3A_226, %dma_wait3A_227] : memref<100000x128xf32, #tpu.memory_space<hbm>> -> memref<100000x128xf32, #tpu.memory_space<hbm>>
      tpu.wait_indirect_dma semaphore(%arg11 : memref<!tpu.dma_semaphore, #tpu.memory_space<semaphore_mem>>) src(%dma_wait3A_228 : memref<100000x128xf32, #tpu.memory_space<hbm>>) dst(%dma_wait3A_223 : memref<128x128xf32, #tpu.memory_space<vmem>>)
      %dma_wait3A_229 = arith.constant 320 : i32
      %dma_wait3A_230 = arith.constant 0 : i32
      %dma_wait3A_231 = tpu.memref_slice %arg8[%dma_wait3A_229, %dma_wait3A_230] : memref<384x128xf32, #tpu.memory_space<vmem>> -> memref<64x128xf32, #tpu.memory_space<vmem>>
      %dma_wait3A_232 = arith.constant 1664 : i32
      %dma_wait3A_233 = tpu.memref_slice %arg7[%dma_wait3A_232] : memref<3072xi32, #tpu.memory_space<vmem>> -> memref<64xi32, #tpu.memory_space<vmem>>
      %dma_wait3A_234 = arith.constant 0 : i32
      %dma_wait3A_235 = arith.constant 0 : i32
      %dma_wait3A_236 = tpu.memref_slice %arg2[%dma_wait3A_234, %dma_wait3A_235] : memref<100000x128xf32, #tpu.memory_space<hbm>> -> memref<100000x128xf32, #tpu.memory_space<hbm>>
      tpu.wait_indirect_dma semaphore(%arg11 : memref<!tpu.dma_semaphore, #tpu.memory_space<semaphore_mem>>) src(%dma_wait3A_236 : memref<100000x128xf32, #tpu.memory_space<hbm>>) dst(%dma_wait3A_231 : memref<64x128xf32, #tpu.memory_space<vmem>>)
      %add3A_237 = arith.constant 1 : i32
      %add3A_238 = arith.addi %mul3A_205, %add3A_237 : i32
      %mul3A_239 = arith.constant 192 : i32
      %mul3A_240 = arith.muli %add3A_238, %mul3A_239 : i32
      %add3A_241 = arith.constant 0 : i32
      %add3A_242 = arith.addi %add3A_241, %mul3A_240 : i32
      %add3A_243 = arith.constant 0 : i32
      %add3A_244 = arith.addi %add3A_242, %add3A_243 : i32
      %dma_start3A_245 = arith.constant 0 : i32
      %dma_start3A_246 = arith.constant 0 : i32
      %dma_start3A_247 = tpu.memref_slice %arg9[%dma_start3A_245, %dma_start3A_246] : memref<384x128xf32, #tpu.memory_space<vmem>> -> memref<128x128xf32, #tpu.memory_space<vmem>>
      %dma_start3A_248 = tpu.memref_slice %arg7[%add3A_244] : memref<3072xi32, #tpu.memory_space<vmem>> -> memref<128xi32, #tpu.memory_space<vmem>>
      %dma_start3A_249 = arith.constant 0 : i32
      %dma_start3A_250 = arith.constant 0 : i32
      %dma_start3A_251 = tpu.memref_slice %arg2[%dma_start3A_249, %dma_start3A_250] : memref<100000x128xf32, #tpu.memory_space<hbm>> -> memref<100000x128xf32, #tpu.memory_space<hbm>>
      tpu.enqueue_indirect_dma source(%dma_start3A_251 : memref<100000x128xf32, #tpu.memory_space<hbm>>) target(%dma_start3A_247 : memref<128x128xf32, #tpu.memory_space<vmem>>) offsets(%dma_start3A_248 : memref<128xi32, #tpu.memory_space<vmem>>) semaphore(%arg12 : memref<!tpu.dma_semaphore, #tpu.memory_space<semaphore_mem>>)
      %add3A_252 = arith.constant 0 : i32
      %add3A_253 = arith.addi %add3A_252, %mul3A_240 : i32
      %add3A_254 = arith.constant 128 : i32
      %add3A_255 = arith.addi %add3A_253, %add3A_254 : i32
      %dma_start3A_256 = arith.constant 128 : i32
      %dma_start3A_257 = arith.constant 0 : i32
      %dma_start3A_258 = tpu.memref_slice %arg9[%dma_start3A_256, %dma_start3A_257] : memref<384x128xf32, #tpu.memory_space<vmem>> -> memref<64x128xf32, #tpu.memory_space<vmem>>
      %dma_start3A_259 = tpu.memref_slice %arg7[%add3A_255] : memref<3072xi32, #tpu.memory_space<vmem>> -> memref<64xi32, #tpu.memory_space<vmem>>
      %dma_start3A_260 = arith.constant 0 : i32
      %dma_start3A_261 = arith.constant 0 : i32
      %dma_start3A_262 = tpu.memref_slice %arg2[%dma_start3A_260, %dma_start3A_261] : memref<100000x128xf32, #tpu.memory_space<hbm>> -> memref<100000x128xf32, #tpu.memory_space<hbm>>
      tpu.enqueue_indirect_dma source(%dma_start3A_262 : memref<100000x128xf32, #tpu.memory_space<hbm>>) target(%dma_start3A_258 : memref<64x128xf32, #tpu.memory_space<vmem>>) offsets(%dma_start3A_259 : memref<64xi32, #tpu.memory_space<vmem>>) semaphore(%arg12 : memref<!tpu.dma_semaphore, #tpu.memory_space<semaphore_mem>>)
      %add3A_263 = arith.constant 1536 : i32
      %add3A_264 = arith.addi %add3A_263, %mul3A_240 : i32
      %add3A_265 = arith.constant 0 : i32
      %add3A_266 = arith.addi %add3A_264, %add3A_265 : i32
      %dma_start3A_267 = arith.constant 192 : i32
      %dma_start3A_268 = arith.constant 0 : i32
      %dma_start3A_269 = tpu.memref_slice %arg9[%dma_start3A_267, %dma_start3A_268] : memref<384x128xf32, #tpu.memory_space<vmem>> -> memref<128x128xf32, #tpu.memory_space<vmem>>
      %dma_start3A_270 = tpu.memref_slice %arg7[%add3A_266] : memref<3072xi32, #tpu.memory_space<vmem>> -> memref<128xi32, #tpu.memory_space<vmem>>
      %dma_start3A_271 = arith.constant 0 : i32
      %dma_start3A_272 = arith.constant 0 : i32
      %dma_start3A_273 = tpu.memref_slice %arg2[%dma_start3A_271, %dma_start3A_272] : memref<100000x128xf32, #tpu.memory_space<hbm>> -> memref<100000x128xf32, #tpu.memory_space<hbm>>
      tpu.enqueue_indirect_dma source(%dma_start3A_273 : memref<100000x128xf32, #tpu.memory_space<hbm>>) target(%dma_start3A_269 : memref<128x128xf32, #tpu.memory_space<vmem>>) offsets(%dma_start3A_270 : memref<128xi32, #tpu.memory_space<vmem>>) semaphore(%arg12 : memref<!tpu.dma_semaphore, #tpu.memory_space<semaphore_mem>>)
      %add3A_274 = arith.constant 1536 : i32
      %add3A_275 = arith.addi %add3A_274, %mul3A_240 : i32
      %add3A_276 = arith.constant 128 : i32
      %add3A_277 = arith.addi %add3A_275, %add3A_276 : i32
      %dma_start3A_278 = arith.constant 320 : i32
      %dma_start3A_279 = arith.constant 0 : i32
      %dma_start3A_280 = tpu.memref_slice %arg9[%dma_start3A_278, %dma_start3A_279] : memref<384x128xf32, #tpu.memory_space<vmem>> -> memref<64x128xf32, #tpu.memory_space<vmem>>
      %dma_start3A_281 = tpu.memref_slice %arg7[%add3A_277] : memref<3072xi32, #tpu.memory_space<vmem>> -> memref<64xi32, #tpu.memory_space<vmem>>
      %dma_start3A_282 = arith.constant 0 : i32
      %dma_start3A_283 = arith.constant 0 : i32
      %dma_start3A_284 = tpu.memref_slice %arg2[%dma_start3A_282, %dma_start3A_283] : memref<100000x128xf32, #tpu.memory_space<hbm>> -> memref<100000x128xf32, #tpu.memory_space<hbm>>
      tpu.enqueue_indirect_dma source(%dma_start3A_284 : memref<100000x128xf32, #tpu.memory_space<hbm>>) target(%dma_start3A_280 : memref<64x128xf32, #tpu.memory_space<vmem>>) offsets(%dma_start3A_281 : memref<64xi32, #tpu.memory_space<vmem>>) semaphore(%arg12 : memref<!tpu.dma_semaphore, #tpu.memory_space<semaphore_mem>>)
      %parallel_loop3A = arith.constant 0 : i32
      %parallel_loop3A_285 = arith.constant 64 : i32
      %parallel_loop3A_286 = arith.constant 1 : i32
      %parallel_loop3A_287 = scf.for %parallel_loop3A_326 = %parallel_loop3A to %parallel_loop3A_285 step %parallel_loop3A_286 iter_args(%parallel_loop3A_327 = %scan3A_203) -> (f32)  : i32 {
        %parallel_loop3A_328 = arith.constant 3 : i32
        %parallel_loop3A_329 = arith.muli %parallel_loop3A_328, %parallel_loop3A_326 : i32
        %parallel_loop3A_330 = arith.constant 1 : i32
        %parallel_loop3A_331 = arith.addi %parallel_loop3A_329, %parallel_loop3A_330 : i32
        %parallel_loop3A_332 = arith.constant 2 : i32
        %parallel_loop3A_333 = arith.addi %parallel_loop3A_329, %parallel_loop3A_332 : i32
        %parallel_loop3A_334 = arith.index_cast %parallel_loop3A_329 : i32 to index
        %parallel_loop3A_335 = arith.constant 0 : index
        %parallel_loop3A_336 = tpu.vector_load %arg8[%parallel_loop3A_334, %parallel_loop3A_335] {strides = array<i32>} : memref<384x128xf32, #tpu.memory_space<vmem>>, vector<16xf32>,
        %parallel_loop3A_337 = arith.index_cast %parallel_loop3A_329 : i32 to index
        %parallel_loop3A_338 = arith.constant 16 : index
        %parallel_loop3A_339 = tpu.vector_load %arg8[%parallel_loop3A_337, %parallel_loop3A_338] {strides = array<i32>} : memref<384x128xf32, #tpu.memory_space<vmem>>, vector<16xf32>,
        %parallel_loop3A_340 = arith.mulf %parallel_loop3A_336, %parallel_loop3A_336 : vector<16xf32>
        %parallel_loop3A_341 = arith.mulf %parallel_loop3A_339, %parallel_loop3A_339 : vector<16xf32>
        %parallel_loop3A_342 = arith.index_cast %parallel_loop3A_329 : i32 to index
        %parallel_loop3A_343 = arith.constant 32 : index
        %parallel_loop3A_344 = tpu.vector_load %arg8[%parallel_loop3A_342, %parallel_loop3A_343] {strides = array<i32>} : memref<384x128xf32, #tpu.memory_space<vmem>>, vector<16xf32>,
        %parallel_loop3A_345 = arith.index_cast %parallel_loop3A_329 : i32 to index
        %parallel_loop3A_346 = arith.constant 48 : index
        %parallel_loop3A_347 = tpu.vector_load %arg8[%parallel_loop3A_345, %parallel_loop3A_346] {strides = array<i32>} : memref<384x128xf32, #tpu.memory_space<vmem>>, vector<16xf32>,
        %parallel_loop3A_348 = arith.mulf %parallel_loop3A_344, %parallel_loop3A_344 : vector<16xf32>
        %parallel_loop3A_349 = arith.addf %parallel_loop3A_340, %parallel_loop3A_348 : vector<16xf32>
        %parallel_loop3A_350 = arith.mulf %parallel_loop3A_347, %parallel_loop3A_347 : vector<16xf32>
        %parallel_loop3A_351 = arith.addf %parallel_loop3A_341, %parallel_loop3A_350 : vector<16xf32>
        %parallel_loop3A_352 = arith.index_cast %parallel_loop3A_329 : i32 to index
        %parallel_loop3A_353 = arith.constant 64 : index
        %parallel_loop3A_354 = tpu.vector_load %arg8[%parallel_loop3A_352, %parallel_loop3A_353] {strides = array<i32>} : memref<384x128xf32, #tpu.memory_space<vmem>>, vector<16xf32>,
        %parallel_loop3A_355 = arith.index_cast %parallel_loop3A_329 : i32 to index
        %parallel_loop3A_356 = arith.constant 80 : index
        %parallel_loop3A_357 = tpu.vector_load %arg8[%parallel_loop3A_355, %parallel_loop3A_356] {strides = array<i32>} : memref<384x128xf32, #tpu.memory_space<vmem>>, vector<16xf32>,
        %parallel_loop3A_358 = arith.mulf %parallel_loop3A_354, %parallel_loop3A_354 : vector<16xf32>
        %parallel_loop3A_359 = arith.addf %parallel_loop3A_349, %parallel_loop3A_358 : vector<16xf32>
        %parallel_loop3A_360 = arith.mulf %parallel_loop3A_357, %parallel_loop3A_357 : vector<16xf32>
        %parallel_loop3A_361 = arith.addf %parallel_loop3A_351, %parallel_loop3A_360 : vector<16xf32>
        %parallel_loop3A_362 = arith.index_cast %parallel_loop3A_329 : i32 to index
        %parallel_loop3A_363 = arith.constant 96 : index
        %parallel_loop3A_364 = tpu.vector_load %arg8[%parallel_loop3A_362, %parallel_loop3A_363] {strides = array<i32>} : memref<384x128xf32, #tpu.memory_space<vmem>>, vector<16xf32>,
        %parallel_loop3A_365 = arith.index_cast %parallel_loop3A_329 : i32 to index
        %parallel_loop3A_366 = arith.constant 112 : index
        %parallel_loop3A_367 = tpu.vector_load %arg8[%parallel_loop3A_365, %parallel_loop3A_366] {strides = array<i32>} : memref<384x128xf32, #tpu.memory_space<vmem>>, vector<16xf32>,
        %parallel_loop3A_368 = arith.mulf %parallel_loop3A_364, %parallel_loop3A_364 : vector<16xf32>
        %parallel_loop3A_369 = arith.addf %parallel_loop3A_359, %parallel_loop3A_368 : vector<16xf32>
        %parallel_loop3A_370 = arith.mulf %parallel_loop3A_367, %parallel_loop3A_367 : vector<16xf32>
        %parallel_loop3A_371 = arith.addf %parallel_loop3A_361, %parallel_loop3A_370 : vector<16xf32>
        %parallel_loop3A_372 = arith.addf %parallel_loop3A_369, %parallel_loop3A_371 : vector<16xf32>
        %parallel_loop3A_373 = arith.constant true
        %parallel_loop3A_374 = vector.broadcast %parallel_loop3A_373 : i1 to vector<16xi1>
        %parallel_loop3A_375 = tpu.scan <sum>, %parallel_loop3A_372 masked %parallel_loop3A_374 : vector<16xf32>, vector<16xi1> -> vector<16xf32>
        %parallel_loop3A_376 = vector.extract %parallel_loop3A_375[15] : f32 from vector<16xf32>
        %parallel_loop3A_377 = arith.bitcast %parallel_loop3A_376 : f32 to i32
        %parallel_loop3A_378 = arith.constant 1 : i32
        %parallel_loop3A_379 = arith.shrui %parallel_loop3A_377, %parallel_loop3A_378 : i32
        %parallel_loop3A_380 = arith.constant 1597463007 : i32
        %parallel_loop3A_381 = arith.subi %parallel_loop3A_380, %parallel_loop3A_379 : i32
        %parallel_loop3A_382 = arith.bitcast %parallel_loop3A_381 : i32 to f32
        %parallel_loop3A_383 = arith.constant 5.000000e-01 : f32
        %parallel_loop3A_384 = arith.mulf %parallel_loop3A_376, %parallel_loop3A_383 : f32
        %parallel_loop3A_385 = arith.mulf %parallel_loop3A_384, %parallel_loop3A_382 : f32
        %parallel_loop3A_386 = arith.mulf %parallel_loop3A_385, %parallel_loop3A_382 : f32
        %parallel_loop3A_387 = arith.constant 1.500000e+00 : f32
        %parallel_loop3A_388 = arith.subf %parallel_loop3A_387, %parallel_loop3A_386 : f32
        %parallel_loop3A_389 = arith.mulf %parallel_loop3A_382, %parallel_loop3A_388 : f32
        %parallel_loop3A_390 = arith.mulf %parallel_loop3A_384, %parallel_loop3A_389 : f32
        %parallel_loop3A_391 = arith.mulf %parallel_loop3A_390, %parallel_loop3A_389 : f32
        %parallel_loop3A_392 = arith.constant 1.500000e+00 : f32
        %parallel_loop3A_393 = arith.subf %parallel_loop3A_392, %parallel_loop3A_391 : f32
        %parallel_loop3A_394 = arith.mulf %parallel_loop3A_389, %parallel_loop3A_393 : f32
        %parallel_loop3A_395 = arith.mulf %parallel_loop3A_384, %parallel_loop3A_394 : f32
        %parallel_loop3A_396 = arith.mulf %parallel_loop3A_395, %parallel_loop3A_394 : f32
        %parallel_loop3A_397 = arith.constant 1.500000e+00 : f32
        %parallel_loop3A_398 = arith.subf %parallel_loop3A_397, %parallel_loop3A_396 : f32
        %parallel_loop3A_399 = arith.mulf %parallel_loop3A_394, %parallel_loop3A_398 : f32
        %parallel_loop3A_400 = arith.index_cast %parallel_loop3A_331 : i32 to index
        %parallel_loop3A_401 = arith.constant 0 : index
        %parallel_loop3A_402 = tpu.vector_load %arg8[%parallel_loop3A_400, %parallel_loop3A_401] {strides = array<i32>} : memref<384x128xf32, #tpu.memory_space<vmem>>, vector<16xf32>,
        %parallel_loop3A_403 = arith.index_cast %parallel_loop3A_331 : i32 to index
        %parallel_loop3A_404 = arith.constant 16 : index
        %parallel_loop3A_405 = tpu.vector_load %arg8[%parallel_loop3A_403, %parallel_loop3A_404] {strides = array<i32>} : memref<384x128xf32, #tpu.memory_space<vmem>>, vector<16xf32>,
        %parallel_loop3A_406 = arith.mulf %parallel_loop3A_402, %parallel_loop3A_402 : vector<16xf32>
        %parallel_loop3A_407 = arith.mulf %parallel_loop3A_405, %parallel_loop3A_405 : vector<16xf32>
        %parallel_loop3A_408 = arith.index_cast %parallel_loop3A_331 : i32 to index
        %parallel_loop3A_409 = arith.constant 32 : index
        %parallel_loop3A_410 = tpu.vector_load %arg8[%parallel_loop3A_408, %parallel_loop3A_409] {strides = array<i32>} : memref<384x128xf32, #tpu.memory_space<vmem>>, vector<16xf32>,
        %parallel_loop3A_411 = arith.index_cast %parallel_loop3A_331 : i32 to index
        %parallel_loop3A_412 = arith.constant 48 : index
        %parallel_loop3A_413 = tpu.vector_load %arg8[%parallel_loop3A_411, %parallel_loop3A_412] {strides = array<i32>} : memref<384x128xf32, #tpu.memory_space<vmem>>, vector<16xf32>,
        %parallel_loop3A_414 = arith.mulf %parallel_loop3A_410, %parallel_loop3A_410 : vector<16xf32>
        %parallel_loop3A_415 = arith.addf %parallel_loop3A_406, %parallel_loop3A_414 : vector<16xf32>
        %parallel_loop3A_416 = arith.mulf %parallel_loop3A_413, %parallel_loop3A_413 : vector<16xf32>
        %parallel_loop3A_417 = arith.addf %parallel_loop3A_407, %parallel_loop3A_416 : vector<16xf32>
        %parallel_loop3A_418 = arith.index_cast %parallel_loop3A_331 : i32 to index
        %parallel_loop3A_419 = arith.constant 64 : index
        %parallel_loop3A_420 = tpu.vector_load %arg8[%parallel_loop3A_418, %parallel_loop3A_419] {strides = array<i32>} : memref<384x128xf32, #tpu.memory_space<vmem>>, vector<16xf32>,
        %parallel_loop3A_421 = arith.index_cast %parallel_loop3A_331 : i32 to index
        %parallel_loop3A_422 = arith.constant 80 : index
        %parallel_loop3A_423 = tpu.vector_load %arg8[%parallel_loop3A_421, %parallel_loop3A_422] {strides = array<i32>} : memref<384x128xf32, #tpu.memory_space<vmem>>, vector<16xf32>,
        %parallel_loop3A_424 = arith.mulf %parallel_loop3A_420, %parallel_loop3A_420 : vector<16xf32>
        %parallel_loop3A_425 = arith.addf %parallel_loop3A_415, %parallel_loop3A_424 : vector<16xf32>
        %parallel_loop3A_426 = arith.mulf %parallel_loop3A_423, %parallel_loop3A_423 : vector<16xf32>
        %parallel_loop3A_427 = arith.addf %parallel_loop3A_417, %parallel_loop3A_426 : vector<16xf32>
        %parallel_loop3A_428 = arith.index_cast %parallel_loop3A_331 : i32 to index
        %parallel_loop3A_429 = arith.constant 96 : index
        %parallel_loop3A_430 = tpu.vector_load %arg8[%parallel_loop3A_428, %parallel_loop3A_429] {strides = array<i32>} : memref<384x128xf32, #tpu.memory_space<vmem>>, vector<16xf32>,
        %parallel_loop3A_431 = arith.index_cast %parallel_loop3A_331 : i32 to index
        %parallel_loop3A_432 = arith.constant 112 : index
        %parallel_loop3A_433 = tpu.vector_load %arg8[%parallel_loop3A_431, %parallel_loop3A_432] {strides = array<i32>} : memref<384x128xf32, #tpu.memory_space<vmem>>, vector<16xf32>,
        %parallel_loop3A_434 = arith.mulf %parallel_loop3A_430, %parallel_loop3A_430 : vector<16xf32>
        %parallel_loop3A_435 = arith.addf %parallel_loop3A_425, %parallel_loop3A_434 : vector<16xf32>
        %parallel_loop3A_436 = arith.mulf %parallel_loop3A_433, %parallel_loop3A_433 : vector<16xf32>
        %parallel_loop3A_437 = arith.addf %parallel_loop3A_427, %parallel_loop3A_436 : vector<16xf32>
        %parallel_loop3A_438 = arith.addf %parallel_loop3A_435, %parallel_loop3A_437 : vector<16xf32>
        %parallel_loop3A_439 = arith.constant true
        %parallel_loop3A_440 = vector.broadcast %parallel_loop3A_439 : i1 to vector<16xi1>
        %parallel_loop3A_441 = tpu.scan <sum>, %parallel_loop3A_438 masked %parallel_loop3A_440 : vector<16xf32>, vector<16xi1> -> vector<16xf32>
        %parallel_loop3A_442 = vector.extract %parallel_loop3A_441[15] : f32 from vector<16xf32>
        %parallel_loop3A_443 = arith.bitcast %parallel_loop3A_442 : f32 to i32
        %parallel_loop3A_444 = arith.constant 1 : i32
        %parallel_loop3A_445 = arith.shrui %parallel_loop3A_443, %parallel_loop3A_444 : i32
        %parallel_loop3A_446 = arith.constant 1597463007 : i32
        %parallel_loop3A_447 = arith.subi %parallel_loop3A_446, %parallel_loop3A_445 : i32
        %parallel_loop3A_448 = arith.bitcast %parallel_loop3A_447 : i32 to f32
        %parallel_loop3A_449 = arith.constant 5.000000e-01 : f32
        %parallel_loop3A_450 = arith.mulf %parallel_loop3A_442, %parallel_loop3A_449 : f32
        %parallel_loop3A_451 = arith.mulf %parallel_loop3A_450, %parallel_loop3A_448 : f32
        %parallel_loop3A_452 = arith.mulf %parallel_loop3A_451, %parallel_loop3A_448 : f32
        %parallel_loop3A_453 = arith.constant 1.500000e+00 : f32
        %parallel_loop3A_454 = arith.subf %parallel_loop3A_453, %parallel_loop3A_452 : f32
        %parallel_loop3A_455 = arith.mulf %parallel_loop3A_448, %parallel_loop3A_454 : f32
        %parallel_loop3A_456 = arith.mulf %parallel_loop3A_450, %parallel_loop3A_455 : f32
        %parallel_loop3A_457 = arith.mulf %parallel_loop3A_456, %parallel_loop3A_455 : f32
        %parallel_loop3A_458 = arith.constant 1.500000e+00 : f32
        %parallel_loop3A_459 = arith.subf %parallel_loop3A_458, %parallel_loop3A_457 : f32
        %parallel_loop3A_460 = arith.mulf %parallel_loop3A_455, %parallel_loop3A_459 : f32
        %parallel_loop3A_461 = arith.mulf %parallel_loop3A_450, %parallel_loop3A_460 : f32
        %parallel_loop3A_462 = arith.mulf %parallel_loop3A_461, %parallel_loop3A_460 : f32
        %parallel_loop3A_463 = arith.constant 1.500000e+00 : f32
        %parallel_loop3A_464 = arith.subf %parallel_loop3A_463, %parallel_loop3A_462 : f32
        %parallel_loop3A_465 = arith.mulf %parallel_loop3A_460, %parallel_loop3A_464 : f32
        %parallel_loop3A_466 = arith.index_cast %parallel_loop3A_333 : i32 to index
        %parallel_loop3A_467 = arith.constant 0 : index
        %parallel_loop3A_468 = tpu.vector_load %arg8[%parallel_loop3A_466, %parallel_loop3A_467] {strides = array<i32>} : memref<384x128xf32, #tpu.memory_space<vmem>>, vector<16xf32>,
        %parallel_loop3A_469 = arith.index_cast %parallel_loop3A_333 : i32 to index
        %parallel_loop3A_470 = arith.constant 16 : index
        %parallel_loop3A_471 = tpu.vector_load %arg8[%parallel_loop3A_469, %parallel_loop3A_470] {strides = array<i32>} : memref<384x128xf32, #tpu.memory_space<vmem>>, vector<16xf32>,
        %parallel_loop3A_472 = arith.mulf %parallel_loop3A_468, %parallel_loop3A_468 : vector<16xf32>
        %parallel_loop3A_473 = arith.mulf %parallel_loop3A_471, %parallel_loop3A_471 : vector<16xf32>
        %parallel_loop3A_474 = arith.index_cast %parallel_loop3A_333 : i32 to index
        %parallel_loop3A_475 = arith.constant 32 : index
        %parallel_loop3A_476 = tpu.vector_load %arg8[%parallel_loop3A_474, %parallel_loop3A_475] {strides = array<i32>} : memref<384x128xf32, #tpu.memory_space<vmem>>, vector<16xf32>,
        %parallel_loop3A_477 = arith.index_cast %parallel_loop3A_333 : i32 to index
        %parallel_loop3A_478 = arith.constant 48 : index
        %parallel_loop3A_479 = tpu.vector_load %arg8[%parallel_loop3A_477, %parallel_loop3A_478] {strides = array<i32>} : memref<384x128xf32, #tpu.memory_space<vmem>>, vector<16xf32>,
        %parallel_loop3A_480 = arith.mulf %parallel_loop3A_476, %parallel_loop3A_476 : vector<16xf32>
        %parallel_loop3A_481 = arith.addf %parallel_loop3A_472, %parallel_loop3A_480 : vector<16xf32>
        %parallel_loop3A_482 = arith.mulf %parallel_loop3A_479, %parallel_loop3A_479 : vector<16xf32>
        %parallel_loop3A_483 = arith.addf %parallel_loop3A_473, %parallel_loop3A_482 : vector<16xf32>
        %parallel_loop3A_484 = arith.index_cast %parallel_loop3A_333 : i32 to index
        %parallel_loop3A_485 = arith.constant 64 : index
        %parallel_loop3A_486 = tpu.vector_load %arg8[%parallel_loop3A_484, %parallel_loop3A_485] {strides = array<i32>} : memref<384x128xf32, #tpu.memory_space<vmem>>, vector<16xf32>,
        %parallel_loop3A_487 = arith.index_cast %parallel_loop3A_333 : i32 to index
        %parallel_loop3A_488 = arith.constant 80 : index
        %parallel_loop3A_489 = tpu.vector_load %arg8[%parallel_loop3A_487, %parallel_loop3A_488] {strides = array<i32>} : memref<384x128xf32, #tpu.memory_space<vmem>>, vector<16xf32>,
        %parallel_loop3A_490 = arith.mulf %parallel_loop3A_486, %parallel_loop3A_486 : vector<16xf32>
        %parallel_loop3A_491 = arith.addf %parallel_loop3A_481, %parallel_loop3A_490 : vector<16xf32>
        %parallel_loop3A_492 = arith.mulf %parallel_loop3A_489, %parallel_loop3A_489 : vector<16xf32>
        %parallel_loop3A_493 = arith.addf %parallel_loop3A_483, %parallel_loop3A_492 : vector<16xf32>
        %parallel_loop3A_494 = arith.index_cast %parallel_loop3A_333 : i32 to index
        %parallel_loop3A_495 = arith.constant 96 : index
        %parallel_loop3A_496 = tpu.vector_load %arg8[%parallel_loop3A_494, %parallel_loop3A_495] {strides = array<i32>} : memref<384x128xf32, #tpu.memory_space<vmem>>, vector<16xf32>,
        %parallel_loop3A_497 = arith.index_cast %parallel_loop3A_333 : i32 to index
        %parallel_loop3A_498 = arith.constant 112 : index
        %parallel_loop3A_499 = tpu.vector_load %arg8[%parallel_loop3A_497, %parallel_loop3A_498] {strides = array<i32>} : memref<384x128xf32, #tpu.memory_space<vmem>>, vector<16xf32>,
        %parallel_loop3A_500 = arith.mulf %parallel_loop3A_496, %parallel_loop3A_496 : vector<16xf32>
        %parallel_loop3A_501 = arith.addf %parallel_loop3A_491, %parallel_loop3A_500 : vector<16xf32>
        %parallel_loop3A_502 = arith.mulf %parallel_loop3A_499, %parallel_loop3A_499 : vector<16xf32>
        %parallel_loop3A_503 = arith.addf %parallel_loop3A_493, %parallel_loop3A_502 : vector<16xf32>
        %parallel_loop3A_504 = arith.addf %parallel_loop3A_501, %parallel_loop3A_503 : vector<16xf32>
        %parallel_loop3A_505 = arith.constant true
        %parallel_loop3A_506 = vector.broadcast %parallel_loop3A_505 : i1 to vector<16xi1>
        %parallel_loop3A_507 = tpu.scan <sum>, %parallel_loop3A_504 masked %parallel_loop3A_506 : vector<16xf32>, vector<16xi1> -> vector<16xf32>
        %parallel_loop3A_508 = vector.extract %parallel_loop3A_507[15] : f32 from vector<16xf32>
        %parallel_loop3A_509 = arith.bitcast %parallel_loop3A_508 : f32 to i32
        %parallel_loop3A_510 = arith.constant 1 : i32
        %parallel_loop3A_511 = arith.shrui %parallel_loop3A_509, %parallel_loop3A_510 : i32
        %parallel_loop3A_512 = arith.constant 1597463007 : i32
        %parallel_loop3A_513 = arith.subi %parallel_loop3A_512, %parallel_loop3A_511 : i32
        %parallel_loop3A_514 = arith.bitcast %parallel_loop3A_513 : i32 to f32
        %parallel_loop3A_515 = arith.constant 5.000000e-01 : f32
        %parallel_loop3A_516 = arith.mulf %parallel_loop3A_508, %parallel_loop3A_515 : f32
        %parallel_loop3A_517 = arith.mulf %parallel_loop3A_516, %parallel_loop3A_514 : f32
        %parallel_loop3A_518 = arith.mulf %parallel_loop3A_517, %parallel_loop3A_514 : f32
        %parallel_loop3A_519 = arith.constant 1.500000e+00 : f32
        %parallel_loop3A_520 = arith.subf %parallel_loop3A_519, %parallel_loop3A_518 : f32
        %parallel_loop3A_521 = arith.mulf %parallel_loop3A_514, %parallel_loop3A_520 : f32
        %parallel_loop3A_522 = arith.mulf %parallel_loop3A_516, %parallel_loop3A_521 : f32
        %parallel_loop3A_523 = arith.mulf %parallel_loop3A_522, %parallel_loop3A_521 : f32
        %parallel_loop3A_524 = arith.constant 1.500000e+00 : f32
        %parallel_loop3A_525 = arith.subf %parallel_loop3A_524, %parallel_loop3A_523 : f32
        %parallel_loop3A_526 = arith.mulf %parallel_loop3A_521, %parallel_loop3A_525 : f32
        %parallel_loop3A_527 = arith.mulf %parallel_loop3A_516, %parallel_loop3A_526 : f32
        %parallel_loop3A_528 = arith.mulf %parallel_loop3A_527, %parallel_loop3A_526 : f32
        %parallel_loop3A_529 = arith.constant 1.500000e+00 : f32
        %parallel_loop3A_530 = arith.subf %parallel_loop3A_529, %parallel_loop3A_528 : f32
        %parallel_loop3A_531 = arith.mulf %parallel_loop3A_526, %parallel_loop3A_530 : f32
        %parallel_loop3A_532 = arith.constant 0.000000e+00 : f32
        %parallel_loop3A_533 = arith.subf %parallel_loop3A_532, %parallel_loop3A_465 : f32
        %parallel_loop3A_534 = arith.index_cast %parallel_loop3A_329 : i32 to index
        %parallel_loop3A_535 = arith.constant 0 : index
        %parallel_loop3A_536 = tpu.vector_load %arg8[%parallel_loop3A_534, %parallel_loop3A_535] {strides = array<i32>} : memref<384x128xf32, #tpu.memory_space<vmem>>, vector<16xf32>,
        %parallel_loop3A_537 = vector.broadcast %parallel_loop3A_399 : f32 to vector<16xf32>
        %parallel_loop3A_538 = arith.mulf %parallel_loop3A_536, %parallel_loop3A_537 : vector<16xf32>
        %parallel_loop3A_539 = arith.constant 2 : i32
        %parallel_loop3A_540 = arith.addi %parallel_loop3A_329, %parallel_loop3A_539 : i32
        %parallel_loop3A_541 = arith.index_cast %parallel_loop3A_540 : i32 to index
        %parallel_loop3A_542 = arith.constant 0 : index
        %parallel_loop3A_543 = tpu.vector_load %arg8[%parallel_loop3A_541, %parallel_loop3A_542] {strides = array<i32>} : memref<384x128xf32, #tpu.memory_space<vmem>>, vector<16xf32>,
        %parallel_loop3A_544 = vector.broadcast %parallel_loop3A_531 : f32 to vector<16xf32>
        %parallel_loop3A_545 = arith.mulf %parallel_loop3A_543, %parallel_loop3A_544 : vector<16xf32>
        %parallel_loop3A_546 = arith.addf %parallel_loop3A_538, %parallel_loop3A_545 : vector<16xf32>
        %parallel_loop3A_547 = arith.constant 1 : i32
        %parallel_loop3A_548 = arith.addi %parallel_loop3A_329, %parallel_loop3A_547 : i32
        %parallel_loop3A_549 = arith.index_cast %parallel_loop3A_548 : i32 to index
        %parallel_loop3A_550 = arith.constant 0 : index
        %parallel_loop3A_551 = tpu.vector_load %arg8[%parallel_loop3A_549, %parallel_loop3A_550] {strides = array<i32>} : memref<384x128xf32, #tpu.memory_space<vmem>>, vector<16xf32>,
        %parallel_loop3A_552 = vector.broadcast %parallel_loop3A_533 : f32 to vector<16xf32>
        %parallel_loop3A_553 = arith.mulf %parallel_loop3A_551, %parallel_loop3A_552 : vector<16xf32>
        %parallel_loop3A_554 = arith.addf %parallel_loop3A_546, %parallel_loop3A_553 : vector<16xf32>
        %parallel_loop3A_555 = math.absf %parallel_loop3A_554 : vector<16xf32>
        %parallel_loop3A_556 = arith.index_cast %parallel_loop3A_329 : i32 to index
        %parallel_loop3A_557 = arith.constant 16 : index
        %parallel_loop3A_558 = tpu.vector_load %arg8[%parallel_loop3A_556, %parallel_loop3A_557] {strides = array<i32>} : memref<384x128xf32, #tpu.memory_space<vmem>>, vector<16xf32>,
        %parallel_loop3A_559 = vector.broadcast %parallel_loop3A_399 : f32 to vector<16xf32>
        %parallel_loop3A_560 = arith.mulf %parallel_loop3A_558, %parallel_loop3A_559 : vector<16xf32>
        %parallel_loop3A_561 = arith.constant 2 : i32
        %parallel_loop3A_562 = arith.addi %parallel_loop3A_329, %parallel_loop3A_561 : i32
        %parallel_loop3A_563 = arith.index_cast %parallel_loop3A_562 : i32 to index
        %parallel_loop3A_564 = arith.constant 16 : index
        %parallel_loop3A_565 = tpu.vector_load %arg8[%parallel_loop3A_563, %parallel_loop3A_564] {strides = array<i32>} : memref<384x128xf32, #tpu.memory_space<vmem>>, vector<16xf32>,
        %parallel_loop3A_566 = vector.broadcast %parallel_loop3A_531 : f32 to vector<16xf32>
        %parallel_loop3A_567 = arith.mulf %parallel_loop3A_565, %parallel_loop3A_566 : vector<16xf32>
        %parallel_loop3A_568 = arith.addf %parallel_loop3A_560, %parallel_loop3A_567 : vector<16xf32>
        %parallel_loop3A_569 = arith.constant 1 : i32
        %parallel_loop3A_570 = arith.addi %parallel_loop3A_329, %parallel_loop3A_569 : i32
        %parallel_loop3A_571 = arith.index_cast %parallel_loop3A_570 : i32 to index
        %parallel_loop3A_572 = arith.constant 16 : index
        %parallel_loop3A_573 = tpu.vector_load %arg8[%parallel_loop3A_571, %parallel_loop3A_572] {strides = array<i32>} : memref<384x128xf32, #tpu.memory_space<vmem>>, vector<16xf32>,
        %parallel_loop3A_574 = vector.broadcast %parallel_loop3A_533 : f32 to vector<16xf32>
        %parallel_loop3A_575 = arith.mulf %parallel_loop3A_573, %parallel_loop3A_574 : vector<16xf32>
        %parallel_loop3A_576 = arith.addf %parallel_loop3A_568, %parallel_loop3A_575 : vector<16xf32>
        %parallel_loop3A_577 = math.absf %parallel_loop3A_576 : vector<16xf32>
        %parallel_loop3A_578 = arith.index_cast %parallel_loop3A_329 : i32 to index
        %parallel_loop3A_579 = arith.constant 32 : index
        %parallel_loop3A_580 = tpu.vector_load %arg8[%parallel_loop3A_578, %parallel_loop3A_579] {strides = array<i32>} : memref<384x128xf32, #tpu.memory_space<vmem>>, vector<16xf32>,
        %parallel_loop3A_581 = vector.broadcast %parallel_loop3A_399 : f32 to vector<16xf32>
        %parallel_loop3A_582 = arith.mulf %parallel_loop3A_580, %parallel_loop3A_581 : vector<16xf32>
        %parallel_loop3A_583 = arith.constant 2 : i32
        %parallel_loop3A_584 = arith.addi %parallel_loop3A_329, %parallel_loop3A_583 : i32
        %parallel_loop3A_585 = arith.index_cast %parallel_loop3A_584 : i32 to index
        %parallel_loop3A_586 = arith.constant 32 : index
        %parallel_loop3A_587 = tpu.vector_load %arg8[%parallel_loop3A_585, %parallel_loop3A_586] {strides = array<i32>} : memref<384x128xf32, #tpu.memory_space<vmem>>, vector<16xf32>,
        %parallel_loop3A_588 = vector.broadcast %parallel_loop3A_531 : f32 to vector<16xf32>
        %parallel_loop3A_589 = arith.mulf %parallel_loop3A_587, %parallel_loop3A_588 : vector<16xf32>
        %parallel_loop3A_590 = arith.addf %parallel_loop3A_582, %parallel_loop3A_589 : vector<16xf32>
        %parallel_loop3A_591 = arith.constant 1 : i32
        %parallel_loop3A_592 = arith.addi %parallel_loop3A_329, %parallel_loop3A_591 : i32
        %parallel_loop3A_593 = arith.index_cast %parallel_loop3A_592 : i32 to index
        %parallel_loop3A_594 = arith.constant 32 : index
        %parallel_loop3A_595 = tpu.vector_load %arg8[%parallel_loop3A_593, %parallel_loop3A_594] {strides = array<i32>} : memref<384x128xf32, #tpu.memory_space<vmem>>, vector<16xf32>,
        %parallel_loop3A_596 = vector.broadcast %parallel_loop3A_533 : f32 to vector<16xf32>
        %parallel_loop3A_597 = arith.mulf %parallel_loop3A_595, %parallel_loop3A_596 : vector<16xf32>
        %parallel_loop3A_598 = arith.addf %parallel_loop3A_590, %parallel_loop3A_597 : vector<16xf32>
        %parallel_loop3A_599 = math.absf %parallel_loop3A_598 : vector<16xf32>
        %parallel_loop3A_600 = arith.index_cast %parallel_loop3A_329 : i32 to index
        %parallel_loop3A_601 = arith.constant 48 : index
        %parallel_loop3A_602 = tpu.vector_load %arg8[%parallel_loop3A_600, %parallel_loop3A_601] {strides = array<i32>} : memref<384x128xf32, #tpu.memory_space<vmem>>, vector<16xf32>,
        %parallel_loop3A_603 = vector.broadcast %parallel_loop3A_399 : f32 to vector<16xf32>
        %parallel_loop3A_604 = arith.mulf %parallel_loop3A_602, %parallel_loop3A_603 : vector<16xf32>
        %parallel_loop3A_605 = arith.constant 2 : i32
        %parallel_loop3A_606 = arith.addi %parallel_loop3A_329, %parallel_loop3A_605 : i32
        %parallel_loop3A_607 = arith.index_cast %parallel_loop3A_606 : i32 to index
        %parallel_loop3A_608 = arith.constant 48 : index
        %parallel_loop3A_609 = tpu.vector_load %arg8[%parallel_loop3A_607, %parallel_loop3A_608] {strides = array<i32>} : memref<384x128xf32, #tpu.memory_space<vmem>>, vector<16xf32>,
        %parallel_loop3A_610 = vector.broadcast %parallel_loop3A_531 : f32 to vector<16xf32>
        %parallel_loop3A_611 = arith.mulf %parallel_loop3A_609, %parallel_loop3A_610 : vector<16xf32>
        %parallel_loop3A_612 = arith.addf %parallel_loop3A_604, %parallel_loop3A_611 : vector<16xf32>
        %parallel_loop3A_613 = arith.constant 1 : i32
        %parallel_loop3A_614 = arith.addi %parallel_loop3A_329, %parallel_loop3A_613 : i32
        %parallel_loop3A_615 = arith.index_cast %parallel_loop3A_614 : i32 to index
        %parallel_loop3A_616 = arith.constant 48 : index
        %parallel_loop3A_617 = tpu.vector_load %arg8[%parallel_loop3A_615, %parallel_loop3A_616] {strides = array<i32>} : memref<384x128xf32, #tpu.memory_space<vmem>>, vector<16xf32>,
        %parallel_loop3A_618 = vector.broadcast %parallel_loop3A_533 : f32 to vector<16xf32>
        %parallel_loop3A_619 = arith.mulf %parallel_loop3A_617, %parallel_loop3A_618 : vector<16xf32>
        %parallel_loop3A_620 = arith.addf %parallel_loop3A_612, %parallel_loop3A_619 : vector<16xf32>
        %parallel_loop3A_621 = math.absf %parallel_loop3A_620 : vector<16xf32>
        %parallel_loop3A_622 = arith.index_cast %parallel_loop3A_329 : i32 to index
        %parallel_loop3A_623 = arith.constant 64 : index
        %parallel_loop3A_624 = tpu.vector_load %arg8[%parallel_loop3A_622, %parallel_loop3A_623] {strides = array<i32>} : memref<384x128xf32, #tpu.memory_space<vmem>>, vector<16xf32>,
        %parallel_loop3A_625 = vector.broadcast %parallel_loop3A_399 : f32 to vector<16xf32>
        %parallel_loop3A_626 = arith.mulf %parallel_loop3A_624, %parallel_loop3A_625 : vector<16xf32>
        %parallel_loop3A_627 = arith.constant 2 : i32
        %parallel_loop3A_628 = arith.addi %parallel_loop3A_329, %parallel_loop3A_627 : i32
        %parallel_loop3A_629 = arith.index_cast %parallel_loop3A_628 : i32 to index
        %parallel_loop3A_630 = arith.constant 64 : index
        %parallel_loop3A_631 = tpu.vector_load %arg8[%parallel_loop3A_629, %parallel_loop3A_630] {strides = array<i32>} : memref<384x128xf32, #tpu.memory_space<vmem>>, vector<16xf32>,
        %parallel_loop3A_632 = vector.broadcast %parallel_loop3A_531 : f32 to vector<16xf32>
        %parallel_loop3A_633 = arith.mulf %parallel_loop3A_631, %parallel_loop3A_632 : vector<16xf32>
        %parallel_loop3A_634 = arith.addf %parallel_loop3A_626, %parallel_loop3A_633 : vector<16xf32>
        %parallel_loop3A_635 = arith.constant 1 : i32
        %parallel_loop3A_636 = arith.addi %parallel_loop3A_329, %parallel_loop3A_635 : i32
        %parallel_loop3A_637 = arith.index_cast %parallel_loop3A_636 : i32 to index
        %parallel_loop3A_638 = arith.constant 64 : index
        %parallel_loop3A_639 = tpu.vector_load %arg8[%parallel_loop3A_637, %parallel_loop3A_638] {strides = array<i32>} : memref<384x128xf32, #tpu.memory_space<vmem>>, vector<16xf32>,
        %parallel_loop3A_640 = vector.broadcast %parallel_loop3A_533 : f32 to vector<16xf32>
        %parallel_loop3A_641 = arith.mulf %parallel_loop3A_639, %parallel_loop3A_640 : vector<16xf32>
        %parallel_loop3A_642 = arith.addf %parallel_loop3A_634, %parallel_loop3A_641 : vector<16xf32>
        %parallel_loop3A_643 = math.absf %parallel_loop3A_642 : vector<16xf32>
        %parallel_loop3A_644 = arith.addf %parallel_loop3A_555, %parallel_loop3A_643 : vector<16xf32>
        %parallel_loop3A_645 = arith.index_cast %parallel_loop3A_329 : i32 to index
        %parallel_loop3A_646 = arith.constant 80 : index
        %parallel_loop3A_647 = tpu.vector_load %arg8[%parallel_loop3A_645, %parallel_loop3A_646] {strides = array<i32>} : memref<384x128xf32, #tpu.memory_space<vmem>>, vector<16xf32>,
        %parallel_loop3A_648 = vector.broadcast %parallel_loop3A_399 : f32 to vector<16xf32>
        %parallel_loop3A_649 = arith.mulf %parallel_loop3A_647, %parallel_loop3A_648 : vector<16xf32>
        %parallel_loop3A_650 = arith.constant 2 : i32
        %parallel_loop3A_651 = arith.addi %parallel_loop3A_329, %parallel_loop3A_650 : i32
        %parallel_loop3A_652 = arith.index_cast %parallel_loop3A_651 : i32 to index
        %parallel_loop3A_653 = arith.constant 80 : index
        %parallel_loop3A_654 = tpu.vector_load %arg8[%parallel_loop3A_652, %parallel_loop3A_653] {strides = array<i32>} : memref<384x128xf32, #tpu.memory_space<vmem>>, vector<16xf32>,
        %parallel_loop3A_655 = vector.broadcast %parallel_loop3A_531 : f32 to vector<16xf32>
        %parallel_loop3A_656 = arith.mulf %parallel_loop3A_654, %parallel_loop3A_655 : vector<16xf32>
        %parallel_loop3A_657 = arith.addf %parallel_loop3A_649, %parallel_loop3A_656 : vector<16xf32>
        %parallel_loop3A_658 = arith.constant 1 : i32
        %parallel_loop3A_659 = arith.addi %parallel_loop3A_329, %parallel_loop3A_658 : i32
        %parallel_loop3A_660 = arith.index_cast %parallel_loop3A_659 : i32 to index
        %parallel_loop3A_661 = arith.constant 80 : index
        %parallel_loop3A_662 = tpu.vector_load %arg8[%parallel_loop3A_660, %parallel_loop3A_661] {strides = array<i32>} : memref<384x128xf32, #tpu.memory_space<vmem>>, vector<16xf32>,
        %parallel_loop3A_663 = vector.broadcast %parallel_loop3A_533 : f32 to vector<16xf32>
        %parallel_loop3A_664 = arith.mulf %parallel_loop3A_662, %parallel_loop3A_663 : vector<16xf32>
        %parallel_loop3A_665 = arith.addf %parallel_loop3A_657, %parallel_loop3A_664 : vector<16xf32>
        %parallel_loop3A_666 = math.absf %parallel_loop3A_665 : vector<16xf32>
        %parallel_loop3A_667 = arith.addf %parallel_loop3A_577, %parallel_loop3A_666 : vector<16xf32>
        %parallel_loop3A_668 = arith.index_cast %parallel_loop3A_329 : i32 to index
        %parallel_loop3A_669 = arith.constant 96 : index
        %parallel_loop3A_670 = tpu.vector_load %arg8[%parallel_loop3A_668, %parallel_loop3A_669] {strides = array<i32>} : memref<384x128xf32, #tpu.memory_space<vmem>>, vector<16xf32>,
        %parallel_loop3A_671 = vector.broadcast %parallel_loop3A_399 : f32 to vector<16xf32>
        %parallel_loop3A_672 = arith.mulf %parallel_loop3A_670, %parallel_loop3A_671 : vector<16xf32>
        %parallel_loop3A_673 = arith.constant 2 : i32
        %parallel_loop3A_674 = arith.addi %parallel_loop3A_329, %parallel_loop3A_673 : i32
        %parallel_loop3A_675 = arith.index_cast %parallel_loop3A_674 : i32 to index
        %parallel_loop3A_676 = arith.constant 96 : index
        %parallel_loop3A_677 = tpu.vector_load %arg8[%parallel_loop3A_675, %parallel_loop3A_676] {strides = array<i32>} : memref<384x128xf32, #tpu.memory_space<vmem>>, vector<16xf32>,
        %parallel_loop3A_678 = vector.broadcast %parallel_loop3A_531 : f32 to vector<16xf32>
        %parallel_loop3A_679 = arith.mulf %parallel_loop3A_677, %parallel_loop3A_678 : vector<16xf32>
        %parallel_loop3A_680 = arith.addf %parallel_loop3A_672, %parallel_loop3A_679 : vector<16xf32>
        %parallel_loop3A_681 = arith.constant 1 : i32
        %parallel_loop3A_682 = arith.addi %parallel_loop3A_329, %parallel_loop3A_681 : i32
        %parallel_loop3A_683 = arith.index_cast %parallel_loop3A_682 : i32 to index
        %parallel_loop3A_684 = arith.constant 96 : index
        %parallel_loop3A_685 = tpu.vector_load %arg8[%parallel_loop3A_683, %parallel_loop3A_684] {strides = array<i32>} : memref<384x128xf32, #tpu.memory_space<vmem>>, vector<16xf32>,
        %parallel_loop3A_686 = vector.broadcast %parallel_loop3A_533 : f32 to vector<16xf32>
        %parallel_loop3A_687 = arith.mulf %parallel_loop3A_685, %parallel_loop3A_686 : vector<16xf32>
        %parallel_loop3A_688 = arith.addf %parallel_loop3A_680, %parallel_loop3A_687 : vector<16xf32>
        %parallel_loop3A_689 = math.absf %parallel_loop3A_688 : vector<16xf32>
        %parallel_loop3A_690 = arith.addf %parallel_loop3A_599, %parallel_loop3A_689 : vector<16xf32>
        %parallel_loop3A_691 = arith.index_cast %parallel_loop3A_329 : i32 to index
        %parallel_loop3A_692 = arith.constant 112 : index
        %parallel_loop3A_693 = tpu.vector_load %arg8[%parallel_loop3A_691, %parallel_loop3A_692] {strides = array<i32>} : memref<384x128xf32, #tpu.memory_space<vmem>>, vector<16xf32>,
        %parallel_loop3A_694 = vector.broadcast %parallel_loop3A_399 : f32 to vector<16xf32>
        %parallel_loop3A_695 = arith.mulf %parallel_loop3A_693, %parallel_loop3A_694 : vector<16xf32>
        %parallel_loop3A_696 = arith.constant 2 : i32
        %parallel_loop3A_697 = arith.addi %parallel_loop3A_329, %parallel_loop3A_696 : i32
        %parallel_loop3A_698 = arith.index_cast %parallel_loop3A_697 : i32 to index
        %parallel_loop3A_699 = arith.constant 112 : index
        %parallel_loop3A_700 = tpu.vector_load %arg8[%parallel_loop3A_698, %parallel_loop3A_699] {strides = array<i32>} : memref<384x128xf32, #tpu.memory_space<vmem>>, vector<16xf32>,
        %parallel_loop3A_701 = vector.broadcast %parallel_loop3A_531 : f32 to vector<16xf32>
        %parallel_loop3A_702 = arith.mulf %parallel_loop3A_700, %parallel_loop3A_701 : vector<16xf32>
        %parallel_loop3A_703 = arith.addf %parallel_loop3A_695, %parallel_loop3A_702 : vector<16xf32>
        %parallel_loop3A_704 = arith.constant 1 : i32
        %parallel_loop3A_705 = arith.addi %parallel_loop3A_329, %parallel_loop3A_704 : i32
        %parallel_loop3A_706 = arith.index_cast %parallel_loop3A_705 : i32 to index
        %parallel_loop3A_707 = arith.constant 112 : index
        %parallel_loop3A_708 = tpu.vector_load %arg8[%parallel_loop3A_706, %parallel_loop3A_707] {strides = array<i32>} : memref<384x128xf32, #tpu.memory_space<vmem>>, vector<16xf32>,
        %parallel_loop3A_709 = vector.broadcast %parallel_loop3A_533 : f32 to vector<16xf32>
        %parallel_loop3A_710 = arith.mulf %parallel_loop3A_708, %parallel_loop3A_709 : vector<16xf32>
        %parallel_loop3A_711 = arith.addf %parallel_loop3A_703, %parallel_loop3A_710 : vector<16xf32>
        %parallel_loop3A_712 = math.absf %parallel_loop3A_711 : vector<16xf32>
        %parallel_loop3A_713 = arith.addf %parallel_loop3A_621, %parallel_loop3A_712 : vector<16xf32>
        %parallel_loop3A_714 = arith.addf %parallel_loop3A_644, %parallel_loop3A_667 : vector<16xf32>
        %parallel_loop3A_715 = arith.addf %parallel_loop3A_690, %parallel_loop3A_713 : vector<16xf32>
        %parallel_loop3A_716 = arith.addf %parallel_loop3A_714, %parallel_loop3A_715 : vector<16xf32>
        %parallel_loop3A_717 = arith.constant true
        %parallel_loop3A_718 = vector.broadcast %parallel_loop3A_717 : i1 to vector<16xi1>
        %parallel_loop3A_719 = tpu.scan <sum>, %parallel_loop3A_716 masked %parallel_loop3A_718 : vector<16xf32>, vector<16xi1> -> vector<16xf32>
        %parallel_loop3A_720 = vector.extract %parallel_loop3A_719[15] : f32 from vector<16xf32>
        %parallel_loop3A_721 = arith.constant 3 : i32
        %parallel_loop3A_722 = arith.muli %parallel_loop3A_721, %parallel_loop3A_326 : i32
        %parallel_loop3A_723 = arith.constant 192 : i32
        %parallel_loop3A_724 = arith.addi %parallel_loop3A_723, %parallel_loop3A_722 : i32
        %parallel_loop3A_725 = arith.constant 1 : i32
        %parallel_loop3A_726 = arith.addi %parallel_loop3A_724, %parallel_loop3A_725 : i32
        %parallel_loop3A_727 = arith.constant 2 : i32
        %parallel_loop3A_728 = arith.addi %parallel_loop3A_724, %parallel_loop3A_727 : i32
        %parallel_loop3A_729 = arith.index_cast %parallel_loop3A_724 : i32 to index
        %parallel_loop3A_730 = arith.constant 0 : index
        %parallel_loop3A_731 = tpu.vector_load %arg8[%parallel_loop3A_729, %parallel_loop3A_730] {strides = array<i32>} : memref<384x128xf32, #tpu.memory_space<vmem>>, vector<16xf32>,
        %parallel_loop3A_732 = arith.index_cast %parallel_loop3A_724 : i32 to index
        %parallel_loop3A_733 = arith.constant 16 : index
        %parallel_loop3A_734 = tpu.vector_load %arg8[%parallel_loop3A_732, %parallel_loop3A_733] {strides = array<i32>} : memref<384x128xf32, #tpu.memory_space<vmem>>, vector<16xf32>,
        %parallel_loop3A_735 = arith.mulf %parallel_loop3A_731, %parallel_loop3A_731 : vector<16xf32>
        %parallel_loop3A_736 = arith.mulf %parallel_loop3A_734, %parallel_loop3A_734 : vector<16xf32>
        %parallel_loop3A_737 = arith.index_cast %parallel_loop3A_724 : i32 to index
        %parallel_loop3A_738 = arith.constant 32 : index
        %parallel_loop3A_739 = tpu.vector_load %arg8[%parallel_loop3A_737, %parallel_loop3A_738] {strides = array<i32>} : memref<384x128xf32, #tpu.memory_space<vmem>>, vector<16xf32>,
        %parallel_loop3A_740 = arith.index_cast %parallel_loop3A_724 : i32 to index
        %parallel_loop3A_741 = arith.constant 48 : index
        %parallel_loop3A_742 = tpu.vector_load %arg8[%parallel_loop3A_740, %parallel_loop3A_741] {strides = array<i32>} : memref<384x128xf32, #tpu.memory_space<vmem>>, vector<16xf32>,
        %parallel_loop3A_743 = arith.mulf %parallel_loop3A_739, %parallel_loop3A_739 : vector<16xf32>
        %parallel_loop3A_744 = arith.addf %parallel_loop3A_735, %parallel_loop3A_743 : vector<16xf32>
        %parallel_loop3A_745 = arith.mulf %parallel_loop3A_742, %parallel_loop3A_742 : vector<16xf32>
        %parallel_loop3A_746 = arith.addf %parallel_loop3A_736, %parallel_loop3A_745 : vector<16xf32>
        %parallel_loop3A_747 = arith.index_cast %parallel_loop3A_724 : i32 to index
        %parallel_loop3A_748 = arith.constant 64 : index
        %parallel_loop3A_749 = tpu.vector_load %arg8[%parallel_loop3A_747, %parallel_loop3A_748] {strides = array<i32>} : memref<384x128xf32, #tpu.memory_space<vmem>>, vector<16xf32>,
        %parallel_loop3A_750 = arith.index_cast %parallel_loop3A_724 : i32 to index
        %parallel_loop3A_751 = arith.constant 80 : index
        %parallel_loop3A_752 = tpu.vector_load %arg8[%parallel_loop3A_750, %parallel_loop3A_751] {strides = array<i32>} : memref<384x128xf32, #tpu.memory_space<vmem>>, vector<16xf32>,
        %parallel_loop3A_753 = arith.mulf %parallel_loop3A_749, %parallel_loop3A_749 : vector<16xf32>
        %parallel_loop3A_754 = arith.addf %parallel_loop3A_744, %parallel_loop3A_753 : vector<16xf32>
        %parallel_loop3A_755 = arith.mulf %parallel_loop3A_752, %parallel_loop3A_752 : vector<16xf32>
        %parallel_loop3A_756 = arith.addf %parallel_loop3A_746, %parallel_loop3A_755 : vector<16xf32>
        %parallel_loop3A_757 = arith.index_cast %parallel_loop3A_724 : i32 to index
        %parallel_loop3A_758 = arith.constant 96 : index
        %parallel_loop3A_759 = tpu.vector_load %arg8[%parallel_loop3A_757, %parallel_loop3A_758] {strides = array<i32>} : memref<384x128xf32, #tpu.memory_space<vmem>>, vector<16xf32>,
        %parallel_loop3A_760 = arith.index_cast %parallel_loop3A_724 : i32 to index
        %parallel_loop3A_761 = arith.constant 112 : index
        %parallel_loop3A_762 = tpu.vector_load %arg8[%parallel_loop3A_760, %parallel_loop3A_761] {strides = array<i32>} : memref<384x128xf32, #tpu.memory_space<vmem>>, vector<16xf32>,
        %parallel_loop3A_763 = arith.mulf %parallel_loop3A_759, %parallel_loop3A_759 : vector<16xf32>
        %parallel_loop3A_764 = arith.addf %parallel_loop3A_754, %parallel_loop3A_763 : vector<16xf32>
        %parallel_loop3A_765 = arith.mulf %parallel_loop3A_762, %parallel_loop3A_762 : vector<16xf32>
        %parallel_loop3A_766 = arith.addf %parallel_loop3A_756, %parallel_loop3A_765 : vector<16xf32>
        %parallel_loop3A_767 = arith.addf %parallel_loop3A_764, %parallel_loop3A_766 : vector<16xf32>
        %parallel_loop3A_768 = arith.constant true
        %parallel_loop3A_769 = vector.broadcast %parallel_loop3A_768 : i1 to vector<16xi1>
        %parallel_loop3A_770 = tpu.scan <sum>, %parallel_loop3A_767 masked %parallel_loop3A_769 : vector<16xf32>, vector<16xi1> -> vector<16xf32>
        %parallel_loop3A_771 = vector.extract %parallel_loop3A_770[15] : f32 from vector<16xf32>
        %parallel_loop3A_772 = arith.bitcast %parallel_loop3A_771 : f32 to i32
        %parallel_loop3A_773 = arith.constant 1 : i32
        %parallel_loop3A_774 = arith.shrui %parallel_loop3A_772, %parallel_loop3A_773 : i32
        %parallel_loop3A_775 = arith.constant 1597463007 : i32
        %parallel_loop3A_776 = arith.subi %parallel_loop3A_775, %parallel_loop3A_774 : i32
        %parallel_loop3A_777 = arith.bitcast %parallel_loop3A_776 : i32 to f32
        %parallel_loop3A_778 = arith.constant 5.000000e-01 : f32
        %parallel_loop3A_779 = arith.mulf %parallel_loop3A_771, %parallel_loop3A_778 : f32
        %parallel_loop3A_780 = arith.mulf %parallel_loop3A_779, %parallel_loop3A_777 : f32
        %parallel_loop3A_781 = arith.mulf %parallel_loop3A_780, %parallel_loop3A_777 : f32
        %parallel_loop3A_782 = arith.constant 1.500000e+00 : f32
        %parallel_loop3A_783 = arith.subf %parallel_loop3A_782, %parallel_loop3A_781 : f32
        %parallel_loop3A_784 = arith.mulf %parallel_loop3A_777, %parallel_loop3A_783 : f32
        %parallel_loop3A_785 = arith.mulf %parallel_loop3A_779, %parallel_loop3A_784 : f32
        %parallel_loop3A_786 = arith.mulf %parallel_loop3A_785, %parallel_loop3A_784 : f32
        %parallel_loop3A_787 = arith.constant 1.500000e+00 : f32
        %parallel_loop3A_788 = arith.subf %parallel_loop3A_787, %parallel_loop3A_786 : f32
        %parallel_loop3A_789 = arith.mulf %parallel_loop3A_784, %parallel_loop3A_788 : f32
        %parallel_loop3A_790 = arith.mulf %parallel_loop3A_779, %parallel_loop3A_789 : f32
        %parallel_loop3A_791 = arith.mulf %parallel_loop3A_790, %parallel_loop3A_789 : f32
        %parallel_loop3A_792 = arith.constant 1.500000e+00 : f32
        %parallel_loop3A_793 = arith.subf %parallel_loop3A_792, %parallel_loop3A_791 : f32
        %parallel_loop3A_794 = arith.mulf %parallel_loop3A_789, %parallel_loop3A_793 : f32
        %parallel_loop3A_795 = arith.index_cast %parallel_loop3A_726 : i32 to index
        %parallel_loop3A_796 = arith.constant 0 : index
        %parallel_loop3A_797 = tpu.vector_load %arg8[%parallel_loop3A_795, %parallel_loop3A_796] {strides = array<i32>} : memref<384x128xf32, #tpu.memory_space<vmem>>, vector<16xf32>,
        %parallel_loop3A_798 = arith.index_cast %parallel_loop3A_726 : i32 to index
        %parallel_loop3A_799 = arith.constant 16 : index
        %parallel_loop3A_800 = tpu.vector_load %arg8[%parallel_loop3A_798, %parallel_loop3A_799] {strides = array<i32>} : memref<384x128xf32, #tpu.memory_space<vmem>>, vector<16xf32>,
        %parallel_loop3A_801 = arith.mulf %parallel_loop3A_797, %parallel_loop3A_797 : vector<16xf32>
        %parallel_loop3A_802 = arith.mulf %parallel_loop3A_800, %parallel_loop3A_800 : vector<16xf32>
        %parallel_loop3A_803 = arith.index_cast %parallel_loop3A_726 : i32 to index
        %parallel_loop3A_804 = arith.constant 32 : index
        %parallel_loop3A_805 = tpu.vector_load %arg8[%parallel_loop3A_803, %parallel_loop3A_804] {strides = array<i32>} : memref<384x128xf32, #tpu.memory_space<vmem>>, vector<16xf32>,
        %parallel_loop3A_806 = arith.index_cast %parallel_loop3A_726 : i32 to index
        %parallel_loop3A_807 = arith.constant 48 : index
        %parallel_loop3A_808 = tpu.vector_load %arg8[%parallel_loop3A_806, %parallel_loop3A_807] {strides = array<i32>} : memref<384x128xf32, #tpu.memory_space<vmem>>, vector<16xf32>,
        %parallel_loop3A_809 = arith.mulf %parallel_loop3A_805, %parallel_loop3A_805 : vector<16xf32>
        %parallel_loop3A_810 = arith.addf %parallel_loop3A_801, %parallel_loop3A_809 : vector<16xf32>
        %parallel_loop3A_811 = arith.mulf %parallel_loop3A_808, %parallel_loop3A_808 : vector<16xf32>
        %parallel_loop3A_812 = arith.addf %parallel_loop3A_802, %parallel_loop3A_811 : vector<16xf32>
        %parallel_loop3A_813 = arith.index_cast %parallel_loop3A_726 : i32 to index
        %parallel_loop3A_814 = arith.constant 64 : index
        %parallel_loop3A_815 = tpu.vector_load %arg8[%parallel_loop3A_813, %parallel_loop3A_814] {strides = array<i32>} : memref<384x128xf32, #tpu.memory_space<vmem>>, vector<16xf32>,
        %parallel_loop3A_816 = arith.index_cast %parallel_loop3A_726 : i32 to index
        %parallel_loop3A_817 = arith.constant 80 : index
        %parallel_loop3A_818 = tpu.vector_load %arg8[%parallel_loop3A_816, %parallel_loop3A_817] {strides = array<i32>} : memref<384x128xf32, #tpu.memory_space<vmem>>, vector<16xf32>,
        %parallel_loop3A_819 = arith.mulf %parallel_loop3A_815, %parallel_loop3A_815 : vector<16xf32>
        %parallel_loop3A_820 = arith.addf %parallel_loop3A_810, %parallel_loop3A_819 : vector<16xf32>
        %parallel_loop3A_821 = arith.mulf %parallel_loop3A_818, %parallel_loop3A_818 : vector<16xf32>
        %parallel_loop3A_822 = arith.addf %parallel_loop3A_812, %parallel_loop3A_821 : vector<16xf32>
        %parallel_loop3A_823 = arith.index_cast %parallel_loop3A_726 : i32 to index
        %parallel_loop3A_824 = arith.constant 96 : index
        %parallel_loop3A_825 = tpu.vector_load %arg8[%parallel_loop3A_823, %parallel_loop3A_824] {strides = array<i32>} : memref<384x128xf32, #tpu.memory_space<vmem>>, vector<16xf32>,
        %parallel_loop3A_826 = arith.index_cast %parallel_loop3A_726 : i32 to index
        %parallel_loop3A_827 = arith.constant 112 : index
        %parallel_loop3A_828 = tpu.vector_load %arg8[%parallel_loop3A_826, %parallel_loop3A_827] {strides = array<i32>} : memref<384x128xf32, #tpu.memory_space<vmem>>, vector<16xf32>,
        %parallel_loop3A_829 = arith.mulf %parallel_loop3A_825, %parallel_loop3A_825 : vector<16xf32>
        %parallel_loop3A_830 = arith.addf %parallel_loop3A_820, %parallel_loop3A_829 : vector<16xf32>
        %parallel_loop3A_831 = arith.mulf %parallel_loop3A_828, %parallel_loop3A_828 : vector<16xf32>
        %parallel_loop3A_832 = arith.addf %parallel_loop3A_822, %parallel_loop3A_831 : vector<16xf32>
        %parallel_loop3A_833 = arith.addf %parallel_loop3A_830, %parallel_loop3A_832 : vector<16xf32>
        %parallel_loop3A_834 = arith.constant true
        %parallel_loop3A_835 = vector.broadcast %parallel_loop3A_834 : i1 to vector<16xi1>
        %parallel_loop3A_836 = tpu.scan <sum>, %parallel_loop3A_833 masked %parallel_loop3A_835 : vector<16xf32>, vector<16xi1> -> vector<16xf32>
        %parallel_loop3A_837 = vector.extract %parallel_loop3A_836[15] : f32 from vector<16xf32>
        %parallel_loop3A_838 = arith.bitcast %parallel_loop3A_837 : f32 to i32
        %parallel_loop3A_839 = arith.constant 1 : i32
        %parallel_loop3A_840 = arith.shrui %parallel_loop3A_838, %parallel_loop3A_839 : i32
        %parallel_loop3A_841 = arith.constant 1597463007 : i32
        %parallel_loop3A_842 = arith.subi %parallel_loop3A_841, %parallel_loop3A_840 : i32
        %parallel_loop3A_843 = arith.bitcast %parallel_loop3A_842 : i32 to f32
        %parallel_loop3A_844 = arith.constant 5.000000e-01 : f32
        %parallel_loop3A_845 = arith.mulf %parallel_loop3A_837, %parallel_loop3A_844 : f32
        %parallel_loop3A_846 = arith.mulf %parallel_loop3A_845, %parallel_loop3A_843 : f32
        %parallel_loop3A_847 = arith.mulf %parallel_loop3A_846, %parallel_loop3A_843 : f32
        %parallel_loop3A_848 = arith.constant 1.500000e+00 : f32
        %parallel_loop3A_849 = arith.subf %parallel_loop3A_848, %parallel_loop3A_847 : f32
        %parallel_loop3A_850 = arith.mulf %parallel_loop3A_843, %parallel_loop3A_849 : f32
        %parallel_loop3A_851 = arith.mulf %parallel_loop3A_845, %parallel_loop3A_850 : f32
        %parallel_loop3A_852 = arith.mulf %parallel_loop3A_851, %parallel_loop3A_850 : f32
        %parallel_loop3A_853 = arith.constant 1.500000e+00 : f32
        %parallel_loop3A_854 = arith.subf %parallel_loop3A_853, %parallel_loop3A_852 : f32
        %parallel_loop3A_855 = arith.mulf %parallel_loop3A_850, %parallel_loop3A_854 : f32
        %parallel_loop3A_856 = arith.mulf %parallel_loop3A_845, %parallel_loop3A_855 : f32
        %parallel_loop3A_857 = arith.mulf %parallel_loop3A_856, %parallel_loop3A_855 : f32
        %parallel_loop3A_858 = arith.constant 1.500000e+00 : f32
        %parallel_loop3A_859 = arith.subf %parallel_loop3A_858, %parallel_loop3A_857 : f32
        %parallel_loop3A_860 = arith.mulf %parallel_loop3A_855, %parallel_loop3A_859 : f32
        %parallel_loop3A_861 = arith.index_cast %parallel_loop3A_728 : i32 to index
        %parallel_loop3A_862 = arith.constant 0 : index
        %parallel_loop3A_863 = tpu.vector_load %arg8[%parallel_loop3A_861, %parallel_loop3A_862] {strides = array<i32>} : memref<384x128xf32, #tpu.memory_space<vmem>>, vector<16xf32>,
        %parallel_loop3A_864 = arith.index_cast %parallel_loop3A_728 : i32 to index
        %parallel_loop3A_865 = arith.constant 16 : index
        %parallel_loop3A_866 = tpu.vector_load %arg8[%parallel_loop3A_864, %parallel_loop3A_865] {strides = array<i32>} : memref<384x128xf32, #tpu.memory_space<vmem>>, vector<16xf32>,
        %parallel_loop3A_867 = arith.mulf %parallel_loop3A_863, %parallel_loop3A_863 : vector<16xf32>
        %parallel_loop3A_868 = arith.mulf %parallel_loop3A_866, %parallel_loop3A_866 : vector<16xf32>
        %parallel_loop3A_869 = arith.index_cast %parallel_loop3A_728 : i32 to index
        %parallel_loop3A_870 = arith.constant 32 : index
        %parallel_loop3A_871 = tpu.vector_load %arg8[%parallel_loop3A_869, %parallel_loop3A_870] {strides = array<i32>} : memref<384x128xf32, #tpu.memory_space<vmem>>, vector<16xf32>,
        %parallel_loop3A_872 = arith.index_cast %parallel_loop3A_728 : i32 to index
        %parallel_loop3A_873 = arith.constant 48 : index
        %parallel_loop3A_874 = tpu.vector_load %arg8[%parallel_loop3A_872, %parallel_loop3A_873] {strides = array<i32>} : memref<384x128xf32, #tpu.memory_space<vmem>>, vector<16xf32>,
        %parallel_loop3A_875 = arith.mulf %parallel_loop3A_871, %parallel_loop3A_871 : vector<16xf32>
        %parallel_loop3A_876 = arith.addf %parallel_loop3A_867, %parallel_loop3A_875 : vector<16xf32>
        %parallel_loop3A_877 = arith.mulf %parallel_loop3A_874, %parallel_loop3A_874 : vector<16xf32>
        %parallel_loop3A_878 = arith.addf %parallel_loop3A_868, %parallel_loop3A_877 : vector<16xf32>
        %parallel_loop3A_879 = arith.index_cast %parallel_loop3A_728 : i32 to index
        %parallel_loop3A_880 = arith.constant 64 : index
        %parallel_loop3A_881 = tpu.vector_load %arg8[%parallel_loop3A_879, %parallel_loop3A_880] {strides = array<i32>} : memref<384x128xf32, #tpu.memory_space<vmem>>, vector<16xf32>,
        %parallel_loop3A_882 = arith.index_cast %parallel_loop3A_728 : i32 to index
        %parallel_loop3A_883 = arith.constant 80 : index
        %parallel_loop3A_884 = tpu.vector_load %arg8[%parallel_loop3A_882, %parallel_loop3A_883] {strides = array<i32>} : memref<384x128xf32, #tpu.memory_space<vmem>>, vector<16xf32>,
        %parallel_loop3A_885 = arith.mulf %parallel_loop3A_881, %parallel_loop3A_881 : vector<16xf32>
        %parallel_loop3A_886 = arith.addf %parallel_loop3A_876, %parallel_loop3A_885 : vector<16xf32>
        %parallel_loop3A_887 = arith.mulf %parallel_loop3A_884, %parallel_loop3A_884 : vector<16xf32>
        %parallel_loop3A_888 = arith.addf %parallel_loop3A_878, %parallel_loop3A_887 : vector<16xf32>
        %parallel_loop3A_889 = arith.index_cast %parallel_loop3A_728 : i32 to index
        %parallel_loop3A_890 = arith.constant 96 : index
        %parallel_loop3A_891 = tpu.vector_load %arg8[%parallel_loop3A_889, %parallel_loop3A_890] {strides = array<i32>} : memref<384x128xf32, #tpu.memory_space<vmem>>, vector<16xf32>,
        %parallel_loop3A_892 = arith.index_cast %parallel_loop3A_728 : i32 to index
        %parallel_loop3A_893 = arith.constant 112 : index
        %parallel_loop3A_894 = tpu.vector_load %arg8[%parallel_loop3A_892, %parallel_loop3A_893] {strides = array<i32>} : memref<384x128xf32, #tpu.memory_space<vmem>>, vector<16xf32>,
        %parallel_loop3A_895 = arith.mulf %parallel_loop3A_891, %parallel_loop3A_891 : vector<16xf32>
        %parallel_loop3A_896 = arith.addf %parallel_loop3A_886, %parallel_loop3A_895 : vector<16xf32>
        %parallel_loop3A_897 = arith.mulf %parallel_loop3A_894, %parallel_loop3A_894 : vector<16xf32>
        %parallel_loop3A_898 = arith.addf %parallel_loop3A_888, %parallel_loop3A_897 : vector<16xf32>
        %parallel_loop3A_899 = arith.addf %parallel_loop3A_896, %parallel_loop3A_898 : vector<16xf32>
        %parallel_loop3A_900 = arith.constant true
        %parallel_loop3A_901 = vector.broadcast %parallel_loop3A_900 : i1 to vector<16xi1>
        %parallel_loop3A_902 = tpu.scan <sum>, %parallel_loop3A_899 masked %parallel_loop3A_901 : vector<16xf32>, vector<16xi1> -> vector<16xf32>
        %parallel_loop3A_903 = vector.extract %parallel_loop3A_902[15] : f32 from vector<16xf32>
        %parallel_loop3A_904 = arith.bitcast %parallel_loop3A_903 : f32 to i32
        %parallel_loop3A_905 = arith.constant 1 : i32
        %parallel_loop3A_906 = arith.shrui %parallel_loop3A_904, %parallel_loop3A_905 : i32
        %parallel_loop3A_907 = arith.constant 1597463007 : i32
        %parallel_loop3A_908 = arith.subi %parallel_loop3A_907, %parallel_loop3A_906 : i32
        %parallel_loop3A_909 = arith.bitcast %parallel_loop3A_908 : i32 to f32
        %parallel_loop3A_910 = arith.constant 5.000000e-01 : f32
        %parallel_loop3A_911 = arith.mulf %parallel_loop3A_903, %parallel_loop3A_910 : f32
        %parallel_loop3A_912 = arith.mulf %parallel_loop3A_911, %parallel_loop3A_909 : f32
        %parallel_loop3A_913 = arith.mulf %parallel_loop3A_912, %parallel_loop3A_909 : f32
        %parallel_loop3A_914 = arith.constant 1.500000e+00 : f32
        %parallel_loop3A_915 = arith.subf %parallel_loop3A_914, %parallel_loop3A_913 : f32
        %parallel_loop3A_916 = arith.mulf %parallel_loop3A_909, %parallel_loop3A_915 : f32
        %parallel_loop3A_917 = arith.mulf %parallel_loop3A_911, %parallel_loop3A_916 : f32
        %parallel_loop3A_918 = arith.mulf %parallel_loop3A_917, %parallel_loop3A_916 : f32
        %parallel_loop3A_919 = arith.constant 1.500000e+00 : f32
        %parallel_loop3A_920 = arith.subf %parallel_loop3A_919, %parallel_loop3A_918 : f32
        %parallel_loop3A_921 = arith.mulf %parallel_loop3A_916, %parallel_loop3A_920 : f32
        %parallel_loop3A_922 = arith.mulf %parallel_loop3A_911, %parallel_loop3A_921 : f32
        %parallel_loop3A_923 = arith.mulf %parallel_loop3A_922, %parallel_loop3A_921 : f32
        %parallel_loop3A_924 = arith.constant 1.500000e+00 : f32
        %parallel_loop3A_925 = arith.subf %parallel_loop3A_924, %parallel_loop3A_923 : f32
        %parallel_loop3A_926 = arith.mulf %parallel_loop3A_921, %parallel_loop3A_925 : f32
        %parallel_loop3A_927 = arith.constant 0.000000e+00 : f32
        %parallel_loop3A_928 = arith.subf %parallel_loop3A_927, %parallel_loop3A_860 : f32
        %parallel_loop3A_929 = arith.index_cast %parallel_loop3A_724 : i32 to index
        %parallel_loop3A_930 = arith.constant 0 : index
        %parallel_loop3A_931 = tpu.vector_load %arg8[%parallel_loop3A_929, %parallel_loop3A_930] {strides = array<i32>} : memref<384x128xf32, #tpu.memory_space<vmem>>, vector<16xf32>,
        %parallel_loop3A_932 = vector.broadcast %parallel_loop3A_794 : f32 to vector<16xf32>
        %parallel_loop3A_933 = arith.mulf %parallel_loop3A_931, %parallel_loop3A_932 : vector<16xf32>
        %parallel_loop3A_934 = arith.constant 2 : i32
        %parallel_loop3A_935 = arith.addi %parallel_loop3A_724, %parallel_loop3A_934 : i32
        %parallel_loop3A_936 = arith.index_cast %parallel_loop3A_935 : i32 to index
        %parallel_loop3A_937 = arith.constant 0 : index
        %parallel_loop3A_938 = tpu.vector_load %arg8[%parallel_loop3A_936, %parallel_loop3A_937] {strides = array<i32>} : memref<384x128xf32, #tpu.memory_space<vmem>>, vector<16xf32>,
        %parallel_loop3A_939 = vector.broadcast %parallel_loop3A_926 : f32 to vector<16xf32>
        %parallel_loop3A_940 = arith.mulf %parallel_loop3A_938, %parallel_loop3A_939 : vector<16xf32>
        %parallel_loop3A_941 = arith.addf %parallel_loop3A_933, %parallel_loop3A_940 : vector<16xf32>
        %parallel_loop3A_942 = arith.constant 1 : i32
        %parallel_loop3A_943 = arith.addi %parallel_loop3A_724, %parallel_loop3A_942 : i32
        %parallel_loop3A_944 = arith.index_cast %parallel_loop3A_943 : i32 to index
        %parallel_loop3A_945 = arith.constant 0 : index
        %parallel_loop3A_946 = tpu.vector_load %arg8[%parallel_loop3A_944, %parallel_loop3A_945] {strides = array<i32>} : memref<384x128xf32, #tpu.memory_space<vmem>>, vector<16xf32>,
        %parallel_loop3A_947 = vector.broadcast %parallel_loop3A_928 : f32 to vector<16xf32>
        %parallel_loop3A_948 = arith.mulf %parallel_loop3A_946, %parallel_loop3A_947 : vector<16xf32>
        %parallel_loop3A_949 = arith.addf %parallel_loop3A_941, %parallel_loop3A_948 : vector<16xf32>
        %parallel_loop3A_950 = math.absf %parallel_loop3A_949 : vector<16xf32>
        %parallel_loop3A_951 = arith.index_cast %parallel_loop3A_724 : i32 to index
        %parallel_loop3A_952 = arith.constant 16 : index
        %parallel_loop3A_953 = tpu.vector_load %arg8[%parallel_loop3A_951, %parallel_loop3A_952] {strides = array<i32>} : memref<384x128xf32, #tpu.memory_space<vmem>>, vector<16xf32>,
        %parallel_loop3A_954 = vector.broadcast %parallel_loop3A_794 : f32 to vector<16xf32>
        %parallel_loop3A_955 = arith.mulf %parallel_loop3A_953, %parallel_loop3A_954 : vector<16xf32>
        %parallel_loop3A_956 = arith.constant 2 : i32
        %parallel_loop3A_957 = arith.addi %parallel_loop3A_724, %parallel_loop3A_956 : i32
        %parallel_loop3A_958 = arith.index_cast %parallel_loop3A_957 : i32 to index
        %parallel_loop3A_959 = arith.constant 16 : index
        %parallel_loop3A_960 = tpu.vector_load %arg8[%parallel_loop3A_958, %parallel_loop3A_959] {strides = array<i32>} : memref<384x128xf32, #tpu.memory_space<vmem>>, vector<16xf32>,
        %parallel_loop3A_961 = vector.broadcast %parallel_loop3A_926 : f32 to vector<16xf32>
        %parallel_loop3A_962 = arith.mulf %parallel_loop3A_960, %parallel_loop3A_961 : vector<16xf32>
        %parallel_loop3A_963 = arith.addf %parallel_loop3A_955, %parallel_loop3A_962 : vector<16xf32>
        %parallel_loop3A_964 = arith.constant 1 : i32
        %parallel_loop3A_965 = arith.addi %parallel_loop3A_724, %parallel_loop3A_964 : i32
        %parallel_loop3A_966 = arith.index_cast %parallel_loop3A_965 : i32 to index
        %parallel_loop3A_967 = arith.constant 16 : index
        %parallel_loop3A_968 = tpu.vector_load %arg8[%parallel_loop3A_966, %parallel_loop3A_967] {strides = array<i32>} : memref<384x128xf32, #tpu.memory_space<vmem>>, vector<16xf32>,
        %parallel_loop3A_969 = vector.broadcast %parallel_loop3A_928 : f32 to vector<16xf32>
        %parallel_loop3A_970 = arith.mulf %parallel_loop3A_968, %parallel_loop3A_969 : vector<16xf32>
        %parallel_loop3A_971 = arith.addf %parallel_loop3A_963, %parallel_loop3A_970 : vector<16xf32>
        %parallel_loop3A_972 = math.absf %parallel_loop3A_971 : vector<16xf32>
        %parallel_loop3A_973 = arith.index_cast %parallel_loop3A_724 : i32 to index
        %parallel_loop3A_974 = arith.constant 32 : index
        %parallel_loop3A_975 = tpu.vector_load %arg8[%parallel_loop3A_973, %parallel_loop3A_974] {strides = array<i32>} : memref<384x128xf32, #tpu.memory_space<vmem>>, vector<16xf32>,
        %parallel_loop3A_976 = vector.broadcast %parallel_loop3A_794 : f32 to vector<16xf32>
        %parallel_loop3A_977 = arith.mulf %parallel_loop3A_975, %parallel_loop3A_976 : vector<16xf32>
        %parallel_loop3A_978 = arith.constant 2 : i32
        %parallel_loop3A_979 = arith.addi %parallel_loop3A_724, %parallel_loop3A_978 : i32
        %parallel_loop3A_980 = arith.index_cast %parallel_loop3A_979 : i32 to index
        %parallel_loop3A_981 = arith.constant 32 : index
        %parallel_loop3A_982 = tpu.vector_load %arg8[%parallel_loop3A_980, %parallel_loop3A_981] {strides = array<i32>} : memref<384x128xf32, #tpu.memory_space<vmem>>, vector<16xf32>,
        %parallel_loop3A_983 = vector.broadcast %parallel_loop3A_926 : f32 to vector<16xf32>
        %parallel_loop3A_984 = arith.mulf %parallel_loop3A_982, %parallel_loop3A_983 : vector<16xf32>
        %parallel_loop3A_985 = arith.addf %parallel_loop3A_977, %parallel_loop3A_984 : vector<16xf32>
        %parallel_loop3A_986 = arith.constant 1 : i32
        %parallel_loop3A_987 = arith.addi %parallel_loop3A_724, %parallel_loop3A_986 : i32
        %parallel_loop3A_988 = arith.index_cast %parallel_loop3A_987 : i32 to index
        %parallel_loop3A_989 = arith.constant 32 : index
        %parallel_loop3A_990 = tpu.vector_load %arg8[%parallel_loop3A_988, %parallel_loop3A_989] {strides = array<i32>} : memref<384x128xf32, #tpu.memory_space<vmem>>, vector<16xf32>,
        %parallel_loop3A_991 = vector.broadcast %parallel_loop3A_928 : f32 to vector<16xf32>
        %parallel_loop3A_992 = arith.mulf %parallel_loop3A_990, %parallel_loop3A_991 : vector<16xf32>
        %parallel_loop3A_993 = arith.addf %parallel_loop3A_985, %parallel_loop3A_992 : vector<16xf32>
        %parallel_loop3A_994 = math.absf %parallel_loop3A_993 : vector<16xf32>
        %parallel_loop3A_995 = arith.index_cast %parallel_loop3A_724 : i32 to index
        %parallel_loop3A_996 = arith.constant 48 : index
        %parallel_loop3A_997 = tpu.vector_load %arg8[%parallel_loop3A_995, %parallel_loop3A_996] {strides = array<i32>} : memref<384x128xf32, #tpu.memory_space<vmem>>, vector<16xf32>,
        %parallel_loop3A_998 = vector.broadcast %parallel_loop3A_794 : f32 to vector<16xf32>
        %parallel_loop3A_999 = arith.mulf %parallel_loop3A_997, %parallel_loop3A_998 : vector<16xf32>
        %parallel_loop3A_1000 = arith.constant 2 : i32
        %parallel_loop3A_1001 = arith.addi %parallel_loop3A_724, %parallel_loop3A_1000 : i32
        %parallel_loop3A_1002 = arith.index_cast %parallel_loop3A_1001 : i32 to index
        %parallel_loop3A_1003 = arith.constant 48 : index
        %parallel_loop3A_1004 = tpu.vector_load %arg8[%parallel_loop3A_1002, %parallel_loop3A_1003] {strides = array<i32>} : memref<384x128xf32, #tpu.memory_space<vmem>>, vector<16xf32>,
        %parallel_loop3A_1005 = vector.broadcast %parallel_loop3A_926 : f32 to vector<16xf32>
        %parallel_loop3A_1006 = arith.mulf %parallel_loop3A_1004, %parallel_loop3A_1005 : vector<16xf32>
        %parallel_loop3A_1007 = arith.addf %parallel_loop3A_999, %parallel_loop3A_1006 : vector<16xf32>
        %parallel_loop3A_1008 = arith.constant 1 : i32
        %parallel_loop3A_1009 = arith.addi %parallel_loop3A_724, %parallel_loop3A_1008 : i32
        %parallel_loop3A_1010 = arith.index_cast %parallel_loop3A_1009 : i32 to index
        %parallel_loop3A_1011 = arith.constant 48 : index
        %parallel_loop3A_1012 = tpu.vector_load %arg8[%parallel_loop3A_1010, %parallel_loop3A_1011] {strides = array<i32>} : memref<384x128xf32, #tpu.memory_space<vmem>>, vector<16xf32>,
        %parallel_loop3A_1013 = vector.broadcast %parallel_loop3A_928 : f32 to vector<16xf32>
        %parallel_loop3A_1014 = arith.mulf %parallel_loop3A_1012, %parallel_loop3A_1013 : vector<16xf32>
        %parallel_loop3A_1015 = arith.addf %parallel_loop3A_1007, %parallel_loop3A_1014 : vector<16xf32>
        %parallel_loop3A_1016 = math.absf %parallel_loop3A_1015 : vector<16xf32>
        %parallel_loop3A_1017 = arith.index_cast %parallel_loop3A_724 : i32 to index
        %parallel_loop3A_1018 = arith.constant 64 : index
        %parallel_loop3A_1019 = tpu.vector_load %arg8[%parallel_loop3A_1017, %parallel_loop3A_1018] {strides = array<i32>} : memref<384x128xf32, #tpu.memory_space<vmem>>, vector<16xf32>,
        %parallel_loop3A_1020 = vector.broadcast %parallel_loop3A_794 : f32 to vector<16xf32>
        %parallel_loop3A_1021 = arith.mulf %parallel_loop3A_1019, %parallel_loop3A_1020 : vector<16xf32>
        %parallel_loop3A_1022 = arith.constant 2 : i32
        %parallel_loop3A_1023 = arith.addi %parallel_loop3A_724, %parallel_loop3A_1022 : i32
        %parallel_loop3A_1024 = arith.index_cast %parallel_loop3A_1023 : i32 to index
        %parallel_loop3A_1025 = arith.constant 64 : index
        %parallel_loop3A_1026 = tpu.vector_load %arg8[%parallel_loop3A_1024, %parallel_loop3A_1025] {strides = array<i32>} : memref<384x128xf32, #tpu.memory_space<vmem>>, vector<16xf32>,
        %parallel_loop3A_1027 = vector.broadcast %parallel_loop3A_926 : f32 to vector<16xf32>
        %parallel_loop3A_1028 = arith.mulf %parallel_loop3A_1026, %parallel_loop3A_1027 : vector<16xf32>
        %parallel_loop3A_1029 = arith.addf %parallel_loop3A_1021, %parallel_loop3A_1028 : vector<16xf32>
        %parallel_loop3A_1030 = arith.constant 1 : i32
        %parallel_loop3A_1031 = arith.addi %parallel_loop3A_724, %parallel_loop3A_1030 : i32
        %parallel_loop3A_1032 = arith.index_cast %parallel_loop3A_1031 : i32 to index
        %parallel_loop3A_1033 = arith.constant 64 : index
        %parallel_loop3A_1034 = tpu.vector_load %arg8[%parallel_loop3A_1032, %parallel_loop3A_1033] {strides = array<i32>} : memref<384x128xf32, #tpu.memory_space<vmem>>, vector<16xf32>,
        %parallel_loop3A_1035 = vector.broadcast %parallel_loop3A_928 : f32 to vector<16xf32>
        %parallel_loop3A_1036 = arith.mulf %parallel_loop3A_1034, %parallel_loop3A_1035 : vector<16xf32>
        %parallel_loop3A_1037 = arith.addf %parallel_loop3A_1029, %parallel_loop3A_1036 : vector<16xf32>
        %parallel_loop3A_1038 = math.absf %parallel_loop3A_1037 : vector<16xf32>
        %parallel_loop3A_1039 = arith.addf %parallel_loop3A_950, %parallel_loop3A_1038 : vector<16xf32>
        %parallel_loop3A_1040 = arith.index_cast %parallel_loop3A_724 : i32 to index
        %parallel_loop3A_1041 = arith.constant 80 : index
        %parallel_loop3A_1042 = tpu.vector_load %arg8[%parallel_loop3A_1040, %parallel_loop3A_1041] {strides = array<i32>} : memref<384x128xf32, #tpu.memory_space<vmem>>, vector<16xf32>,
        %parallel_loop3A_1043 = vector.broadcast %parallel_loop3A_794 : f32 to vector<16xf32>
        %parallel_loop3A_1044 = arith.mulf %parallel_loop3A_1042, %parallel_loop3A_1043 : vector<16xf32>
        %parallel_loop3A_1045 = arith.constant 2 : i32
        %parallel_loop3A_1046 = arith.addi %parallel_loop3A_724, %parallel_loop3A_1045 : i32
        %parallel_loop3A_1047 = arith.index_cast %parallel_loop3A_1046 : i32 to index
        %parallel_loop3A_1048 = arith.constant 80 : index
        %parallel_loop3A_1049 = tpu.vector_load %arg8[%parallel_loop3A_1047, %parallel_loop3A_1048] {strides = array<i32>} : memref<384x128xf32, #tpu.memory_space<vmem>>, vector<16xf32>,
        %parallel_loop3A_1050 = vector.broadcast %parallel_loop3A_926 : f32 to vector<16xf32>
        %parallel_loop3A_1051 = arith.mulf %parallel_loop3A_1049, %parallel_loop3A_1050 : vector<16xf32>
        %parallel_loop3A_1052 = arith.addf %parallel_loop3A_1044, %parallel_loop3A_1051 : vector<16xf32>
        %parallel_loop3A_1053 = arith.constant 1 : i32
        %parallel_loop3A_1054 = arith.addi %parallel_loop3A_724, %parallel_loop3A_1053 : i32
        %parallel_loop3A_1055 = arith.index_cast %parallel_loop3A_1054 : i32 to index
        %parallel_loop3A_1056 = arith.constant 80 : index
        %parallel_loop3A_1057 = tpu.vector_load %arg8[%parallel_loop3A_1055, %parallel_loop3A_1056] {strides = array<i32>} : memref<384x128xf32, #tpu.memory_space<vmem>>, vector<16xf32>,
        %parallel_loop3A_1058 = vector.broadcast %parallel_loop3A_928 : f32 to vector<16xf32>
        %parallel_loop3A_1059 = arith.mulf %parallel_loop3A_1057, %parallel_loop3A_1058 : vector<16xf32>
        %parallel_loop3A_1060 = arith.addf %parallel_loop3A_1052, %parallel_loop3A_1059 : vector<16xf32>
        %parallel_loop3A_1061 = math.absf %parallel_loop3A_1060 : vector<16xf32>
        %parallel_loop3A_1062 = arith.addf %parallel_loop3A_972, %parallel_loop3A_1061 : vector<16xf32>
        %parallel_loop3A_1063 = arith.index_cast %parallel_loop3A_724 : i32 to index
        %parallel_loop3A_1064 = arith.constant 96 : index
        %parallel_loop3A_1065 = tpu.vector_load %arg8[%parallel_loop3A_1063, %parallel_loop3A_1064] {strides = array<i32>} : memref<384x128xf32, #tpu.memory_space<vmem>>, vector<16xf32>,
        %parallel_loop3A_1066 = vector.broadcast %parallel_loop3A_794 : f32 to vector<16xf32>
        %parallel_loop3A_1067 = arith.mulf %parallel_loop3A_1065, %parallel_loop3A_1066 : vector<16xf32>
        %parallel_loop3A_1068 = arith.constant 2 : i32
        %parallel_loop3A_1069 = arith.addi %parallel_loop3A_724, %parallel_loop3A_1068 : i32
        %parallel_loop3A_1070 = arith.index_cast %parallel_loop3A_1069 : i32 to index
        %parallel_loop3A_1071 = arith.constant 96 : index
        %parallel_loop3A_1072 = tpu.vector_load %arg8[%parallel_loop3A_1070, %parallel_loop3A_1071] {strides = array<i32>} : memref<384x128xf32, #tpu.memory_space<vmem>>, vector<16xf32>,
        %parallel_loop3A_1073 = vector.broadcast %parallel_loop3A_926 : f32 to vector<16xf32>
        %parallel_loop3A_1074 = arith.mulf %parallel_loop3A_1072, %parallel_loop3A_1073 : vector<16xf32>
        %parallel_loop3A_1075 = arith.addf %parallel_loop3A_1067, %parallel_loop3A_1074 : vector<16xf32>
        %parallel_loop3A_1076 = arith.constant 1 : i32
        %parallel_loop3A_1077 = arith.addi %parallel_loop3A_724, %parallel_loop3A_1076 : i32
        %parallel_loop3A_1078 = arith.index_cast %parallel_loop3A_1077 : i32 to index
        %parallel_loop3A_1079 = arith.constant 96 : index
        %parallel_loop3A_1080 = tpu.vector_load %arg8[%parallel_loop3A_1078, %parallel_loop3A_1079] {strides = array<i32>} : memref<384x128xf32, #tpu.memory_space<vmem>>, vector<16xf32>,
        %parallel_loop3A_1081 = vector.broadcast %parallel_loop3A_928 : f32 to vector<16xf32>
        %parallel_loop3A_1082 = arith.mulf %parallel_loop3A_1080, %parallel_loop3A_1081 : vector<16xf32>
        %parallel_loop3A_1083 = arith.addf %parallel_loop3A_1075, %parallel_loop3A_1082 : vector<16xf32>
        %parallel_loop3A_1084 = math.absf %parallel_loop3A_1083 : vector<16xf32>
        %parallel_loop3A_1085 = arith.addf %parallel_loop3A_994, %parallel_loop3A_1084 : vector<16xf32>
        %parallel_loop3A_1086 = arith.index_cast %parallel_loop3A_724 : i32 to index
        %parallel_loop3A_1087 = arith.constant 112 : index
        %parallel_loop3A_1088 = tpu.vector_load %arg8[%parallel_loop3A_1086, %parallel_loop3A_1087] {strides = array<i32>} : memref<384x128xf32, #tpu.memory_space<vmem>>, vector<16xf32>,
        %parallel_loop3A_1089 = vector.broadcast %parallel_loop3A_794 : f32 to vector<16xf32>
        %parallel_loop3A_1090 = arith.mulf %parallel_loop3A_1088, %parallel_loop3A_1089 : vector<16xf32>
        %parallel_loop3A_1091 = arith.constant 2 : i32
        %parallel_loop3A_1092 = arith.addi %parallel_loop3A_724, %parallel_loop3A_1091 : i32
        %parallel_loop3A_1093 = arith.index_cast %parallel_loop3A_1092 : i32 to index
        %parallel_loop3A_1094 = arith.constant 112 : index
        %parallel_loop3A_1095 = tpu.vector_load %arg8[%parallel_loop3A_1093, %parallel_loop3A_1094] {strides = array<i32>} : memref<384x128xf32, #tpu.memory_space<vmem>>, vector<16xf32>,
        %parallel_loop3A_1096 = vector.broadcast %parallel_loop3A_926 : f32 to vector<16xf32>
        %parallel_loop3A_1097 = arith.mulf %parallel_loop3A_1095, %parallel_loop3A_1096 : vector<16xf32>
        %parallel_loop3A_1098 = arith.addf %parallel_loop3A_1090, %parallel_loop3A_1097 : vector<16xf32>
        %parallel_loop3A_1099 = arith.constant 1 : i32
        %parallel_loop3A_1100 = arith.addi %parallel_loop3A_724, %parallel_loop3A_1099 : i32
        %parallel_loop3A_1101 = arith.index_cast %parallel_loop3A_1100 : i32 to index
        %parallel_loop3A_1102 = arith.constant 112 : index
        %parallel_loop3A_1103 = tpu.vector_load %arg8[%parallel_loop3A_1101, %parallel_loop3A_1102] {strides = array<i32>} : memref<384x128xf32, #tpu.memory_space<vmem>>, vector<16xf32>,
        %parallel_loop3A_1104 = vector.broadcast %parallel_loop3A_928 : f32 to vector<16xf32>
        %parallel_loop3A_1105 = arith.mulf %parallel_loop3A_1103, %parallel_loop3A_1104 : vector<16xf32>
        %parallel_loop3A_1106 = arith.addf %parallel_loop3A_1098, %parallel_loop3A_1105 : vector<16xf32>
        %parallel_loop3A_1107 = math.absf %parallel_loop3A_1106 : vector<16xf32>
        %parallel_loop3A_1108 = arith.addf %parallel_loop3A_1016, %parallel_loop3A_1107 : vector<16xf32>
        %parallel_loop3A_1109 = arith.addf %parallel_loop3A_1039, %parallel_loop3A_1062 : vector<16xf32>
        %parallel_loop3A_1110 = arith.addf %parallel_loop3A_1085, %parallel_loop3A_1108 : vector<16xf32>
        %parallel_loop3A_1111 = arith.addf %parallel_loop3A_1109, %parallel_loop3A_1110 : vector<16xf32>
        %parallel_loop3A_1112 = arith.constant true
        %parallel_loop3A_1113 = vector.broadcast %parallel_loop3A_1112 : i1 to vector<16xi1>
        %parallel_loop3A_1114 = tpu.scan <sum>, %parallel_loop3A_1111 masked %parallel_loop3A_1113 : vector<16xf32>, vector<16xi1> -> vector<16xf32>
        %parallel_loop3A_1115 = vector.extract %parallel_loop3A_1114[15] : f32 from vector<16xf32>
        %parallel_loop3A_1116 = arith.subf %parallel_loop3A_1115, %parallel_loop3A_720 : f32
        %parallel_loop3A_1117 = arith.constant 5.000000e-01 : f32
        %parallel_loop3A_1118 = arith.addf %parallel_loop3A_1116, %parallel_loop3A_1117 : f32
        %parallel_loop3A_1119 = arith.constant 0.000000e+00 : f32
        %parallel_loop3A_1120 = arith.maximumf %parallel_loop3A_1118, %parallel_loop3A_1119 : f32
        %parallel_loop3A_1121 = arith.addf %parallel_loop3A_327, %parallel_loop3A_1120 : f32
        scf.yield %parallel_loop3A_1121 : f32
      } {sc.loop_unroll_factor = 1 : i64, sc.parallel_access}
      %dma_wait3A_288 = arith.constant 0 : i32
      %dma_wait3A_289 = arith.constant 0 : i32
      %dma_wait3A_290 = tpu.memref_slice %arg9[%dma_wait3A_288, %dma_wait3A_289] : memref<384x128xf32, #tpu.memory_space<vmem>> -> memref<128x128xf32, #tpu.memory_space<vmem>>
      %dma_wait3A_291 = arith.constant 0 : i32
      %dma_wait3A_292 = tpu.memref_slice %arg7[%dma_wait3A_291] : memref<3072xi32, #tpu.memory_space<vmem>> -> memref<128xi32, #tpu.memory_space<vmem>>
      %dma_wait3A_293 = arith.constant 0 : i32
      %dma_wait3A_294 = arith.constant 0 : i32
      %dma_wait3A_295 = tpu.memref_slice %arg2[%dma_wait3A_293, %dma_wait3A_294] : memref<100000x128xf32, #tpu.memory_space<hbm>> -> memref<100000x128xf32, #tpu.memory_space<hbm>>
      tpu.wait_indirect_dma semaphore(%arg12 : memref<!tpu.dma_semaphore, #tpu.memory_space<semaphore_mem>>) src(%dma_wait3A_295 : memref<100000x128xf32, #tpu.memory_space<hbm>>) dst(%dma_wait3A_290 : memref<128x128xf32, #tpu.memory_space<vmem>>)
      %dma_wait3A_296 = arith.constant 128 : i32
      %dma_wait3A_297 = arith.constant 0 : i32
      %dma_wait3A_298 = tpu.memref_slice %arg9[%dma_wait3A_296, %dma_wait3A_297] : memref<384x128xf32, #tpu.memory_space<vmem>> -> memref<64x128xf32, #tpu.memory_space<vmem>>
      %dma_wait3A_299 = arith.constant 128 : i32
      %dma_wait3A_300 = tpu.memref_slice %arg7[%dma_wait3A_299] : memref<3072xi32, #tpu.memory_space<vmem>> -> memref<64xi32, #tpu.memory_space<vmem>>
      %dma_wait3A_301 = arith.constant 0 : i32
      %dma_wait3A_302 = arith.constant 0 : i32
      %dma_wait3A_303 = tpu.memref_slice %arg2[%dma_wait3A_301, %dma_wait3A_302] : memref<100000x128xf32, #tpu.memory_space<hbm>> -> memref<100000x128xf32, #tpu.memory_space<hbm>>
      tpu.wait_indirect_dma semaphore(%arg12 : memref<!tpu.dma_semaphore, #tpu.memory_space<semaphore_mem>>) src(%dma_wait3A_303 : memref<100000x128xf32, #tpu.memory_space<hbm>>) dst(%dma_wait3A_298 : memref<64x128xf32, #tpu.memory_space<vmem>>)
      %dma_wait3A_304 = arith.constant 192 : i32
      %dma_wait3A_305 = arith.constant 0 : i32
      %dma_wait3A_306 = tpu.memref_slice %arg9[%dma_wait3A_304, %dma_wait3A_305] : memref<384x128xf32, #tpu.memory_space<vmem>> -> memref<128x128xf32, #tpu.memory_space<vmem>>
      %dma_wait3A_307 = arith.constant 1536 : i32
      %dma_wait3A_308 = tpu.memref_slice %arg7[%dma_wait3A_307] : memref<3072xi32, #tpu.memory_space<vmem>> -> memref<128xi32, #tpu.memory_space<vmem>>
      %dma_wait3A_309 = arith.constant 0 : i32
      %dma_wait3A_310 = arith.constant 0 : i32
      %dma_wait3A_311 = tpu.memref_slice %arg2[%dma_wait3A_309, %dma_wait3A_310] : memref<100000x128xf32, #tpu.memory_space<hbm>> -> memref<100000x128xf32, #tpu.memory_space<hbm>>
      tpu.wait_indirect_dma semaphore(%arg12 : memref<!tpu.dma_semaphore, #tpu.memory_space<semaphore_mem>>) src(%dma_wait3A_311 : memref<100000x128xf32, #tpu.memory_space<hbm>>) dst(%dma_wait3A_306 : memref<128x128xf32, #tpu.memory_space<vmem>>)
      %dma_wait3A_312 = arith.constant 320 : i32
      %dma_wait3A_313 = arith.constant 0 : i32
      %dma_wait3A_314 = tpu.memref_slice %arg9[%dma_wait3A_312, %dma_wait3A_313] : memref<384x128xf32, #tpu.memory_space<vmem>> -> memref<64x128xf32, #tpu.memory_space<vmem>>
      %dma_wait3A_315 = arith.constant 1664 : i32
      %dma_wait3A_316 = tpu.memref_slice %arg7[%dma_wait3A_315] : memref<3072xi32, #tpu.memory_space<vmem>> -> memref<64xi32, #tpu.memory_space<vmem>>
      %dma_wait3A_317 = arith.constant 0 : i32
      %dma_wait3A_318 = arith.constant 0 : i32
      %dma_wait3A_319 = tpu.memref_slice %arg2[%dma_wait3A_317, %dma_wait3A_318] : memref<100000x128xf32, #tpu.memory_space<hbm>> -> memref<100000x128xf32, #tpu.memory_space<hbm>>
      tpu.wait_indirect_dma semaphore(%arg12 : memref<!tpu.dma_semaphore, #tpu.memory_space<semaphore_mem>>) src(%dma_wait3A_319 : memref<100000x128xf32, #tpu.memory_space<hbm>>) dst(%dma_wait3A_314 : memref<64x128xf32, #tpu.memory_space<vmem>>)
      %lt3A = arith.constant 3 : i32
      %lt3A_320 = arith.cmpi slt, %scan3A_202, %lt3A : i32
      %convert_element_type3A = arith.extui %lt3A_320 : i1 to i32
      %cond3A = arith.constant 0 : i32
      %cond3A_321 = arith.cmpi ne, %convert_element_type3A, %cond3A : i32
      scf.if %cond3A_321 {
        %add3A_326 = arith.constant 2 : i32
        %add3A_327 = arith.addi %mul3A_205, %add3A_326 : i32
        %mul3A_328 = arith.constant 192 : i32
        %mul3A_329 = arith.muli %add3A_327, %mul3A_328 : i32
        %add3A_330 = arith.constant 0 : i32
        %add3A_331 = arith.addi %add3A_330, %mul3A_329 : i32
        %add3A_332 = arith.constant 0 : i32
        %add3A_333 = arith.addi %add3A_331, %add3A_332 : i32
        %dma_start3A_334 = arith.constant 0 : i32
        %dma_start3A_335 = arith.constant 0 : i32
        %dma_start3A_336 = tpu.memref_slice %arg8[%dma_start3A_334, %dma_start3A_335] : memref<384x128xf32, #tpu.memory_space<vmem>> -> memref<128x128xf32, #tpu.memory_space<vmem>>
        %dma_start3A_337 = tpu.memref_slice %arg7[%add3A_333] : memref<3072xi32, #tpu.memory_space<vmem>> -> memref<128xi32, #tpu.memory_space<vmem>>
        %dma_start3A_338 = arith.constant 0 : i32
        %dma_start3A_339 = arith.constant 0 : i32
        %dma_start3A_340 = tpu.memref_slice %arg2[%dma_start3A_338, %dma_start3A_339] : memref<100000x128xf32, #tpu.memory_space<hbm>> -> memref<100000x128xf32, #tpu.memory_space<hbm>>
        tpu.enqueue_indirect_dma source(%dma_start3A_340 : memref<100000x128xf32, #tpu.memory_space<hbm>>) target(%dma_start3A_336 : memref<128x128xf32, #tpu.memory_space<vmem>>) offsets(%dma_start3A_337 : memref<128xi32, #tpu.memory_space<vmem>>) semaphore(%arg11 : memref<!tpu.dma_semaphore, #tpu.memory_space<semaphore_mem>>)
        %add3A_341 = arith.constant 0 : i32
        %add3A_342 = arith.addi %add3A_341, %mul3A_329 : i32
        %add3A_343 = arith.constant 128 : i32
        %add3A_344 = arith.addi %add3A_342, %add3A_343 : i32
        %dma_start3A_345 = arith.constant 128 : i32
        %dma_start3A_346 = arith.constant 0 : i32
        %dma_start3A_347 = tpu.memref_slice %arg8[%dma_start3A_345, %dma_start3A_346] : memref<384x128xf32, #tpu.memory_space<vmem>> -> memref<64x128xf32, #tpu.memory_space<vmem>>
        %dma_start3A_348 = tpu.memref_slice %arg7[%add3A_344] : memref<3072xi32, #tpu.memory_space<vmem>> -> memref<64xi32, #tpu.memory_space<vmem>>
        %dma_start3A_349 = arith.constant 0 : i32
        %dma_start3A_350 = arith.constant 0 : i32
        %dma_start3A_351 = tpu.memref_slice %arg2[%dma_start3A_349, %dma_start3A_350] : memref<100000x128xf32, #tpu.memory_space<hbm>> -> memref<100000x128xf32, #tpu.memory_space<hbm>>
        tpu.enqueue_indirect_dma source(%dma_start3A_351 : memref<100000x128xf32, #tpu.memory_space<hbm>>) target(%dma_start3A_347 : memref<64x128xf32, #tpu.memory_space<vmem>>) offsets(%dma_start3A_348 : memref<64xi32, #tpu.memory_space<vmem>>) semaphore(%arg11 : memref<!tpu.dma_semaphore, #tpu.memory_space<semaphore_mem>>)
        %add3A_352 = arith.constant 1536 : i32
        %add3A_353 = arith.addi %add3A_352, %mul3A_329 : i32
        %add3A_354 = arith.constant 0 : i32
        %add3A_355 = arith.addi %add3A_353, %add3A_354 : i32
        %dma_start3A_356 = arith.constant 192 : i32
        %dma_start3A_357 = arith.constant 0 : i32
        %dma_start3A_358 = tpu.memref_slice %arg8[%dma_start3A_356, %dma_start3A_357] : memref<384x128xf32, #tpu.memory_space<vmem>> -> memref<128x128xf32, #tpu.memory_space<vmem>>
        %dma_start3A_359 = tpu.memref_slice %arg7[%add3A_355] : memref<3072xi32, #tpu.memory_space<vmem>> -> memref<128xi32, #tpu.memory_space<vmem>>
        %dma_start3A_360 = arith.constant 0 : i32
        %dma_start3A_361 = arith.constant 0 : i32
        %dma_start3A_362 = tpu.memref_slice %arg2[%dma_start3A_360, %dma_start3A_361] : memref<100000x128xf32, #tpu.memory_space<hbm>> -> memref<100000x128xf32, #tpu.memory_space<hbm>>
        tpu.enqueue_indirect_dma source(%dma_start3A_362 : memref<100000x128xf32, #tpu.memory_space<hbm>>) target(%dma_start3A_358 : memref<128x128xf32, #tpu.memory_space<vmem>>) offsets(%dma_start3A_359 : memref<128xi32, #tpu.memory_space<vmem>>) semaphore(%arg11 : memref<!tpu.dma_semaphore, #tpu.memory_space<semaphore_mem>>)
        %add3A_363 = arith.constant 1536 : i32
        %add3A_364 = arith.addi %add3A_363, %mul3A_329 : i32
        %add3A_365 = arith.constant 128 : i32
        %add3A_366 = arith.addi %add3A_364, %add3A_365 : i32
        %dma_start3A_367 = arith.constant 320 : i32
        %dma_start3A_368 = arith.constant 0 : i32
        %dma_start3A_369 = tpu.memref_slice %arg8[%dma_start3A_367, %dma_start3A_368] : memref<384x128xf32, #tpu.memory_space<vmem>> -> memref<64x128xf32, #tpu.memory_space<vmem>>
        %dma_start3A_370 = tpu.memref_slice %arg7[%add3A_366] : memref<3072xi32, #tpu.memory_space<vmem>> -> memref<64xi32, #tpu.memory_space<vmem>>
        %dma_start3A_371 = arith.constant 0 : i32
        %dma_start3A_372 = arith.constant 0 : i32
        %dma_start3A_373 = tpu.memref_slice %arg2[%dma_start3A_371, %dma_start3A_372] : memref<100000x128xf32, #tpu.memory_space<hbm>> -> memref<100000x128xf32, #tpu.memory_space<hbm>>
        tpu.enqueue_indirect_dma source(%dma_start3A_373 : memref<100000x128xf32, #tpu.memory_space<hbm>>) target(%dma_start3A_369 : memref<64x128xf32, #tpu.memory_space<vmem>>) offsets(%dma_start3A_370 : memref<64xi32, #tpu.memory_space<vmem>>) semaphore(%arg11 : memref<!tpu.dma_semaphore, #tpu.memory_space<semaphore_mem>>)
      } else {
      }
      %parallel_loop3A_322 = arith.constant 0 : i32
      %parallel_loop3A_323 = arith.constant 64 : i32
      %parallel_loop3A_324 = arith.constant 1 : i32
      %parallel_loop3A_325 = scf.for %parallel_loop3A_326 = %parallel_loop3A_322 to %parallel_loop3A_323 step %parallel_loop3A_324 iter_args(%parallel_loop3A_327 = %parallel_loop3A_287) -> (f32)  : i32 {
        %parallel_loop3A_328 = arith.constant 3 : i32
        %parallel_loop3A_329 = arith.muli %parallel_loop3A_328, %parallel_loop3A_326 : i32
        %parallel_loop3A_330 = arith.constant 1 : i32
        %parallel_loop3A_331 = arith.addi %parallel_loop3A_329, %parallel_loop3A_330 : i32
        %parallel_loop3A_332 = arith.constant 2 : i32
        %parallel_loop3A_333 = arith.addi %parallel_loop3A_329, %parallel_loop3A_332 : i32
        %parallel_loop3A_334 = arith.index_cast %parallel_loop3A_329 : i32 to index
        %parallel_loop3A_335 = arith.constant 0 : index
        %parallel_loop3A_336 = tpu.vector_load %arg9[%parallel_loop3A_334, %parallel_loop3A_335] {strides = array<i32>} : memref<384x128xf32, #tpu.memory_space<vmem>>, vector<16xf32>,
        %parallel_loop3A_337 = arith.index_cast %parallel_loop3A_329 : i32 to index
        %parallel_loop3A_338 = arith.constant 16 : index
        %parallel_loop3A_339 = tpu.vector_load %arg9[%parallel_loop3A_337, %parallel_loop3A_338] {strides = array<i32>} : memref<384x128xf32, #tpu.memory_space<vmem>>, vector<16xf32>,
        %parallel_loop3A_340 = arith.mulf %parallel_loop3A_336, %parallel_loop3A_336 : vector<16xf32>
        %parallel_loop3A_341 = arith.mulf %parallel_loop3A_339, %parallel_loop3A_339 : vector<16xf32>
        %parallel_loop3A_342 = arith.index_cast %parallel_loop3A_329 : i32 to index
        %parallel_loop3A_343 = arith.constant 32 : index
        %parallel_loop3A_344 = tpu.vector_load %arg9[%parallel_loop3A_342, %parallel_loop3A_343] {strides = array<i32>} : memref<384x128xf32, #tpu.memory_space<vmem>>, vector<16xf32>,
        %parallel_loop3A_345 = arith.index_cast %parallel_loop3A_329 : i32 to index
        %parallel_loop3A_346 = arith.constant 48 : index
        %parallel_loop3A_347 = tpu.vector_load %arg9[%parallel_loop3A_345, %parallel_loop3A_346] {strides = array<i32>} : memref<384x128xf32, #tpu.memory_space<vmem>>, vector<16xf32>,
        %parallel_loop3A_348 = arith.mulf %parallel_loop3A_344, %parallel_loop3A_344 : vector<16xf32>
        %parallel_loop3A_349 = arith.addf %parallel_loop3A_340, %parallel_loop3A_348 : vector<16xf32>
        %parallel_loop3A_350 = arith.mulf %parallel_loop3A_347, %parallel_loop3A_347 : vector<16xf32>
        %parallel_loop3A_351 = arith.addf %parallel_loop3A_341, %parallel_loop3A_350 : vector<16xf32>
        %parallel_loop3A_352 = arith.index_cast %parallel_loop3A_329 : i32 to index
        %parallel_loop3A_353 = arith.constant 64 : index
        %parallel_loop3A_354 = tpu.vector_load %arg9[%parallel_loop3A_352, %parallel_loop3A_353] {strides = array<i32>} : memref<384x128xf32, #tpu.memory_space<vmem>>, vector<16xf32>,
        %parallel_loop3A_355 = arith.index_cast %parallel_loop3A_329 : i32 to index
        %parallel_loop3A_356 = arith.constant 80 : index
        %parallel_loop3A_357 = tpu.vector_load %arg9[%parallel_loop3A_355, %parallel_loop3A_356] {strides = array<i32>} : memref<384x128xf32, #tpu.memory_space<vmem>>, vector<16xf32>,
        %parallel_loop3A_358 = arith.mulf %parallel_loop3A_354, %parallel_loop3A_354 : vector<16xf32>
        %parallel_loop3A_359 = arith.addf %parallel_loop3A_349, %parallel_loop3A_358 : vector<16xf32>
        %parallel_loop3A_360 = arith.mulf %parallel_loop3A_357, %parallel_loop3A_357 : vector<16xf32>
        %parallel_loop3A_361 = arith.addf %parallel_loop3A_351, %parallel_loop3A_360 : vector<16xf32>
        %parallel_loop3A_362 = arith.index_cast %parallel_loop3A_329 : i32 to index
        %parallel_loop3A_363 = arith.constant 96 : index
        %parallel_loop3A_364 = tpu.vector_load %arg9[%parallel_loop3A_362, %parallel_loop3A_363] {strides = array<i32>} : memref<384x128xf32, #tpu.memory_space<vmem>>, vector<16xf32>,
        %parallel_loop3A_365 = arith.index_cast %parallel_loop3A_329 : i32 to index
        %parallel_loop3A_366 = arith.constant 112 : index
        %parallel_loop3A_367 = tpu.vector_load %arg9[%parallel_loop3A_365, %parallel_loop3A_366] {strides = array<i32>} : memref<384x128xf32, #tpu.memory_space<vmem>>, vector<16xf32>,
        %parallel_loop3A_368 = arith.mulf %parallel_loop3A_364, %parallel_loop3A_364 : vector<16xf32>
        %parallel_loop3A_369 = arith.addf %parallel_loop3A_359, %parallel_loop3A_368 : vector<16xf32>
        %parallel_loop3A_370 = arith.mulf %parallel_loop3A_367, %parallel_loop3A_367 : vector<16xf32>
        %parallel_loop3A_371 = arith.addf %parallel_loop3A_361, %parallel_loop3A_370 : vector<16xf32>
        %parallel_loop3A_372 = arith.addf %parallel_loop3A_369, %parallel_loop3A_371 : vector<16xf32>
        %parallel_loop3A_373 = arith.constant true
        %parallel_loop3A_374 = vector.broadcast %parallel_loop3A_373 : i1 to vector<16xi1>
        %parallel_loop3A_375 = tpu.scan <sum>, %parallel_loop3A_372 masked %parallel_loop3A_374 : vector<16xf32>, vector<16xi1> -> vector<16xf32>
        %parallel_loop3A_376 = vector.extract %parallel_loop3A_375[15] : f32 from vector<16xf32>
        %parallel_loop3A_377 = arith.bitcast %parallel_loop3A_376 : f32 to i32
        %parallel_loop3A_378 = arith.constant 1 : i32
        %parallel_loop3A_379 = arith.shrui %parallel_loop3A_377, %parallel_loop3A_378 : i32
        %parallel_loop3A_380 = arith.constant 1597463007 : i32
        %parallel_loop3A_381 = arith.subi %parallel_loop3A_380, %parallel_loop3A_379 : i32
        %parallel_loop3A_382 = arith.bitcast %parallel_loop3A_381 : i32 to f32
        %parallel_loop3A_383 = arith.constant 5.000000e-01 : f32
        %parallel_loop3A_384 = arith.mulf %parallel_loop3A_376, %parallel_loop3A_383 : f32
        %parallel_loop3A_385 = arith.mulf %parallel_loop3A_384, %parallel_loop3A_382 : f32
        %parallel_loop3A_386 = arith.mulf %parallel_loop3A_385, %parallel_loop3A_382 : f32
        %parallel_loop3A_387 = arith.constant 1.500000e+00 : f32
        %parallel_loop3A_388 = arith.subf %parallel_loop3A_387, %parallel_loop3A_386 : f32
        %parallel_loop3A_389 = arith.mulf %parallel_loop3A_382, %parallel_loop3A_388 : f32
        %parallel_loop3A_390 = arith.mulf %parallel_loop3A_384, %parallel_loop3A_389 : f32
        %parallel_loop3A_391 = arith.mulf %parallel_loop3A_390, %parallel_loop3A_389 : f32
        %parallel_loop3A_392 = arith.constant 1.500000e+00 : f32
        %parallel_loop3A_393 = arith.subf %parallel_loop3A_392, %parallel_loop3A_391 : f32
        %parallel_loop3A_394 = arith.mulf %parallel_loop3A_389, %parallel_loop3A_393 : f32
        %parallel_loop3A_395 = arith.mulf %parallel_loop3A_384, %parallel_loop3A_394 : f32
        %parallel_loop3A_396 = arith.mulf %parallel_loop3A_395, %parallel_loop3A_394 : f32
        %parallel_loop3A_397 = arith.constant 1.500000e+00 : f32
        %parallel_loop3A_398 = arith.subf %parallel_loop3A_397, %parallel_loop3A_396 : f32
        %parallel_loop3A_399 = arith.mulf %parallel_loop3A_394, %parallel_loop3A_398 : f32
        %parallel_loop3A_400 = arith.index_cast %parallel_loop3A_331 : i32 to index
        %parallel_loop3A_401 = arith.constant 0 : index
        %parallel_loop3A_402 = tpu.vector_load %arg9[%parallel_loop3A_400, %parallel_loop3A_401] {strides = array<i32>} : memref<384x128xf32, #tpu.memory_space<vmem>>, vector<16xf32>,
        %parallel_loop3A_403 = arith.index_cast %parallel_loop3A_331 : i32 to index
        %parallel_loop3A_404 = arith.constant 16 : index
        %parallel_loop3A_405 = tpu.vector_load %arg9[%parallel_loop3A_403, %parallel_loop3A_404] {strides = array<i32>} : memref<384x128xf32, #tpu.memory_space<vmem>>, vector<16xf32>,
        %parallel_loop3A_406 = arith.mulf %parallel_loop3A_402, %parallel_loop3A_402 : vector<16xf32>
        %parallel_loop3A_407 = arith.mulf %parallel_loop3A_405, %parallel_loop3A_405 : vector<16xf32>
        %parallel_loop3A_408 = arith.index_cast %parallel_loop3A_331 : i32 to index
        %parallel_loop3A_409 = arith.constant 32 : index
        %parallel_loop3A_410 = tpu.vector_load %arg9[%parallel_loop3A_408, %parallel_loop3A_409] {strides = array<i32>} : memref<384x128xf32, #tpu.memory_space<vmem>>, vector<16xf32>,
        %parallel_loop3A_411 = arith.index_cast %parallel_loop3A_331 : i32 to index
        %parallel_loop3A_412 = arith.constant 48 : index
        %parallel_loop3A_413 = tpu.vector_load %arg9[%parallel_loop3A_411, %parallel_loop3A_412] {strides = array<i32>} : memref<384x128xf32, #tpu.memory_space<vmem>>, vector<16xf32>,
        %parallel_loop3A_414 = arith.mulf %parallel_loop3A_410, %parallel_loop3A_410 : vector<16xf32>
        %parallel_loop3A_415 = arith.addf %parallel_loop3A_406, %parallel_loop3A_414 : vector<16xf32>
        %parallel_loop3A_416 = arith.mulf %parallel_loop3A_413, %parallel_loop3A_413 : vector<16xf32>
        %parallel_loop3A_417 = arith.addf %parallel_loop3A_407, %parallel_loop3A_416 : vector<16xf32>
        %parallel_loop3A_418 = arith.index_cast %parallel_loop3A_331 : i32 to index
        %parallel_loop3A_419 = arith.constant 64 : index
        %parallel_loop3A_420 = tpu.vector_load %arg9[%parallel_loop3A_418, %parallel_loop3A_419] {strides = array<i32>} : memref<384x128xf32, #tpu.memory_space<vmem>>, vector<16xf32>,
        %parallel_loop3A_421 = arith.index_cast %parallel_loop3A_331 : i32 to index
        %parallel_loop3A_422 = arith.constant 80 : index
        %parallel_loop3A_423 = tpu.vector_load %arg9[%parallel_loop3A_421, %parallel_loop3A_422] {strides = array<i32>} : memref<384x128xf32, #tpu.memory_space<vmem>>, vector<16xf32>,
        %parallel_loop3A_424 = arith.mulf %parallel_loop3A_420, %parallel_loop3A_420 : vector<16xf32>
        %parallel_loop3A_425 = arith.addf %parallel_loop3A_415, %parallel_loop3A_424 : vector<16xf32>
        %parallel_loop3A_426 = arith.mulf %parallel_loop3A_423, %parallel_loop3A_423 : vector<16xf32>
        %parallel_loop3A_427 = arith.addf %parallel_loop3A_417, %parallel_loop3A_426 : vector<16xf32>
        %parallel_loop3A_428 = arith.index_cast %parallel_loop3A_331 : i32 to index
        %parallel_loop3A_429 = arith.constant 96 : index
        %parallel_loop3A_430 = tpu.vector_load %arg9[%parallel_loop3A_428, %parallel_loop3A_429] {strides = array<i32>} : memref<384x128xf32, #tpu.memory_space<vmem>>, vector<16xf32>,
        %parallel_loop3A_431 = arith.index_cast %parallel_loop3A_331 : i32 to index
        %parallel_loop3A_432 = arith.constant 112 : index
        %parallel_loop3A_433 = tpu.vector_load %arg9[%parallel_loop3A_431, %parallel_loop3A_432] {strides = array<i32>} : memref<384x128xf32, #tpu.memory_space<vmem>>, vector<16xf32>,
        %parallel_loop3A_434 = arith.mulf %parallel_loop3A_430, %parallel_loop3A_430 : vector<16xf32>
        %parallel_loop3A_435 = arith.addf %parallel_loop3A_425, %parallel_loop3A_434 : vector<16xf32>
        %parallel_loop3A_436 = arith.mulf %parallel_loop3A_433, %parallel_loop3A_433 : vector<16xf32>
        %parallel_loop3A_437 = arith.addf %parallel_loop3A_427, %parallel_loop3A_436 : vector<16xf32>
        %parallel_loop3A_438 = arith.addf %parallel_loop3A_435, %parallel_loop3A_437 : vector<16xf32>
        %parallel_loop3A_439 = arith.constant true
        %parallel_loop3A_440 = vector.broadcast %parallel_loop3A_439 : i1 to vector<16xi1>
        %parallel_loop3A_441 = tpu.scan <sum>, %parallel_loop3A_438 masked %parallel_loop3A_440 : vector<16xf32>, vector<16xi1> -> vector<16xf32>
        %parallel_loop3A_442 = vector.extract %parallel_loop3A_441[15] : f32 from vector<16xf32>
        %parallel_loop3A_443 = arith.bitcast %parallel_loop3A_442 : f32 to i32
        %parallel_loop3A_444 = arith.constant 1 : i32
        %parallel_loop3A_445 = arith.shrui %parallel_loop3A_443, %parallel_loop3A_444 : i32
        %parallel_loop3A_446 = arith.constant 1597463007 : i32
        %parallel_loop3A_447 = arith.subi %parallel_loop3A_446, %parallel_loop3A_445 : i32
        %parallel_loop3A_448 = arith.bitcast %parallel_loop3A_447 : i32 to f32
        %parallel_loop3A_449 = arith.constant 5.000000e-01 : f32
        %parallel_loop3A_450 = arith.mulf %parallel_loop3A_442, %parallel_loop3A_449 : f32
        %parallel_loop3A_451 = arith.mulf %parallel_loop3A_450, %parallel_loop3A_448 : f32
        %parallel_loop3A_452 = arith.mulf %parallel_loop3A_451, %parallel_loop3A_448 : f32
        %parallel_loop3A_453 = arith.constant 1.500000e+00 : f32
        %parallel_loop3A_454 = arith.subf %parallel_loop3A_453, %parallel_loop3A_452 : f32
        %parallel_loop3A_455 = arith.mulf %parallel_loop3A_448, %parallel_loop3A_454 : f32
        %parallel_loop3A_456 = arith.mulf %parallel_loop3A_450, %parallel_loop3A_455 : f32
        %parallel_loop3A_457 = arith.mulf %parallel_loop3A_456, %parallel_loop3A_455 : f32
        %parallel_loop3A_458 = arith.constant 1.500000e+00 : f32
        %parallel_loop3A_459 = arith.subf %parallel_loop3A_458, %parallel_loop3A_457 : f32
        %parallel_loop3A_460 = arith.mulf %parallel_loop3A_455, %parallel_loop3A_459 : f32
        %parallel_loop3A_461 = arith.mulf %parallel_loop3A_450, %parallel_loop3A_460 : f32
        %parallel_loop3A_462 = arith.mulf %parallel_loop3A_461, %parallel_loop3A_460 : f32
        %parallel_loop3A_463 = arith.constant 1.500000e+00 : f32
        %parallel_loop3A_464 = arith.subf %parallel_loop3A_463, %parallel_loop3A_462 : f32
        %parallel_loop3A_465 = arith.mulf %parallel_loop3A_460, %parallel_loop3A_464 : f32
        %parallel_loop3A_466 = arith.index_cast %parallel_loop3A_333 : i32 to index
        %parallel_loop3A_467 = arith.constant 0 : index
        %parallel_loop3A_468 = tpu.vector_load %arg9[%parallel_loop3A_466, %parallel_loop3A_467] {strides = array<i32>} : memref<384x128xf32, #tpu.memory_space<vmem>>, vector<16xf32>,
        %parallel_loop3A_469 = arith.index_cast %parallel_loop3A_333 : i32 to index
        %parallel_loop3A_470 = arith.constant 16 : index
        %parallel_loop3A_471 = tpu.vector_load %arg9[%parallel_loop3A_469, %parallel_loop3A_470] {strides = array<i32>} : memref<384x128xf32, #tpu.memory_space<vmem>>, vector<16xf32>,
        %parallel_loop3A_472 = arith.mulf %parallel_loop3A_468, %parallel_loop3A_468 : vector<16xf32>
        %parallel_loop3A_473 = arith.mulf %parallel_loop3A_471, %parallel_loop3A_471 : vector<16xf32>
        %parallel_loop3A_474 = arith.index_cast %parallel_loop3A_333 : i32 to index
        %parallel_loop3A_475 = arith.constant 32 : index
        %parallel_loop3A_476 = tpu.vector_load %arg9[%parallel_loop3A_474, %parallel_loop3A_475] {strides = array<i32>} : memref<384x128xf32, #tpu.memory_space<vmem>>, vector<16xf32>,
        %parallel_loop3A_477 = arith.index_cast %parallel_loop3A_333 : i32 to index
        %parallel_loop3A_478 = arith.constant 48 : index
        %parallel_loop3A_479 = tpu.vector_load %arg9[%parallel_loop3A_477, %parallel_loop3A_478] {strides = array<i32>} : memref<384x128xf32, #tpu.memory_space<vmem>>, vector<16xf32>,
        %parallel_loop3A_480 = arith.mulf %parallel_loop3A_476, %parallel_loop3A_476 : vector<16xf32>
        %parallel_loop3A_481 = arith.addf %parallel_loop3A_472, %parallel_loop3A_480 : vector<16xf32>
        %parallel_loop3A_482 = arith.mulf %parallel_loop3A_479, %parallel_loop3A_479 : vector<16xf32>
        %parallel_loop3A_483 = arith.addf %parallel_loop3A_473, %parallel_loop3A_482 : vector<16xf32>
        %parallel_loop3A_484 = arith.index_cast %parallel_loop3A_333 : i32 to index
        %parallel_loop3A_485 = arith.constant 64 : index
        %parallel_loop3A_486 = tpu.vector_load %arg9[%parallel_loop3A_484, %parallel_loop3A_485] {strides = array<i32>} : memref<384x128xf32, #tpu.memory_space<vmem>>, vector<16xf32>,
        %parallel_loop3A_487 = arith.index_cast %parallel_loop3A_333 : i32 to index
        %parallel_loop3A_488 = arith.constant 80 : index
        %parallel_loop3A_489 = tpu.vector_load %arg9[%parallel_loop3A_487, %parallel_loop3A_488] {strides = array<i32>} : memref<384x128xf32, #tpu.memory_space<vmem>>, vector<16xf32>,
        %parallel_loop3A_490 = arith.mulf %parallel_loop3A_486, %parallel_loop3A_486 : vector<16xf32>
        %parallel_loop3A_491 = arith.addf %parallel_loop3A_481, %parallel_loop3A_490 : vector<16xf32>
        %parallel_loop3A_492 = arith.mulf %parallel_loop3A_489, %parallel_loop3A_489 : vector<16xf32>
        %parallel_loop3A_493 = arith.addf %parallel_loop3A_483, %parallel_loop3A_492 : vector<16xf32>
        %parallel_loop3A_494 = arith.index_cast %parallel_loop3A_333 : i32 to index
        %parallel_loop3A_495 = arith.constant 96 : index
        %parallel_loop3A_496 = tpu.vector_load %arg9[%parallel_loop3A_494, %parallel_loop3A_495] {strides = array<i32>} : memref<384x128xf32, #tpu.memory_space<vmem>>, vector<16xf32>,
        %parallel_loop3A_497 = arith.index_cast %parallel_loop3A_333 : i32 to index
        %parallel_loop3A_498 = arith.constant 112 : index
        %parallel_loop3A_499 = tpu.vector_load %arg9[%parallel_loop3A_497, %parallel_loop3A_498] {strides = array<i32>} : memref<384x128xf32, #tpu.memory_space<vmem>>, vector<16xf32>,
        %parallel_loop3A_500 = arith.mulf %parallel_loop3A_496, %parallel_loop3A_496 : vector<16xf32>
        %parallel_loop3A_501 = arith.addf %parallel_loop3A_491, %parallel_loop3A_500 : vector<16xf32>
        %parallel_loop3A_502 = arith.mulf %parallel_loop3A_499, %parallel_loop3A_499 : vector<16xf32>
        %parallel_loop3A_503 = arith.addf %parallel_loop3A_493, %parallel_loop3A_502 : vector<16xf32>
        %parallel_loop3A_504 = arith.addf %parallel_loop3A_501, %parallel_loop3A_503 : vector<16xf32>
        %parallel_loop3A_505 = arith.constant true
        %parallel_loop3A_506 = vector.broadcast %parallel_loop3A_505 : i1 to vector<16xi1>
        %parallel_loop3A_507 = tpu.scan <sum>, %parallel_loop3A_504 masked %parallel_loop3A_506 : vector<16xf32>, vector<16xi1> -> vector<16xf32>
        %parallel_loop3A_508 = vector.extract %parallel_loop3A_507[15] : f32 from vector<16xf32>
        %parallel_loop3A_509 = arith.bitcast %parallel_loop3A_508 : f32 to i32
        %parallel_loop3A_510 = arith.constant 1 : i32
        %parallel_loop3A_511 = arith.shrui %parallel_loop3A_509, %parallel_loop3A_510 : i32
        %parallel_loop3A_512 = arith.constant 1597463007 : i32
        %parallel_loop3A_513 = arith.subi %parallel_loop3A_512, %parallel_loop3A_511 : i32
        %parallel_loop3A_514 = arith.bitcast %parallel_loop3A_513 : i32 to f32
        %parallel_loop3A_515 = arith.constant 5.000000e-01 : f32
        %parallel_loop3A_516 = arith.mulf %parallel_loop3A_508, %parallel_loop3A_515 : f32
        %parallel_loop3A_517 = arith.mulf %parallel_loop3A_516, %parallel_loop3A_514 : f32
        %parallel_loop3A_518 = arith.mulf %parallel_loop3A_517, %parallel_loop3A_514 : f32
        %parallel_loop3A_519 = arith.constant 1.500000e+00 : f32
        %parallel_loop3A_520 = arith.subf %parallel_loop3A_519, %parallel_loop3A_518 : f32
        %parallel_loop3A_521 = arith.mulf %parallel_loop3A_514, %parallel_loop3A_520 : f32
        %parallel_loop3A_522 = arith.mulf %parallel_loop3A_516, %parallel_loop3A_521 : f32
        %parallel_loop3A_523 = arith.mulf %parallel_loop3A_522, %parallel_loop3A_521 : f32
        %parallel_loop3A_524 = arith.constant 1.500000e+00 : f32
        %parallel_loop3A_525 = arith.subf %parallel_loop3A_524, %parallel_loop3A_523 : f32
        %parallel_loop3A_526 = arith.mulf %parallel_loop3A_521, %parallel_loop3A_525 : f32
        %parallel_loop3A_527 = arith.mulf %parallel_loop3A_516, %parallel_loop3A_526 : f32
        %parallel_loop3A_528 = arith.mulf %parallel_loop3A_527, %parallel_loop3A_526 : f32
        %parallel_loop3A_529 = arith.constant 1.500000e+00 : f32
        %parallel_loop3A_530 = arith.subf %parallel_loop3A_529, %parallel_loop3A_528 : f32
        %parallel_loop3A_531 = arith.mulf %parallel_loop3A_526, %parallel_loop3A_530 : f32
        %parallel_loop3A_532 = arith.constant 0.000000e+00 : f32
        %parallel_loop3A_533 = arith.subf %parallel_loop3A_532, %parallel_loop3A_465 : f32
        %parallel_loop3A_534 = arith.index_cast %parallel_loop3A_329 : i32 to index
        %parallel_loop3A_535 = arith.constant 0 : index
        %parallel_loop3A_536 = tpu.vector_load %arg9[%parallel_loop3A_534, %parallel_loop3A_535] {strides = array<i32>} : memref<384x128xf32, #tpu.memory_space<vmem>>, vector<16xf32>,
        %parallel_loop3A_537 = vector.broadcast %parallel_loop3A_399 : f32 to vector<16xf32>
        %parallel_loop3A_538 = arith.mulf %parallel_loop3A_536, %parallel_loop3A_537 : vector<16xf32>
        %parallel_loop3A_539 = arith.constant 2 : i32
        %parallel_loop3A_540 = arith.addi %parallel_loop3A_329, %parallel_loop3A_539 : i32
        %parallel_loop3A_541 = arith.index_cast %parallel_loop3A_540 : i32 to index
        %parallel_loop3A_542 = arith.constant 0 : index
        %parallel_loop3A_543 = tpu.vector_load %arg9[%parallel_loop3A_541, %parallel_loop3A_542] {strides = array<i32>} : memref<384x128xf32, #tpu.memory_space<vmem>>, vector<16xf32>,
        %parallel_loop3A_544 = vector.broadcast %parallel_loop3A_531 : f32 to vector<16xf32>
        %parallel_loop3A_545 = arith.mulf %parallel_loop3A_543, %parallel_loop3A_544 : vector<16xf32>
        %parallel_loop3A_546 = arith.addf %parallel_loop3A_538, %parallel_loop3A_545 : vector<16xf32>
        %parallel_loop3A_547 = arith.constant 1 : i32
        %parallel_loop3A_548 = arith.addi %parallel_loop3A_329, %parallel_loop3A_547 : i32
        %parallel_loop3A_549 = arith.index_cast %parallel_loop3A_548 : i32 to index
        %parallel_loop3A_550 = arith.constant 0 : index
        %parallel_loop3A_551 = tpu.vector_load %arg9[%parallel_loop3A_549, %parallel_loop3A_550] {strides = array<i32>} : memref<384x128xf32, #tpu.memory_space<vmem>>, vector<16xf32>,
        %parallel_loop3A_552 = vector.broadcast %parallel_loop3A_533 : f32 to vector<16xf32>
        %parallel_loop3A_553 = arith.mulf %parallel_loop3A_551, %parallel_loop3A_552 : vector<16xf32>
        %parallel_loop3A_554 = arith.addf %parallel_loop3A_546, %parallel_loop3A_553 : vector<16xf32>
        %parallel_loop3A_555 = math.absf %parallel_loop3A_554 : vector<16xf32>
        %parallel_loop3A_556 = arith.index_cast %parallel_loop3A_329 : i32 to index
        %parallel_loop3A_557 = arith.constant 16 : index
        %parallel_loop3A_558 = tpu.vector_load %arg9[%parallel_loop3A_556, %parallel_loop3A_557] {strides = array<i32>} : memref<384x128xf32, #tpu.memory_space<vmem>>, vector<16xf32>,
        %parallel_loop3A_559 = vector.broadcast %parallel_loop3A_399 : f32 to vector<16xf32>
        %parallel_loop3A_560 = arith.mulf %parallel_loop3A_558, %parallel_loop3A_559 : vector<16xf32>
        %parallel_loop3A_561 = arith.constant 2 : i32
        %parallel_loop3A_562 = arith.addi %parallel_loop3A_329, %parallel_loop3A_561 : i32
        %parallel_loop3A_563 = arith.index_cast %parallel_loop3A_562 : i32 to index
        %parallel_loop3A_564 = arith.constant 16 : index
        %parallel_loop3A_565 = tpu.vector_load %arg9[%parallel_loop3A_563, %parallel_loop3A_564] {strides = array<i32>} : memref<384x128xf32, #tpu.memory_space<vmem>>, vector<16xf32>,
        %parallel_loop3A_566 = vector.broadcast %parallel_loop3A_531 : f32 to vector<16xf32>
        %parallel_loop3A_567 = arith.mulf %parallel_loop3A_565, %parallel_loop3A_566 : vector<16xf32>
        %parallel_loop3A_568 = arith.addf %parallel_loop3A_560, %parallel_loop3A_567 : vector<16xf32>
        %parallel_loop3A_569 = arith.constant 1 : i32
        %parallel_loop3A_570 = arith.addi %parallel_loop3A_329, %parallel_loop3A_569 : i32
        %parallel_loop3A_571 = arith.index_cast %parallel_loop3A_570 : i32 to index
        %parallel_loop3A_572 = arith.constant 16 : index
        %parallel_loop3A_573 = tpu.vector_load %arg9[%parallel_loop3A_571, %parallel_loop3A_572] {strides = array<i32>} : memref<384x128xf32, #tpu.memory_space<vmem>>, vector<16xf32>,
        %parallel_loop3A_574 = vector.broadcast %parallel_loop3A_533 : f32 to vector<16xf32>
        %parallel_loop3A_575 = arith.mulf %parallel_loop3A_573, %parallel_loop3A_574 : vector<16xf32>
        %parallel_loop3A_576 = arith.addf %parallel_loop3A_568, %parallel_loop3A_575 : vector<16xf32>
        %parallel_loop3A_577 = math.absf %parallel_loop3A_576 : vector<16xf32>
        %parallel_loop3A_578 = arith.index_cast %parallel_loop3A_329 : i32 to index
        %parallel_loop3A_579 = arith.constant 32 : index
        %parallel_loop3A_580 = tpu.vector_load %arg9[%parallel_loop3A_578, %parallel_loop3A_579] {strides = array<i32>} : memref<384x128xf32, #tpu.memory_space<vmem>>, vector<16xf32>,
        %parallel_loop3A_581 = vector.broadcast %parallel_loop3A_399 : f32 to vector<16xf32>
        %parallel_loop3A_582 = arith.mulf %parallel_loop3A_580, %parallel_loop3A_581 : vector<16xf32>
        %parallel_loop3A_583 = arith.constant 2 : i32
        %parallel_loop3A_584 = arith.addi %parallel_loop3A_329, %parallel_loop3A_583 : i32
        %parallel_loop3A_585 = arith.index_cast %parallel_loop3A_584 : i32 to index
        %parallel_loop3A_586 = arith.constant 32 : index
        %parallel_loop3A_587 = tpu.vector_load %arg9[%parallel_loop3A_585, %parallel_loop3A_586] {strides = array<i32>} : memref<384x128xf32, #tpu.memory_space<vmem>>, vector<16xf32>,
        %parallel_loop3A_588 = vector.broadcast %parallel_loop3A_531 : f32 to vector<16xf32>
        %parallel_loop3A_589 = arith.mulf %parallel_loop3A_587, %parallel_loop3A_588 : vector<16xf32>
        %parallel_loop3A_590 = arith.addf %parallel_loop3A_582, %parallel_loop3A_589 : vector<16xf32>
        %parallel_loop3A_591 = arith.constant 1 : i32
        %parallel_loop3A_592 = arith.addi %parallel_loop3A_329, %parallel_loop3A_591 : i32
        %parallel_loop3A_593 = arith.index_cast %parallel_loop3A_592 : i32 to index
        %parallel_loop3A_594 = arith.constant 32 : index
        %parallel_loop3A_595 = tpu.vector_load %arg9[%parallel_loop3A_593, %parallel_loop3A_594] {strides = array<i32>} : memref<384x128xf32, #tpu.memory_space<vmem>>, vector<16xf32>,
        %parallel_loop3A_596 = vector.broadcast %parallel_loop3A_533 : f32 to vector<16xf32>
        %parallel_loop3A_597 = arith.mulf %parallel_loop3A_595, %parallel_loop3A_596 : vector<16xf32>
        %parallel_loop3A_598 = arith.addf %parallel_loop3A_590, %parallel_loop3A_597 : vector<16xf32>
        %parallel_loop3A_599 = math.absf %parallel_loop3A_598 : vector<16xf32>
        %parallel_loop3A_600 = arith.index_cast %parallel_loop3A_329 : i32 to index
        %parallel_loop3A_601 = arith.constant 48 : index
        %parallel_loop3A_602 = tpu.vector_load %arg9[%parallel_loop3A_600, %parallel_loop3A_601] {strides = array<i32>} : memref<384x128xf32, #tpu.memory_space<vmem>>, vector<16xf32>,
        %parallel_loop3A_603 = vector.broadcast %parallel_loop3A_399 : f32 to vector<16xf32>
        %parallel_loop3A_604 = arith.mulf %parallel_loop3A_602, %parallel_loop3A_603 : vector<16xf32>
        %parallel_loop3A_605 = arith.constant 2 : i32
        %parallel_loop3A_606 = arith.addi %parallel_loop3A_329, %parallel_loop3A_605 : i32
        %parallel_loop3A_607 = arith.index_cast %parallel_loop3A_606 : i32 to index
        %parallel_loop3A_608 = arith.constant 48 : index
        %parallel_loop3A_609 = tpu.vector_load %arg9[%parallel_loop3A_607, %parallel_loop3A_608] {strides = array<i32>} : memref<384x128xf32, #tpu.memory_space<vmem>>, vector<16xf32>,
        %parallel_loop3A_610 = vector.broadcast %parallel_loop3A_531 : f32 to vector<16xf32>
        %parallel_loop3A_611 = arith.mulf %parallel_loop3A_609, %parallel_loop3A_610 : vector<16xf32>
        %parallel_loop3A_612 = arith.addf %parallel_loop3A_604, %parallel_loop3A_611 : vector<16xf32>
        %parallel_loop3A_613 = arith.constant 1 : i32
        %parallel_loop3A_614 = arith.addi %parallel_loop3A_329, %parallel_loop3A_613 : i32
        %parallel_loop3A_615 = arith.index_cast %parallel_loop3A_614 : i32 to index
        %parallel_loop3A_616 = arith.constant 48 : index
        %parallel_loop3A_617 = tpu.vector_load %arg9[%parallel_loop3A_615, %parallel_loop3A_616] {strides = array<i32>} : memref<384x128xf32, #tpu.memory_space<vmem>>, vector<16xf32>,
        %parallel_loop3A_618 = vector.broadcast %parallel_loop3A_533 : f32 to vector<16xf32>
        %parallel_loop3A_619 = arith.mulf %parallel_loop3A_617, %parallel_loop3A_618 : vector<16xf32>
        %parallel_loop3A_620 = arith.addf %parallel_loop3A_612, %parallel_loop3A_619 : vector<16xf32>
        %parallel_loop3A_621 = math.absf %parallel_loop3A_620 : vector<16xf32>
        %parallel_loop3A_622 = arith.index_cast %parallel_loop3A_329 : i32 to index
        %parallel_loop3A_623 = arith.constant 64 : index
        %parallel_loop3A_624 = tpu.vector_load %arg9[%parallel_loop3A_622, %parallel_loop3A_623] {strides = array<i32>} : memref<384x128xf32, #tpu.memory_space<vmem>>, vector<16xf32>,
        %parallel_loop3A_625 = vector.broadcast %parallel_loop3A_399 : f32 to vector<16xf32>
        %parallel_loop3A_626 = arith.mulf %parallel_loop3A_624, %parallel_loop3A_625 : vector<16xf32>
        %parallel_loop3A_627 = arith.constant 2 : i32
        %parallel_loop3A_628 = arith.addi %parallel_loop3A_329, %parallel_loop3A_627 : i32
        %parallel_loop3A_629 = arith.index_cast %parallel_loop3A_628 : i32 to index
        %parallel_loop3A_630 = arith.constant 64 : index
        %parallel_loop3A_631 = tpu.vector_load %arg9[%parallel_loop3A_629, %parallel_loop3A_630] {strides = array<i32>} : memref<384x128xf32, #tpu.memory_space<vmem>>, vector<16xf32>,
        %parallel_loop3A_632 = vector.broadcast %parallel_loop3A_531 : f32 to vector<16xf32>
        %parallel_loop3A_633 = arith.mulf %parallel_loop3A_631, %parallel_loop3A_632 : vector<16xf32>
        %parallel_loop3A_634 = arith.addf %parallel_loop3A_626, %parallel_loop3A_633 : vector<16xf32>
        %parallel_loop3A_635 = arith.constant 1 : i32
        %parallel_loop3A_636 = arith.addi %parallel_loop3A_329, %parallel_loop3A_635 : i32
        %parallel_loop3A_637 = arith.index_cast %parallel_loop3A_636 : i32 to index
        %parallel_loop3A_638 = arith.constant 64 : index
        %parallel_loop3A_639 = tpu.vector_load %arg9[%parallel_loop3A_637, %parallel_loop3A_638] {strides = array<i32>} : memref<384x128xf32, #tpu.memory_space<vmem>>, vector<16xf32>,
        %parallel_loop3A_640 = vector.broadcast %parallel_loop3A_533 : f32 to vector<16xf32>
        %parallel_loop3A_641 = arith.mulf %parallel_loop3A_639, %parallel_loop3A_640 : vector<16xf32>
        %parallel_loop3A_642 = arith.addf %parallel_loop3A_634, %parallel_loop3A_641 : vector<16xf32>
        %parallel_loop3A_643 = math.absf %parallel_loop3A_642 : vector<16xf32>
        %parallel_loop3A_644 = arith.addf %parallel_loop3A_555, %parallel_loop3A_643 : vector<16xf32>
        %parallel_loop3A_645 = arith.index_cast %parallel_loop3A_329 : i32 to index
        %parallel_loop3A_646 = arith.constant 80 : index
        %parallel_loop3A_647 = tpu.vector_load %arg9[%parallel_loop3A_645, %parallel_loop3A_646] {strides = array<i32>} : memref<384x128xf32, #tpu.memory_space<vmem>>, vector<16xf32>,
        %parallel_loop3A_648 = vector.broadcast %parallel_loop3A_399 : f32 to vector<16xf32>
        %parallel_loop3A_649 = arith.mulf %parallel_loop3A_647, %parallel_loop3A_648 : vector<16xf32>
        %parallel_loop3A_650 = arith.constant 2 : i32
        %parallel_loop3A_651 = arith.addi %parallel_loop3A_329, %parallel_loop3A_650 : i32
        %parallel_loop3A_652 = arith.index_cast %parallel_loop3A_651 : i32 to index
        %parallel_loop3A_653 = arith.constant 80 : index
        %parallel_loop3A_654 = tpu.vector_load %arg9[%parallel_loop3A_652, %parallel_loop3A_653] {strides = array<i32>} : memref<384x128xf32, #tpu.memory_space<vmem>>, vector<16xf32>,
        %parallel_loop3A_655 = vector.broadcast %parallel_loop3A_531 : f32 to vector<16xf32>
        %parallel_loop3A_656 = arith.mulf %parallel_loop3A_654, %parallel_loop3A_655 : vector<16xf32>
        %parallel_loop3A_657 = arith.addf %parallel_loop3A_649, %parallel_loop3A_656 : vector<16xf32>
        %parallel_loop3A_658 = arith.constant 1 : i32
        %parallel_loop3A_659 = arith.addi %parallel_loop3A_329, %parallel_loop3A_658 : i32
        %parallel_loop3A_660 = arith.index_cast %parallel_loop3A_659 : i32 to index
        %parallel_loop3A_661 = arith.constant 80 : index
        %parallel_loop3A_662 = tpu.vector_load %arg9[%parallel_loop3A_660, %parallel_loop3A_661] {strides = array<i32>} : memref<384x128xf32, #tpu.memory_space<vmem>>, vector<16xf32>,
        %parallel_loop3A_663 = vector.broadcast %parallel_loop3A_533 : f32 to vector<16xf32>
        %parallel_loop3A_664 = arith.mulf %parallel_loop3A_662, %parallel_loop3A_663 : vector<16xf32>
        %parallel_loop3A_665 = arith.addf %parallel_loop3A_657, %parallel_loop3A_664 : vector<16xf32>
        %parallel_loop3A_666 = math.absf %parallel_loop3A_665 : vector<16xf32>
        %parallel_loop3A_667 = arith.addf %parallel_loop3A_577, %parallel_loop3A_666 : vector<16xf32>
        %parallel_loop3A_668 = arith.index_cast %parallel_loop3A_329 : i32 to index
        %parallel_loop3A_669 = arith.constant 96 : index
        %parallel_loop3A_670 = tpu.vector_load %arg9[%parallel_loop3A_668, %parallel_loop3A_669] {strides = array<i32>} : memref<384x128xf32, #tpu.memory_space<vmem>>, vector<16xf32>,
        %parallel_loop3A_671 = vector.broadcast %parallel_loop3A_399 : f32 to vector<16xf32>
        %parallel_loop3A_672 = arith.mulf %parallel_loop3A_670, %parallel_loop3A_671 : vector<16xf32>
        %parallel_loop3A_673 = arith.constant 2 : i32
        %parallel_loop3A_674 = arith.addi %parallel_loop3A_329, %parallel_loop3A_673 : i32
        %parallel_loop3A_675 = arith.index_cast %parallel_loop3A_674 : i32 to index
        %parallel_loop3A_676 = arith.constant 96 : index
        %parallel_loop3A_677 = tpu.vector_load %arg9[%parallel_loop3A_675, %parallel_loop3A_676] {strides = array<i32>} : memref<384x128xf32, #tpu.memory_space<vmem>>, vector<16xf32>,
        %parallel_loop3A_678 = vector.broadcast %parallel_loop3A_531 : f32 to vector<16xf32>
        %parallel_loop3A_679 = arith.mulf %parallel_loop3A_677, %parallel_loop3A_678 : vector<16xf32>
        %parallel_loop3A_680 = arith.addf %parallel_loop3A_672, %parallel_loop3A_679 : vector<16xf32>
        %parallel_loop3A_681 = arith.constant 1 : i32
        %parallel_loop3A_682 = arith.addi %parallel_loop3A_329, %parallel_loop3A_681 : i32
        %parallel_loop3A_683 = arith.index_cast %parallel_loop3A_682 : i32 to index
        %parallel_loop3A_684 = arith.constant 96 : index
        %parallel_loop3A_685 = tpu.vector_load %arg9[%parallel_loop3A_683, %parallel_loop3A_684] {strides = array<i32>} : memref<384x128xf32, #tpu.memory_space<vmem>>, vector<16xf32>,
        %parallel_loop3A_686 = vector.broadcast %parallel_loop3A_533 : f32 to vector<16xf32>
        %parallel_loop3A_687 = arith.mulf %parallel_loop3A_685, %parallel_loop3A_686 : vector<16xf32>
        %parallel_loop3A_688 = arith.addf %parallel_loop3A_680, %parallel_loop3A_687 : vector<16xf32>
        %parallel_loop3A_689 = math.absf %parallel_loop3A_688 : vector<16xf32>
        %parallel_loop3A_690 = arith.addf %parallel_loop3A_599, %parallel_loop3A_689 : vector<16xf32>
        %parallel_loop3A_691 = arith.index_cast %parallel_loop3A_329 : i32 to index
        %parallel_loop3A_692 = arith.constant 112 : index
        %parallel_loop3A_693 = tpu.vector_load %arg9[%parallel_loop3A_691, %parallel_loop3A_692] {strides = array<i32>} : memref<384x128xf32, #tpu.memory_space<vmem>>, vector<16xf32>,
        %parallel_loop3A_694 = vector.broadcast %parallel_loop3A_399 : f32 to vector<16xf32>
        %parallel_loop3A_695 = arith.mulf %parallel_loop3A_693, %parallel_loop3A_694 : vector<16xf32>
        %parallel_loop3A_696 = arith.constant 2 : i32
        %parallel_loop3A_697 = arith.addi %parallel_loop3A_329, %parallel_loop3A_696 : i32
        %parallel_loop3A_698 = arith.index_cast %parallel_loop3A_697 : i32 to index
        %parallel_loop3A_699 = arith.constant 112 : index
        %parallel_loop3A_700 = tpu.vector_load %arg9[%parallel_loop3A_698, %parallel_loop3A_699] {strides = array<i32>} : memref<384x128xf32, #tpu.memory_space<vmem>>, vector<16xf32>,
        %parallel_loop3A_701 = vector.broadcast %parallel_loop3A_531 : f32 to vector<16xf32>
        %parallel_loop3A_702 = arith.mulf %parallel_loop3A_700, %parallel_loop3A_701 : vector<16xf32>
        %parallel_loop3A_703 = arith.addf %parallel_loop3A_695, %parallel_loop3A_702 : vector<16xf32>
        %parallel_loop3A_704 = arith.constant 1 : i32
        %parallel_loop3A_705 = arith.addi %parallel_loop3A_329, %parallel_loop3A_704 : i32
        %parallel_loop3A_706 = arith.index_cast %parallel_loop3A_705 : i32 to index
        %parallel_loop3A_707 = arith.constant 112 : index
        %parallel_loop3A_708 = tpu.vector_load %arg9[%parallel_loop3A_706, %parallel_loop3A_707] {strides = array<i32>} : memref<384x128xf32, #tpu.memory_space<vmem>>, vector<16xf32>,
        %parallel_loop3A_709 = vector.broadcast %parallel_loop3A_533 : f32 to vector<16xf32>
        %parallel_loop3A_710 = arith.mulf %parallel_loop3A_708, %parallel_loop3A_709 : vector<16xf32>
        %parallel_loop3A_711 = arith.addf %parallel_loop3A_703, %parallel_loop3A_710 : vector<16xf32>
        %parallel_loop3A_712 = math.absf %parallel_loop3A_711 : vector<16xf32>
        %parallel_loop3A_713 = arith.addf %parallel_loop3A_621, %parallel_loop3A_712 : vector<16xf32>
        %parallel_loop3A_714 = arith.addf %parallel_loop3A_644, %parallel_loop3A_667 : vector<16xf32>
        %parallel_loop3A_715 = arith.addf %parallel_loop3A_690, %parallel_loop3A_713 : vector<16xf32>
        %parallel_loop3A_716 = arith.addf %parallel_loop3A_714, %parallel_loop3A_715 : vector<16xf32>
        %parallel_loop3A_717 = arith.constant true
        %parallel_loop3A_718 = vector.broadcast %parallel_loop3A_717 : i1 to vector<16xi1>
        %parallel_loop3A_719 = tpu.scan <sum>, %parallel_loop3A_716 masked %parallel_loop3A_718 : vector<16xf32>, vector<16xi1> -> vector<16xf32>
        %parallel_loop3A_720 = vector.extract %parallel_loop3A_719[15] : f32 from vector<16xf32>
        %parallel_loop3A_721 = arith.constant 3 : i32
        %parallel_loop3A_722 = arith.muli %parallel_loop3A_721, %parallel_loop3A_326 : i32
        %parallel_loop3A_723 = arith.constant 192 : i32
        %parallel_loop3A_724 = arith.addi %parallel_loop3A_723, %parallel_loop3A_722 : i32
        %parallel_loop3A_725 = arith.constant 1 : i32
        %parallel_loop3A_726 = arith.addi %parallel_loop3A_724, %parallel_loop3A_725 : i32
        %parallel_loop3A_727 = arith.constant 2 : i32
        %parallel_loop3A_728 = arith.addi %parallel_loop3A_724, %parallel_loop3A_727 : i32
        %parallel_loop3A_729 = arith.index_cast %parallel_loop3A_724 : i32 to index
        %parallel_loop3A_730 = arith.constant 0 : index
        %parallel_loop3A_731 = tpu.vector_load %arg9[%parallel_loop3A_729, %parallel_loop3A_730] {strides = array<i32>} : memref<384x128xf32, #tpu.memory_space<vmem>>, vector<16xf32>,
        %parallel_loop3A_732 = arith.index_cast %parallel_loop3A_724 : i32 to index
        %parallel_loop3A_733 = arith.constant 16 : index
        %parallel_loop3A_734 = tpu.vector_load %arg9[%parallel_loop3A_732, %parallel_loop3A_733] {strides = array<i32>} : memref<384x128xf32, #tpu.memory_space<vmem>>, vector<16xf32>,
        %parallel_loop3A_735 = arith.mulf %parallel_loop3A_731, %parallel_loop3A_731 : vector<16xf32>
        %parallel_loop3A_736 = arith.mulf %parallel_loop3A_734, %parallel_loop3A_734 : vector<16xf32>
        %parallel_loop3A_737 = arith.index_cast %parallel_loop3A_724 : i32 to index
        %parallel_loop3A_738 = arith.constant 32 : index
        %parallel_loop3A_739 = tpu.vector_load %arg9[%parallel_loop3A_737, %parallel_loop3A_738] {strides = array<i32>} : memref<384x128xf32, #tpu.memory_space<vmem>>, vector<16xf32>,
        %parallel_loop3A_740 = arith.index_cast %parallel_loop3A_724 : i32 to index
        %parallel_loop3A_741 = arith.constant 48 : index
        %parallel_loop3A_742 = tpu.vector_load %arg9[%parallel_loop3A_740, %parallel_loop3A_741] {strides = array<i32>} : memref<384x128xf32, #tpu.memory_space<vmem>>, vector<16xf32>,
        %parallel_loop3A_743 = arith.mulf %parallel_loop3A_739, %parallel_loop3A_739 : vector<16xf32>
        %parallel_loop3A_744 = arith.addf %parallel_loop3A_735, %parallel_loop3A_743 : vector<16xf32>
        %parallel_loop3A_745 = arith.mulf %parallel_loop3A_742, %parallel_loop3A_742 : vector<16xf32>
        %parallel_loop3A_746 = arith.addf %parallel_loop3A_736, %parallel_loop3A_745 : vector<16xf32>
        %parallel_loop3A_747 = arith.index_cast %parallel_loop3A_724 : i32 to index
        %parallel_loop3A_748 = arith.constant 64 : index
        %parallel_loop3A_749 = tpu.vector_load %arg9[%parallel_loop3A_747, %parallel_loop3A_748] {strides = array<i32>} : memref<384x128xf32, #tpu.memory_space<vmem>>, vector<16xf32>,
        %parallel_loop3A_750 = arith.index_cast %parallel_loop3A_724 : i32 to index
        %parallel_loop3A_751 = arith.constant 80 : index
        %parallel_loop3A_752 = tpu.vector_load %arg9[%parallel_loop3A_750, %parallel_loop3A_751] {strides = array<i32>} : memref<384x128xf32, #tpu.memory_space<vmem>>, vector<16xf32>,
        %parallel_loop3A_753 = arith.mulf %parallel_loop3A_749, %parallel_loop3A_749 : vector<16xf32>
        %parallel_loop3A_754 = arith.addf %parallel_loop3A_744, %parallel_loop3A_753 : vector<16xf32>
        %parallel_loop3A_755 = arith.mulf %parallel_loop3A_752, %parallel_loop3A_752 : vector<16xf32>
        %parallel_loop3A_756 = arith.addf %parallel_loop3A_746, %parallel_loop3A_755 : vector<16xf32>
        %parallel_loop3A_757 = arith.index_cast %parallel_loop3A_724 : i32 to index
        %parallel_loop3A_758 = arith.constant 96 : index
        %parallel_loop3A_759 = tpu.vector_load %arg9[%parallel_loop3A_757, %parallel_loop3A_758] {strides = array<i32>} : memref<384x128xf32, #tpu.memory_space<vmem>>, vector<16xf32>,
        %parallel_loop3A_760 = arith.index_cast %parallel_loop3A_724 : i32 to index
        %parallel_loop3A_761 = arith.constant 112 : index
        %parallel_loop3A_762 = tpu.vector_load %arg9[%parallel_loop3A_760, %parallel_loop3A_761] {strides = array<i32>} : memref<384x128xf32, #tpu.memory_space<vmem>>, vector<16xf32>,
        %parallel_loop3A_763 = arith.mulf %parallel_loop3A_759, %parallel_loop3A_759 : vector<16xf32>
        %parallel_loop3A_764 = arith.addf %parallel_loop3A_754, %parallel_loop3A_763 : vector<16xf32>
        %parallel_loop3A_765 = arith.mulf %parallel_loop3A_762, %parallel_loop3A_762 : vector<16xf32>
        %parallel_loop3A_766 = arith.addf %parallel_loop3A_756, %parallel_loop3A_765 : vector<16xf32>
        %parallel_loop3A_767 = arith.addf %parallel_loop3A_764, %parallel_loop3A_766 : vector<16xf32>
        %parallel_loop3A_768 = arith.constant true
        %parallel_loop3A_769 = vector.broadcast %parallel_loop3A_768 : i1 to vector<16xi1>
        %parallel_loop3A_770 = tpu.scan <sum>, %parallel_loop3A_767 masked %parallel_loop3A_769 : vector<16xf32>, vector<16xi1> -> vector<16xf32>
        %parallel_loop3A_771 = vector.extract %parallel_loop3A_770[15] : f32 from vector<16xf32>
        %parallel_loop3A_772 = arith.bitcast %parallel_loop3A_771 : f32 to i32
        %parallel_loop3A_773 = arith.constant 1 : i32
        %parallel_loop3A_774 = arith.shrui %parallel_loop3A_772, %parallel_loop3A_773 : i32
        %parallel_loop3A_775 = arith.constant 1597463007 : i32
        %parallel_loop3A_776 = arith.subi %parallel_loop3A_775, %parallel_loop3A_774 : i32
        %parallel_loop3A_777 = arith.bitcast %parallel_loop3A_776 : i32 to f32
        %parallel_loop3A_778 = arith.constant 5.000000e-01 : f32
        %parallel_loop3A_779 = arith.mulf %parallel_loop3A_771, %parallel_loop3A_778 : f32
        %parallel_loop3A_780 = arith.mulf %parallel_loop3A_779, %parallel_loop3A_777 : f32
        %parallel_loop3A_781 = arith.mulf %parallel_loop3A_780, %parallel_loop3A_777 : f32
        %parallel_loop3A_782 = arith.constant 1.500000e+00 : f32
        %parallel_loop3A_783 = arith.subf %parallel_loop3A_782, %parallel_loop3A_781 : f32
        %parallel_loop3A_784 = arith.mulf %parallel_loop3A_777, %parallel_loop3A_783 : f32
        %parallel_loop3A_785 = arith.mulf %parallel_loop3A_779, %parallel_loop3A_784 : f32
        %parallel_loop3A_786 = arith.mulf %parallel_loop3A_785, %parallel_loop3A_784 : f32
        %parallel_loop3A_787 = arith.constant 1.500000e+00 : f32
        %parallel_loop3A_788 = arith.subf %parallel_loop3A_787, %parallel_loop3A_786 : f32
        %parallel_loop3A_789 = arith.mulf %parallel_loop3A_784, %parallel_loop3A_788 : f32
        %parallel_loop3A_790 = arith.mulf %parallel_loop3A_779, %parallel_loop3A_789 : f32
        %parallel_loop3A_791 = arith.mulf %parallel_loop3A_790, %parallel_loop3A_789 : f32
        %parallel_loop3A_792 = arith.constant 1.500000e+00 : f32
        %parallel_loop3A_793 = arith.subf %parallel_loop3A_792, %parallel_loop3A_791 : f32
        %parallel_loop3A_794 = arith.mulf %parallel_loop3A_789, %parallel_loop3A_793 : f32
        %parallel_loop3A_795 = arith.index_cast %parallel_loop3A_726 : i32 to index
        %parallel_loop3A_796 = arith.constant 0 : index
        %parallel_loop3A_797 = tpu.vector_load %arg9[%parallel_loop3A_795, %parallel_loop3A_796] {strides = array<i32>} : memref<384x128xf32, #tpu.memory_space<vmem>>, vector<16xf32>,
        %parallel_loop3A_798 = arith.index_cast %parallel_loop3A_726 : i32 to index
        %parallel_loop3A_799 = arith.constant 16 : index
        %parallel_loop3A_800 = tpu.vector_load %arg9[%parallel_loop3A_798, %parallel_loop3A_799] {strides = array<i32>} : memref<384x128xf32, #tpu.memory_space<vmem>>, vector<16xf32>,
        %parallel_loop3A_801 = arith.mulf %parallel_loop3A_797, %parallel_loop3A_797 : vector<16xf32>
        %parallel_loop3A_802 = arith.mulf %parallel_loop3A_800, %parallel_loop3A_800 : vector<16xf32>
        %parallel_loop3A_803 = arith.index_cast %parallel_loop3A_726 : i32 to index
        %parallel_loop3A_804 = arith.constant 32 : index
        %parallel_loop3A_805 = tpu.vector_load %arg9[%parallel_loop3A_803, %parallel_loop3A_804] {strides = array<i32>} : memref<384x128xf32, #tpu.memory_space<vmem>>, vector<16xf32>,
        %parallel_loop3A_806 = arith.index_cast %parallel_loop3A_726 : i32 to index
        %parallel_loop3A_807 = arith.constant 48 : index
        %parallel_loop3A_808 = tpu.vector_load %arg9[%parallel_loop3A_806, %parallel_loop3A_807] {strides = array<i32>} : memref<384x128xf32, #tpu.memory_space<vmem>>, vector<16xf32>,
        %parallel_loop3A_809 = arith.mulf %parallel_loop3A_805, %parallel_loop3A_805 : vector<16xf32>
        %parallel_loop3A_810 = arith.addf %parallel_loop3A_801, %parallel_loop3A_809 : vector<16xf32>
        %parallel_loop3A_811 = arith.mulf %parallel_loop3A_808, %parallel_loop3A_808 : vector<16xf32>
        %parallel_loop3A_812 = arith.addf %parallel_loop3A_802, %parallel_loop3A_811 : vector<16xf32>
        %parallel_loop3A_813 = arith.index_cast %parallel_loop3A_726 : i32 to index
        %parallel_loop3A_814 = arith.constant 64 : index
        %parallel_loop3A_815 = tpu.vector_load %arg9[%parallel_loop3A_813, %parallel_loop3A_814] {strides = array<i32>} : memref<384x128xf32, #tpu.memory_space<vmem>>, vector<16xf32>,
        %parallel_loop3A_816 = arith.index_cast %parallel_loop3A_726 : i32 to index
        %parallel_loop3A_817 = arith.constant 80 : index
        %parallel_loop3A_818 = tpu.vector_load %arg9[%parallel_loop3A_816, %parallel_loop3A_817] {strides = array<i32>} : memref<384x128xf32, #tpu.memory_space<vmem>>, vector<16xf32>,
        %parallel_loop3A_819 = arith.mulf %parallel_loop3A_815, %parallel_loop3A_815 : vector<16xf32>
        %parallel_loop3A_820 = arith.addf %parallel_loop3A_810, %parallel_loop3A_819 : vector<16xf32>
        %parallel_loop3A_821 = arith.mulf %parallel_loop3A_818, %parallel_loop3A_818 : vector<16xf32>
        %parallel_loop3A_822 = arith.addf %parallel_loop3A_812, %parallel_loop3A_821 : vector<16xf32>
        %parallel_loop3A_823 = arith.index_cast %parallel_loop3A_726 : i32 to index
        %parallel_loop3A_824 = arith.constant 96 : index
        %parallel_loop3A_825 = tpu.vector_load %arg9[%parallel_loop3A_823, %parallel_loop3A_824] {strides = array<i32>} : memref<384x128xf32, #tpu.memory_space<vmem>>, vector<16xf32>,
        %parallel_loop3A_826 = arith.index_cast %parallel_loop3A_726 : i32 to index
        %parallel_loop3A_827 = arith.constant 112 : index
        %parallel_loop3A_828 = tpu.vector_load %arg9[%parallel_loop3A_826, %parallel_loop3A_827] {strides = array<i32>} : memref<384x128xf32, #tpu.memory_space<vmem>>, vector<16xf32>,
        %parallel_loop3A_829 = arith.mulf %parallel_loop3A_825, %parallel_loop3A_825 : vector<16xf32>
        %parallel_loop3A_830 = arith.addf %parallel_loop3A_820, %parallel_loop3A_829 : vector<16xf32>
        %parallel_loop3A_831 = arith.mulf %parallel_loop3A_828, %parallel_loop3A_828 : vector<16xf32>
        %parallel_loop3A_832 = arith.addf %parallel_loop3A_822, %parallel_loop3A_831 : vector<16xf32>
        %parallel_loop3A_833 = arith.addf %parallel_loop3A_830, %parallel_loop3A_832 : vector<16xf32>
        %parallel_loop3A_834 = arith.constant true
        %parallel_loop3A_835 = vector.broadcast %parallel_loop3A_834 : i1 to vector<16xi1>
        %parallel_loop3A_836 = tpu.scan <sum>, %parallel_loop3A_833 masked %parallel_loop3A_835 : vector<16xf32>, vector<16xi1> -> vector<16xf32>
        %parallel_loop3A_837 = vector.extract %parallel_loop3A_836[15] : f32 from vector<16xf32>
        %parallel_loop3A_838 = arith.bitcast %parallel_loop3A_837 : f32 to i32
        %parallel_loop3A_839 = arith.constant 1 : i32
        %parallel_loop3A_840 = arith.shrui %parallel_loop3A_838, %parallel_loop3A_839 : i32
        %parallel_loop3A_841 = arith.constant 1597463007 : i32
        %parallel_loop3A_842 = arith.subi %parallel_loop3A_841, %parallel_loop3A_840 : i32
        %parallel_loop3A_843 = arith.bitcast %parallel_loop3A_842 : i32 to f32
        %parallel_loop3A_844 = arith.constant 5.000000e-01 : f32
        %parallel_loop3A_845 = arith.mulf %parallel_loop3A_837, %parallel_loop3A_844 : f32
        %parallel_loop3A_846 = arith.mulf %parallel_loop3A_845, %parallel_loop3A_843 : f32
        %parallel_loop3A_847 = arith.mulf %parallel_loop3A_846, %parallel_loop3A_843 : f32
        %parallel_loop3A_848 = arith.constant 1.500000e+00 : f32
        %parallel_loop3A_849 = arith.subf %parallel_loop3A_848, %parallel_loop3A_847 : f32
        %parallel_loop3A_850 = arith.mulf %parallel_loop3A_843, %parallel_loop3A_849 : f32
        %parallel_loop3A_851 = arith.mulf %parallel_loop3A_845, %parallel_loop3A_850 : f32
        %parallel_loop3A_852 = arith.mulf %parallel_loop3A_851, %parallel_loop3A_850 : f32
        %parallel_loop3A_853 = arith.constant 1.500000e+00 : f32
        %parallel_loop3A_854 = arith.subf %parallel_loop3A_853, %parallel_loop3A_852 : f32
        %parallel_loop3A_855 = arith.mulf %parallel_loop3A_850, %parallel_loop3A_854 : f32
        %parallel_loop3A_856 = arith.mulf %parallel_loop3A_845, %parallel_loop3A_855 : f32
        %parallel_loop3A_857 = arith.mulf %parallel_loop3A_856, %parallel_loop3A_855 : f32
        %parallel_loop3A_858 = arith.constant 1.500000e+00 : f32
        %parallel_loop3A_859 = arith.subf %parallel_loop3A_858, %parallel_loop3A_857 : f32
        %parallel_loop3A_860 = arith.mulf %parallel_loop3A_855, %parallel_loop3A_859 : f32
        %parallel_loop3A_861 = arith.index_cast %parallel_loop3A_728 : i32 to index
        %parallel_loop3A_862 = arith.constant 0 : index
        %parallel_loop3A_863 = tpu.vector_load %arg9[%parallel_loop3A_861, %parallel_loop3A_862] {strides = array<i32>} : memref<384x128xf32, #tpu.memory_space<vmem>>, vector<16xf32>,
        %parallel_loop3A_864 = arith.index_cast %parallel_loop3A_728 : i32 to index
        %parallel_loop3A_865 = arith.constant 16 : index
        %parallel_loop3A_866 = tpu.vector_load %arg9[%parallel_loop3A_864, %parallel_loop3A_865] {strides = array<i32>} : memref<384x128xf32, #tpu.memory_space<vmem>>, vector<16xf32>,
        %parallel_loop3A_867 = arith.mulf %parallel_loop3A_863, %parallel_loop3A_863 : vector<16xf32>
        %parallel_loop3A_868 = arith.mulf %parallel_loop3A_866, %parallel_loop3A_866 : vector<16xf32>
        %parallel_loop3A_869 = arith.index_cast %parallel_loop3A_728 : i32 to index
        %parallel_loop3A_870 = arith.constant 32 : index
        %parallel_loop3A_871 = tpu.vector_load %arg9[%parallel_loop3A_869, %parallel_loop3A_870] {strides = array<i32>} : memref<384x128xf32, #tpu.memory_space<vmem>>, vector<16xf32>,
        %parallel_loop3A_872 = arith.index_cast %parallel_loop3A_728 : i32 to index
        %parallel_loop3A_873 = arith.constant 48 : index
        %parallel_loop3A_874 = tpu.vector_load %arg9[%parallel_loop3A_872, %parallel_loop3A_873] {strides = array<i32>} : memref<384x128xf32, #tpu.memory_space<vmem>>, vector<16xf32>,
        %parallel_loop3A_875 = arith.mulf %parallel_loop3A_871, %parallel_loop3A_871 : vector<16xf32>
        %parallel_loop3A_876 = arith.addf %parallel_loop3A_867, %parallel_loop3A_875 : vector<16xf32>
        %parallel_loop3A_877 = arith.mulf %parallel_loop3A_874, %parallel_loop3A_874 : vector<16xf32>
        %parallel_loop3A_878 = arith.addf %parallel_loop3A_868, %parallel_loop3A_877 : vector<16xf32>
        %parallel_loop3A_879 = arith.index_cast %parallel_loop3A_728 : i32 to index
        %parallel_loop3A_880 = arith.constant 64 : index
        %parallel_loop3A_881 = tpu.vector_load %arg9[%parallel_loop3A_879, %parallel_loop3A_880] {strides = array<i32>} : memref<384x128xf32, #tpu.memory_space<vmem>>, vector<16xf32>,
        %parallel_loop3A_882 = arith.index_cast %parallel_loop3A_728 : i32 to index
        %parallel_loop3A_883 = arith.constant 80 : index
        %parallel_loop3A_884 = tpu.vector_load %arg9[%parallel_loop3A_882, %parallel_loop3A_883] {strides = array<i32>} : memref<384x128xf32, #tpu.memory_space<vmem>>, vector<16xf32>,
        %parallel_loop3A_885 = arith.mulf %parallel_loop3A_881, %parallel_loop3A_881 : vector<16xf32>
        %parallel_loop3A_886 = arith.addf %parallel_loop3A_876, %parallel_loop3A_885 : vector<16xf32>
        %parallel_loop3A_887 = arith.mulf %parallel_loop3A_884, %parallel_loop3A_884 : vector<16xf32>
        %parallel_loop3A_888 = arith.addf %parallel_loop3A_878, %parallel_loop3A_887 : vector<16xf32>
        %parallel_loop3A_889 = arith.index_cast %parallel_loop3A_728 : i32 to index
        %parallel_loop3A_890 = arith.constant 96 : index
        %parallel_loop3A_891 = tpu.vector_load %arg9[%parallel_loop3A_889, %parallel_loop3A_890] {strides = array<i32>} : memref<384x128xf32, #tpu.memory_space<vmem>>, vector<16xf32>,
        %parallel_loop3A_892 = arith.index_cast %parallel_loop3A_728 : i32 to index
        %parallel_loop3A_893 = arith.constant 112 : index
        %parallel_loop3A_894 = tpu.vector_load %arg9[%parallel_loop3A_892, %parallel_loop3A_893] {strides = array<i32>} : memref<384x128xf32, #tpu.memory_space<vmem>>, vector<16xf32>,
        %parallel_loop3A_895 = arith.mulf %parallel_loop3A_891, %parallel_loop3A_891 : vector<16xf32>
        %parallel_loop3A_896 = arith.addf %parallel_loop3A_886, %parallel_loop3A_895 : vector<16xf32>
        %parallel_loop3A_897 = arith.mulf %parallel_loop3A_894, %parallel_loop3A_894 : vector<16xf32>
        %parallel_loop3A_898 = arith.addf %parallel_loop3A_888, %parallel_loop3A_897 : vector<16xf32>
        %parallel_loop3A_899 = arith.addf %parallel_loop3A_896, %parallel_loop3A_898 : vector<16xf32>
        %parallel_loop3A_900 = arith.constant true
        %parallel_loop3A_901 = vector.broadcast %parallel_loop3A_900 : i1 to vector<16xi1>
        %parallel_loop3A_902 = tpu.scan <sum>, %parallel_loop3A_899 masked %parallel_loop3A_901 : vector<16xf32>, vector<16xi1> -> vector<16xf32>
        %parallel_loop3A_903 = vector.extract %parallel_loop3A_902[15] : f32 from vector<16xf32>
        %parallel_loop3A_904 = arith.bitcast %parallel_loop3A_903 : f32 to i32
        %parallel_loop3A_905 = arith.constant 1 : i32
        %parallel_loop3A_906 = arith.shrui %parallel_loop3A_904, %parallel_loop3A_905 : i32
        %parallel_loop3A_907 = arith.constant 1597463007 : i32
        %parallel_loop3A_908 = arith.subi %parallel_loop3A_907, %parallel_loop3A_906 : i32
        %parallel_loop3A_909 = arith.bitcast %parallel_loop3A_908 : i32 to f32
        %parallel_loop3A_910 = arith.constant 5.000000e-01 : f32
        %parallel_loop3A_911 = arith.mulf %parallel_loop3A_903, %parallel_loop3A_910 : f32
        %parallel_loop3A_912 = arith.mulf %parallel_loop3A_911, %parallel_loop3A_909 : f32
        %parallel_loop3A_913 = arith.mulf %parallel_loop3A_912, %parallel_loop3A_909 : f32
        %parallel_loop3A_914 = arith.constant 1.500000e+00 : f32
        %parallel_loop3A_915 = arith.subf %parallel_loop3A_914, %parallel_loop3A_913 : f32
        %parallel_loop3A_916 = arith.mulf %parallel_loop3A_909, %parallel_loop3A_915 : f32
        %parallel_loop3A_917 = arith.mulf %parallel_loop3A_911, %parallel_loop3A_916 : f32
        %parallel_loop3A_918 = arith.mulf %parallel_loop3A_917, %parallel_loop3A_916 : f32
        %parallel_loop3A_919 = arith.constant 1.500000e+00 : f32
        %parallel_loop3A_920 = arith.subf %parallel_loop3A_919, %parallel_loop3A_918 : f32
        %parallel_loop3A_921 = arith.mulf %parallel_loop3A_916, %parallel_loop3A_920 : f32
        %parallel_loop3A_922 = arith.mulf %parallel_loop3A_911, %parallel_loop3A_921 : f32
        %parallel_loop3A_923 = arith.mulf %parallel_loop3A_922, %parallel_loop3A_921 : f32
        %parallel_loop3A_924 = arith.constant 1.500000e+00 : f32
        %parallel_loop3A_925 = arith.subf %parallel_loop3A_924, %parallel_loop3A_923 : f32
        %parallel_loop3A_926 = arith.mulf %parallel_loop3A_921, %parallel_loop3A_925 : f32
        %parallel_loop3A_927 = arith.constant 0.000000e+00 : f32
        %parallel_loop3A_928 = arith.subf %parallel_loop3A_927, %parallel_loop3A_860 : f32
        %parallel_loop3A_929 = arith.index_cast %parallel_loop3A_724 : i32 to index
        %parallel_loop3A_930 = arith.constant 0 : index
        %parallel_loop3A_931 = tpu.vector_load %arg9[%parallel_loop3A_929, %parallel_loop3A_930] {strides = array<i32>} : memref<384x128xf32, #tpu.memory_space<vmem>>, vector<16xf32>,
        %parallel_loop3A_932 = vector.broadcast %parallel_loop3A_794 : f32 to vector<16xf32>
        %parallel_loop3A_933 = arith.mulf %parallel_loop3A_931, %parallel_loop3A_932 : vector<16xf32>
        %parallel_loop3A_934 = arith.constant 2 : i32
        %parallel_loop3A_935 = arith.addi %parallel_loop3A_724, %parallel_loop3A_934 : i32
        %parallel_loop3A_936 = arith.index_cast %parallel_loop3A_935 : i32 to index
        %parallel_loop3A_937 = arith.constant 0 : index
        %parallel_loop3A_938 = tpu.vector_load %arg9[%parallel_loop3A_936, %parallel_loop3A_937] {strides = array<i32>} : memref<384x128xf32, #tpu.memory_space<vmem>>, vector<16xf32>,
        %parallel_loop3A_939 = vector.broadcast %parallel_loop3A_926 : f32 to vector<16xf32>
        %parallel_loop3A_940 = arith.mulf %parallel_loop3A_938, %parallel_loop3A_939 : vector<16xf32>
        %parallel_loop3A_941 = arith.addf %parallel_loop3A_933, %parallel_loop3A_940 : vector<16xf32>
        %parallel_loop3A_942 = arith.constant 1 : i32
        %parallel_loop3A_943 = arith.addi %parallel_loop3A_724, %parallel_loop3A_942 : i32
        %parallel_loop3A_944 = arith.index_cast %parallel_loop3A_943 : i32 to index
        %parallel_loop3A_945 = arith.constant 0 : index
        %parallel_loop3A_946 = tpu.vector_load %arg9[%parallel_loop3A_944, %parallel_loop3A_945] {strides = array<i32>} : memref<384x128xf32, #tpu.memory_space<vmem>>, vector<16xf32>,
        %parallel_loop3A_947 = vector.broadcast %parallel_loop3A_928 : f32 to vector<16xf32>
        %parallel_loop3A_948 = arith.mulf %parallel_loop3A_946, %parallel_loop3A_947 : vector<16xf32>
        %parallel_loop3A_949 = arith.addf %parallel_loop3A_941, %parallel_loop3A_948 : vector<16xf32>
        %parallel_loop3A_950 = math.absf %parallel_loop3A_949 : vector<16xf32>
        %parallel_loop3A_951 = arith.index_cast %parallel_loop3A_724 : i32 to index
        %parallel_loop3A_952 = arith.constant 16 : index
        %parallel_loop3A_953 = tpu.vector_load %arg9[%parallel_loop3A_951, %parallel_loop3A_952] {strides = array<i32>} : memref<384x128xf32, #tpu.memory_space<vmem>>, vector<16xf32>,
        %parallel_loop3A_954 = vector.broadcast %parallel_loop3A_794 : f32 to vector<16xf32>
        %parallel_loop3A_955 = arith.mulf %parallel_loop3A_953, %parallel_loop3A_954 : vector<16xf32>
        %parallel_loop3A_956 = arith.constant 2 : i32
        %parallel_loop3A_957 = arith.addi %parallel_loop3A_724, %parallel_loop3A_956 : i32
        %parallel_loop3A_958 = arith.index_cast %parallel_loop3A_957 : i32 to index
        %parallel_loop3A_959 = arith.constant 16 : index
        %parallel_loop3A_960 = tpu.vector_load %arg9[%parallel_loop3A_958, %parallel_loop3A_959] {strides = array<i32>} : memref<384x128xf32, #tpu.memory_space<vmem>>, vector<16xf32>,
        %parallel_loop3A_961 = vector.broadcast %parallel_loop3A_926 : f32 to vector<16xf32>
        %parallel_loop3A_962 = arith.mulf %parallel_loop3A_960, %parallel_loop3A_961 : vector<16xf32>
        %parallel_loop3A_963 = arith.addf %parallel_loop3A_955, %parallel_loop3A_962 : vector<16xf32>
        %parallel_loop3A_964 = arith.constant 1 : i32
        %parallel_loop3A_965 = arith.addi %parallel_loop3A_724, %parallel_loop3A_964 : i32
        %parallel_loop3A_966 = arith.index_cast %parallel_loop3A_965 : i32 to index
        %parallel_loop3A_967 = arith.constant 16 : index
        %parallel_loop3A_968 = tpu.vector_load %arg9[%parallel_loop3A_966, %parallel_loop3A_967] {strides = array<i32>} : memref<384x128xf32, #tpu.memory_space<vmem>>, vector<16xf32>,
        %parallel_loop3A_969 = vector.broadcast %parallel_loop3A_928 : f32 to vector<16xf32>
        %parallel_loop3A_970 = arith.mulf %parallel_loop3A_968, %parallel_loop3A_969 : vector<16xf32>
        %parallel_loop3A_971 = arith.addf %parallel_loop3A_963, %parallel_loop3A_970 : vector<16xf32>
        %parallel_loop3A_972 = math.absf %parallel_loop3A_971 : vector<16xf32>
        %parallel_loop3A_973 = arith.index_cast %parallel_loop3A_724 : i32 to index
        %parallel_loop3A_974 = arith.constant 32 : index
        %parallel_loop3A_975 = tpu.vector_load %arg9[%parallel_loop3A_973, %parallel_loop3A_974] {strides = array<i32>} : memref<384x128xf32, #tpu.memory_space<vmem>>, vector<16xf32>,
        %parallel_loop3A_976 = vector.broadcast %parallel_loop3A_794 : f32 to vector<16xf32>
        %parallel_loop3A_977 = arith.mulf %parallel_loop3A_975, %parallel_loop3A_976 : vector<16xf32>
        %parallel_loop3A_978 = arith.constant 2 : i32
        %parallel_loop3A_979 = arith.addi %parallel_loop3A_724, %parallel_loop3A_978 : i32
        %parallel_loop3A_980 = arith.index_cast %parallel_loop3A_979 : i32 to index
        %parallel_loop3A_981 = arith.constant 32 : index
        %parallel_loop3A_982 = tpu.vector_load %arg9[%parallel_loop3A_980, %parallel_loop3A_981] {strides = array<i32>} : memref<384x128xf32, #tpu.memory_space<vmem>>, vector<16xf32>,
        %parallel_loop3A_983 = vector.broadcast %parallel_loop3A_926 : f32 to vector<16xf32>
        %parallel_loop3A_984 = arith.mulf %parallel_loop3A_982, %parallel_loop3A_983 : vector<16xf32>
        %parallel_loop3A_985 = arith.addf %parallel_loop3A_977, %parallel_loop3A_984 : vector<16xf32>
        %parallel_loop3A_986 = arith.constant 1 : i32
        %parallel_loop3A_987 = arith.addi %parallel_loop3A_724, %parallel_loop3A_986 : i32
        %parallel_loop3A_988 = arith.index_cast %parallel_loop3A_987 : i32 to index
        %parallel_loop3A_989 = arith.constant 32 : index
        %parallel_loop3A_990 = tpu.vector_load %arg9[%parallel_loop3A_988, %parallel_loop3A_989] {strides = array<i32>} : memref<384x128xf32, #tpu.memory_space<vmem>>, vector<16xf32>,
        %parallel_loop3A_991 = vector.broadcast %parallel_loop3A_928 : f32 to vector<16xf32>
        %parallel_loop3A_992 = arith.mulf %parallel_loop3A_990, %parallel_loop3A_991 : vector<16xf32>
        %parallel_loop3A_993 = arith.addf %parallel_loop3A_985, %parallel_loop3A_992 : vector<16xf32>
        %parallel_loop3A_994 = math.absf %parallel_loop3A_993 : vector<16xf32>
        %parallel_loop3A_995 = arith.index_cast %parallel_loop3A_724 : i32 to index
        %parallel_loop3A_996 = arith.constant 48 : index
        %parallel_loop3A_997 = tpu.vector_load %arg9[%parallel_loop3A_995, %parallel_loop3A_996] {strides = array<i32>} : memref<384x128xf32, #tpu.memory_space<vmem>>, vector<16xf32>,
        %parallel_loop3A_998 = vector.broadcast %parallel_loop3A_794 : f32 to vector<16xf32>
        %parallel_loop3A_999 = arith.mulf %parallel_loop3A_997, %parallel_loop3A_998 : vector<16xf32>
        %parallel_loop3A_1000 = arith.constant 2 : i32
        %parallel_loop3A_1001 = arith.addi %parallel_loop3A_724, %parallel_loop3A_1000 : i32
        %parallel_loop3A_1002 = arith.index_cast %parallel_loop3A_1001 : i32 to index
        %parallel_loop3A_1003 = arith.constant 48 : index
        %parallel_loop3A_1004 = tpu.vector_load %arg9[%parallel_loop3A_1002, %parallel_loop3A_1003] {strides = array<i32>} : memref<384x128xf32, #tpu.memory_space<vmem>>, vector<16xf32>,
        %parallel_loop3A_1005 = vector.broadcast %parallel_loop3A_926 : f32 to vector<16xf32>
        %parallel_loop3A_1006 = arith.mulf %parallel_loop3A_1004, %parallel_loop3A_1005 : vector<16xf32>
        %parallel_loop3A_1007 = arith.addf %parallel_loop3A_999, %parallel_loop3A_1006 : vector<16xf32>
        %parallel_loop3A_1008 = arith.constant 1 : i32
        %parallel_loop3A_1009 = arith.addi %parallel_loop3A_724, %parallel_loop3A_1008 : i32
        %parallel_loop3A_1010 = arith.index_cast %parallel_loop3A_1009 : i32 to index
        %parallel_loop3A_1011 = arith.constant 48 : index
        %parallel_loop3A_1012 = tpu.vector_load %arg9[%parallel_loop3A_1010, %parallel_loop3A_1011] {strides = array<i32>} : memref<384x128xf32, #tpu.memory_space<vmem>>, vector<16xf32>,
        %parallel_loop3A_1013 = vector.broadcast %parallel_loop3A_928 : f32 to vector<16xf32>
        %parallel_loop3A_1014 = arith.mulf %parallel_loop3A_1012, %parallel_loop3A_1013 : vector<16xf32>
        %parallel_loop3A_1015 = arith.addf %parallel_loop3A_1007, %parallel_loop3A_1014 : vector<16xf32>
        %parallel_loop3A_1016 = math.absf %parallel_loop3A_1015 : vector<16xf32>
        %parallel_loop3A_1017 = arith.index_cast %parallel_loop3A_724 : i32 to index
        %parallel_loop3A_1018 = arith.constant 64 : index
        %parallel_loop3A_1019 = tpu.vector_load %arg9[%parallel_loop3A_1017, %parallel_loop3A_1018] {strides = array<i32>} : memref<384x128xf32, #tpu.memory_space<vmem>>, vector<16xf32>,
        %parallel_loop3A_1020 = vector.broadcast %parallel_loop3A_794 : f32 to vector<16xf32>
        %parallel_loop3A_1021 = arith.mulf %parallel_loop3A_1019, %parallel_loop3A_1020 : vector<16xf32>
        %parallel_loop3A_1022 = arith.constant 2 : i32
        %parallel_loop3A_1023 = arith.addi %parallel_loop3A_724, %parallel_loop3A_1022 : i32
        %parallel_loop3A_1024 = arith.index_cast %parallel_loop3A_1023 : i32 to index
        %parallel_loop3A_1025 = arith.constant 64 : index
        %parallel_loop3A_1026 = tpu.vector_load %arg9[%parallel_loop3A_1024, %parallel_loop3A_1025] {strides = array<i32>} : memref<384x128xf32, #tpu.memory_space<vmem>>, vector<16xf32>,
        %parallel_loop3A_1027 = vector.broadcast %parallel_loop3A_926 : f32 to vector<16xf32>
        %parallel_loop3A_1028 = arith.mulf %parallel_loop3A_1026, %parallel_loop3A_1027 : vector<16xf32>
        %parallel_loop3A_1029 = arith.addf %parallel_loop3A_1021, %parallel_loop3A_1028 : vector<16xf32>
        %parallel_loop3A_1030 = arith.constant 1 : i32
        %parallel_loop3A_1031 = arith.addi %parallel_loop3A_724, %parallel_loop3A_1030 : i32
        %parallel_loop3A_1032 = arith.index_cast %parallel_loop3A_1031 : i32 to index
        %parallel_loop3A_1033 = arith.constant 64 : index
        %parallel_loop3A_1034 = tpu.vector_load %arg9[%parallel_loop3A_1032, %parallel_loop3A_1033] {strides = array<i32>} : memref<384x128xf32, #tpu.memory_space<vmem>>, vector<16xf32>,
        %parallel_loop3A_1035 = vector.broadcast %parallel_loop3A_928 : f32 to vector<16xf32>
        %parallel_loop3A_1036 = arith.mulf %parallel_loop3A_1034, %parallel_loop3A_1035 : vector<16xf32>
        %parallel_loop3A_1037 = arith.addf %parallel_loop3A_1029, %parallel_loop3A_1036 : vector<16xf32>
        %parallel_loop3A_1038 = math.absf %parallel_loop3A_1037 : vector<16xf32>
        %parallel_loop3A_1039 = arith.addf %parallel_loop3A_950, %parallel_loop3A_1038 : vector<16xf32>
        %parallel_loop3A_1040 = arith.index_cast %parallel_loop3A_724 : i32 to index
        %parallel_loop3A_1041 = arith.constant 80 : index
        %parallel_loop3A_1042 = tpu.vector_load %arg9[%parallel_loop3A_1040, %parallel_loop3A_1041] {strides = array<i32>} : memref<384x128xf32, #tpu.memory_space<vmem>>, vector<16xf32>,
        %parallel_loop3A_1043 = vector.broadcast %parallel_loop3A_794 : f32 to vector<16xf32>
        %parallel_loop3A_1044 = arith.mulf %parallel_loop3A_1042, %parallel_loop3A_1043 : vector<16xf32>
        %parallel_loop3A_1045 = arith.constant 2 : i32
        %parallel_loop3A_1046 = arith.addi %parallel_loop3A_724, %parallel_loop3A_1045 : i32
        %parallel_loop3A_1047 = arith.index_cast %parallel_loop3A_1046 : i32 to index
        %parallel_loop3A_1048 = arith.constant 80 : index
        %parallel_loop3A_1049 = tpu.vector_load %arg9[%parallel_loop3A_1047, %parallel_loop3A_1048] {strides = array<i32>} : memref<384x128xf32, #tpu.memory_space<vmem>>, vector<16xf32>,
        %parallel_loop3A_1050 = vector.broadcast %parallel_loop3A_926 : f32 to vector<16xf32>
        %parallel_loop3A_1051 = arith.mulf %parallel_loop3A_1049, %parallel_loop3A_1050 : vector<16xf32>
        %parallel_loop3A_1052 = arith.addf %parallel_loop3A_1044, %parallel_loop3A_1051 : vector<16xf32>
        %parallel_loop3A_1053 = arith.constant 1 : i32
        %parallel_loop3A_1054 = arith.addi %parallel_loop3A_724, %parallel_loop3A_1053 : i32
        %parallel_loop3A_1055 = arith.index_cast %parallel_loop3A_1054 : i32 to index
        %parallel_loop3A_1056 = arith.constant 80 : index
        %parallel_loop3A_1057 = tpu.vector_load %arg9[%parallel_loop3A_1055, %parallel_loop3A_1056] {strides = array<i32>} : memref<384x128xf32, #tpu.memory_space<vmem>>, vector<16xf32>,
        %parallel_loop3A_1058 = vector.broadcast %parallel_loop3A_928 : f32 to vector<16xf32>
        %parallel_loop3A_1059 = arith.mulf %parallel_loop3A_1057, %parallel_loop3A_1058 : vector<16xf32>
        %parallel_loop3A_1060 = arith.addf %parallel_loop3A_1052, %parallel_loop3A_1059 : vector<16xf32>
        %parallel_loop3A_1061 = math.absf %parallel_loop3A_1060 : vector<16xf32>
        %parallel_loop3A_1062 = arith.addf %parallel_loop3A_972, %parallel_loop3A_1061 : vector<16xf32>
        %parallel_loop3A_1063 = arith.index_cast %parallel_loop3A_724 : i32 to index
        %parallel_loop3A_1064 = arith.constant 96 : index
        %parallel_loop3A_1065 = tpu.vector_load %arg9[%parallel_loop3A_1063, %parallel_loop3A_1064] {strides = array<i32>} : memref<384x128xf32, #tpu.memory_space<vmem>>, vector<16xf32>,
        %parallel_loop3A_1066 = vector.broadcast %parallel_loop3A_794 : f32 to vector<16xf32>
        %parallel_loop3A_1067 = arith.mulf %parallel_loop3A_1065, %parallel_loop3A_1066 : vector<16xf32>
        %parallel_loop3A_1068 = arith.constant 2 : i32
        %parallel_loop3A_1069 = arith.addi %parallel_loop3A_724, %parallel_loop3A_1068 : i32
        %parallel_loop3A_1070 = arith.index_cast %parallel_loop3A_1069 : i32 to index
        %parallel_loop3A_1071 = arith.constant 96 : index
        %parallel_loop3A_1072 = tpu.vector_load %arg9[%parallel_loop3A_1070, %parallel_loop3A_1071] {strides = array<i32>} : memref<384x128xf32, #tpu.memory_space<vmem>>, vector<16xf32>,
        %parallel_loop3A_1073 = vector.broadcast %parallel_loop3A_926 : f32 to vector<16xf32>
        %parallel_loop3A_1074 = arith.mulf %parallel_loop3A_1072, %parallel_loop3A_1073 : vector<16xf32>
        %parallel_loop3A_1075 = arith.addf %parallel_loop3A_1067, %parallel_loop3A_1074 : vector<16xf32>
        %parallel_loop3A_1076 = arith.constant 1 : i32
        %parallel_loop3A_1077 = arith.addi %parallel_loop3A_724, %parallel_loop3A_1076 : i32
        %parallel_loop3A_1078 = arith.index_cast %parallel_loop3A_1077 : i32 to index
        %parallel_loop3A_1079 = arith.constant 96 : index
        %parallel_loop3A_1080 = tpu.vector_load %arg9[%parallel_loop3A_1078, %parallel_loop3A_1079] {strides = array<i32>} : memref<384x128xf32, #tpu.memory_space<vmem>>, vector<16xf32>,
        %parallel_loop3A_1081 = vector.broadcast %parallel_loop3A_928 : f32 to vector<16xf32>
        %parallel_loop3A_1082 = arith.mulf %parallel_loop3A_1080, %parallel_loop3A_1081 : vector<16xf32>
        %parallel_loop3A_1083 = arith.addf %parallel_loop3A_1075, %parallel_loop3A_1082 : vector<16xf32>
        %parallel_loop3A_1084 = math.absf %parallel_loop3A_1083 : vector<16xf32>
        %parallel_loop3A_1085 = arith.addf %parallel_loop3A_994, %parallel_loop3A_1084 : vector<16xf32>
        %parallel_loop3A_1086 = arith.index_cast %parallel_loop3A_724 : i32 to index
        %parallel_loop3A_1087 = arith.constant 112 : index
        %parallel_loop3A_1088 = tpu.vector_load %arg9[%parallel_loop3A_1086, %parallel_loop3A_1087] {strides = array<i32>} : memref<384x128xf32, #tpu.memory_space<vmem>>, vector<16xf32>,
        %parallel_loop3A_1089 = vector.broadcast %parallel_loop3A_794 : f32 to vector<16xf32>
        %parallel_loop3A_1090 = arith.mulf %parallel_loop3A_1088, %parallel_loop3A_1089 : vector<16xf32>
        %parallel_loop3A_1091 = arith.constant 2 : i32
        %parallel_loop3A_1092 = arith.addi %parallel_loop3A_724, %parallel_loop3A_1091 : i32
        %parallel_loop3A_1093 = arith.index_cast %parallel_loop3A_1092 : i32 to index
        %parallel_loop3A_1094 = arith.constant 112 : index
        %parallel_loop3A_1095 = tpu.vector_load %arg9[%parallel_loop3A_1093, %parallel_loop3A_1094] {strides = array<i32>} : memref<384x128xf32, #tpu.memory_space<vmem>>, vector<16xf32>,
        %parallel_loop3A_1096 = vector.broadcast %parallel_loop3A_926 : f32 to vector<16xf32>
        %parallel_loop3A_1097 = arith.mulf %parallel_loop3A_1095, %parallel_loop3A_1096 : vector<16xf32>
        %parallel_loop3A_1098 = arith.addf %parallel_loop3A_1090, %parallel_loop3A_1097 : vector<16xf32>
        %parallel_loop3A_1099 = arith.constant 1 : i32
        %parallel_loop3A_1100 = arith.addi %parallel_loop3A_724, %parallel_loop3A_1099 : i32
        %parallel_loop3A_1101 = arith.index_cast %parallel_loop3A_1100 : i32 to index
        %parallel_loop3A_1102 = arith.constant 112 : index
        %parallel_loop3A_1103 = tpu.vector_load %arg9[%parallel_loop3A_1101, %parallel_loop3A_1102] {strides = array<i32>} : memref<384x128xf32, #tpu.memory_space<vmem>>, vector<16xf32>,
        %parallel_loop3A_1104 = vector.broadcast %parallel_loop3A_928 : f32 to vector<16xf32>
        %parallel_loop3A_1105 = arith.mulf %parallel_loop3A_1103, %parallel_loop3A_1104 : vector<16xf32>
        %parallel_loop3A_1106 = arith.addf %parallel_loop3A_1098, %parallel_loop3A_1105 : vector<16xf32>
        %parallel_loop3A_1107 = math.absf %parallel_loop3A_1106 : vector<16xf32>
        %parallel_loop3A_1108 = arith.addf %parallel_loop3A_1016, %parallel_loop3A_1107 : vector<16xf32>
        %parallel_loop3A_1109 = arith.addf %parallel_loop3A_1039, %parallel_loop3A_1062 : vector<16xf32>
        %parallel_loop3A_1110 = arith.addf %parallel_loop3A_1085, %parallel_loop3A_1108 : vector<16xf32>
        %parallel_loop3A_1111 = arith.addf %parallel_loop3A_1109, %parallel_loop3A_1110 : vector<16xf32>
        %parallel_loop3A_1112 = arith.constant true
        %parallel_loop3A_1113 = vector.broadcast %parallel_loop3A_1112 : i1 to vector<16xi1>
        %parallel_loop3A_1114 = tpu.scan <sum>, %parallel_loop3A_1111 masked %parallel_loop3A_1113 : vector<16xf32>, vector<16xi1> -> vector<16xf32>
        %parallel_loop3A_1115 = vector.extract %parallel_loop3A_1114[15] : f32 from vector<16xf32>
        %parallel_loop3A_1116 = arith.subf %parallel_loop3A_1115, %parallel_loop3A_720 : f32
        %parallel_loop3A_1117 = arith.constant 5.000000e-01 : f32
        %parallel_loop3A_1118 = arith.addf %parallel_loop3A_1116, %parallel_loop3A_1117 : f32
        %parallel_loop3A_1119 = arith.constant 0.000000e+00 : f32
        %parallel_loop3A_1120 = arith.maximumf %parallel_loop3A_1118, %parallel_loop3A_1119 : f32
        %parallel_loop3A_1121 = arith.addf %parallel_loop3A_327, %parallel_loop3A_1120 : f32
        scf.yield %parallel_loop3A_1121 : f32
      } {sc.loop_unroll_factor = 1 : i64, sc.parallel_access}
      scf.yield %parallel_loop3A_325 : f32
    }
    %scan3A_197 = arith.constant 4 : i32
    %broadcast_in_dim3A = arith.constant 0.000000e+00 : f32
    %broadcast_in_dim3A_198 = vector.broadcast %broadcast_in_dim3A : f32 to vector<16xf32>
    %add3A_199 = vector.broadcast %scan3A_196 : f32 to vector<16xf32>
    %add3A_200 = arith.addf %broadcast_in_dim3A_198, %add3A_199 : vector<16xf32>
    %swap3A = arith.constant 0 : index
    %swap3A_201 = tpu.vector_load %arg10[%swap3A] {strides = array<i32>} : memref<16xf32, #tpu.memory_space<vmem>>, vector<16xf32>,
    tpu.vector_store %arg10[%swap3A], %add3A_200 {strides = array<i32>} : memref<16xf32, #tpu.memory_space<vmem>>, vector<16xf32>,
    "tpu.region"() ({
      %run_scoped3A = tpu.sem_alloc : memref<!tpu.dma_semaphore, #tpu.memory_space<semaphore_mem>>
      %dma_start3A_202 = arith.constant 0 : i32
      %dma_start3A_203 = tpu.memref_slice %arg5[%add3A, %dma_start3A_202] : memref<32x16xf32, #tpu.memory_space<hbm>> -> memref<1x16xf32, #tpu.memory_space<hbm>>
      %dma_start3A_204 = tpu.memref_squeeze %dma_start3A_203 : memref<1x16xf32, #tpu.memory_space<hbm>> -> memref<16xf32, #tpu.memory_space<hbm>>
      %dma_start3A_205 = arith.constant 0 : i32
      %dma_start3A_206 = tpu.memref_slice %arg5[%add3A, %dma_start3A_205] : memref<32x16xf32, #tpu.memory_space<hbm>> -> memref<1x16xf32, #tpu.memory_space<hbm>>
      %dma_start3A_207 = tpu.memref_squeeze %dma_start3A_206 : memref<1x16xf32, #tpu.memory_space<hbm>> -> memref<16xf32, #tpu.memory_space<hbm>>
      tpu.enqueue_dma source(%arg10 : memref<16xf32, #tpu.memory_space<vmem>>) target(%dma_start3A_207 : memref<16xf32, #tpu.memory_space<hbm>>) target_semaphore(%run_scoped3A : memref<!tpu.dma_semaphore, #tpu.memory_space<semaphore_mem>>)
      %dma_wait3A = arith.constant 0 : i32
      %dma_wait3A_208 = tpu.memref_slice %arg5[%add3A, %dma_wait3A] : memref<32x16xf32, #tpu.memory_space<hbm>> -> memref<1x16xf32, #tpu.memory_space<hbm>>
      %dma_wait3A_209 = tpu.memref_squeeze %dma_wait3A_208 : memref<1x16xf32, #tpu.memory_space<hbm>> -> memref<16xf32, #tpu.memory_space<hbm>>
      %dma_wait3A_210 = arith.constant 0 : i32
      %dma_wait3A_211 = tpu.memref_slice %arg5[%add3A, %dma_wait3A_210] : memref<32x16xf32, #tpu.memory_space<hbm>> -> memref<1x16xf32, #tpu.memory_space<hbm>>
      %dma_wait3A_212 = tpu.memref_squeeze %dma_wait3A_211 : memref<1x16xf32, #tpu.memory_space<hbm>> -> memref<16xf32, #tpu.memory_space<hbm>>
      tpu.wait_dma2 semaphore(%run_scoped3A : memref<!tpu.dma_semaphore, #tpu.memory_space<semaphore_mem>>) src(%arg10 : memref<16xf32, #tpu.memory_space<vmem>>) dst(%dma_wait3A_212 : memref<16xf32, #tpu.memory_space<hbm>>)
      tpu.yield
    }) : () -> ()
    return
  }
}

</mosaic_0001>

<sc_bundles>
// kernel: kernel.3.cloned.1.call-start
scs
__scs_entry_jumppad:
0x0: {  	(pc) =	sbr.rel $0x88, $3  }
0x1: {  	(tag) =	ssettag $0x0;
	lr =	simm.s32 $0x1  }
0x2: {  	[smem:$0x3F9E] =	sst lr;
	_ =	strace $0xD0000000  }
0x3: {  	_ = 	snop  }
0x4: {  	_ = 	snop  }
0x5: {  	_ = 	snop  }
0x6: {  	_ = 	snop  }
0x7: {  	_ = 	snop  }
__scs_overlays_trampoline_lowered:
0x8: {  	[smem:$0x3FAD] =	sst s0  }
0x9: {  	[smem:$0x3FAE] =	sst s1  }
0xa: {  	[smem:$0x3FAF] =	sst s2  }
0xb: {  	[smem:$0x3FB0] =	sst s3  }
0xc: {  	[smem:$0x3FB1] =	sst s4  }
0xd: {  	[smem:$0x3FB2] =	sst s5  }
0xe: {  	[smem:$0x3FB3] =	sst s6  }
0xf: {  	[smem:$0x3FB4] =	sst s7  }
0x10: {  	[smem:$0x3FB5] =	sst s8  }
0x11: {  	[smem:$0x3FB6] =	sst s9;
	s0 =	simm.s32 @!p0 $0x0  }
0x12: {  	s1 =	sld [smem:$0x3F9C];
	s0 =	simm.s32 @p0 $0x1  }
0x13: {  	[smem:$0x3FB7] =	sst s0;
	s0 =	simm.s32 @!p1 $0x0  }
0x14: {  	s2 =	sld [smem:$0x3F9B];
	s0 =	simm.s32 @p1 $0x1  }
0x15: {  	[smem:$0x3FB8] =	sst s0;
	s0 =	simm.s32 @!p2 $0x0  }
0x16: {  	s3 =	sld [smem:$0x3FDB];
	s0 =	simm.s32 @p2 $0x1  }
0x17: {  	s4 =	simm.s32 $0x1BF5;
	[smem:$0x3FBA] =	sst s0  }
0x18: {  	s0 =	sld [smem:$0x3F9D];
	_ =	swait.ge [sflag:s4], $0x0  }
0x19: {  	s7 =	sld [smem:$0x3F9E]  }
0x1a: {  	s8 =	sadd.s32 $0xFFFFE003, lr  }
0x1b: {  	s9 =	sadd.s32 $0xFFFFFEF7, lr;
	s5 =	simm.s32 $0xFFFFFFFF;
	p2 =	slt.u32 s8, $0xFFFFF086  }
0x1c: {  	p1 =	slt.u32 s9, $0xF7A;
	s5 =	simm.s32 @!p2 $0x0  }
0x1d: {  	s5 =	simm.s32 @p1 $0x1;
	p0 =	seq.s32 s7, s2  }
0x1e: {  	s7 =	smul.u32 @!p0 $0xF7A, s2;
	p2 =	seq.s32 @!p0 s5, $0x0  }
0x1f: {  	s9 =	smul.u32 $0xF7A, s1;
	s8 =	simm.s32 @!p0 $0x1BF5;
	p2 =	por !p2, p0  }
0x20: {  	[sflag:s8] =	ssyncset.s32 @!p0 $0xFFFFF086;
	s6 =	sadd.s32 @!p0 s3, s7;
	s7 =	simm.s32 @!p0 $0x108  }
0x21: {  	s3 =	sadd.s32 s3, s9;
	s6 =	sadd.s32 @!p0 $0x88, s6;
	s7 =	simm.s32 @p2 $0x1082  }
0x22: {  	[simem:s7], [sflag:s8] =	dma.local @!p0 [hbm:s6], $0xF7A  }
0x23: {  	s9 =	sor.u32 $0xD0000000, s2;
	s6 =	simm.s32 $0x108;
	_ =	swait.ge @!p0 [sflag:s8], $0x0  }
0x24: {  	s3 =	sadd.s32 $0x88, s3;
	s6 =	simm.s32 @!p1 $0x1082;
	[sflag:s4] =	ssyncset.s32 $0xFFFFF086  }
0x25: {  	[simem:s6], [sflag:s4] =	dma.local [hbm:s3], $0xF7A  }
0x26: {  	[smem:$0x3F9E] =	sst s1;
	(tag) =	ssettag s2;
	_ =	strace s9  }
0x27: {  	s1 =	sld [smem:$0x3FAE]  }
0x28: {  	s2 =	sld [smem:$0x3FAF]  }
0x29: {  	s4 =	sld [smem:$0x3FB1]  }
0x2a: {  	p0 =	seq.s32 s5, $0x0;
	s5 =	sld [smem:$0x3FB2]  }
0x2b: {  	s6 =	sld [smem:$0x3FB3]  }
0x2c: {  	s7 =	sld [smem:$0x3FB4]  }
0x2d: {  	s3 =	simm.s32 $0x108;
	s8 =	sld [smem:$0x3FB5]  }
0x2e: {  	s3 =	simm.s32 @!p0 $0x1082;
	s9 =	sld [smem:$0x3FB6]  }
0x2f: {  	lr =	sadd.s32 s0, s3;
	s0 =	sld [smem:$0x3FAD]  }
0x30: {  	s3 =	sld [smem:$0x3FB0]  }
0x31: {  	[smem:$0x3FB9] =	sst s10  }
0x32: {  	s10 =	sld [smem:$0x3FB7];
	_ =	sdelay $0x3  }
0x33: {  	p0 =	seq.s32 s10, $0x1;
	s10 =	sld [smem:$0x3FB9];
	_ =	sdelay $0x3  }
0x34: {  	[smem:$0x3FB9] =	sst s10  }
0x35: {  	s10 =	sld [smem:$0x3FB8];
	_ =	sdelay $0x3  }
0x36: {  	p1 =	seq.s32 s10, $0x1;
	s10 =	sld [smem:$0x3FB9];
	_ =	sdelay $0x3  }
0x37: {  	[smem:$0x3FB9] =	sst s10  }
0x38: {  	s10 =	sld [smem:$0x3FBA]  }
0x39: {  	_ = 	snop;
	(pc) =	sbr.ind lr, $3  }
0x3a: {  	_ = 	snop  }
0x3b: {  	_ = 	snop  }
0x3c: {  	p2 =	seq.s32 s10, $0x1;
	s10 =	sld [smem:$0x3FB9]  }
0x3d: {  	_ =	shalt  }
0x3e: {  	_ =	shalt  }
0x3f: {  	_ =	shalt  }
0x40: {  	_ =	shalt  }
0x41: {  	_ =	shalt  }
0x42: {  	_ =	shalt  }
0x43: {  	_ =	shalt  }
0x44: {  	_ =	shalt  }
0x45: {  	_ =	shalt  }
0x46: {  	_ =	shalt  }
0x47: {  	_ =	shalt  }
0x48: {  	_ =	shalt  }
0x49: {  	_ =	shalt  }
0x4a: {  	_ =	shalt  }
0x4b: {  	_ =	shalt  }
0x4c: {  	_ =	shalt  }
0x4d: {  	_ =	shalt  }
0x4e: {  	_ =	shalt  }
0x4f: {  	_ =	shalt  }
0x50: {  	_ =	shalt  }
0x51: {  	_ =	shalt  }
0x52: {  	_ =	shalt  }
0x53: {  	_ =	shalt  }
0x54: {  	_ =	shalt  }
0x55: {  	_ =	shalt  }
0x56: {  	_ =	shalt  }
0x57: {  	_ =	shalt  }
0x58: {  	_ =	shalt  }
0x59: {  	_ =	shalt  }
0x5a: {  	_ =	shalt  }
0x5b: {  	_ =	shalt  }
0x5c: {  	_ =	shalt  }
0x5d: {  	_ =	shalt  }
0x5e: {  	_ =	shalt  }
0x5f: {  	_ =	shalt  }
0x60: {  	_ =	shalt  }
0x61: {  	_ =	shalt  }
0x62: {  	_ =	shalt  }
0x63: {  	_ =	shalt  }
0x64: {  	_ =	shalt  }
0x65: {  	_ =	shalt  }
0x66: {  	_ =	shalt  }
0x67: {  	_ =	shalt  }
0x68: {  	_ =	shalt  }
0x69: {  	_ =	shalt  }
0x6a: {  	_ =	shalt  }
0x6b: {  	_ =	shalt  }
0x6c: {  	_ =	shalt  }
0x6d: {  	_ =	shalt  }
0x6e: {  	_ =	shalt  }
0x6f: {  	_ =	shalt  }
0x70: {  	_ =	shalt  }
0x71: {  	_ =	shalt  }
0x72: {  	_ =	shalt  }
0x73: {  	_ =	shalt  }
0x74: {  	_ =	shalt  }
0x75: {  	_ =	shalt  }
0x76: {  	_ =	shalt  }
0x77: {  	_ =	shalt  }
0x78: {  	_ =	shalt  }
0x79: {  	_ =	shalt  }
0x7a: {  	_ =	shalt  }
0x7b: {  	_ =	shalt  }
0x7c: {  	_ =	shalt  }
0x7d: {  	_ =	shalt  }
0x7e: {  	_ =	shalt  }
0x7f: {  	_ =	shalt  }
0x80: {  	_ =	shalt  }
0x81: {  	_ =	shalt  }
0x82: {  	_ =	shalt  }
0x83: {  	_ =	shalt  }
0x84: {  	_ =	shalt  }
0x85: {  	_ =	shalt  }
0x86: {  	_ =	shalt  }
0x87: {  	_ =	shalt  }
.Lfunc_end0:
.L_simem_size_0:
called_computation_lowered:
.L_overlay_start_0:
0x88: {  	s2 =	sld [smem:$0x3FD9]  }
0x89: {  	s3 =	sld [smem:$0x3FFE];
	_ =	sdelay $0x1  }
0x8a: {  	s1 =	srdreg.scid  }
0x8b: {  	s0 =	sand.u32 $0x1, s1  }
0x8c: {  	s17 =	sshll.u32 s0, $0xA;
	s2 =	sadd.s32 s3, s2  }
0x8d: {  	s2 =	sadd.s32 s2, s17  }
0x8e: {  	[smem:$0x3FC5] =	sst s2  }
0x8f: {  	_ = 	snop  }
0x90: {  	s2 =	sld [smem:$0x3FC9];
	(tm) =	ssettm $0x1  }
0x91: {  	s18 =	sld [smem:$0x3FFB];
	_ =	sdelay $0x3  }
0x92: {  	_ =	strace s18  }
0x93: {  	s3 =	sld [smem:$0x3FFC];
	_ =	sdelay $0x3  }
0x94: {  	_ =	strace s3  }
0x95: {  	s3 =	sld [smem:$0x3FFD];
	_ =	sdelay $0x3  }
0x96: {  	_ =	strace s3  }
0x97: {  	_ =	strace $0x8FFFFFFF  }
0x98: {  	s19 =	sld [smem:$0x3FDB];
	_ =	sdelay $0x1  }
0x99: {  	s4 =	simm.s32 $_scs_section_size  }
0x9a: {  	s5 =	simm.s32 $_size__tile_overlayer_lowered;
	s6 =	simm.s32 $_tile_overlayer_lowered  }
0x9b: {  	s22 =	simm.s32 $0x1BFF;
	s21 =	sshll.u32 s6, $0x1;
	s3 =	sadd.s32 s4, s19  }
0x9c: {  	s7 =	simm.s32 $0x0;
	s20 =	sshll.u32 s5, $0x1;
	s5 =	sadd.s32 s21, s3  }
0x9d: {  	[timem:s7], [sflag:s22] =	dma.local [hbm:s5], s20  }
0x9e: {  	_ =	swait.ge [sflag:s22], s20  }
0x9f: {  	s4 =	ssub.s32 $0x0, s20;
	[sflag:s22] =	ssyncset.done $0x0  }
0xa0: {  	[sflag:s22] =	ssyncadd.s32 s4;
	_ =	sdelay $0x1  }
0xa1: {  	s23 =	simm.s32 $0x1B8B  }
0xa2: {  	_ =	swait.ge [sflag:s23], $0x1  }
0xa3: {  	[sflag:s23] =	ssyncset.done $0x0  }
0xa4: {  	s25 =	simm.s32 $0x1B8E;
	s24 =	sld [smem:$0x3FFE];
	[sflag:s23] =	ssyncadd.s32 $0xFFFFFFFF  }
0xa5: {  	s26 =	simm.s32 $execute0_lowered;
	[smem:$0x3FD2] =	sst s25  }
0xa6: {  	s5 =	sshll.u32 s26, $0x1;
	_ =	strace $0x80000046;
	[dreg:$0x1] =	wrdreg $0xFFFFFFFF  }
0xa7: {  	s28 =	simm.s32 $_size_execute0_lowered;
	s3 =	sadd.s32 s3, s5;
	[dreg:$0x0] =	wrdreg $0x0  }
0xa8: {  	s5 =	sshll.u32 s28, $0x1;
	[dreg:$0x2] =	wrdreg s3  }
0xa9: {  	[dreg:$0x3] =	wrdreg s5  }
0xaa: {  	[dreg:$0x4] =	wrdreg $0xC0  }
0xab: {  	_ =	task [dreg:s7], $0x5FFFF  }
0xac: {  	[dreg:$0x1] =	wrdreg $0xFFFFFFFF  }
0xad: {  	[dreg:$0x0] =	wrdreg $0x60  }
0xae: {  	[dreg:$0x2] =	wrdreg s2  }
0xaf: {  	[dreg:$0x3] =	wrdreg s24  }
0xb0: {  	[dreg:$0x4] =	wrdreg $0x9  }
0xb1: {  	_ =	task.clear_ibuf [dreg:s7], $0x5FFFF;
	_ =	strace $0x90000046  }
0xb2: {  	s29 =	simm.s32 $0x9;
	_ =	strace $0x80000048  }
0xb3: {  	_ =	swait.ge [sflag:s29], $0x1  }
0xb4: {  	[sflag:s29] =	ssyncadd.s32 $0xFFFFFFFF  }
0xb5: {  	_ =	strace $0x90000048  }
0xb6: {  	_ =	sfence  }
0xb7: {  	s30 =	sld [smem:$0x0];
	_ =	sdelay $0x2  }
0xb8: {  	s31 =	sshll.u32 s1, $0xD;
	s1 =	sshrl.u32 s1, $0x2  }
0xb9: {  	s3 =	sand.u32 $0x4000, s31;
	s1 =	sadd.s32 s1, s30  }
0xba: {  	s0 =	sor.u32 s3, s0;
	s1 =	sshll.u32 s1, $0x11  }
0xbb: {  	s0 =	sor.u32 s1, s0  }
0xbc: {  	s0 =	sadd.s32 $0x8F2B, s0  }
0xbd: {  	[sflag:s0] =	ssyncadd.remote.s32 $0x1  }
0xbe: {  	_ =	sfence.sel $0xFFFF  }
0xbf: {  	[dreg:$0x0] =	wrdreg $0xFFFFFFFF;
	(pc) =	sbr.abs _section_cstart, $3  }
0xc0: {  	[dreg:$0x1] =	wrdreg $0xFFFFFFFF  }
0xc1: {  	_ =	task.clear_ibuf [dreg:s7], $0x2FFFF;
	_ =	strace $0x9FFFFFFF  }
0xc2: {  	(tm) =	ssettm $0x7FFFFFFF  }
0xc3: {  	_ =	shalt  }
tec
execute0_lowered:
.L_overlay_start_1:
0x0: {  	(tag) =	ssettag $0x1  }
0x1: {  	s1 =	rddreg [dreg:$0x0]  }
0x2: {  	s0 =	rddreg [dreg:$0x1]  }
0x3: {  	s2 =	srdreg.scid;
	s4 =	stileid.u32  }
0x4: {  	s3 =	simm.s32 $0x0;
	s2 =	sand.u32 $0x1, s2;
	s4 =	sshll.u32 s4, $0x1  }
0x5: {  	[smem:$0x7FF] =	sst s3;
	s4 =	sor.u32 s2, s4  }
0x6: {  	s5 =	sadd.s32 $0x200, s0;
	s7 =	sshll.u32 s4, $0x4;
	s4 =	sshll.u32 s4, $0xD  }
0x7: {  	s6 =	sadd.s32 $0x40200, s0;
	_ =	strace $0x80000047;
	s15 =	sadd.s32 s5, s4  }
0x8: {  	s16 =	sor.u32 $0x400, s4;
	s17 =	sor.u32 $0x800, s4;
	s9 =	sor.u32 $0xC00, s4  }
0x9: {  	s19 =	sor.u32 $0x1000, s4;
	s20 =	sor.u32 $0x1400, s4;
	s12 =	sor.u32 $0x1800, s4  }
0xa: {  	s22 =	sor.u32 $0x1C00, s4;
	s4 =	sadd.s32 s6, s4;
	[dreg:$0x3] =	wrdreg s15  }
0xb: {  	s8 =	sadd.s32 s5, s16;
	[dreg:$0xb] =	wrdreg s4  }
0xc: {  	s10 =	sadd.s32 s5, s17;
	[dreg:$0x4] =	wrdreg s8  }
0xd: {  	s18 =	sadd.s32 s5, s9;
	[dreg:$0x5] =	wrdreg s10  }
0xe: {  	s11 =	sadd.s32 s5, s19;
	[dreg:$0x6] =	wrdreg s18  }
0xf: {  	s13 =	sadd.s32 s5, s20;
	[dreg:$0x7] =	wrdreg s11  }
0x10: {  	s21 =	sadd.s32 s5, s12;
	[dreg:$0x8] =	wrdreg s13  }
0x11: {  	s5 =	sadd.s32 s5, s22;
	[dreg:$0x9] =	wrdreg s21  }
0x12: {  	s23 =	sadd.s32 s6, s16;
	[dreg:$0xa] =	wrdreg s5  }
0x13: {  	s24 =	sadd.s32 s6, s17;
	[dreg:$0xc] =	wrdreg s23  }
0x14: {  	s25 =	sadd.s32 s6, s9;
	[dreg:$0xd] =	wrdreg s24  }
0x15: {  	s2 =	ssub.s32 $0x2, s2;
	s26 =	sadd.s32 s6, s19;
	[dreg:$0xe] =	wrdreg s25  }
0x16: {  	s14 =	sshrl.u32 s2, $0x1;
	s28 =	sadd.s32 s6, s20;
	[dreg:$0xf] =	wrdreg s26  }
0x17: {  	s0 =	sadd.s32 s7, s0;
	s29 =	sadd.s32 s6, s12;
	[dreg:$0x10] =	wrdreg s28  }
0x18: {  	s2 =	ssub.s32 s2, s14;
	s30 =	sadd.s32 s6, s22;
	[dreg:$0x11] =	wrdreg s29  }
0x19: {  	s0 =	sadd.s32 $0x80200, s0;
	s31 =	smax.u32 s2, $0x1;
	[dreg:$0x12] =	wrdreg s30  }
0x1a: {  	s22 =	simm.s32 $0x3;
	s9 =	simm.s32 $0x2000;
	[dreg:$0x13] =	wrdreg s0  }
0x1b: {  	s4 =	simm.s32 $0x0;
	[dreg:$0x14] =	wrdreg s31;
	s23 =	simm.s32 $0x80  }
0x1c: {  	v10 =	vlaneseq.u32;
	v11 =	vimm.s32 $0x0;
	s26 =	simm.s32 $0x40;
	s25 =	simm.s32 $0x1;
	s0 =	simm.s32 $0x2  }
.LBB2_1:
0x1d: {  	v0 =	vor.u32 s3, v10  }
0x1e: {  	v1 =	vmulhi.u32 $0xAAAAAAAB, v0;
	_ =	sdelay $0x1  }
0x1f: {  	v1 =	vshrl.u32 v1, $0x1  }
0x20: {  	v2 =	vmul.u32 $0xFFFFFFFD, v1  }
0x21: {  	s2 =	simm.s32 $0x10;
	v3 =	vmov s3;
	v4 =	vsub.s32 $0x0, v0  }
0x22: {  	v5 =	vor.u32 s2, v10;
	vm0 =	veq.s32 v3, v10;
	vm1 =	vne.s32 v2, v4  }
0x23: {  	v2 =	vmulhi.u32 $0xAAAAAAAB, v5;
	vm0 =	vmand vm0, vm1  }
0x24: {  	v3 =	vsel vm0, $0xFFFFFFFF, v11  }
0x25: {  	v2 =	vshrl.u32 v2, $0x1;
	v1 =	vadd.s32 v3, v1  }
0x26: {  	v6 =	vmov s2;
	v4 =	vmul.u32 $0xFFFFFFFD, v2;
	v3 =	vmul.u32 $0xFFFFFFFD, v1  }
0x27: {  	s30 =	simm.s32 $0x20;
	v7 =	vsub.s32 $0x0, v5;
	vm0 =	veq.s32 v6, v10;
	v1 =	vshll.u32 v1, $0x7  }
0x28: {  	vm1 =	vne.s32 v4, v7;
	v0 =	vadd.s32 v0, v3;
	v3 =	vor.u32 s30, v10  }
0x29: {  	vm0 =	vmand vm0, vm1;
	v4 =	vand.u32 $0xFFFFFF80, v0;
	v6 =	vmulhi.u32 $0xAAAAAAAB, v3  }
0x2a: {  	[dreg:$0x15] =	wrdreg s4;
	v7 =	vsel vm0, $0xFFFFFFFF, v11;
	v0 =	vand.u32 $0x7F, v0;
	v1 =	vadd.s32 v1, v4  }
0x2b: {  	s31 =	simm.s32 $0x30;
	s5 =	rddreg [dreg:$0x3];
	v2 =	vadd.s32 v7, v2;
	v1 =	vor.u32 v0, v1;
	v4 =	vshrl.u32 v6, $0x1  }
0x2c: {  	[tilespmem:s3], [sflag:$0x3] =	stream.linear.gather [hbm4b:s5+s3], $0x2000, $0x38;
	v8 =	vmov s30;
	v6 =	vmul.u32 $0xFFFFFFFD, v2;
	v7 =	vmul.u32 $0xFFFFFFFD, v4;
	[tilespmem:$0x1AC80] =	vst v63  }
0x2d: {  	_ =	swait.ge [sflag:s22], $0x2000;
	v9 =	vsub.s32 $0x0, v3;
	vm0 =	veq.s32 v8, v10;
	v0 =	vor.u32 s31, v10  }
0x2e: {  	[sflag:s22] =	ssyncset.done $0x0;
	v2 =	vshll.u32 v2, $0x7;
	v5 =	vadd.s32 v5, v6;
	vm1 =	vne.s32 v7, v9  }
0x2f: {  	[sflag:s22] =	ssyncadd.s32 $0xFFFFE000;
	v6 =	vand.u32 $0xFFFFFF80, v5;
	v5 =	vand.u32 $0x7F, v5;
	vm0 =	vmand vm0, vm1  }
0x30: {  	v7 =	vld.idx.msk [tilespmem:v1+s3+$0x0], $0xffff;
	v1 =	vadd.s32 v2, v6;
	v2 =	vmulhi.u32 $0xAAAAAAAB, v0;
	v6 =	vsel vm0, $0xFFFFFFFF, v11  }
0x31: {  	v5 =	vor.u32 v5, v1;
	v4 =	vadd.s32 v6, v4  }
0x32: {  	v8 =	vmov s31;
	v2 =	vshrl.u32 v2, $0x1;
	v6 =	vmul.u32 $0xFFFFFFFD, v4  }
0x33: {  	s2 =	simm.s32 $0x40;
	vm0 =	veq.s32 v8, v10;
	v9 =	vmul.u32 $0xFFFFFFFD, v2  }
0x34: {  	v8 =	vsub.s32 $0x0, v0;
	v1 =	vor.u32 s2, v10;
	v6 =	vadd.s32 v3, v6  }
0x35: {  	[tilespmem:s9+$0x0] =	vst v7;
	vm1 =	vne.s32 v9, v8;
	v7 =	vand.u32 $0xFFFFFF80, v6;
	v8 =	vshll.u32 v4, $0x7  }
0x36: {  	s4 =	simm.s32 $0x2000;
	s5 =	simm.s32 $0x50;
	v4 =	vand.u32 $0x7F, v6;
	v3 =	vld.idx.msk [tilespmem:v5+s3+$0x0], $0xffff;
	vm0 =	vmand vm0, vm1;
	v5 =	vadd.s32 v8, v7  }
.LBB2_2:
0x37: {  	p0 =	sne.s32 s5, $0xB0;
	v6 =	vmulhi.u32 $0xAAAAAAAB, v1;
	v7 =	vsel vm0, $0xFFFFFFFF, v11;
	v4 =	vor.u32 v4, v5  }
0x38: {  	v5 =	vadd.s32 v7, v2  }
.Ltmp0:
0x39: {  	v2 =	vshrl.u32 v6, $0x1;
	v6 =	vmul.u32 $0xFFFFFFFD, v5;
	(pc) =	sbr.rel @p0 .LBB2_2-.Ltmp0, $4  }
0x3a: {  	v8 =	vmov s2;
	s4 =	sadd.s32 $0x10, s4;
	s2 =	smov.u32 s5;
	v7 =	vor.u32 s5, v10;
	v9 =	vmul.u32 $0xFFFFFFFD, v2  }
0x3b: {  	vm0 =	veq.s32 v8, v10;
	v8 =	vsub.s32 $0x0, v1;
	v6 =	vadd.s32 v0, v6;
	[tilespmem:s4+$0x0] =	vst v3;
	v0 =	vmovc v1  }
0x3c: {  	v5 =	vshll.u32 v5, $0x7;
	v1 =	vmovc v7;
	vm1 =	vne.s32 v9, v8;
	v8 =	vand.u32 $0xFFFFFF80, v6;
	v3 =	vld.idx.msk [tilespmem:v4+s3+$0x0], $0xffff  }
0x3d: {  	s5 =	sadd.s32 $0x10, s5;
	v4 =	vand.u32 $0x7F, v6;
	vm0 =	vmand vm0, vm1;
	v5 =	vadd.s32 v5, v8  }
0x3e: {  	v6 =	vmulhi.u32 $0xAAAAAAAB, v1  }
0x3f: {  	v7 =	vsel vm0, $0xFFFFFFFF, v11  }
0x40: {  	v4 =	vor.u32 v4, v5;
	v2 =	vadd.s32 v7, v2;
	v6 =	vshrl.u32 v6, $0x1  }
0x41: {  	v7 =	vmul.u32 $0xFFFFFFFD, v2;
	v5 =	vmul.u32 $0xFFFFFFFD, v6  }
0x42: {  	v8 =	vmov s2;
	v9 =	vsub.s32 $0x0, v1  }
0x43: {  	s28 =	sadd.s32 $0x10, s4;
	vm0 =	veq.s32 v8, v10;
	v0 =	vadd.s32 v0, v7;
	vm1 =	vne.s32 v5, v9  }
0x44: {  	v2 =	vshll.u32 v2, $0x7;
	[tilespmem:s28+$0x0] =	vst v3;
	v3 =	vand.u32 $0xFFFFFF80, v0;
	vm0 =	vmand vm0, vm1  }
0x45: {  	v4 =	vld.idx.msk [tilespmem:v4+s3+$0x0], $0xffff;
	v0 =	vand.u32 $0x7F, v0;
	v2 =	vadd.s32 v2, v3;
	v5 =	vsel vm0, $0xFFFFFFFF, v11  }
0x46: {  	s29 =	simm.s32 $0x0;
	v0 =	vor.u32 v0, v2;
	v3 =	vadd.s32 v5, v6  }
0x47: {  	v5 =	vor.u32 s29, v10;
	v2 =	vmul.u32 $0xFFFFFFFD, v3  }
0x48: {  	v6 =	vmulhi.u32 $0xAAAAAAAB, v5  }
0x49: {  	s2 =	sadd.s32 $0x10, s28;
	v1 =	vadd.s32 v1, v2  }
0x4a: {  	v3 =	vshll.u32 v3, $0x7;
	[tilespmem:s2+$0x0] =	vst v4;
	v6 =	vshrl.u32 v6, $0x1;
	v2 =	vand.u32 $0xFFFFFF80, v1  }
0x4b: {  	v1 =	vand.u32 $0x7F, v1;
	v0 =	vld.idx.msk [tilespmem:v0+s3+$0x0], $0xffff;
	v2 =	vadd.s32 v3, v2;
	v3 =	vmul.u32 $0xFFFFFFFD, v6  }
0x4c: {  	s5 =	simm.s32 $0x10;
	v4 =	vsub.s32 $0x0, v5;
	v1 =	vor.u32 v1, v2;
	v2 =	vmov s29  }
0x4d: {  	v7 =	vor.u32 s5, v10;
	vm0 =	veq.s32 v2, v10;
	vm1 =	vne.s32 v3, v4  }
0x4e: {  	v2 =	vmulhi.u32 $0xAAAAAAAB, v7;
	vm0 =	vmand vm0, vm1  }
0x4f: {  	s2 =	sadd.s32 $0x10, s2;
	v3 =	vsel vm0, $0xFFFFFFFF, v11  }
0x50: {  	v2 =	vshrl.u32 v2, $0x1;
	[tilespmem:s2+$0x0] =	vst v0;
	v3 =	vadd.s32 v3, v6  }
0x51: {  	v4 =	vmul.u32 $0xFFFFFFFD, v2;
	v6 =	vmov s5;
	v0 =	vmul.u32 $0xFFFFFFFD, v3;
	v1 =	vld.idx.msk [tilespmem:v1+s3+$0x0], $0xffff  }
0x52: {  	s30 =	simm.s32 $0x20;
	v8 =	vsub.s32 $0x0, v7;
	vm0 =	veq.s32 v6, v10;
	v3 =	vshll.u32 v3, $0x7  }
0x53: {  	vm1 =	vne.s32 v4, v8;
	v4 =	vor.u32 s30, v10;
	v0 =	vadd.s32 v5, v0  }
0x54: {  	vm0 =	vmand vm0, vm1;
	v6 =	vmulhi.u32 $0xAAAAAAAB, v4;
	v5 =	vand.u32 $0xFFFFFF80, v0  }
0x55: {  	s2 =	sadd.s32 $0x10, s2;
	v8 =	vsel vm0, $0xFFFFFFFF, v11;
	v0 =	vand.u32 $0x7F, v0;
	v3 =	vadd.s32 v3, v5  }
0x56: {  	s6 =	simm.s32 $0x30;
	s31 =	rddreg [dreg:$0x4];
	v2 =	vadd.s32 v8, v2;
	[tilespmem:s2+$0x0] =	vst v1;
	v1 =	vor.u32 v0, v3;
	v3 =	vshrl.u32 v6, $0x1  }
0x57: {  	v8 =	vmov s30;
	v5 =	vmul.u32 $0xFFFFFFFD, v2;
	[tilespmem:s29], [sflag:$0x3] =	stream.linear.gather [hbm4b:s31+s29], $0x2000, $0x38;
	v6 =	vmul.u32 $0xFFFFFFFD, v3;
	[tilespmem:$0x1AC80] =	vst v63  }
0x58: {  	v9 =	vsub.s32 $0x0, v4;
	v0 =	vor.u32 s6, v10;
	vm0 =	veq.s32 v8, v10;
	_ =	swait.ge [sflag:s22], $0x2000  }
0x59: {  	v2 =	vshll.u32 v2, $0x7;
	v5 =	vadd.s32 v7, v5;
	[sflag:s22] =	ssyncset.done $0x0;
	vm1 =	vne.s32 v6, v9  }
0x5a: {  	v6 =	vand.u32 $0xFFFFFF80, v5;
	v5 =	vand.u32 $0x7F, v5;
	[sflag:s22] =	ssyncadd.s32 $0xFFFFE000;
	vm0 =	vmand vm0, vm1  }
0x5b: {  	v7 =	vld.idx.msk [tilespmem:v1+s3+$0x0], $0xffff;
	v1 =	vadd.s32 v2, v6;
	v2 =	vmulhi.u32 $0xAAAAAAAB, v0;
	v6 =	vsel vm0, $0xFFFFFFFF, v11  }
0x5c: {  	v5 =	vor.u32 v5, v1;
	v3 =	vadd.s32 v6, v3  }
0x5d: {  	v8 =	vmov s6;
	v2 =	vshrl.u32 v2, $0x1;
	v6 =	vmul.u32 $0xFFFFFFFD, v3  }
0x5e: {  	s2 =	simm.s32 $0x40;
	vm0 =	veq.s32 v8, v10;
	v9 =	vmul.u32 $0xFFFFFFFD, v2  }
0x5f: {  	s4 =	simm.s32 $0x20C0;
	v8 =	vsub.s32 $0x0, v0;
	v1 =	vor.u32 s2, v10;
	v4 =	vadd.s32 v4, v6  }
0x60: {  	[tilespmem:s4+$0x0] =	vst v7;
	vm1 =	vne.s32 v9, v8;
	v6 =	vand.u32 $0xFFFFFF80, v4;
	v7 =	vshll.u32 v3, $0x7  }
0x61: {  	s5 =	simm.s32 $0x50;
	v4 =	vand.u32 $0x7F, v4;
	v3 =	vld.idx.msk [tilespmem:v5+s3+$0x0], $0xffff;
	vm0 =	vmand vm0, vm1;
	v5 =	vadd.s32 v7, v6  }
.LBB2_4:
0x62: {  	p0 =	sne.s32 s5, $0xB0;
	v6 =	vmulhi.u32 $0xAAAAAAAB, v1;
	v7 =	vsel vm0, $0xFFFFFFFF, v11;
	v4 =	vor.u32 v4, v5  }
0x63: {  	v5 =	vadd.s32 v7, v2  }
.Ltmp1:
0x64: {  	v2 =	vshrl.u32 v6, $0x1;
	v6 =	vmul.u32 $0xFFFFFFFD, v5;
	(pc) =	sbr.rel @p0 .LBB2_4-.Ltmp1, $4  }
0x65: {  	v8 =	vmov s2;
	s4 =	sadd.s32 $0x10, s4;
	s2 =	smov.u32 s5;
	v7 =	vor.u32 s5, v10;
	v9 =	vmul.u32 $0xFFFFFFFD, v2  }
0x66: {  	vm0 =	veq.s32 v8, v10;
	v8 =	vsub.s32 $0x0, v1;
	v6 =	vadd.s32 v0, v6;
	[tilespmem:s4+$0x0] =	vst v3;
	v0 =	vmovc v1  }
0x67: {  	v5 =	vshll.u32 v5, $0x7;
	v1 =	vmovc v7;
	vm1 =	vne.s32 v9, v8;
	v8 =	vand.u32 $0xFFFFFF80, v6;
	v3 =	vld.idx.msk [tilespmem:v4+s3+$0x0], $0xffff  }
0x68: {  	s5 =	sadd.s32 $0x10, s5;
	v4 =	vand.u32 $0x7F, v6;
	vm0 =	vmand vm0, vm1;
	v5 =	vadd.s32 v5, v8  }
0x69: {  	v6 =	vmulhi.u32 $0xAAAAAAAB, v1  }
0x6a: {  	v7 =	vsel vm0, $0xFFFFFFFF, v11  }
0x6b: {  	v4 =	vor.u32 v4, v5;
	v2 =	vadd.s32 v7, v2;
	v5 =	vshrl.u32 v6, $0x1  }
0x6c: {  	v6 =	vmul.u32 $0xFFFFFFFD, v2;
	v7 =	vmul.u32 $0xFFFFFFFD, v5  }
0x6d: {  	v8 =	vmov s2;
	v9 =	vsub.s32 $0x0, v1  }
0x6e: {  	s30 =	sadd.s32 $0x10, s4;
	vm0 =	veq.s32 v8, v10;
	v0 =	vadd.s32 v0, v6;
	vm1 =	vne.s32 v7, v9  }
0x6f: {  	v2 =	vshll.u32 v2, $0x7;
	[tilespmem:s30+$0x0] =	vst v3;
	v3 =	vand.u32 $0xFFFFFF80, v0;
	vm0 =	vmand vm0, vm1  }
0x70: {  	v4 =	vld.idx.msk [tilespmem:v4+s3+$0x0], $0xffff;
	v0 =	vand.u32 $0x7F, v0;
	v2 =	vadd.s32 v2, v3;
	v3 =	vsel vm0, $0xFFFFFFFF, v11  }
0x71: {  	s6 =	simm.s32 $0x0;
	v0 =	vor.u32 v0, v2;
	v2 =	vadd.s32 v3, v5  }
0x72: {  	v5 =	vor.u32 s6, v10;
	v3 =	vmul.u32 $0xFFFFFFFD, v2  }
0x73: {  	v6 =	vmulhi.u32 $0xAAAAAAAB, v5  }
0x74: {  	s2 =	sadd.s32 $0x10, s30;
	v1 =	vadd.s32 v1, v3  }
0x75: {  	v2 =	vshll.u32 v2, $0x7;
	[tilespmem:s2+$0x0] =	vst v4;
	v4 =	vshrl.u32 v6, $0x1;
	v3 =	vand.u32 $0xFFFFFF80, v1  }
0x76: {  	v0 =	vld.idx.msk [tilespmem:v0+s3+$0x0], $0xffff;
	v1 =	vand.u32 $0x7F, v1;
	v2 =	vadd.s32 v2, v3;
	v3 =	vmul.u32 $0xFFFFFFFD, v4  }
0x77: {  	v6 =	vsub.s32 $0x0, v5;
	v1 =	vor.u32 v1, v2;
	v2 =	vmov s6  }
0x78: {  	s7 =	simm.s32 $0x10;
	vm0 =	veq.s32 v2, v10;
	vm1 =	vne.s32 v3, v6  }
0x79: {  	v3 =	vor.u32 s7, v10;
	vm0 =	vmand vm0, vm1  }
0x7a: {  	s2 =	sadd.s32 $0x10, s2;
	v2 =	vmulhi.u32 $0xAAAAAAAB, v3;
	v6 =	vsel vm0, $0xFFFFFFFF, v11  }
0x7b: {  	[tilespmem:s2+$0x0] =	vst v0;
	v4 =	vadd.s32 v6, v4  }
0x7c: {  	v2 =	vshrl.u32 v2, $0x1;
	v1 =	vld.idx.msk [tilespmem:v1+s3+$0x0], $0xffff;
	v6 =	vmul.u32 $0xFFFFFFFD, v4  }
0x7d: {  	s5 =	simm.s32 $0x20;
	v8 =	vmov s7;
	v7 =	vmul.u32 $0xFFFFFFFD, v2  }
0x7e: {  	v0 =	vor.u32 s5, v10;
	v5 =	vadd.s32 v5, v6;
	v6 =	vsub.s32 $0x0, v3  }
0x7f: {  	vm0 =	veq.s32 v8, v10;
	v4 =	vshll.u32 v4, $0x7;
	vm1 =	vne.s32 v7, v6  }
0x80: {  	s2 =	sadd.s32 $0x10, s2;
	v6 =	vand.u32 $0xFFFFFF80, v5;
	v5 =	vand.u32 $0x7F, v5;
	vm0 =	vmand vm0, vm1  }
0x81: {  	[tilespmem:s2+$0x0] =	vst v1;
	v1 =	vadd.s32 v4, v6;
	v4 =	vmulhi.u32 $0xAAAAAAAB, v0;
	v6 =	vsel vm0, $0xFFFFFFFF, v11  }
0x82: {  	s31 =	rddreg [dreg:$0x5];
	v5 =	vor.u32 v5, v1;
	v6 =	vadd.s32 v6, v2  }
0x83: {  	v7 =	vmov s5;
	[tilespmem:s6], [sflag:$0x3] =	stream.linear.gather [hbm4b:s31+s6], $0x2000, $0x38;
	v2 =	vshrl.u32 v4, $0x1;
	v4 =	vmul.u32 $0xFFFFFFFD, v6;
	[tilespmem:$0x1AC80] =	vst v63  }
0x84: {  	s4 =	simm.s32 $0x30;
	vm0 =	veq.s32 v7, v10;
	_ =	swait.ge [sflag:s22], $0x2000;
	v8 =	vmul.u32 $0xFFFFFFFD, v2  }
0x85: {  	v7 =	vsub.s32 $0x0, v0;
	v1 =	vor.u32 s4, v10;
	[sflag:s22] =	ssyncset.done $0x0;
	v4 =	vadd.s32 v3, v4  }
0x86: {  	v6 =	vshll.u32 v6, $0x7;
	[sflag:s22] =	ssyncadd.s32 $0xFFFFE000;
	vm1 =	vne.s32 v8, v7;
	v7 =	vand.u32 $0xFFFFFF80, v4  }
0x87: {  	s2 =	simm.s32 $0x40;
	v4 =	vand.u32 $0x7F, v4;
	v3 =	vld.idx.msk [tilespmem:v5+s3+$0x0], $0xffff;
	vm0 =	vmand vm0, vm1;
	v5 =	vadd.s32 v6, v7  }
.LBB2_6:
0x88: {  	p0 =	sne.s32 s2, $0xB0;
	v6 =	vmulhi.u32 $0xAAAAAAAB, v1;
	v7 =	vsel vm0, $0xFFFFFFFF, v11;
	v4 =	vor.u32 v4, v5  }
0x89: {  	v5 =	vadd.s32 v7, v2  }
.Ltmp2:
0x8a: {  	v2 =	vshrl.u32 v6, $0x1;
	v6 =	vmul.u32 $0xFFFFFFFD, v5;
	(pc) =	sbr.rel @p0 .LBB2_6-.Ltmp2, $4  }
0x8b: {  	v8 =	vmov s4;
	s8 =	sand.u32 $0xF0, s6;
	s6 =	smov.u32 s7;
	s7 =	smov.u32 s5;
	v7 =	vor.u32 s2, v10;
	v9 =	vmul.u32 $0xFFFFFFFD, v2  }
0x8c: {  	s5 =	smov.u32 s4;
	s4 =	smov.u32 s2;
	vm0 =	veq.s32 v8, v10;
	v8 =	vsub.s32 $0x0, v1;
	v6 =	vadd.s32 v0, v6;
	[tilespmem:s8+$0x2180] =	vst v3;
	v0 =	vmovc v1  }
0x8d: {  	v5 =	vshll.u32 v5, $0x7;
	v1 =	vmovc v7;
	vm1 =	vne.s32 v9, v8;
	v8 =	vand.u32 $0xFFFFFF80, v6;
	v3 =	vld.idx.msk [tilespmem:v4+s3+$0x0], $0xffff  }
0x8e: {  	s2 =	sadd.s32 $0x10, s2;
	v4 =	vand.u32 $0x7F, v6;
	vm0 =	vmand vm0, vm1;
	v5 =	vadd.s32 v5, v8  }
0x8f: {  	v6 =	vmulhi.u32 $0xAAAAAAAB, v1  }
0x90: {  	v7 =	vsel vm0, $0xFFFFFFFF, v11  }
0x91: {  	v4 =	vor.u32 v4, v5;
	v2 =	vadd.s32 v7, v2;
	v6 =	vshrl.u32 v6, $0x1  }
0x92: {  	v7 =	vmul.u32 $0xFFFFFFFD, v2;
	v5 =	vmul.u32 $0xFFFFFFFD, v6  }
0x93: {  	v8 =	vmov s4;
	v9 =	vsub.s32 $0x0, v1  }
0x94: {  	s2 =	sand.u32 $0xF0, s6;
	vm0 =	veq.s32 v8, v10;
	v0 =	vadd.s32 v0, v7;
	vm1 =	vne.s32 v5, v9  }
0x95: {  	v2 =	vshll.u32 v2, $0x7;
	[tilespmem:s2+$0x2180] =	vst v3;
	v3 =	vand.u32 $0xFFFFFF80, v0;
	vm0 =	vmand vm0, vm1  }
0x96: {  	v4 =	vld.idx.msk [tilespmem:v4+s3+$0x0], $0xffff;
	v0 =	vand.u32 $0x7F, v0;
	v2 =	vadd.s32 v2, v3;
	v5 =	vsel vm0, $0xFFFFFFFF, v11  }
0x97: {  	s20 =	simm.s32 $0x0;
	v0 =	vor.u32 v0, v2;
	v3 =	vadd.s32 v5, v6  }
0x98: {  	v5 =	vor.u32 s20, v10;
	v2 =	vmul.u32 $0xFFFFFFFD, v3  }
0x99: {  	v6 =	vmulhi.u32 $0xAAAAAAAB, v5  }
0x9a: {  	s21 =	sand.u32 $0xF0, s7;
	v1 =	vadd.s32 v1, v2  }
0x9b: {  	v3 =	vshll.u32 v3, $0x7;
	[tilespmem:s21+$0x2180] =	vst v4;
	v6 =	vshrl.u32 v6, $0x1;
	v2 =	vand.u32 $0xFFFFFF80, v1  }
0x9c: {  	v1 =	vand.u32 $0x7F, v1;
	v0 =	vld.idx.msk [tilespmem:v0+s3+$0x0], $0xffff;
	v2 =	vadd.s32 v3, v2;
	v3 =	vmul.u32 $0xFFFFFFFD, v6  }
0x9d: {  	s24 =	simm.s32 $0x10;
	v4 =	vsub.s32 $0x0, v5;
	v1 =	vor.u32 v1, v2;
	v2 =	vmov s20  }
0x9e: {  	v7 =	vor.u32 s24, v10;
	vm0 =	veq.s32 v2, v10;
	vm1 =	vne.s32 v3, v4  }
0x9f: {  	v2 =	vmulhi.u32 $0xAAAAAAAB, v7;
	vm0 =	vmand vm0, vm1  }
0xa0: {  	s5 =	sand.u32 $0xF0, s5;
	v3 =	vsel vm0, $0xFFFFFFFF, v11  }
0xa1: {  	v2 =	vshrl.u32 v2, $0x1;
	[tilespmem:s5+$0x2180] =	vst v0;
	v3 =	vadd.s32 v3, v6  }
0xa2: {  	v4 =	vmul.u32 $0xFFFFFFFD, v2;
	v6 =	vmov s24;
	v0 =	vmul.u32 $0xFFFFFFFD, v3;
	v1 =	vld.idx.msk [tilespmem:v1+s3+$0x0], $0xffff  }
0xa3: {  	s28 =	simm.s32 $0x20;
	v8 =	vsub.s32 $0x0, v7;
	vm0 =	veq.s32 v6, v10;
	v3 =	vshll.u32 v3, $0x7  }
0xa4: {  	vm1 =	vne.s32 v4, v8;
	v4 =	vor.u32 s28, v10;
	v0 =	vadd.s32 v5, v0  }
0xa5: {  	vm0 =	vmand vm0, vm1;
	v6 =	vmulhi.u32 $0xAAAAAAAB, v4;
	v5 =	vand.u32 $0xFFFFFF80, v0  }
0xa6: {  	s29 =	sand.u32 $0xF0, s4;
	v8 =	vsel vm0, $0xFFFFFFFF, v11;
	v0 =	vand.u32 $0x7F, v0;
	v3 =	vadd.s32 v3, v5  }
0xa7: {  	s30 =	simm.s32 $0x30;
	s31 =	rddreg [dreg:$0x6];
	v2 =	vadd.s32 v8, v2;
	[tilespmem:s29+$0x2180] =	vst v1;
	v1 =	vor.u32 v0, v3;
	v3 =	vshrl.u32 v6, $0x1  }
0xa8: {  	v8 =	vmov s28;
	v5 =	vmul.u32 $0xFFFFFFFD, v2;
	[tilespmem:s20], [sflag:$0x3] =	stream.linear.gather [hbm4b:s31+s20], $0x2000, $0x38;
	v6 =	vmul.u32 $0xFFFFFFFD, v3;
	[tilespmem:$0x1AC80] =	vst v63  }
0xa9: {  	v9 =	vsub.s32 $0x0, v4;
	v0 =	vor.u32 s30, v10;
	vm0 =	veq.s32 v8, v10;
	_ =	swait.ge [sflag:s22], $0x2000  }
0xaa: {  	v2 =	vshll.u32 v2, $0x7;
	v5 =	vadd.s32 v7, v5;
	[sflag:s22] =	ssyncset.done $0x0;
	vm1 =	vne.s32 v6, v9  }
0xab: {  	v6 =	vand.u32 $0xFFFFFF80, v5;
	v5 =	vand.u32 $0x7F, v5;
	[sflag:s22] =	ssyncadd.s32 $0xFFFFE000;
	vm0 =	vmand vm0, vm1  }
0xac: {  	v7 =	vld.idx.msk [tilespmem:v1+s3+$0x0], $0xffff;
	v1 =	vadd.s32 v2, v6;
	v2 =	vmulhi.u32 $0xAAAAAAAB, v0;
	v6 =	vsel vm0, $0xFFFFFFFF, v11  }
0xad: {  	v5 =	vor.u32 v5, v1;
	v3 =	vadd.s32 v6, v3  }
0xae: {  	v8 =	vmov s30;
	v2 =	vshrl.u32 v2, $0x1;
	v6 =	vmul.u32 $0xFFFFFFFD, v3  }
0xaf: {  	s2 =	simm.s32 $0x40;
	vm0 =	veq.s32 v8, v10;
	v9 =	vmul.u32 $0xFFFFFFFD, v2  }
0xb0: {  	s4 =	simm.s32 $0x2240;
	v8 =	vsub.s32 $0x0, v0;
	v1 =	vor.u32 s2, v10;
	v4 =	vadd.s32 v4, v6  }
0xb1: {  	[tilespmem:s4+$0x0] =	vst v7;
	vm1 =	vne.s32 v9, v8;
	v6 =	vand.u32 $0xFFFFFF80, v4;
	v7 =	vshll.u32 v3, $0x7  }
0xb2: {  	s5 =	simm.s32 $0x50;
	v4 =	vand.u32 $0x7F, v4;
	v3 =	vld.idx.msk [tilespmem:v5+s3+$0x0], $0xffff;
	vm0 =	vmand vm0, vm1;
	v5 =	vadd.s32 v7, v6  }
.LBB2_8:
0xb3: {  	p0 =	sne.s32 s5, $0xB0;
	v6 =	vmulhi.u32 $0xAAAAAAAB, v1;
	v7 =	vsel vm0, $0xFFFFFFFF, v11;
	v4 =	vor.u32 v4, v5  }
0xb4: {  	v5 =	vadd.s32 v7, v2  }
.Ltmp3:
0xb5: {  	v2 =	vshrl.u32 v6, $0x1;
	v6 =	vmul.u32 $0xFFFFFFFD, v5;
	(pc) =	sbr.rel @p0 .LBB2_8-.Ltmp3, $4  }
0xb6: {  	v8 =	vmov s2;
	s4 =	sadd.s32 $0x10, s4;
	s2 =	smov.u32 s5;
	v7 =	vor.u32 s5, v10;
	v9 =	vmul.u32 $0xFFFFFFFD, v2  }
0xb7: {  	vm0 =	veq.s32 v8, v10;
	v8 =	vsub.s32 $0x0, v1;
	v6 =	vadd.s32 v0, v6;
	[tilespmem:s4+$0x0] =	vst v3;
	v0 =	vmovc v1  }
0xb8: {  	v5 =	vshll.u32 v5, $0x7;
	v1 =	vmovc v7;
	vm1 =	vne.s32 v9, v8;
	v8 =	vand.u32 $0xFFFFFF80, v6;
	v3 =	vld.idx.msk [tilespmem:v4+s3+$0x0], $0xffff  }
0xb9: {  	s5 =	sadd.s32 $0x10, s5;
	v4 =	vand.u32 $0x7F, v6;
	vm0 =	vmand vm0, vm1;
	v5 =	vadd.s32 v5, v8  }
0xba: {  	v6 =	vmulhi.u32 $0xAAAAAAAB, v1  }
0xbb: {  	v7 =	vsel vm0, $0xFFFFFFFF, v11  }
0xbc: {  	v4 =	vor.u32 v4, v5;
	v2 =	vadd.s32 v7, v2;
	v5 =	vshrl.u32 v6, $0x1  }
0xbd: {  	v6 =	vmul.u32 $0xFFFFFFFD, v2;
	v7 =	vmul.u32 $0xFFFFFFFD, v5  }
0xbe: {  	v8 =	vmov s2;
	v9 =	vsub.s32 $0x0, v1  }
0xbf: {  	s30 =	sadd.s32 $0x10, s4;
	vm0 =	veq.s32 v8, v10;
	v0 =	vadd.s32 v0, v6;
	vm1 =	vne.s32 v7, v9  }
0xc0: {  	v2 =	vshll.u32 v2, $0x7;
	[tilespmem:s30+$0x0] =	vst v3;
	v3 =	vand.u32 $0xFFFFFF80, v0;
	vm0 =	vmand vm0, vm1  }
0xc1: {  	v4 =	vld.idx.msk [tilespmem:v4+s3+$0x0], $0xffff;
	v0 =	vand.u32 $0x7F, v0;
	v2 =	vadd.s32 v2, v3;
	v3 =	vsel vm0, $0xFFFFFFFF, v11  }
0xc2: {  	s6 =	simm.s32 $0x0;
	v0 =	vor.u32 v0, v2;
	v2 =	vadd.s32 v3, v5  }
0xc3: {  	v5 =	vor.u32 s6, v10;
	v3 =	vmul.u32 $0xFFFFFFFD, v2  }
0xc4: {  	v6 =	vmulhi.u32 $0xAAAAAAAB, v5  }
0xc5: {  	s2 =	sadd.s32 $0x10, s30;
	v1 =	vadd.s32 v1, v3  }
0xc6: {  	v2 =	vshll.u32 v2, $0x7;
	[tilespmem:s2+$0x0] =	vst v4;
	v4 =	vshrl.u32 v6, $0x1;
	v3 =	vand.u32 $0xFFFFFF80, v1  }
0xc7: {  	v0 =	vld.idx.msk [tilespmem:v0+s3+$0x0], $0xffff;
	v1 =	vand.u32 $0x7F, v1;
	v2 =	vadd.s32 v2, v3;
	v3 =	vmul.u32 $0xFFFFFFFD, v4  }
0xc8: {  	v6 =	vsub.s32 $0x0, v5;
	v1 =	vor.u32 v1, v2;
	v2 =	vmov s6  }
0xc9: {  	s7 =	simm.s32 $0x10;
	vm0 =	veq.s32 v2, v10;
	vm1 =	vne.s32 v3, v6  }
0xca: {  	v3 =	vor.u32 s7, v10;
	vm0 =	vmand vm0, vm1  }
0xcb: {  	s2 =	sadd.s32 $0x10, s2;
	v2 =	vmulhi.u32 $0xAAAAAAAB, v3;
	v6 =	vsel vm0, $0xFFFFFFFF, v11  }
0xcc: {  	[tilespmem:s2+$0x0] =	vst v0;
	v4 =	vadd.s32 v6, v4  }
0xcd: {  	v2 =	vshrl.u32 v2, $0x1;
	v1 =	vld.idx.msk [tilespmem:v1+s3+$0x0], $0xffff;
	v6 =	vmul.u32 $0xFFFFFFFD, v4  }
0xce: {  	s5 =	simm.s32 $0x20;
	v8 =	vmov s7;
	v7 =	vmul.u32 $0xFFFFFFFD, v2  }
0xcf: {  	v0 =	vor.u32 s5, v10;
	v5 =	vadd.s32 v5, v6;
	v6 =	vsub.s32 $0x0, v3  }
0xd0: {  	vm0 =	veq.s32 v8, v10;
	v4 =	vshll.u32 v4, $0x7;
	vm1 =	vne.s32 v7, v6  }
0xd1: {  	s2 =	sadd.s32 $0x10, s2;
	v6 =	vand.u32 $0xFFFFFF80, v5;
	v5 =	vand.u32 $0x7F, v5;
	vm0 =	vmand vm0, vm1  }
0xd2: {  	[tilespmem:s2+$0x0] =	vst v1;
	v1 =	vadd.s32 v4, v6;
	v4 =	vmulhi.u32 $0xAAAAAAAB, v0;
	v6 =	vsel vm0, $0xFFFFFFFF, v11  }
0xd3: {  	s31 =	rddreg [dreg:$0x7];
	v5 =	vor.u32 v5, v1;
	v6 =	vadd.s32 v6, v2  }
0xd4: {  	v7 =	vmov s5;
	[tilespmem:s6], [sflag:$0x3] =	stream.linear.gather [hbm4b:s31+s6], $0x2000, $0x38;
	v2 =	vshrl.u32 v4, $0x1;
	v4 =	vmul.u32 $0xFFFFFFFD, v6;
	[tilespmem:$0x1AC80] =	vst v63  }
0xd5: {  	s4 =	simm.s32 $0x30;
	vm0 =	veq.s32 v7, v10;
	_ =	swait.ge [sflag:s22], $0x2000;
	v8 =	vmul.u32 $0xFFFFFFFD, v2  }
0xd6: {  	v7 =	vsub.s32 $0x0, v0;
	v1 =	vor.u32 s4, v10;
	[sflag:s22] =	ssyncset.done $0x0;
	v4 =	vadd.s32 v3, v4  }
0xd7: {  	v6 =	vshll.u32 v6, $0x7;
	[sflag:s22] =	ssyncadd.s32 $0xFFFFE000;
	vm1 =	vne.s32 v8, v7;
	v7 =	vand.u32 $0xFFFFFF80, v4  }
0xd8: {  	s2 =	simm.s32 $0x40;
	v4 =	vand.u32 $0x7F, v4;
	v3 =	vld.idx.msk [tilespmem:v5+s3+$0x0], $0xffff;
	vm0 =	vmand vm0, vm1;
	v5 =	vadd.s32 v6, v7  }
.LBB2_10:
0xd9: {  	p0 =	sne.s32 s2, $0xB0;
	v6 =	vmulhi.u32 $0xAAAAAAAB, v1;
	v7 =	vsel vm0, $0xFFFFFFFF, v11;
	v4 =	vor.u32 v4, v5  }
0xda: {  	v5 =	vadd.s32 v7, v2  }
.Ltmp4:
0xdb: {  	v2 =	vshrl.u32 v6, $0x1;
	v6 =	vmul.u32 $0xFFFFFFFD, v5;
	(pc) =	sbr.rel @p0 .LBB2_10-.Ltmp4, $4  }
0xdc: {  	v8 =	vmov s4;
	s8 =	sand.u32 $0xF0, s6;
	s6 =	smov.u32 s7;
	s7 =	smov.u32 s5;
	v7 =	vor.u32 s2, v10;
	v9 =	vmul.u32 $0xFFFFFFFD, v2  }
0xdd: {  	s5 =	smov.u32 s4;
	s4 =	smov.u32 s2;
	vm0 =	veq.s32 v8, v10;
	v8 =	vsub.s32 $0x0, v1;
	v6 =	vadd.s32 v0, v6;
	[tilespmem:s8+$0x2300] =	vst v3;
	v0 =	vmovc v1  }
0xde: {  	v5 =	vshll.u32 v5, $0x7;
	v1 =	vmovc v7;
	vm1 =	vne.s32 v9, v8;
	v8 =	vand.u32 $0xFFFFFF80, v6;
	v3 =	vld.idx.msk [tilespmem:v4+s3+$0x0], $0xffff  }
0xdf: {  	s2 =	sadd.s32 $0x10, s2;
	v4 =	vand.u32 $0x7F, v6;
	vm0 =	vmand vm0, vm1;
	v5 =	vadd.s32 v5, v8  }
0xe0: {  	v6 =	vmulhi.u32 $0xAAAAAAAB, v1  }
0xe1: {  	v7 =	vsel vm0, $0xFFFFFFFF, v11  }
0xe2: {  	v4 =	vor.u32 v4, v5;
	v2 =	vadd.s32 v7, v2;
	v6 =	vshrl.u32 v6, $0x1  }
0xe3: {  	v7 =	vmul.u32 $0xFFFFFFFD, v2;
	v5 =	vmul.u32 $0xFFFFFFFD, v6  }
0xe4: {  	v8 =	vmov s4;
	v9 =	vsub.s32 $0x0, v1  }
0xe5: {  	s2 =	sand.u32 $0xF0, s6;
	vm0 =	veq.s32 v8, v10;
	v0 =	vadd.s32 v0, v7;
	vm1 =	vne.s32 v5, v9  }
0xe6: {  	v2 =	vshll.u32 v2, $0x7;
	[tilespmem:s2+$0x2300] =	vst v3;
	v3 =	vand.u32 $0xFFFFFF80, v0;
	vm0 =	vmand vm0, vm1  }
0xe7: {  	v4 =	vld.idx.msk [tilespmem:v4+s3+$0x0], $0xffff;
	v0 =	vand.u32 $0x7F, v0;
	v2 =	vadd.s32 v2, v3;
	v5 =	vsel vm0, $0xFFFFFFFF, v11  }
0xe8: {  	s20 =	simm.s32 $0x0;
	v0 =	vor.u32 v0, v2;
	v3 =	vadd.s32 v5, v6  }
0xe9: {  	v5 =	vor.u32 s20, v10;
	v2 =	vmul.u32 $0xFFFFFFFD, v3  }
0xea: {  	v6 =	vmulhi.u32 $0xAAAAAAAB, v5  }
0xeb: {  	s21 =	sand.u32 $0xF0, s7;
	v1 =	vadd.s32 v1, v2  }
0xec: {  	v3 =	vshll.u32 v3, $0x7;
	[tilespmem:s21+$0x2300] =	vst v4;
	v6 =	vshrl.u32 v6, $0x1;
	v2 =	vand.u32 $0xFFFFFF80, v1  }
0xed: {  	v1 =	vand.u32 $0x7F, v1;
	v0 =	vld.idx.msk [tilespmem:v0+s3+$0x0], $0xffff;
	v2 =	vadd.s32 v3, v2;
	v3 =	vmul.u32 $0xFFFFFFFD, v6  }
0xee: {  	s24 =	simm.s32 $0x10;
	v4 =	vsub.s32 $0x0, v5;
	v1 =	vor.u32 v1, v2;
	v2 =	vmov s20  }
0xef: {  	v7 =	vor.u32 s24, v10;
	vm0 =	veq.s32 v2, v10;
	vm1 =	vne.s32 v3, v4  }
0xf0: {  	v2 =	vmulhi.u32 $0xAAAAAAAB, v7;
	vm0 =	vmand vm0, vm1  }
0xf1: {  	s5 =	sand.u32 $0xF0, s5;
	v3 =	vsel vm0, $0xFFFFFFFF, v11  }
0xf2: {  	v2 =	vshrl.u32 v2, $0x1;
	[tilespmem:s5+$0x2300] =	vst v0;
	v3 =	vadd.s32 v3, v6  }
0xf3: {  	v4 =	vmul.u32 $0xFFFFFFFD, v2;
	v6 =	vmov s24;
	v0 =	vmul.u32 $0xFFFFFFFD, v3;
	v1 =	vld.idx.msk [tilespmem:v1+s3+$0x0], $0xffff  }
0xf4: {  	s28 =	simm.s32 $0x20;
	v8 =	vsub.s32 $0x0, v7;
	vm0 =	veq.s32 v6, v10;
	v3 =	vshll.u32 v3, $0x7  }
0xf5: {  	vm1 =	vne.s32 v4, v8;
	v4 =	vor.u32 s28, v10;
	v0 =	vadd.s32 v5, v0  }
0xf6: {  	vm0 =	vmand vm0, vm1;
	v6 =	vmulhi.u32 $0xAAAAAAAB, v4;
	v5 =	vand.u32 $0xFFFFFF80, v0  }
0xf7: {  	s29 =	sand.u32 $0xF0, s4;
	v8 =	vsel vm0, $0xFFFFFFFF, v11;
	v0 =	vand.u32 $0x7F, v0;
	v3 =	vadd.s32 v3, v5  }
0xf8: {  	s30 =	simm.s32 $0x30;
	s31 =	rddreg [dreg:$0x8];
	v2 =	vadd.s32 v8, v2;
	[tilespmem:s29+$0x2300] =	vst v1;
	v1 =	vor.u32 v0, v3;
	v3 =	vshrl.u32 v6, $0x1  }
0xf9: {  	v8 =	vmov s28;
	v5 =	vmul.u32 $0xFFFFFFFD, v2;
	[tilespmem:s20], [sflag:$0x3] =	stream.linear.gather [hbm4b:s31+s20], $0x2000, $0x38;
	v6 =	vmul.u32 $0xFFFFFFFD, v3;
	[tilespmem:$0x1AC80] =	vst v63  }
0xfa: {  	v9 =	vsub.s32 $0x0, v4;
	v0 =	vor.u32 s30, v10;
	vm0 =	veq.s32 v8, v10;
	_ =	swait.ge [sflag:s22], $0x2000  }
0xfb: {  	v2 =	vshll.u32 v2, $0x7;
	v5 =	vadd.s32 v7, v5;
	[sflag:s22] =	ssyncset.done $0x0;
	vm1 =	vne.s32 v6, v9  }
0xfc: {  	v6 =	vand.u32 $0xFFFFFF80, v5;
	v5 =	vand.u32 $0x7F, v5;
	[sflag:s22] =	ssyncadd.s32 $0xFFFFE000;
	vm0 =	vmand vm0, vm1  }
0xfd: {  	v7 =	vld.idx.msk [tilespmem:v1+s3+$0x0], $0xffff;
	v1 =	vadd.s32 v2, v6;
	v2 =	vmulhi.u32 $0xAAAAAAAB, v0;
	v6 =	vsel vm0, $0xFFFFFFFF, v11  }
0xfe: {  	v5 =	vor.u32 v5, v1;
	v3 =	vadd.s32 v6, v3  }
0xff: {  	v8 =	vmov s30;
	v2 =	vshrl.u32 v2, $0x1;
	v6 =	vmul.u32 $0xFFFFFFFD, v3  }
0x100: {  	s2 =	simm.s32 $0x40;
	vm0 =	veq.s32 v8, v10;
	v9 =	vmul.u32 $0xFFFFFFFD, v2  }
0x101: {  	s4 =	simm.s32 $0x23C0;
	v8 =	vsub.s32 $0x0, v0;
	v1 =	vor.u32 s2, v10;
	v4 =	vadd.s32 v4, v6  }
0x102: {  	[tilespmem:s4+$0x0] =	vst v7;
	vm1 =	vne.s32 v9, v8;
	v6 =	vand.u32 $0xFFFFFF80, v4;
	v7 =	vshll.u32 v3, $0x7  }
0x103: {  	s5 =	simm.s32 $0x50;
	v4 =	vand.u32 $0x7F, v4;
	v3 =	vld.idx.msk [tilespmem:v5+s3+$0x0], $0xffff;
	vm0 =	vmand vm0, vm1;
	v5 =	vadd.s32 v7, v6  }
.LBB2_12:
0x104: {  	p0 =	sne.s32 s5, $0xB0;
	v6 =	vmulhi.u32 $0xAAAAAAAB, v1;
	v7 =	vsel vm0, $0xFFFFFFFF, v11;
	v4 =	vor.u32 v4, v5  }
0x105: {  	v5 =	vadd.s32 v7, v2  }
.Ltmp5:
0x106: {  	v2 =	vshrl.u32 v6, $0x1;
	v6 =	vmul.u32 $0xFFFFFFFD, v5;
	(pc) =	sbr.rel @p0 .LBB2_12-.Ltmp5, $4  }
0x107: {  	v8 =	vmov s2;
	s4 =	sadd.s32 $0x10, s4;
	s2 =	smov.u32 s5;
	v7 =	vor.u32 s5, v10;
	v9 =	vmul.u32 $0xFFFFFFFD, v2  }
0x108: {  	vm0 =	veq.s32 v8, v10;
	v8 =	vsub.s32 $0x0, v1;
	v6 =	vadd.s32 v0, v6;
	[tilespmem:s4+$0x0] =	vst v3;
	v0 =	vmovc v1  }
0x109: {  	v5 =	vshll.u32 v5, $0x7;
	v1 =	vmovc v7;
	vm1 =	vne.s32 v9, v8;
	v8 =	vand.u32 $0xFFFFFF80, v6;
	v3 =	vld.idx.msk [tilespmem:v4+s3+$0x0], $0xffff  }
0x10a: {  	s5 =	sadd.s32 $0x10, s5;
	v4 =	vand.u32 $0x7F, v6;
	vm0 =	vmand vm0, vm1;
	v5 =	vadd.s32 v5, v8  }
0x10b: {  	v6 =	vmulhi.u32 $0xAAAAAAAB, v1  }
0x10c: {  	v7 =	vsel vm0, $0xFFFFFFFF, v11  }
0x10d: {  	v4 =	vor.u32 v4, v5;
	v2 =	vadd.s32 v7, v2;
	v5 =	vshrl.u32 v6, $0x1  }
0x10e: {  	v6 =	vmul.u32 $0xFFFFFFFD, v2;
	v7 =	vmul.u32 $0xFFFFFFFD, v5  }
0x10f: {  	v8 =	vmov s2;
	v9 =	vsub.s32 $0x0, v1  }
0x110: {  	s30 =	sadd.s32 $0x10, s4;
	vm0 =	veq.s32 v8, v10;
	v0 =	vadd.s32 v0, v6;
	vm1 =	vne.s32 v7, v9  }
0x111: {  	v2 =	vshll.u32 v2, $0x7;
	[tilespmem:s30+$0x0] =	vst v3;
	v3 =	vand.u32 $0xFFFFFF80, v0;
	vm0 =	vmand vm0, vm1  }
0x112: {  	v4 =	vld.idx.msk [tilespmem:v4+s3+$0x0], $0xffff;
	v0 =	vand.u32 $0x7F, v0;
	v2 =	vadd.s32 v2, v3;
	v3 =	vsel vm0, $0xFFFFFFFF, v11  }
0x113: {  	s6 =	simm.s32 $0x0;
	v0 =	vor.u32 v0, v2;
	v2 =	vadd.s32 v3, v5  }
0x114: {  	v5 =	vor.u32 s6, v10;
	v3 =	vmul.u32 $0xFFFFFFFD, v2  }
0x115: {  	v6 =	vmulhi.u32 $0xAAAAAAAB, v5  }
0x116: {  	s2 =	sadd.s32 $0x10, s30;
	v1 =	vadd.s32 v1, v3  }
0x117: {  	v2 =	vshll.u32 v2, $0x7;
	[tilespmem:s2+$0x0] =	vst v4;
	v4 =	vshrl.u32 v6, $0x1;
	v3 =	vand.u32 $0xFFFFFF80, v1  }
0x118: {  	v0 =	vld.idx.msk [tilespmem:v0+s3+$0x0], $0xffff;
	v1 =	vand.u32 $0x7F, v1;
	v2 =	vadd.s32 v2, v3;
	v3 =	vmul.u32 $0xFFFFFFFD, v4  }
0x119: {  	v6 =	vsub.s32 $0x0, v5;
	v1 =	vor.u32 v1, v2;
	v2 =	vmov s6  }
0x11a: {  	s7 =	simm.s32 $0x10;
	vm0 =	veq.s32 v2, v10;
	vm1 =	vne.s32 v3, v6  }
0x11b: {  	v3 =	vor.u32 s7, v10;
	vm0 =	vmand vm0, vm1  }
0x11c: {  	s2 =	sadd.s32 $0x10, s2;
	v2 =	vmulhi.u32 $0xAAAAAAAB, v3;
	v6 =	vsel vm0, $0xFFFFFFFF, v11  }
0x11d: {  	[tilespmem:s2+$0x0] =	vst v0;
	v4 =	vadd.s32 v6, v4  }
0x11e: {  	v2 =	vshrl.u32 v2, $0x1;
	v1 =	vld.idx.msk [tilespmem:v1+s3+$0x0], $0xffff;
	v6 =	vmul.u32 $0xFFFFFFFD, v4  }
0x11f: {  	s5 =	simm.s32 $0x20;
	v8 =	vmov s7;
	v7 =	vmul.u32 $0xFFFFFFFD, v2  }
0x120: {  	v0 =	vor.u32 s5, v10;
	v5 =	vadd.s32 v5, v6;
	v6 =	vsub.s32 $0x0, v3  }
0x121: {  	vm0 =	veq.s32 v8, v10;
	v4 =	vshll.u32 v4, $0x7;
	vm1 =	vne.s32 v7, v6  }
0x122: {  	s2 =	sadd.s32 $0x10, s2;
	v6 =	vand.u32 $0xFFFFFF80, v5;
	v5 =	vand.u32 $0x7F, v5;
	vm0 =	vmand vm0, vm1  }
0x123: {  	[tilespmem:s2+$0x0] =	vst v1;
	v1 =	vadd.s32 v4, v6;
	v4 =	vmulhi.u32 $0xAAAAAAAB, v0;
	v6 =	vsel vm0, $0xFFFFFFFF, v11  }
0x124: {  	s31 =	rddreg [dreg:$0x9];
	v5 =	vor.u32 v5, v1;
	v6 =	vadd.s32 v6, v2  }
0x125: {  	v7 =	vmov s5;
	[tilespmem:s6], [sflag:$0x3] =	stream.linear.gather [hbm4b:s31+s6], $0x2000, $0x38;
	v2 =	vshrl.u32 v4, $0x1;
	v4 =	vmul.u32 $0xFFFFFFFD, v6;
	[tilespmem:$0x1AC80] =	vst v63  }
0x126: {  	s4 =	simm.s32 $0x30;
	vm0 =	veq.s32 v7, v10;
	_ =	swait.ge [sflag:s22], $0x2000;
	v8 =	vmul.u32 $0xFFFFFFFD, v2  }
0x127: {  	v7 =	vsub.s32 $0x0, v0;
	v1 =	vor.u32 s4, v10;
	[sflag:s22] =	ssyncset.done $0x0;
	v4 =	vadd.s32 v3, v4  }
0x128: {  	v6 =	vshll.u32 v6, $0x7;
	[sflag:s22] =	ssyncadd.s32 $0xFFFFE000;
	vm1 =	vne.s32 v8, v7;
	v7 =	vand.u32 $0xFFFFFF80, v4  }
0x129: {  	s2 =	simm.s32 $0x40;
	v4 =	vand.u32 $0x7F, v4;
	v3 =	vld.idx.msk [tilespmem:v5+s3+$0x0], $0xffff;
	vm0 =	vmand vm0, vm1;
	v5 =	vadd.s32 v6, v7  }
.LBB2_14:
0x12a: {  	p0 =	sne.s32 s2, $0xB0;
	v6 =	vmulhi.u32 $0xAAAAAAAB, v1;
	v7 =	vsel vm0, $0xFFFFFFFF, v11;
	v4 =	vor.u32 v4, v5  }
0x12b: {  	v5 =	vadd.s32 v7, v2  }
.Ltmp6:
0x12c: {  	v2 =	vshrl.u32 v6, $0x1;
	v6 =	vmul.u32 $0xFFFFFFFD, v5;
	(pc) =	sbr.rel @p0 .LBB2_14-.Ltmp6, $4  }
0x12d: {  	v8 =	vmov s4;
	s8 =	sand.u32 $0xF0, s6;
	s6 =	smov.u32 s7;
	s7 =	smov.u32 s5;
	v7 =	vor.u32 s2, v10;
	v9 =	vmul.u32 $0xFFFFFFFD, v2  }
0x12e: {  	s5 =	smov.u32 s4;
	s4 =	smov.u32 s2;
	vm0 =	veq.s32 v8, v10;
	v8 =	vsub.s32 $0x0, v1;
	v6 =	vadd.s32 v0, v6;
	[tilespmem:s8+$0x2480] =	vst v3;
	v0 =	vmovc v1  }
0x12f: {  	v5 =	vshll.u32 v5, $0x7;
	v1 =	vmovc v7;
	vm1 =	vne.s32 v9, v8;
	v8 =	vand.u32 $0xFFFFFF80, v6;
	v3 =	vld.idx.msk [tilespmem:v4+s3+$0x0], $0xffff  }
0x130: {  	s2 =	sadd.s32 $0x10, s2;
	v4 =	vand.u32 $0x7F, v6;
	vm0 =	vmand vm0, vm1;
	v5 =	vadd.s32 v5, v8  }
0x131: {  	v6 =	vmulhi.u32 $0xAAAAAAAB, v1  }
0x132: {  	v7 =	vsel vm0, $0xFFFFFFFF, v11  }
0x133: {  	v4 =	vor.u32 v4, v5;
	v2 =	vadd.s32 v7, v2;
	v6 =	vshrl.u32 v6, $0x1  }
0x134: {  	v7 =	vmul.u32 $0xFFFFFFFD, v2;
	v5 =	vmul.u32 $0xFFFFFFFD, v6  }
0x135: {  	v8 =	vmov s4;
	v9 =	vsub.s32 $0x0, v1  }
0x136: {  	s2 =	sand.u32 $0xF0, s6;
	vm0 =	veq.s32 v8, v10;
	v0 =	vadd.s32 v0, v7;
	vm1 =	vne.s32 v5, v9  }
0x137: {  	v2 =	vshll.u32 v2, $0x7;
	[tilespmem:s2+$0x2480] =	vst v3;
	v3 =	vand.u32 $0xFFFFFF80, v0;
	vm0 =	vmand vm0, vm1  }
0x138: {  	v4 =	vld.idx.msk [tilespmem:v4+s3+$0x0], $0xffff;
	v0 =	vand.u32 $0x7F, v0;
	v2 =	vadd.s32 v2, v3;
	v5 =	vsel vm0, $0xFFFFFFFF, v11  }
0x139: {  	s20 =	simm.s32 $0x0;
	v0 =	vor.u32 v0, v2;
	v3 =	vadd.s32 v5, v6  }
0x13a: {  	v5 =	vor.u32 s20, v10;
	v2 =	vmul.u32 $0xFFFFFFFD, v3  }
0x13b: {  	v6 =	vmulhi.u32 $0xAAAAAAAB, v5  }
0x13c: {  	s21 =	sand.u32 $0xF0, s7;
	v1 =	vadd.s32 v1, v2  }
0x13d: {  	v3 =	vshll.u32 v3, $0x7;
	[tilespmem:s21+$0x2480] =	vst v4;
	v6 =	vshrl.u32 v6, $0x1;
	v2 =	vand.u32 $0xFFFFFF80, v1  }
0x13e: {  	v1 =	vand.u32 $0x7F, v1;
	v0 =	vld.idx.msk [tilespmem:v0+s3+$0x0], $0xffff;
	v2 =	vadd.s32 v3, v2;
	v3 =	vmul.u32 $0xFFFFFFFD, v6  }
0x13f: {  	s24 =	simm.s32 $0x10;
	v4 =	vsub.s32 $0x0, v5;
	v1 =	vor.u32 v1, v2;
	v2 =	vmov s20  }
0x140: {  	v7 =	vor.u32 s24, v10;
	vm0 =	veq.s32 v2, v10;
	vm1 =	vne.s32 v3, v4  }
0x141: {  	v2 =	vmulhi.u32 $0xAAAAAAAB, v7;
	vm0 =	vmand vm0, vm1  }
0x142: {  	s5 =	sand.u32 $0xF0, s5;
	v3 =	vsel vm0, $0xFFFFFFFF, v11  }
0x143: {  	v2 =	vshrl.u32 v2, $0x1;
	[tilespmem:s5+$0x2480] =	vst v0;
	v3 =	vadd.s32 v3, v6  }
0x144: {  	v4 =	vmul.u32 $0xFFFFFFFD, v2;
	v6 =	vmov s24;
	v0 =	vmul.u32 $0xFFFFFFFD, v3;
	v1 =	vld.idx.msk [tilespmem:v1+s3+$0x0], $0xffff  }
0x145: {  	s28 =	simm.s32 $0x20;
	v8 =	vsub.s32 $0x0, v7;
	vm0 =	veq.s32 v6, v10;
	v3 =	vshll.u32 v3, $0x7  }
0x146: {  	vm1 =	vne.s32 v4, v8;
	v4 =	vor.u32 s28, v10;
	v0 =	vadd.s32 v5, v0  }
0x147: {  	vm0 =	vmand vm0, vm1;
	v6 =	vmulhi.u32 $0xAAAAAAAB, v4;
	v5 =	vand.u32 $0xFFFFFF80, v0  }
0x148: {  	s29 =	sand.u32 $0xF0, s4;
	v8 =	vsel vm0, $0xFFFFFFFF, v11;
	v0 =	vand.u32 $0x7F, v0;
	v3 =	vadd.s32 v3, v5  }
0x149: {  	s30 =	simm.s32 $0x30;
	s31 =	rddreg [dreg:$0xa];
	v2 =	vadd.s32 v8, v2;
	[tilespmem:s29+$0x2480] =	vst v1;
	v1 =	vor.u32 v0, v3;
	v3 =	vshrl.u32 v6, $0x1  }
0x14a: {  	v8 =	vmov s28;
	v5 =	vmul.u32 $0xFFFFFFFD, v2;
	[tilespmem:s20], [sflag:$0x3] =	stream.linear.gather [hbm4b:s31+s20], $0x2000, $0x38;
	v6 =	vmul.u32 $0xFFFFFFFD, v3;
	[tilespmem:$0x1AC80] =	vst v63  }
0x14b: {  	v9 =	vsub.s32 $0x0, v4;
	v0 =	vor.u32 s30, v10;
	vm0 =	veq.s32 v8, v10;
	_ =	swait.ge [sflag:s22], $0x2000  }
0x14c: {  	v2 =	vshll.u32 v2, $0x7;
	v5 =	vadd.s32 v7, v5;
	[sflag:s22] =	ssyncset.done $0x0;
	vm1 =	vne.s32 v6, v9  }
0x14d: {  	v6 =	vand.u32 $0xFFFFFF80, v5;
	v5 =	vand.u32 $0x7F, v5;
	[sflag:s22] =	ssyncadd.s32 $0xFFFFE000;
	vm0 =	vmand vm0, vm1  }
0x14e: {  	v7 =	vld.idx.msk [tilespmem:v1+s3+$0x0], $0xffff;
	v1 =	vadd.s32 v2, v6;
	v2 =	vmulhi.u32 $0xAAAAAAAB, v0;
	v6 =	vsel vm0, $0xFFFFFFFF, v11  }
0x14f: {  	v5 =	vor.u32 v5, v1;
	v3 =	vadd.s32 v6, v3  }
0x150: {  	v8 =	vmov s30;
	v2 =	vshrl.u32 v2, $0x1;
	v6 =	vmul.u32 $0xFFFFFFFD, v3  }
0x151: {  	s2 =	simm.s32 $0x40;
	vm0 =	veq.s32 v8, v10;
	v9 =	vmul.u32 $0xFFFFFFFD, v2  }
0x152: {  	s4 =	simm.s32 $0x2540;
	v8 =	vsub.s32 $0x0, v0;
	v1 =	vor.u32 s2, v10;
	v4 =	vadd.s32 v4, v6  }
0x153: {  	[tilespmem:s4+$0x0] =	vst v7;
	vm1 =	vne.s32 v9, v8;
	v6 =	vand.u32 $0xFFFFFF80, v4;
	v7 =	vshll.u32 v3, $0x7  }
0x154: {  	s5 =	simm.s32 $0x50;
	v4 =	vand.u32 $0x7F, v4;
	v3 =	vld.idx.msk [tilespmem:v5+s3+$0x0], $0xffff;
	vm0 =	vmand vm0, vm1;
	v5 =	vadd.s32 v7, v6  }
.LBB2_16:
0x155: {  	p0 =	sne.s32 s5, $0xB0;
	v6 =	vmulhi.u32 $0xAAAAAAAB, v1;
	v7 =	vsel vm0, $0xFFFFFFFF, v11;
	v4 =	vor.u32 v4, v5  }
0x156: {  	v5 =	vadd.s32 v7, v2  }
.Ltmp7:
0x157: {  	v2 =	vshrl.u32 v6, $0x1;
	v6 =	vmul.u32 $0xFFFFFFFD, v5;
	(pc) =	sbr.rel @p0 .LBB2_16-.Ltmp7, $4  }
0x158: {  	v8 =	vmov s2;
	s4 =	sadd.s32 $0x10, s4;
	s2 =	smov.u32 s5;
	v7 =	vor.u32 s5, v10;
	v9 =	vmul.u32 $0xFFFFFFFD, v2  }
0x159: {  	vm0 =	veq.s32 v8, v10;
	v8 =	vsub.s32 $0x0, v1;
	v6 =	vadd.s32 v0, v6;
	[tilespmem:s4+$0x0] =	vst v3;
	v0 =	vmovc v1  }
0x15a: {  	v5 =	vshll.u32 v5, $0x7;
	v1 =	vmovc v7;
	vm1 =	vne.s32 v9, v8;
	v8 =	vand.u32 $0xFFFFFF80, v6;
	v3 =	vld.idx.msk [tilespmem:v4+s3+$0x0], $0xffff  }
0x15b: {  	s5 =	sadd.s32 $0x10, s5;
	v4 =	vand.u32 $0x7F, v6;
	vm0 =	vmand vm0, vm1;
	v5 =	vadd.s32 v5, v8  }
0x15c: {  	v6 =	vmulhi.u32 $0xAAAAAAAB, v1  }
0x15d: {  	v7 =	vsel vm0, $0xFFFFFFFF, v11  }
0x15e: {  	v4 =	vor.u32 v4, v5;
	v2 =	vadd.s32 v7, v2;
	v5 =	vshrl.u32 v6, $0x1  }
0x15f: {  	v6 =	vmul.u32 $0xFFFFFFFD, v2;
	v7 =	vmul.u32 $0xFFFFFFFD, v5  }
0x160: {  	v8 =	vmov s2;
	v9 =	vsub.s32 $0x0, v1  }
0x161: {  	s30 =	sadd.s32 $0x10, s4;
	vm0 =	veq.s32 v8, v10;
	v0 =	vadd.s32 v0, v6;
	vm1 =	vne.s32 v7, v9  }
0x162: {  	v2 =	vshll.u32 v2, $0x7;
	[tilespmem:s30+$0x0] =	vst v3;
	v3 =	vand.u32 $0xFFFFFF80, v0;
	vm0 =	vmand vm0, vm1  }
0x163: {  	v4 =	vld.idx.msk [tilespmem:v4+s3+$0x0], $0xffff;
	v0 =	vand.u32 $0x7F, v0;
	v2 =	vadd.s32 v2, v3;
	v3 =	vsel vm0, $0xFFFFFFFF, v11  }
0x164: {  	s6 =	simm.s32 $0x0;
	v0 =	vor.u32 v0, v2;
	v2 =	vadd.s32 v3, v5  }
0x165: {  	v5 =	vor.u32 s6, v10;
	v3 =	vmul.u32 $0xFFFFFFFD, v2  }
0x166: {  	v6 =	vmulhi.u32 $0xAAAAAAAB, v5  }
0x167: {  	s2 =	sadd.s32 $0x10, s30;
	v1 =	vadd.s32 v1, v3  }
0x168: {  	v2 =	vshll.u32 v2, $0x7;
	[tilespmem:s2+$0x0] =	vst v4;
	v4 =	vshrl.u32 v6, $0x1;
	v3 =	vand.u32 $0xFFFFFF80, v1  }
0x169: {  	v0 =	vld.idx.msk [tilespmem:v0+s3+$0x0], $0xffff;
	v1 =	vand.u32 $0x7F, v1;
	v2 =	vadd.s32 v2, v3;
	v3 =	vmul.u32 $0xFFFFFFFD, v4  }
0x16a: {  	v6 =	vsub.s32 $0x0, v5;
	v1 =	vor.u32 v1, v2;
	v2 =	vmov s6  }
0x16b: {  	s7 =	simm.s32 $0x10;
	vm0 =	veq.s32 v2, v10;
	vm1 =	vne.s32 v3, v6  }
0x16c: {  	v3 =	vor.u32 s7, v10;
	vm0 =	vmand vm0, vm1  }
0x16d: {  	s2 =	sadd.s32 $0x10, s2;
	v2 =	vmulhi.u32 $0xAAAAAAAB, v3;
	v6 =	vsel vm0, $0xFFFFFFFF, v11  }
0x16e: {  	[tilespmem:s2+$0x0] =	vst v0;
	v4 =	vadd.s32 v6, v4  }
0x16f: {  	v2 =	vshrl.u32 v2, $0x1;
	v1 =	vld.idx.msk [tilespmem:v1+s3+$0x0], $0xffff;
	v6 =	vmul.u32 $0xFFFFFFFD, v4  }
0x170: {  	s5 =	simm.s32 $0x20;
	v8 =	vmov s7;
	v7 =	vmul.u32 $0xFFFFFFFD, v2  }
0x171: {  	v0 =	vor.u32 s5, v10;
	v5 =	vadd.s32 v5, v6;
	v6 =	vsub.s32 $0x0, v3  }
0x172: {  	vm0 =	veq.s32 v8, v10;
	v4 =	vshll.u32 v4, $0x7;
	vm1 =	vne.s32 v7, v6  }
0x173: {  	s2 =	sadd.s32 $0x10, s2;
	v6 =	vand.u32 $0xFFFFFF80, v5;
	v5 =	vand.u32 $0x7F, v5;
	vm0 =	vmand vm0, vm1  }
0x174: {  	[tilespmem:s2+$0x0] =	vst v1;
	v1 =	vadd.s32 v4, v6;
	v4 =	vmulhi.u32 $0xAAAAAAAB, v0;
	v6 =	vsel vm0, $0xFFFFFFFF, v11  }
0x175: {  	s31 =	rddreg [dreg:$0xb];
	v5 =	vor.u32 v5, v1;
	v6 =	vadd.s32 v6, v2  }
0x176: {  	v7 =	vmov s5;
	[tilespmem:s6], [sflag:$0x3] =	stream.linear.gather [hbm4b:s31+s6], $0x2000, $0x38;
	v2 =	vshrl.u32 v4, $0x1;
	v4 =	vmul.u32 $0xFFFFFFFD, v6;
	[tilespmem:$0x1AC80] =	vst v63  }
0x177: {  	s4 =	simm.s32 $0x30;
	vm0 =	veq.s32 v7, v10;
	_ =	swait.ge [sflag:s22], $0x2000;
	v8 =	vmul.u32 $0xFFFFFFFD, v2  }
0x178: {  	v7 =	vsub.s32 $0x0, v0;
	v1 =	vor.u32 s4, v10;
	[sflag:s22] =	ssyncset.done $0x0;
	v4 =	vadd.s32 v3, v4  }
0x179: {  	v6 =	vshll.u32 v6, $0x7;
	[sflag:s22] =	ssyncadd.s32 $0xFFFFE000;
	vm1 =	vne.s32 v8, v7;
	v7 =	vand.u32 $0xFFFFFF80, v4  }
0x17a: {  	s2 =	simm.s32 $0x40;
	v4 =	vand.u32 $0x7F, v4;
	v3 =	vld.idx.msk [tilespmem:v5+s3+$0x0], $0xffff;
	vm0 =	vmand vm0, vm1;
	v5 =	vadd.s32 v6, v7  }
.LBB2_18:
0x17b: {  	p0 =	sne.s32 s2, $0xB0;
	v6 =	vmulhi.u32 $0xAAAAAAAB, v1;
	v7 =	vsel vm0, $0xFFFFFFFF, v11;
	v4 =	vor.u32 v4, v5  }
0x17c: {  	v5 =	vadd.s32 v7, v2  }
.Ltmp8:
0x17d: {  	v2 =	vshrl.u32 v6, $0x1;
	v6 =	vmul.u32 $0xFFFFFFFD, v5;
	(pc) =	sbr.rel @p0 .LBB2_18-.Ltmp8, $4  }
0x17e: {  	v8 =	vmov s4;
	s8 =	sand.u32 $0xF0, s6;
	s6 =	smov.u32 s7;
	s7 =	smov.u32 s5;
	v7 =	vor.u32 s2, v10;
	v9 =	vmul.u32 $0xFFFFFFFD, v2  }
0x17f: {  	s5 =	smov.u32 s4;
	s4 =	smov.u32 s2;
	vm0 =	veq.s32 v8, v10;
	v8 =	vsub.s32 $0x0, v1;
	v6 =	vadd.s32 v0, v6;
	[tilespmem:s8+$0x2600] =	vst v3;
	v0 =	vmovc v1  }
0x180: {  	v5 =	vshll.u32 v5, $0x7;
	v1 =	vmovc v7;
	vm1 =	vne.s32 v9, v8;
	v8 =	vand.u32 $0xFFFFFF80, v6;
	v3 =	vld.idx.msk [tilespmem:v4+s3+$0x0], $0xffff  }
0x181: {  	s2 =	sadd.s32 $0x10, s2;
	v4 =	vand.u32 $0x7F, v6;
	vm0 =	vmand vm0, vm1;
	v5 =	vadd.s32 v5, v8  }
0x182: {  	v6 =	vmulhi.u32 $0xAAAAAAAB, v1  }
0x183: {  	v7 =	vsel vm0, $0xFFFFFFFF, v11  }
0x184: {  	v4 =	vor.u32 v4, v5;
	v2 =	vadd.s32 v7, v2;
	v6 =	vshrl.u32 v6, $0x1  }
0x185: {  	v7 =	vmul.u32 $0xFFFFFFFD, v2;
	v5 =	vmul.u32 $0xFFFFFFFD, v6  }
0x186: {  	v8 =	vmov s4;
	v9 =	vsub.s32 $0x0, v1  }
0x187: {  	s2 =	sand.u32 $0xF0, s6;
	vm0 =	veq.s32 v8, v10;
	v0 =	vadd.s32 v0, v7;
	vm1 =	vne.s32 v5, v9  }
0x188: {  	v2 =	vshll.u32 v2, $0x7;
	[tilespmem:s2+$0x2600] =	vst v3;
	v3 =	vand.u32 $0xFFFFFF80, v0;
	vm0 =	vmand vm0, vm1  }
0x189: {  	v4 =	vld.idx.msk [tilespmem:v4+s3+$0x0], $0xffff;
	v0 =	vand.u32 $0x7F, v0;
	v2 =	vadd.s32 v2, v3;
	v5 =	vsel vm0, $0xFFFFFFFF, v11  }
0x18a: {  	s20 =	simm.s32 $0x0;
	v0 =	vor.u32 v0, v2;
	v3 =	vadd.s32 v5, v6  }
0x18b: {  	v5 =	vor.u32 s20, v10;
	v2 =	vmul.u32 $0xFFFFFFFD, v3  }
0x18c: {  	v6 =	vmulhi.u32 $0xAAAAAAAB, v5  }
0x18d: {  	s21 =	sand.u32 $0xF0, s7;
	v1 =	vadd.s32 v1, v2  }
0x18e: {  	v3 =	vshll.u32 v3, $0x7;
	[tilespmem:s21+$0x2600] =	vst v4;
	v6 =	vshrl.u32 v6, $0x1;
	v2 =	vand.u32 $0xFFFFFF80, v1  }
0x18f: {  	v1 =	vand.u32 $0x7F, v1;
	v0 =	vld.idx.msk [tilespmem:v0+s3+$0x0], $0xffff;
	v2 =	vadd.s32 v3, v2;
	v3 =	vmul.u32 $0xFFFFFFFD, v6  }
0x190: {  	s24 =	simm.s32 $0x10;
	v4 =	vsub.s32 $0x0, v5;
	v1 =	vor.u32 v1, v2;
	v2 =	vmov s20  }
0x191: {  	v7 =	vor.u32 s24, v10;
	vm0 =	veq.s32 v2, v10;
	vm1 =	vne.s32 v3, v4  }
0x192: {  	v2 =	vmulhi.u32 $0xAAAAAAAB, v7;
	vm0 =	vmand vm0, vm1  }
0x193: {  	s5 =	sand.u32 $0xF0, s5;
	v3 =	vsel vm0, $0xFFFFFFFF, v11  }
0x194: {  	v2 =	vshrl.u32 v2, $0x1;
	[tilespmem:s5+$0x2600] =	vst v0;
	v3 =	vadd.s32 v3, v6  }
0x195: {  	v4 =	vmul.u32 $0xFFFFFFFD, v2;
	v6 =	vmov s24;
	v0 =	vmul.u32 $0xFFFFFFFD, v3;
	v1 =	vld.idx.msk [tilespmem:v1+s3+$0x0], $0xffff  }
0x196: {  	s28 =	simm.s32 $0x20;
	v8 =	vsub.s32 $0x0, v7;
	vm0 =	veq.s32 v6, v10;
	v3 =	vshll.u32 v3, $0x7  }
0x197: {  	vm1 =	vne.s32 v4, v8;
	v4 =	vor.u32 s28, v10;
	v0 =	vadd.s32 v5, v0  }
0x198: {  	vm0 =	vmand vm0, vm1;
	v6 =	vmulhi.u32 $0xAAAAAAAB, v4;
	v5 =	vand.u32 $0xFFFFFF80, v0  }
0x199: {  	s29 =	sand.u32 $0xF0, s4;
	v8 =	vsel vm0, $0xFFFFFFFF, v11;
	v0 =	vand.u32 $0x7F, v0;
	v3 =	vadd.s32 v3, v5  }
0x19a: {  	s30 =	simm.s32 $0x30;
	s31 =	rddreg [dreg:$0xc];
	v2 =	vadd.s32 v8, v2;
	[tilespmem:s29+$0x2600] =	vst v1;
	v1 =	vor.u32 v0, v3;
	v3 =	vshrl.u32 v6, $0x1  }
0x19b: {  	v8 =	vmov s28;
	v5 =	vmul.u32 $0xFFFFFFFD, v2;
	[tilespmem:s20], [sflag:$0x3] =	stream.linear.gather [hbm4b:s31+s20], $0x2000, $0x38;
	v6 =	vmul.u32 $0xFFFFFFFD, v3;
	[tilespmem:$0x1AC80] =	vst v63  }
0x19c: {  	v9 =	vsub.s32 $0x0, v4;
	v0 =	vor.u32 s30, v10;
	vm0 =	veq.s32 v8, v10;
	_ =	swait.ge [sflag:s22], $0x2000  }
0x19d: {  	v2 =	vshll.u32 v2, $0x7;
	v5 =	vadd.s32 v7, v5;
	[sflag:s22] =	ssyncset.done $0x0;
	vm1 =	vne.s32 v6, v9  }
0x19e: {  	v6 =	vand.u32 $0xFFFFFF80, v5;
	v5 =	vand.u32 $0x7F, v5;
	[sflag:s22] =	ssyncadd.s32 $0xFFFFE000;
	vm0 =	vmand vm0, vm1  }
0x19f: {  	v7 =	vld.idx.msk [tilespmem:v1+s3+$0x0], $0xffff;
	v1 =	vadd.s32 v2, v6;
	v2 =	vmulhi.u32 $0xAAAAAAAB, v0;
	v6 =	vsel vm0, $0xFFFFFFFF, v11  }
0x1a0: {  	v5 =	vor.u32 v5, v1;
	v3 =	vadd.s32 v6, v3  }
0x1a1: {  	v8 =	vmov s30;
	v2 =	vshrl.u32 v2, $0x1;
	v6 =	vmul.u32 $0xFFFFFFFD, v3  }
0x1a2: {  	s2 =	simm.s32 $0x40;
	vm0 =	veq.s32 v8, v10;
	v9 =	vmul.u32 $0xFFFFFFFD, v2  }
0x1a3: {  	s4 =	simm.s32 $0x26C0;
	v8 =	vsub.s32 $0x0, v0;
	v1 =	vor.u32 s2, v10;
	v4 =	vadd.s32 v4, v6  }
0x1a4: {  	[tilespmem:s4+$0x0] =	vst v7;
	vm1 =	vne.s32 v9, v8;
	v6 =	vand.u32 $0xFFFFFF80, v4;
	v7 =	vshll.u32 v3, $0x7  }
0x1a5: {  	s5 =	simm.s32 $0x50;
	v4 =	vand.u32 $0x7F, v4;
	v3 =	vld.idx.msk [tilespmem:v5+s3+$0x0], $0xffff;
	vm0 =	vmand vm0, vm1;
	v5 =	vadd.s32 v7, v6  }
.LBB2_20:
0x1a6: {  	p0 =	sne.s32 s5, $0xB0;
	v6 =	vmulhi.u32 $0xAAAAAAAB, v1;
	v7 =	vsel vm0, $0xFFFFFFFF, v11;
	v4 =	vor.u32 v4, v5  }
0x1a7: {  	v5 =	vadd.s32 v7, v2  }
.Ltmp9:
0x1a8: {  	v2 =	vshrl.u32 v6, $0x1;
	v6 =	vmul.u32 $0xFFFFFFFD, v5;
	(pc) =	sbr.rel @p0 .LBB2_20-.Ltmp9, $4  }
0x1a9: {  	v8 =	vmov s2;
	s4 =	sadd.s32 $0x10, s4;
	s2 =	smov.u32 s5;
	v7 =	vor.u32 s5, v10;
	v9 =	vmul.u32 $0xFFFFFFFD, v2  }
0x1aa: {  	vm0 =	veq.s32 v8, v10;
	v8 =	vsub.s32 $0x0, v1;
	v6 =	vadd.s32 v0, v6;
	[tilespmem:s4+$0x0] =	vst v3;
	v0 =	vmovc v1  }
0x1ab: {  	v5 =	vshll.u32 v5, $0x7;
	v1 =	vmovc v7;
	vm1 =	vne.s32 v9, v8;
	v8 =	vand.u32 $0xFFFFFF80, v6;
	v3 =	vld.idx.msk [tilespmem:v4+s3+$0x0], $0xffff  }
0x1ac: {  	s5 =	sadd.s32 $0x10, s5;
	v4 =	vand.u32 $0x7F, v6;
	vm0 =	vmand vm0, vm1;
	v5 =	vadd.s32 v5, v8  }
0x1ad: {  	v6 =	vmulhi.u32 $0xAAAAAAAB, v1  }
0x1ae: {  	v7 =	vsel vm0, $0xFFFFFFFF, v11  }
0x1af: {  	v4 =	vor.u32 v4, v5;
	v2 =	vadd.s32 v7, v2;
	v5 =	vshrl.u32 v6, $0x1  }
0x1b0: {  	v6 =	vmul.u32 $0xFFFFFFFD, v2;
	v7 =	vmul.u32 $0xFFFFFFFD, v5  }
0x1b1: {  	v8 =	vmov s2;
	v9 =	vsub.s32 $0x0, v1  }
0x1b2: {  	s30 =	sadd.s32 $0x10, s4;
	vm0 =	veq.s32 v8, v10;
	v0 =	vadd.s32 v0, v6;
	vm1 =	vne.s32 v7, v9  }
0x1b3: {  	v2 =	vshll.u32 v2, $0x7;
	[tilespmem:s30+$0x0] =	vst v3;
	v3 =	vand.u32 $0xFFFFFF80, v0;
	vm0 =	vmand vm0, vm1  }
0x1b4: {  	v4 =	vld.idx.msk [tilespmem:v4+s3+$0x0], $0xffff;
	v0 =	vand.u32 $0x7F, v0;
	v2 =	vadd.s32 v2, v3;
	v3 =	vsel vm0, $0xFFFFFFFF, v11  }
0x1b5: {  	s6 =	simm.s32 $0x0;
	v0 =	vor.u32 v0, v2;
	v2 =	vadd.s32 v3, v5  }
0x1b6: {  	v5 =	vor.u32 s6, v10;
	v3 =	vmul.u32 $0xFFFFFFFD, v2  }
0x1b7: {  	v6 =	vmulhi.u32 $0xAAAAAAAB, v5  }
0x1b8: {  	s2 =	sadd.s32 $0x10, s30;
	v1 =	vadd.s32 v1, v3  }
0x1b9: {  	v2 =	vshll.u32 v2, $0x7;
	[tilespmem:s2+$0x0] =	vst v4;
	v4 =	vshrl.u32 v6, $0x1;
	v3 =	vand.u32 $0xFFFFFF80, v1  }
0x1ba: {  	v0 =	vld.idx.msk [tilespmem:v0+s3+$0x0], $0xffff;
	v1 =	vand.u32 $0x7F, v1;
	v2 =	vadd.s32 v2, v3;
	v3 =	vmul.u32 $0xFFFFFFFD, v4  }
0x1bb: {  	v6 =	vsub.s32 $0x0, v5;
	v1 =	vor.u32 v1, v2;
	v2 =	vmov s6  }
0x1bc: {  	s7 =	simm.s32 $0x10;
	vm0 =	veq.s32 v2, v10;
	vm1 =	vne.s32 v3, v6  }
0x1bd: {  	v3 =	vor.u32 s7, v10;
	vm0 =	vmand vm0, vm1  }
0x1be: {  	s2 =	sadd.s32 $0x10, s2;
	v2 =	vmulhi.u32 $0xAAAAAAAB, v3;
	v6 =	vsel vm0, $0xFFFFFFFF, v11  }
0x1bf: {  	[tilespmem:s2+$0x0] =	vst v0;
	v4 =	vadd.s32 v6, v4  }
0x1c0: {  	v2 =	vshrl.u32 v2, $0x1;
	v1 =	vld.idx.msk [tilespmem:v1+s3+$0x0], $0xffff;
	v6 =	vmul.u32 $0xFFFFFFFD, v4  }
0x1c1: {  	s5 =	simm.s32 $0x20;
	v8 =	vmov s7;
	v7 =	vmul.u32 $0xFFFFFFFD, v2  }
0x1c2: {  	v0 =	vor.u32 s5, v10;
	v5 =	vadd.s32 v5, v6;
	v6 =	vsub.s32 $0x0, v3  }
0x1c3: {  	vm0 =	veq.s32 v8, v10;
	v4 =	vshll.u32 v4, $0x7;
	vm1 =	vne.s32 v7, v6  }
0x1c4: {  	s2 =	sadd.s32 $0x10, s2;
	v6 =	vand.u32 $0xFFFFFF80, v5;
	v5 =	vand.u32 $0x7F, v5;
	vm0 =	vmand vm0, vm1  }
0x1c5: {  	[tilespmem:s2+$0x0] =	vst v1;
	v1 =	vadd.s32 v4, v6;
	v4 =	vmulhi.u32 $0xAAAAAAAB, v0;
	v6 =	vsel vm0, $0xFFFFFFFF, v11  }
0x1c6: {  	s31 =	rddreg [dreg:$0xd];
	v5 =	vor.u32 v5, v1;
	v6 =	vadd.s32 v6, v2  }
0x1c7: {  	v7 =	vmov s5;
	[tilespmem:s6], [sflag:$0x3] =	stream.linear.gather [hbm4b:s31+s6], $0x2000, $0x38;
	v2 =	vshrl.u32 v4, $0x1;
	v4 =	vmul.u32 $0xFFFFFFFD, v6;
	[tilespmem:$0x1AC80] =	vst v63  }
0x1c8: {  	s4 =	simm.s32 $0x30;
	vm0 =	veq.s32 v7, v10;
	_ =	swait.ge [sflag:s22], $0x2000;
	v8 =	vmul.u32 $0xFFFFFFFD, v2  }
0x1c9: {  	v7 =	vsub.s32 $0x0, v0;
	v1 =	vor.u32 s4, v10;
	[sflag:s22] =	ssyncset.done $0x0;
	v4 =	vadd.s32 v3, v4  }
0x1ca: {  	v6 =	vshll.u32 v6, $0x7;
	[sflag:s22] =	ssyncadd.s32 $0xFFFFE000;
	vm1 =	vne.s32 v8, v7;
	v7 =	vand.u32 $0xFFFFFF80, v4  }
0x1cb: {  	s2 =	simm.s32 $0x40;
	v4 =	vand.u32 $0x7F, v4;
	v3 =	vld.idx.msk [tilespmem:v5+s3+$0x0], $0xffff;
	vm0 =	vmand vm0, vm1;
	v5 =	vadd.s32 v6, v7  }
.LBB2_22:
0x1cc: {  	p0 =	sne.s32 s2, $0xB0;
	v6 =	vmulhi.u32 $0xAAAAAAAB, v1;
	v7 =	vsel vm0, $0xFFFFFFFF, v11;
	v4 =	vor.u32 v4, v5  }
0x1cd: {  	v5 =	vadd.s32 v7, v2  }
.Ltmp10:
0x1ce: {  	v2 =	vshrl.u32 v6, $0x1;
	v6 =	vmul.u32 $0xFFFFFFFD, v5;
	(pc) =	sbr.rel @p0 .LBB2_22-.Ltmp10, $4  }
0x1cf: {  	v8 =	vmov s4;
	s8 =	sand.u32 $0xF0, s6;
	s6 =	smov.u32 s7;
	s7 =	smov.u32 s5;
	v7 =	vor.u32 s2, v10;
	v9 =	vmul.u32 $0xFFFFFFFD, v2  }
0x1d0: {  	s5 =	smov.u32 s4;
	s4 =	smov.u32 s2;
	vm0 =	veq.s32 v8, v10;
	v8 =	vsub.s32 $0x0, v1;
	v6 =	vadd.s32 v0, v6;
	[tilespmem:s8+$0x2780] =	vst v3;
	v0 =	vmovc v1  }
0x1d1: {  	v5 =	vshll.u32 v5, $0x7;
	v1 =	vmovc v7;
	vm1 =	vne.s32 v9, v8;
	v8 =	vand.u32 $0xFFFFFF80, v6;
	v3 =	vld.idx.msk [tilespmem:v4+s3+$0x0], $0xffff  }
0x1d2: {  	s2 =	sadd.s32 $0x10, s2;
	v4 =	vand.u32 $0x7F, v6;
	vm0 =	vmand vm0, vm1;
	v5 =	vadd.s32 v5, v8  }
0x1d3: {  	v6 =	vmulhi.u32 $0xAAAAAAAB, v1  }
0x1d4: {  	v7 =	vsel vm0, $0xFFFFFFFF, v11  }
0x1d5: {  	v4 =	vor.u32 v4, v5;
	v2 =	vadd.s32 v7, v2;
	v6 =	vshrl.u32 v6, $0x1  }
0x1d6: {  	v7 =	vmul.u32 $0xFFFFFFFD, v2;
	v5 =	vmul.u32 $0xFFFFFFFD, v6  }
0x1d7: {  	v8 =	vmov s4;
	v9 =	vsub.s32 $0x0, v1  }
0x1d8: {  	s2 =	sand.u32 $0xF0, s6;
	vm0 =	veq.s32 v8, v10;
	v0 =	vadd.s32 v0, v7;
	vm1 =	vne.s32 v5, v9  }
0x1d9: {  	v2 =	vshll.u32 v2, $0x7;
	[tilespmem:s2+$0x2780] =	vst v3;
	v3 =	vand.u32 $0xFFFFFF80, v0;
	vm0 =	vmand vm0, vm1  }
0x1da: {  	v4 =	vld.idx.msk [tilespmem:v4+s3+$0x0], $0xffff;
	v0 =	vand.u32 $0x7F, v0;
	v2 =	vadd.s32 v2, v3;
	v5 =	vsel vm0, $0xFFFFFFFF, v11  }
0x1db: {  	s20 =	simm.s32 $0x0;
	v0 =	vor.u32 v0, v2;
	v3 =	vadd.s32 v5, v6  }
0x1dc: {  	v5 =	vor.u32 s20, v10;
	v2 =	vmul.u32 $0xFFFFFFFD, v3  }
0x1dd: {  	v6 =	vmulhi.u32 $0xAAAAAAAB, v5  }
0x1de: {  	s21 =	sand.u32 $0xF0, s7;
	v1 =	vadd.s32 v1, v2  }
0x1df: {  	v3 =	vshll.u32 v3, $0x7;
	[tilespmem:s21+$0x2780] =	vst v4;
	v6 =	vshrl.u32 v6, $0x1;
	v2 =	vand.u32 $0xFFFFFF80, v1  }
0x1e0: {  	v1 =	vand.u32 $0x7F, v1;
	v0 =	vld.idx.msk [tilespmem:v0+s3+$0x0], $0xffff;
	v2 =	vadd.s32 v3, v2;
	v3 =	vmul.u32 $0xFFFFFFFD, v6  }
0x1e1: {  	s24 =	simm.s32 $0x10;
	v4 =	vsub.s32 $0x0, v5;
	v1 =	vor.u32 v1, v2;
	v2 =	vmov s20  }
0x1e2: {  	v7 =	vor.u32 s24, v10;
	vm0 =	veq.s32 v2, v10;
	vm1 =	vne.s32 v3, v4  }
0x1e3: {  	v2 =	vmulhi.u32 $0xAAAAAAAB, v7;
	vm0 =	vmand vm0, vm1  }
0x1e4: {  	s5 =	sand.u32 $0xF0, s5;
	v3 =	vsel vm0, $0xFFFFFFFF, v11  }
0x1e5: {  	v2 =	vshrl.u32 v2, $0x1;
	[tilespmem:s5+$0x2780] =	vst v0;
	v3 =	vadd.s32 v3, v6  }
0x1e6: {  	v4 =	vmul.u32 $0xFFFFFFFD, v2;
	v6 =	vmov s24;
	v0 =	vmul.u32 $0xFFFFFFFD, v3;
	v1 =	vld.idx.msk [tilespmem:v1+s3+$0x0], $0xffff  }
0x1e7: {  	s28 =	simm.s32 $0x20;
	v8 =	vsub.s32 $0x0, v7;
	vm0 =	veq.s32 v6, v10;
	v3 =	vshll.u32 v3, $0x7  }
0x1e8: {  	vm1 =	vne.s32 v4, v8;
	v4 =	vor.u32 s28, v10;
	v0 =	vadd.s32 v5, v0  }
0x1e9: {  	vm0 =	vmand vm0, vm1;
	v6 =	vmulhi.u32 $0xAAAAAAAB, v4;
	v5 =	vand.u32 $0xFFFFFF80, v0  }
0x1ea: {  	s29 =	sand.u32 $0xF0, s4;
	v8 =	vsel vm0, $0xFFFFFFFF, v11;
	v0 =	vand.u32 $0x7F, v0;
	v3 =	vadd.s32 v3, v5  }
0x1eb: {  	s30 =	simm.s32 $0x30;
	s31 =	rddreg [dreg:$0xe];
	v2 =	vadd.s32 v8, v2;
	[tilespmem:s29+$0x2780] =	vst v1;
	v1 =	vor.u32 v0, v3;
	v3 =	vshrl.u32 v6, $0x1  }
0x1ec: {  	v8 =	vmov s28;
	v5 =	vmul.u32 $0xFFFFFFFD, v2;
	[tilespmem:s20], [sflag:$0x3] =	stream.linear.gather [hbm4b:s31+s20], $0x2000, $0x38;
	v6 =	vmul.u32 $0xFFFFFFFD, v3;
	[tilespmem:$0x1AC80] =	vst v63  }
0x1ed: {  	v9 =	vsub.s32 $0x0, v4;
	v0 =	vor.u32 s30, v10;
	vm0 =	veq.s32 v8, v10;
	_ =	swait.ge [sflag:s22], $0x2000  }
0x1ee: {  	v2 =	vshll.u32 v2, $0x7;
	v5 =	vadd.s32 v7, v5;
	[sflag:s22] =	ssyncset.done $0x0;
	vm1 =	vne.s32 v6, v9  }
0x1ef: {  	v6 =	vand.u32 $0xFFFFFF80, v5;
	v5 =	vand.u32 $0x7F, v5;
	[sflag:s22] =	ssyncadd.s32 $0xFFFFE000;
	vm0 =	vmand vm0, vm1  }
0x1f0: {  	v7 =	vld.idx.msk [tilespmem:v1+s3+$0x0], $0xffff;
	v1 =	vadd.s32 v2, v6;
	v2 =	vmulhi.u32 $0xAAAAAAAB, v0;
	v6 =	vsel vm0, $0xFFFFFFFF, v11  }
0x1f1: {  	v5 =	vor.u32 v5, v1;
	v3 =	vadd.s32 v6, v3  }
0x1f2: {  	v8 =	vmov s30;
	v2 =	vshrl.u32 v2, $0x1;
	v6 =	vmul.u32 $0xFFFFFFFD, v3  }
0x1f3: {  	s2 =	simm.s32 $0x40;
	vm0 =	veq.s32 v8, v10;
	v9 =	vmul.u32 $0xFFFFFFFD, v2  }
0x1f4: {  	s4 =	simm.s32 $0x2840;
	v8 =	vsub.s32 $0x0, v0;
	v1 =	vor.u32 s2, v10;
	v4 =	vadd.s32 v4, v6  }
0x1f5: {  	[tilespmem:s4+$0x0] =	vst v7;
	vm1 =	vne.s32 v9, v8;
	v6 =	vand.u32 $0xFFFFFF80, v4;
	v7 =	vshll.u32 v3, $0x7  }
0x1f6: {  	s5 =	simm.s32 $0x50;
	v4 =	vand.u32 $0x7F, v4;
	v3 =	vld.idx.msk [tilespmem:v5+s3+$0x0], $0xffff;
	vm0 =	vmand vm0, vm1;
	v5 =	vadd.s32 v7, v6  }
.LBB2_24:
0x1f7: {  	p0 =	sne.s32 s5, $0xB0;
	v6 =	vmulhi.u32 $0xAAAAAAAB, v1;
	v7 =	vsel vm0, $0xFFFFFFFF, v11;
	v4 =	vor.u32 v4, v5  }
0x1f8: {  	v5 =	vadd.s32 v7, v2  }
.Ltmp11:
0x1f9: {  	v2 =	vshrl.u32 v6, $0x1;
	v6 =	vmul.u32 $0xFFFFFFFD, v5;
	(pc) =	sbr.rel @p0 .LBB2_24-.Ltmp11, $4  }
0x1fa: {  	v8 =	vmov s2;
	s4 =	sadd.s32 $0x10, s4;
	s2 =	smov.u32 s5;
	v7 =	vor.u32 s5, v10;
	v9 =	vmul.u32 $0xFFFFFFFD, v2  }
0x1fb: {  	vm0 =	veq.s32 v8, v10;
	v8 =	vsub.s32 $0x0, v1;
	v6 =	vadd.s32 v0, v6;
	[tilespmem:s4+$0x0] =	vst v3;
	v0 =	vmovc v1  }
0x1fc: {  	v5 =	vshll.u32 v5, $0x7;
	v1 =	vmovc v7;
	vm1 =	vne.s32 v9, v8;
	v8 =	vand.u32 $0xFFFFFF80, v6;
	v3 =	vld.idx.msk [tilespmem:v4+s3+$0x0], $0xffff  }
0x1fd: {  	s5 =	sadd.s32 $0x10, s5;
	v4 =	vand.u32 $0x7F, v6;
	vm0 =	vmand vm0, vm1;
	v5 =	vadd.s32 v5, v8  }
0x1fe: {  	v6 =	vmulhi.u32 $0xAAAAAAAB, v1  }
0x1ff: {  	v7 =	vsel vm0, $0xFFFFFFFF, v11  }
0x200: {  	v4 =	vor.u32 v4, v5;
	v2 =	vadd.s32 v7, v2;
	v5 =	vshrl.u32 v6, $0x1  }
0x201: {  	v6 =	vmul.u32 $0xFFFFFFFD, v2;
	v7 =	vmul.u32 $0xFFFFFFFD, v5  }
0x202: {  	v8 =	vmov s2;
	v9 =	vsub.s32 $0x0, v1  }
0x203: {  	s30 =	sadd.s32 $0x10, s4;
	vm0 =	veq.s32 v8, v10;
	v0 =	vadd.s32 v0, v6;
	vm1 =	vne.s32 v7, v9  }
0x204: {  	v2 =	vshll.u32 v2, $0x7;
	[tilespmem:s30+$0x0] =	vst v3;
	v3 =	vand.u32 $0xFFFFFF80, v0;
	vm0 =	vmand vm0, vm1  }
0x205: {  	v4 =	vld.idx.msk [tilespmem:v4+s3+$0x0], $0xffff;
	v0 =	vand.u32 $0x7F, v0;
	v2 =	vadd.s32 v2, v3;
	v3 =	vsel vm0, $0xFFFFFFFF, v11  }
0x206: {  	s6 =	simm.s32 $0x0;
	v0 =	vor.u32 v0, v2;
	v2 =	vadd.s32 v3, v5  }
0x207: {  	v5 =	vor.u32 s6, v10;
	v3 =	vmul.u32 $0xFFFFFFFD, v2  }
0x208: {  	v6 =	vmulhi.u32 $0xAAAAAAAB, v5  }
0x209: {  	s2 =	sadd.s32 $0x10, s30;
	v1 =	vadd.s32 v1, v3  }
0x20a: {  	v2 =	vshll.u32 v2, $0x7;
	[tilespmem:s2+$0x0] =	vst v4;
	v4 =	vshrl.u32 v6, $0x1;
	v3 =	vand.u32 $0xFFFFFF80, v1  }
0x20b: {  	v0 =	vld.idx.msk [tilespmem:v0+s3+$0x0], $0xffff;
	v1 =	vand.u32 $0x7F, v1;
	v2 =	vadd.s32 v2, v3;
	v3 =	vmul.u32 $0xFFFFFFFD, v4  }
0x20c: {  	v6 =	vsub.s32 $0x0, v5;
	v1 =	vor.u32 v1, v2;
	v2 =	vmov s6  }
0x20d: {  	s7 =	simm.s32 $0x10;
	vm0 =	veq.s32 v2, v10;
	vm1 =	vne.s32 v3, v6  }
0x20e: {  	v3 =	vor.u32 s7, v10;
	vm0 =	vmand vm0, vm1  }
0x20f: {  	s2 =	sadd.s32 $0x10, s2;
	v2 =	vmulhi.u32 $0xAAAAAAAB, v3;
	v6 =	vsel vm0, $0xFFFFFFFF, v11  }
0x210: {  	[tilespmem:s2+$0x0] =	vst v0;
	v4 =	vadd.s32 v6, v4  }
0x211: {  	v2 =	vshrl.u32 v2, $0x1;
	v1 =	vld.idx.msk [tilespmem:v1+s3+$0x0], $0xffff;
	v6 =	vmul.u32 $0xFFFFFFFD, v4  }
0x212: {  	s5 =	simm.s32 $0x20;
	v8 =	vmov s7;
	v7 =	vmul.u32 $0xFFFFFFFD, v2  }
0x213: {  	v0 =	vor.u32 s5, v10;
	v5 =	vadd.s32 v5, v6;
	v6 =	vsub.s32 $0x0, v3  }
0x214: {  	vm0 =	veq.s32 v8, v10;
	v4 =	vshll.u32 v4, $0x7;
	vm1 =	vne.s32 v7, v6  }
0x215: {  	s2 =	sadd.s32 $0x10, s2;
	v6 =	vand.u32 $0xFFFFFF80, v5;
	v5 =	vand.u32 $0x7F, v5;
	vm0 =	vmand vm0, vm1  }
0x216: {  	[tilespmem:s2+$0x0] =	vst v1;
	v1 =	vadd.s32 v4, v6;
	v4 =	vmulhi.u32 $0xAAAAAAAB, v0;
	v6 =	vsel vm0, $0xFFFFFFFF, v11  }
0x217: {  	s31 =	rddreg [dreg:$0xf];
	v5 =	vor.u32 v5, v1;
	v6 =	vadd.s32 v6, v2  }
0x218: {  	v7 =	vmov s5;
	[tilespmem:s6], [sflag:$0x3] =	stream.linear.gather [hbm4b:s31+s6], $0x2000, $0x38;
	v2 =	vshrl.u32 v4, $0x1;
	v4 =	vmul.u32 $0xFFFFFFFD, v6;
	[tilespmem:$0x1AC80] =	vst v63  }
0x219: {  	s4 =	simm.s32 $0x30;
	vm0 =	veq.s32 v7, v10;
	_ =	swait.ge [sflag:s22], $0x2000;
	v8 =	vmul.u32 $0xFFFFFFFD, v2  }
0x21a: {  	v7 =	vsub.s32 $0x0, v0;
	v1 =	vor.u32 s4, v10;
	[sflag:s22] =	ssyncset.done $0x0;
	v4 =	vadd.s32 v3, v4  }
0x21b: {  	v6 =	vshll.u32 v6, $0x7;
	[sflag:s22] =	ssyncadd.s32 $0xFFFFE000;
	vm1 =	vne.s32 v8, v7;
	v7 =	vand.u32 $0xFFFFFF80, v4  }
0x21c: {  	s2 =	simm.s32 $0x40;
	v4 =	vand.u32 $0x7F, v4;
	v3 =	vld.idx.msk [tilespmem:v5+s3+$0x0], $0xffff;
	vm0 =	vmand vm0, vm1;
	v5 =	vadd.s32 v6, v7  }
.LBB2_26:
0x21d: {  	p0 =	sne.s32 s2, $0xB0;
	v6 =	vmulhi.u32 $0xAAAAAAAB, v1;
	v7 =	vsel vm0, $0xFFFFFFFF, v11;
	v4 =	vor.u32 v4, v5  }
0x21e: {  	v5 =	vadd.s32 v7, v2  }
.Ltmp12:
0x21f: {  	v2 =	vshrl.u32 v6, $0x1;
	v6 =	vmul.u32 $0xFFFFFFFD, v5;
	(pc) =	sbr.rel @p0 .LBB2_26-.Ltmp12, $4  }
0x220: {  	v8 =	vmov s4;
	s8 =	sand.u32 $0xF0, s6;
	s6 =	smov.u32 s7;
	s7 =	smov.u32 s5;
	v7 =	vor.u32 s2, v10;
	v9 =	vmul.u32 $0xFFFFFFFD, v2  }
0x221: {  	s5 =	smov.u32 s4;
	s4 =	smov.u32 s2;
	vm0 =	veq.s32 v8, v10;
	v8 =	vsub.s32 $0x0, v1;
	v6 =	vadd.s32 v0, v6;
	[tilespmem:s8+$0x2900] =	vst v3;
	v0 =	vmovc v1  }
0x222: {  	v5 =	vshll.u32 v5, $0x7;
	v1 =	vmovc v7;
	vm1 =	vne.s32 v9, v8;
	v8 =	vand.u32 $0xFFFFFF80, v6;
	v3 =	vld.idx.msk [tilespmem:v4+s3+$0x0], $0xffff  }
0x223: {  	s2 =	sadd.s32 $0x10, s2;
	v4 =	vand.u32 $0x7F, v6;
	vm0 =	vmand vm0, vm1;
	v5 =	vadd.s32 v5, v8  }
0x224: {  	v6 =	vmulhi.u32 $0xAAAAAAAB, v1  }
0x225: {  	v7 =	vsel vm0, $0xFFFFFFFF, v11  }
0x226: {  	v4 =	vor.u32 v4, v5;
	v2 =	vadd.s32 v7, v2;
	v6 =	vshrl.u32 v6, $0x1  }
0x227: {  	v7 =	vmul.u32 $0xFFFFFFFD, v2;
	v5 =	vmul.u32 $0xFFFFFFFD, v6  }
0x228: {  	v8 =	vmov s4;
	v9 =	vsub.s32 $0x0, v1  }
0x229: {  	s2 =	sand.u32 $0xF0, s6;
	vm0 =	veq.s32 v8, v10;
	v0 =	vadd.s32 v0, v7;
	vm1 =	vne.s32 v5, v9  }
0x22a: {  	v2 =	vshll.u32 v2, $0x7;
	[tilespmem:s2+$0x2900] =	vst v3;
	v3 =	vand.u32 $0xFFFFFF80, v0;
	vm0 =	vmand vm0, vm1  }
0x22b: {  	v4 =	vld.idx.msk [tilespmem:v4+s3+$0x0], $0xffff;
	v0 =	vand.u32 $0x7F, v0;
	v2 =	vadd.s32 v2, v3;
	v5 =	vsel vm0, $0xFFFFFFFF, v11  }
0x22c: {  	s20 =	simm.s32 $0x0;
	v0 =	vor.u32 v0, v2;
	v3 =	vadd.s32 v5, v6  }
0x22d: {  	v5 =	vor.u32 s20, v10;
	v2 =	vmul.u32 $0xFFFFFFFD, v3  }
0x22e: {  	v6 =	vmulhi.u32 $0xAAAAAAAB, v5  }
0x22f: {  	s21 =	sand.u32 $0xF0, s7;
	v1 =	vadd.s32 v1, v2  }
0x230: {  	v3 =	vshll.u32 v3, $0x7;
	[tilespmem:s21+$0x2900] =	vst v4;
	v6 =	vshrl.u32 v6, $0x1;
	v2 =	vand.u32 $0xFFFFFF80, v1  }
0x231: {  	v1 =	vand.u32 $0x7F, v1;
	v0 =	vld.idx.msk [tilespmem:v0+s3+$0x0], $0xffff;
	v2 =	vadd.s32 v3, v2;
	v3 =	vmul.u32 $0xFFFFFFFD, v6  }
0x232: {  	s24 =	simm.s32 $0x10;
	v4 =	vsub.s32 $0x0, v5;
	v1 =	vor.u32 v1, v2;
	v2 =	vmov s20  }
0x233: {  	v7 =	vor.u32 s24, v10;
	vm0 =	veq.s32 v2, v10;
	vm1 =	vne.s32 v3, v4  }
0x234: {  	v2 =	vmulhi.u32 $0xAAAAAAAB, v7;
	vm0 =	vmand vm0, vm1  }
0x235: {  	s5 =	sand.u32 $0xF0, s5;
	v3 =	vsel vm0, $0xFFFFFFFF, v11  }
0x236: {  	v2 =	vshrl.u32 v2, $0x1;
	[tilespmem:s5+$0x2900] =	vst v0;
	v3 =	vadd.s32 v3, v6  }
0x237: {  	v4 =	vmul.u32 $0xFFFFFFFD, v2;
	v6 =	vmov s24;
	v0 =	vmul.u32 $0xFFFFFFFD, v3;
	v1 =	vld.idx.msk [tilespmem:v1+s3+$0x0], $0xffff  }
0x238: {  	s28 =	simm.s32 $0x20;
	v8 =	vsub.s32 $0x0, v7;
	vm0 =	veq.s32 v6, v10;
	v3 =	vshll.u32 v3, $0x7  }
0x239: {  	vm1 =	vne.s32 v4, v8;
	v4 =	vor.u32 s28, v10;
	v0 =	vadd.s32 v5, v0  }
0x23a: {  	vm0 =	vmand vm0, vm1;
	v6 =	vmulhi.u32 $0xAAAAAAAB, v4;
	v5 =	vand.u32 $0xFFFFFF80, v0  }
0x23b: {  	s29 =	sand.u32 $0xF0, s4;
	v8 =	vsel vm0, $0xFFFFFFFF, v11;
	v0 =	vand.u32 $0x7F, v0;
	v3 =	vadd.s32 v3, v5  }
0x23c: {  	s30 =	simm.s32 $0x30;
	s31 =	rddreg [dreg:$0x10];
	v2 =	vadd.s32 v8, v2;
	[tilespmem:s29+$0x2900] =	vst v1;
	v1 =	vor.u32 v0, v3;
	v3 =	vshrl.u32 v6, $0x1  }
0x23d: {  	v8 =	vmov s28;
	v5 =	vmul.u32 $0xFFFFFFFD, v2;
	[tilespmem:s20], [sflag:$0x3] =	stream.linear.gather [hbm4b:s31+s20], $0x2000, $0x38;
	v6 =	vmul.u32 $0xFFFFFFFD, v3;
	[tilespmem:$0x1AC80] =	vst v63  }
0x23e: {  	v9 =	vsub.s32 $0x0, v4;
	v0 =	vor.u32 s30, v10;
	vm0 =	veq.s32 v8, v10;
	_ =	swait.ge [sflag:s22], $0x2000  }
0x23f: {  	v2 =	vshll.u32 v2, $0x7;
	v5 =	vadd.s32 v7, v5;
	[sflag:s22] =	ssyncset.done $0x0;
	vm1 =	vne.s32 v6, v9  }
0x240: {  	v6 =	vand.u32 $0xFFFFFF80, v5;
	v5 =	vand.u32 $0x7F, v5;
	[sflag:s22] =	ssyncadd.s32 $0xFFFFE000;
	vm0 =	vmand vm0, vm1  }
0x241: {  	v7 =	vld.idx.msk [tilespmem:v1+s3+$0x0], $0xffff;
	v1 =	vadd.s32 v2, v6;
	v2 =	vmulhi.u32 $0xAAAAAAAB, v0;
	v6 =	vsel vm0, $0xFFFFFFFF, v11  }
0x242: {  	v5 =	vor.u32 v5, v1;
	v3 =	vadd.s32 v6, v3  }
0x243: {  	v8 =	vmov s30;
	v2 =	vshrl.u32 v2, $0x1;
	v6 =	vmul.u32 $0xFFFFFFFD, v3  }
0x244: {  	s2 =	simm.s32 $0x40;
	vm0 =	veq.s32 v8, v10;
	v9 =	vmul.u32 $0xFFFFFFFD, v2  }
0x245: {  	s4 =	simm.s32 $0x29C0;
	v8 =	vsub.s32 $0x0, v0;
	v1 =	vor.u32 s2, v10;
	v4 =	vadd.s32 v4, v6  }
0x246: {  	[tilespmem:s4+$0x0] =	vst v7;
	vm1 =	vne.s32 v9, v8;
	v6 =	vand.u32 $0xFFFFFF80, v4;
	v7 =	vshll.u32 v3, $0x7  }
0x247: {  	s5 =	simm.s32 $0x50;
	v4 =	vand.u32 $0x7F, v4;
	v3 =	vld.idx.msk [tilespmem:v5+s3+$0x0], $0xffff;
	vm0 =	vmand vm0, vm1;
	v5 =	vadd.s32 v7, v6  }
.LBB2_28:
0x248: {  	p0 =	sne.s32 s5, $0xB0;
	v6 =	vmulhi.u32 $0xAAAAAAAB, v1;
	v7 =	vsel vm0, $0xFFFFFFFF, v11;
	v4 =	vor.u32 v4, v5  }
0x249: {  	v5 =	vadd.s32 v7, v2  }
.Ltmp13:
0x24a: {  	v2 =	vshrl.u32 v6, $0x1;
	v6 =	vmul.u32 $0xFFFFFFFD, v5;
	(pc) =	sbr.rel @p0 .LBB2_28-.Ltmp13, $4  }
0x24b: {  	v8 =	vmov s2;
	s4 =	sadd.s32 $0x10, s4;
	s2 =	smov.u32 s5;
	v7 =	vor.u32 s5, v10;
	v9 =	vmul.u32 $0xFFFFFFFD, v2  }
0x24c: {  	vm0 =	veq.s32 v8, v10;
	v8 =	vsub.s32 $0x0, v1;
	v6 =	vadd.s32 v0, v6;
	[tilespmem:s4+$0x0] =	vst v3;
	v0 =	vmovc v1  }
0x24d: {  	v5 =	vshll.u32 v5, $0x7;
	v1 =	vmovc v7;
	vm1 =	vne.s32 v9, v8;
	v8 =	vand.u32 $0xFFFFFF80, v6;
	v3 =	vld.idx.msk [tilespmem:v4+s3+$0x0], $0xffff  }
0x24e: {  	s5 =	sadd.s32 $0x10, s5;
	v4 =	vand.u32 $0x7F, v6;
	vm0 =	vmand vm0, vm1;
	v5 =	vadd.s32 v5, v8  }
0x24f: {  	v6 =	vmulhi.u32 $0xAAAAAAAB, v1  }
0x250: {  	v7 =	vsel vm0, $0xFFFFFFFF, v11  }
0x251: {  	v4 =	vor.u32 v4, v5;
	v2 =	vadd.s32 v7, v2;
	v5 =	vshrl.u32 v6, $0x1  }
0x252: {  	v6 =	vmul.u32 $0xFFFFFFFD, v2;
	v7 =	vmul.u32 $0xFFFFFFFD, v5  }
0x253: {  	v8 =	vmov s2;
	v9 =	vsub.s32 $0x0, v1  }
0x254: {  	s30 =	sadd.s32 $0x10, s4;
	vm0 =	veq.s32 v8, v10;
	v0 =	vadd.s32 v0, v6;
	vm1 =	vne.s32 v7, v9  }
0x255: {  	v2 =	vshll.u32 v2, $0x7;
	[tilespmem:s30+$0x0] =	vst v3;
	v3 =	vand.u32 $0xFFFFFF80, v0;
	vm0 =	vmand vm0, vm1  }
0x256: {  	v4 =	vld.idx.msk [tilespmem:v4+s3+$0x0], $0xffff;
	v0 =	vand.u32 $0x7F, v0;
	v2 =	vadd.s32 v2, v3;
	v3 =	vsel vm0, $0xFFFFFFFF, v11  }
0x257: {  	s6 =	simm.s32 $0x0;
	v0 =	vor.u32 v0, v2;
	v2 =	vadd.s32 v3, v5  }
0x258: {  	v5 =	vor.u32 s6, v10;
	v3 =	vmul.u32 $0xFFFFFFFD, v2  }
0x259: {  	v6 =	vmulhi.u32 $0xAAAAAAAB, v5  }
0x25a: {  	s2 =	sadd.s32 $0x10, s30;
	v1 =	vadd.s32 v1, v3  }
0x25b: {  	v2 =	vshll.u32 v2, $0x7;
	[tilespmem:s2+$0x0] =	vst v4;
	v4 =	vshrl.u32 v6, $0x1;
	v3 =	vand.u32 $0xFFFFFF80, v1  }
0x25c: {  	v0 =	vld.idx.msk [tilespmem:v0+s3+$0x0], $0xffff;
	v1 =	vand.u32 $0x7F, v1;
	v2 =	vadd.s32 v2, v3;
	v3 =	vmul.u32 $0xFFFFFFFD, v4  }
0x25d: {  	v6 =	vsub.s32 $0x0, v5;
	v1 =	vor.u32 v1, v2;
	v2 =	vmov s6  }
0x25e: {  	s7 =	simm.s32 $0x10;
	vm0 =	veq.s32 v2, v10;
	vm1 =	vne.s32 v3, v6  }
0x25f: {  	v3 =	vor.u32 s7, v10;
	vm0 =	vmand vm0, vm1  }
0x260: {  	s2 =	sadd.s32 $0x10, s2;
	v2 =	vmulhi.u32 $0xAAAAAAAB, v3;
	v6 =	vsel vm0, $0xFFFFFFFF, v11  }
0x261: {  	[tilespmem:s2+$0x0] =	vst v0;
	v4 =	vadd.s32 v6, v4  }
0x262: {  	v2 =	vshrl.u32 v2, $0x1;
	v1 =	vld.idx.msk [tilespmem:v1+s3+$0x0], $0xffff;
	v6 =	vmul.u32 $0xFFFFFFFD, v4  }
0x263: {  	s5 =	simm.s32 $0x20;
	v8 =	vmov s7;
	v7 =	vmul.u32 $0xFFFFFFFD, v2  }
0x264: {  	v0 =	vor.u32 s5, v10;
	v5 =	vadd.s32 v5, v6;
	v6 =	vsub.s32 $0x0, v3  }
0x265: {  	vm0 =	veq.s32 v8, v10;
	v4 =	vshll.u32 v4, $0x7;
	vm1 =	vne.s32 v7, v6  }
0x266: {  	s2 =	sadd.s32 $0x10, s2;
	v6 =	vand.u32 $0xFFFFFF80, v5;
	v5 =	vand.u32 $0x7F, v5;
	vm0 =	vmand vm0, vm1  }
0x267: {  	[tilespmem:s2+$0x0] =	vst v1;
	v1 =	vadd.s32 v4, v6;
	v4 =	vmulhi.u32 $0xAAAAAAAB, v0;
	v6 =	vsel vm0, $0xFFFFFFFF, v11  }
0x268: {  	s31 =	rddreg [dreg:$0x11];
	v5 =	vor.u32 v5, v1;
	v6 =	vadd.s32 v6, v2  }
0x269: {  	v7 =	vmov s5;
	[tilespmem:s6], [sflag:$0x3] =	stream.linear.gather [hbm4b:s31+s6], $0x2000, $0x38;
	v2 =	vshrl.u32 v4, $0x1;
	v4 =	vmul.u32 $0xFFFFFFFD, v6;
	[tilespmem:$0x1AC80] =	vst v63  }
0x26a: {  	s4 =	simm.s32 $0x30;
	vm0 =	veq.s32 v7, v10;
	_ =	swait.ge [sflag:s22], $0x2000;
	v8 =	vmul.u32 $0xFFFFFFFD, v2  }
0x26b: {  	v7 =	vsub.s32 $0x0, v0;
	v1 =	vor.u32 s4, v10;
	[sflag:s22] =	ssyncset.done $0x0;
	v4 =	vadd.s32 v3, v4  }
0x26c: {  	v6 =	vshll.u32 v6, $0x7;
	[sflag:s22] =	ssyncadd.s32 $0xFFFFE000;
	vm1 =	vne.s32 v8, v7;
	v7 =	vand.u32 $0xFFFFFF80, v4  }
0x26d: {  	s2 =	simm.s32 $0x40;
	v4 =	vand.u32 $0x7F, v4;
	v3 =	vld.idx.msk [tilespmem:v5+s3+$0x0], $0xffff;
	vm0 =	vmand vm0, vm1;
	v5 =	vadd.s32 v6, v7  }
.LBB2_30:
0x26e: {  	p0 =	sne.s32 s2, $0xB0;
	v6 =	vmulhi.u32 $0xAAAAAAAB, v1;
	v7 =	vsel vm0, $0xFFFFFFFF, v11;
	v4 =	vor.u32 v4, v5  }
0x26f: {  	v5 =	vadd.s32 v7, v2  }
.Ltmp14:
0x270: {  	v2 =	vshrl.u32 v6, $0x1;
	v6 =	vmul.u32 $0xFFFFFFFD, v5;
	(pc) =	sbr.rel @p0 .LBB2_30-.Ltmp14, $4  }
0x271: {  	v8 =	vmov s4;
	s8 =	sand.u32 $0xF0, s6;
	s6 =	smov.u32 s7;
	s7 =	smov.u32 s5;
	v7 =	vor.u32 s2, v10;
	v9 =	vmul.u32 $0xFFFFFFFD, v2  }
0x272: {  	s5 =	smov.u32 s4;
	s4 =	smov.u32 s2;
	vm0 =	veq.s32 v8, v10;
	v8 =	vsub.s32 $0x0, v1;
	v6 =	vadd.s32 v0, v6;
	[tilespmem:s8+$0x2A80] =	vst v3;
	v0 =	vmovc v1  }
0x273: {  	v5 =	vshll.u32 v5, $0x7;
	v1 =	vmovc v7;
	vm1 =	vne.s32 v9, v8;
	v8 =	vand.u32 $0xFFFFFF80, v6;
	v3 =	vld.idx.msk [tilespmem:v4+s3+$0x0], $0xffff  }
0x274: {  	s2 =	sadd.s32 $0x10, s2;
	v4 =	vand.u32 $0x7F, v6;
	vm0 =	vmand vm0, vm1;
	v5 =	vadd.s32 v5, v8  }
0x275: {  	v6 =	vmulhi.u32 $0xAAAAAAAB, v1  }
0x276: {  	v7 =	vsel vm0, $0xFFFFFFFF, v11  }
0x277: {  	v4 =	vor.u32 v4, v5;
	v2 =	vadd.s32 v7, v2;
	v6 =	vshrl.u32 v6, $0x1  }
0x278: {  	v7 =	vmul.u32 $0xFFFFFFFD, v2;
	v5 =	vmul.u32 $0xFFFFFFFD, v6  }
0x279: {  	v8 =	vmov s4;
	v9 =	vsub.s32 $0x0, v1  }
0x27a: {  	s2 =	sand.u32 $0xF0, s6;
	vm0 =	veq.s32 v8, v10;
	v0 =	vadd.s32 v0, v7;
	vm1 =	vne.s32 v5, v9  }
0x27b: {  	v2 =	vshll.u32 v2, $0x7;
	[tilespmem:s2+$0x2A80] =	vst v3;
	v3 =	vand.u32 $0xFFFFFF80, v0;
	vm0 =	vmand vm0, vm1  }
0x27c: {  	v4 =	vld.idx.msk [tilespmem:v4+s3+$0x0], $0xffff;
	v0 =	vand.u32 $0x7F, v0;
	v2 =	vadd.s32 v2, v3;
	v5 =	vsel vm0, $0xFFFFFFFF, v11  }
0x27d: {  	s20 =	simm.s32 $0x0;
	v0 =	vor.u32 v0, v2;
	v3 =	vadd.s32 v5, v6  }
0x27e: {  	v5 =	vor.u32 s20, v10;
	v2 =	vmul.u32 $0xFFFFFFFD, v3  }
0x27f: {  	v6 =	vmulhi.u32 $0xAAAAAAAB, v5  }
0x280: {  	s21 =	sand.u32 $0xF0, s7;
	v1 =	vadd.s32 v1, v2  }
0x281: {  	v3 =	vshll.u32 v3, $0x7;
	[tilespmem:s21+$0x2A80] =	vst v4;
	v6 =	vshrl.u32 v6, $0x1;
	v2 =	vand.u32 $0xFFFFFF80, v1  }
0x282: {  	v1 =	vand.u32 $0x7F, v1;
	v0 =	vld.idx.msk [tilespmem:v0+s3+$0x0], $0xffff;
	v2 =	vadd.s32 v3, v2;
	v3 =	vmul.u32 $0xFFFFFFFD, v6  }
0x283: {  	s24 =	simm.s32 $0x10;
	v4 =	vsub.s32 $0x0, v5;
	v1 =	vor.u32 v1, v2;
	v2 =	vmov s20  }
0x284: {  	v7 =	vor.u32 s24, v10;
	vm0 =	veq.s32 v2, v10;
	vm1 =	vne.s32 v3, v4  }
0x285: {  	v2 =	vmulhi.u32 $0xAAAAAAAB, v7;
	vm0 =	vmand vm0, vm1  }
0x286: {  	s5 =	sand.u32 $0xF0, s5;
	v3 =	vsel vm0, $0xFFFFFFFF, v11  }
0x287: {  	v2 =	vshrl.u32 v2, $0x1;
	[tilespmem:s5+$0x2A80] =	vst v0;
	v3 =	vadd.s32 v3, v6  }
0x288: {  	v4 =	vmul.u32 $0xFFFFFFFD, v2;
	v6 =	vmov s24;
	v0 =	vmul.u32 $0xFFFFFFFD, v3;
	v1 =	vld.idx.msk [tilespmem:v1+s3+$0x0], $0xffff  }
0x289: {  	s28 =	simm.s32 $0x20;
	v8 =	vsub.s32 $0x0, v7;
	vm0 =	veq.s32 v6, v10;
	v3 =	vshll.u32 v3, $0x7  }
0x28a: {  	vm1 =	vne.s32 v4, v8;
	v4 =	vor.u32 s28, v10;
	v0 =	vadd.s32 v5, v0  }
0x28b: {  	vm0 =	vmand vm0, vm1;
	v6 =	vmulhi.u32 $0xAAAAAAAB, v4;
	v5 =	vand.u32 $0xFFFFFF80, v0  }
0x28c: {  	s29 =	sand.u32 $0xF0, s4;
	v8 =	vsel vm0, $0xFFFFFFFF, v11;
	v0 =	vand.u32 $0x7F, v0;
	v3 =	vadd.s32 v3, v5  }
0x28d: {  	s30 =	simm.s32 $0x30;
	s31 =	rddreg [dreg:$0x12];
	v2 =	vadd.s32 v8, v2;
	[tilespmem:s29+$0x2A80] =	vst v1;
	v1 =	vor.u32 v0, v3;
	v3 =	vshrl.u32 v6, $0x1  }
0x28e: {  	v8 =	vmov s28;
	v5 =	vmul.u32 $0xFFFFFFFD, v2;
	[tilespmem:s20], [sflag:$0x3] =	stream.linear.gather [hbm4b:s31+s20], $0x2000, $0x38;
	v6 =	vmul.u32 $0xFFFFFFFD, v3;
	[tilespmem:$0x1AC80] =	vst v63  }
0x28f: {  	v9 =	vsub.s32 $0x0, v4;
	v0 =	vor.u32 s30, v10;
	vm0 =	veq.s32 v8, v10;
	_ =	swait.ge [sflag:s22], $0x2000  }
0x290: {  	v2 =	vshll.u32 v2, $0x7;
	v5 =	vadd.s32 v7, v5;
	[sflag:s22] =	ssyncset.done $0x0;
	vm1 =	vne.s32 v6, v9  }
0x291: {  	v6 =	vand.u32 $0xFFFFFF80, v5;
	v5 =	vand.u32 $0x7F, v5;
	[sflag:s22] =	ssyncadd.s32 $0xFFFFE000;
	vm0 =	vmand vm0, vm1  }
0x292: {  	v7 =	vld.idx.msk [tilespmem:v1+s3+$0x0], $0xffff;
	v1 =	vadd.s32 v2, v6;
	v2 =	vmulhi.u32 $0xAAAAAAAB, v0;
	v6 =	vsel vm0, $0xFFFFFFFF, v11  }
0x293: {  	v5 =	vor.u32 v5, v1;
	v3 =	vadd.s32 v6, v3  }
0x294: {  	v8 =	vmov s30;
	v2 =	vshrl.u32 v2, $0x1;
	v6 =	vmul.u32 $0xFFFFFFFD, v3  }
0x295: {  	s2 =	simm.s32 $0x40;
	vm0 =	veq.s32 v8, v10;
	v9 =	vmul.u32 $0xFFFFFFFD, v2  }
0x296: {  	s4 =	simm.s32 $0x2B40;
	v8 =	vsub.s32 $0x0, v0;
	v1 =	vor.u32 s2, v10;
	v4 =	vadd.s32 v4, v6  }
0x297: {  	[tilespmem:s4+$0x0] =	vst v7;
	vm1 =	vne.s32 v9, v8;
	v6 =	vand.u32 $0xFFFFFF80, v4;
	v7 =	vshll.u32 v3, $0x7  }
0x298: {  	s5 =	simm.s32 $0x50;
	v4 =	vand.u32 $0x7F, v4;
	v3 =	vld.idx.msk [tilespmem:v5+s3+$0x0], $0xffff;
	vm0 =	vmand vm0, vm1;
	v5 =	vadd.s32 v7, v6  }
.LBB2_32:
0x299: {  	p0 =	sne.s32 s5, $0xB0;
	v6 =	vmulhi.u32 $0xAAAAAAAB, v1;
	v7 =	vsel vm0, $0xFFFFFFFF, v11;
	v4 =	vor.u32 v4, v5  }
0x29a: {  	v5 =	vadd.s32 v7, v2  }
.Ltmp15:
0x29b: {  	v2 =	vshrl.u32 v6, $0x1;
	v6 =	vmul.u32 $0xFFFFFFFD, v5;
	(pc) =	sbr.rel @p0 .LBB2_32-.Ltmp15, $4  }
0x29c: {  	v8 =	vmov s2;
	s4 =	sadd.s32 $0x10, s4;
	s2 =	smov.u32 s5;
	v7 =	vor.u32 s5, v10;
	v9 =	vmul.u32 $0xFFFFFFFD, v2  }
0x29d: {  	vm0 =	veq.s32 v8, v10;
	v8 =	vsub.s32 $0x0, v1;
	v6 =	vadd.s32 v0, v6;
	[tilespmem:s4+$0x0] =	vst v3;
	v0 =	vmovc v1  }
0x29e: {  	v5 =	vshll.u32 v5, $0x7;
	v1 =	vmovc v7;
	vm1 =	vne.s32 v9, v8;
	v8 =	vand.u32 $0xFFFFFF80, v6;
	v3 =	vld.idx.msk [tilespmem:v4+s3+$0x0], $0xffff  }
0x29f: {  	s5 =	sadd.s32 $0x10, s5;
	v4 =	vand.u32 $0x7F, v6;
	vm0 =	vmand vm0, vm1;
	v5 =	vadd.s32 v5, v8  }
0x2a0: {  	v6 =	vmulhi.u32 $0xAAAAAAAB, v1  }
0x2a1: {  	v7 =	vsel vm0, $0xFFFFFFFF, v11  }
0x2a2: {  	v4 =	vor.u32 v4, v5;
	v2 =	vadd.s32 v7, v2;
	v57 =	vshrl.u32 v6, $0x1  }
0x2a3: {  	v58 =	vmul.u32 $0xFFFFFFFD, v2;
	v59 =	vmul.u32 $0xFFFFFFFD, v57  }
0x2a4: {  	v8 =	vmov s2;
	v9 =	vsub.s32 $0x0, v1  }
0x2a5: {  	s19 =	sadd.s32 $0x10, s4;
	vm15 =	veq.s32 v8, v10;
	v0 =	vadd.s32 v0, v58;
	vm1 =	vne.s32 v59, v9  }
0x2a6: {  	v2 =	vshll.u32 v2, $0x7;
	[tilespmem:s19+$0x0] =	vst v3;
	v60 =	vand.u32 $0xFFFFFF80, v0;
	vm0 =	vmand vm15, vm1  }
0x2a7: {  	v4 =	vld.idx.msk [tilespmem:v4+s3+$0x0], $0xffff;
	v0 =	vand.u32 $0x7F, v0;
	v2 =	vadd.s32 v2, v60;
	v61 =	vsel vm0, $0xFFFFFFFF, v11  }
0x2a8: {  	v0 =	vor.u32 v0, v2;
	v62 =	vadd.s32 v61, v57  }
0x2a9: {  	v3 =	vmul.u32 $0xFFFFFFFD, v62;
	_ =	sdelay $0x1  }
0x2aa: {  	s2 =	sadd.s32 $0x10, s19;
	v63 =	vadd.s32 v1, v3  }
0x2ab: {  	v2 =	vshll.u32 v62, $0x7;
	[tilespmem:s2+$0x0] =	vst v4;
	v3 =	vand.u32 $0xFFFFFF80, v63  }
0x2ac: {  	v0 =	vld.idx.msk [tilespmem:v0+s3+$0x0], $0xffff;
	v1 =	vand.u32 $0x7F, v63;
	v2 =	vadd.s32 v2, v3  }
0x2ad: {  	v1 =	vor.u32 v1, v2;
	_ =	sdelay $0x2  }
0x2ae: {  	s2 =	sadd.s32 $0x10, s2  }
0x2af: {  	[tilespmem:s2+$0x0] =	vst v0  }
0x2b0: {  	v0 =	vld.idx.msk [tilespmem:v1+s3+$0x0], $0xffff;
	_ =	sdelay $0x3  }
0x2b1: {  	s2 =	sadd.s32 $0x10, s2  }
0x2b2: {  	s20 =	simm.s32 $0x2C00;
	[tilespmem:s2+$0x0] =	vst v0  }
0x2b3: {  	[tilespmem:s20], [sflag:$0x1] =	stream.indirect.gather [hbm4b:s1+s23], $0x80, s9, s23, $0xb8;
	[tilespmem:$0x1AC80] =	vst v63  }
0x2b4: {  	s21 =	simm.s32 $0x2080;
	s24 =	simm.s32 $0x6C00  }
0x2b5: {  	[tilespmem:s24], [sflag:$0x1] =	stream.indirect.gather [hbm4b:s1+s26], $0x80, s21, s26, $0xb8;
	[tilespmem:$0x1AC80] =	vst v63  }
0x2b6: {  	s28 =	simm.s32 $0x2600;
	s29 =	simm.s32 $0x8C00;
	s30 =	simm.s32 $0x2680  }
0x2b7: {  	[tilespmem:s29], [sflag:$0x1] =	stream.indirect.gather [hbm4b:s1+s23], $0x80, s28, s23, $0xb8;
	[tilespmem:$0x1AC80] =	vst v63  }
0x2b8: {  	s31 =	simm.s32 $0xCC00;
	s4 =	simm.f32 $0.0e+00;
	s24 =	simm.s32 $0x0  }
0x2b9: {  	[tilespmem:s31], [sflag:$0x1] =	stream.indirect.gather [hbm4b:s1+s26], $0x80, s30, s26, $0xb8;
	[tilespmem:$0x1AC80] =	vst v63  }
.LBB2_34:
0x2ba: {  	_ =	swait.ge [sflag:s25], $0x4000  }
0x2bb: {  	[sflag:s25] =	ssyncset.done $0x0  }
0x2bc: {  	[sflag:s25] =	ssyncadd.s32 $0xFFFFC000  }
0x2bd: {  	_ =	swait.ge [sflag:s25], $0x2000  }
0x2be: {  	[sflag:s25] =	ssyncset.done $0x0  }
0x2bf: {  	[sflag:s25] =	ssyncadd.s32 $0xFFFFE000  }
0x2c0: {  	_ =	swait.ge [sflag:s25], $0x4000  }
0x2c1: {  	[sflag:s25] =	ssyncset.done $0x0  }
0x2c2: {  	s2 =	smul.u32 $0x600, s24;
	[sflag:s25] =	ssyncadd.s32 $0xFFFFC000  }
0x2c3: {  	_ =	swait.ge [sflag:s25], $0x2000  }
0x2c4: {  	s5 =	sshra.s32 s2, $0x2;
	[sflag:s25] =	ssyncset.done $0x0  }
0x2c5: {  	s6 =	simm.s32 $0xEC00;
	s2 =	sadd.s32 $0x20C0, s5;
	[sflag:s25] =	ssyncadd.s32 $0xFFFFE000  }
0x2c6: {  	[tilespmem:s6], [sflag:$0x2] =	stream.indirect.gather [hbm4b:s1+s23], $0x80, s2, s23, $0xb8;
	[tilespmem:$0x1AC80] =	vst v63  }
0x2c7: {  	s7 =	simm.s32 $0x12C00;
	s6 =	sadd.s32 $0x2140, s5  }
0x2c8: {  	[tilespmem:s7], [sflag:$0x2] =	stream.indirect.gather [hbm4b:s1+s26], $0x80, s6, s26, $0xb8;
	[tilespmem:$0x1AC80] =	vst v63  }
0x2c9: {  	s9 =	simm.s32 $0x14C00;
	s8 =	sadd.s32 $0x26C0, s5  }
0x2ca: {  	[tilespmem:s9], [sflag:$0x2] =	stream.indirect.gather [hbm4b:s1+s23], $0x80, s8, s23, $0xb8;
	[tilespmem:$0x1AC80] =	vst v63  }
0x2cb: {  	s11 =	simm.s32 $0x18C00;
	s12 =	simm.s32 $0x0;
	s10 =	sadd.s32 $0x2740, s5  }
0x2cc: {  	[tilespmem:s11], [sflag:$0x2] =	stream.indirect.gather [hbm4b:s1+s26], $0x80, s10, s26, $0xb8;
	[tilespmem:$0x1AC80] =	vst v63  }
0x2cd: {  	v41 =	vld [tilespmem:s12+$0x2C60]  }
0x2ce: {  	v1 =	vld [tilespmem:s12+$0x2C70]  }
0x2cf: {  	v47 =	vld [tilespmem:s12+$0x2CE0]  }
0x2d0: {  	v36 =	vld [tilespmem:s12+$0x2CF0]  }
0x2d1: {  	v4 =	vld [tilespmem:s12+$0x2D60]  }
0x2d2: {  	v5 =	vld [tilespmem:s12+$0x2D70]  }
0x2d3: {  	v6 =	vld [tilespmem:s12+$0x8C60]  }
0x2d4: {  	v7 =	vld [tilespmem:s12+$0x8C70]  }
0x2d5: {  	v32 =	vld [tilespmem:s12+$0x8CE0]  }
0x2d6: {  	v8 =	vld [tilespmem:s12+$0x2C40]  }
0x2d7: {  	v9 =	vld [tilespmem:s12+$0x2C50]  }
0x2d8: {  	v63 =	vld [tilespmem:s12+$0x2CC0]  }
0x2d9: {  	v50 =	vld [tilespmem:s12+$0x2CD0]  }
0x2da: {  	v18 =	vld [tilespmem:s12+$0x2D40]  }
0x2db: {  	v19 =	vld [tilespmem:s12+$0x2D50]  }
0x2dc: {  	v35 =	vld [tilespmem:s12+$0x2C00]  }
0x2dd: {  	v60 =	vld [tilespmem:s12+$0x2C10]  }
0x2de: {  	v14 =	vld [tilespmem:s12+$0x2C20]  }
0x2df: {  	v15 =	vld [tilespmem:s12+$0x2C30]  }
0x2e0: {  	v49 =	vld [tilespmem:s12+$0x2C80]  }
0x2e1: {  	v48 =	vld [tilespmem:s12+$0x2C90]  }
0x2e2: {  	v44 =	vld [tilespmem:s12+$0x2CA0];
	[tilespmem:$0x1FF10] =	vst v1  }
0x2e3: {  	v56 =	vld [tilespmem:s12+$0x2CB0];
	[tilespmem:$0x1FF20] =	vst v4  }
0x2e4: {  	v24 =	vld [tilespmem:s12+$0x2D00];
	[tilespmem:$0x1FF30] =	vst v5  }
0x2e5: {  	v0 =	vmul.f32 v41, v41;
	v22 =	vld [tilespmem:s12+$0x2D10];
	[tilespmem:$0x1FF40] =	vst v8  }
0x2e6: {  	v1 =	vmul.f32 v1, v1;
	v2 =	vmul.f32 v47, v47;
	v23 =	vld [tilespmem:s12+$0x2D20];
	[tilespmem:$0x1FF50] =	vst v9  }
0x2e7: {  	v3 =	vmul.f32 v36, v36;
	v58 =	vmov v6;
	v6 =	vmul.f32 v6, v6;
	v25 =	vld [tilespmem:s12+$0x2D30]  }
0x2e8: {  	v57 =	vmov v7;
	v7 =	vmul.f32 v7, v7;
	v10 =	vmul.f32 v63, v63;
	v21 =	vld [tilespmem:s12+$0x8C00];
	[tilespmem:$0x1FF60] =	vst v14  }
0x2e9: {  	v11 =	vmul.f32 v50, v50;
	v12 =	vmul.f32 v35, v35;
	v20 =	vld [tilespmem:s12+$0x8C10];
	[tilespmem:$0x1FF70] =	vst v15  }
0x2ea: {  	v16 =	vmul.f32 v49, v49;
	v33 =	vmul.f32 v44, v44;
	v59 =	vld [tilespmem:s12+$0x8C20]  }
0x2eb: {  	v13 =	vmul.f32 v60, v60;
	v17 =	vmul.f32 v48, v48;
	v28 =	vld [tilespmem:s12+$0x8C30]  }
0x2ec: {  	v46 =	vmul.f32 v18, v18;
	v4 =	vmul.f32 v4, v4;
	v16 =	vadd.f32 v33, v16;
	v42 =	vld [tilespmem:s12+$0x8C80];
	[tilespmem:$0x1FF80] =	vst v24  }
0x2ed: {  	v5 =	vmul.f32 v5, v5;
	v14 =	vmul.f32 v14, v14;
	[tilespmem:$0x1FF90] =	vst v22  }
0x2ee: {  	v8 =	vmul.f32 v8, v8;
	v10 =	vadd.f32 v10, v16;
	v15 =	vmul.f32 v15, v15;
	v40 =	vld [tilespmem:s12+$0x8C90];
	[tilespmem:$0x1FFA0] =	vst v23  }
0x2ef: {  	v9 =	vmul.f32 v9, v9;
	v37 =	vmul.f32 v56, v56;
	v12 =	vadd.f32 v14, v12;
	v34 =	vld [tilespmem:s12+$0x8CA0];
	[tilespmem:$0x1FFB0] =	vst v25  }
0x2f0: {  	v2 =	vadd.f32 v2, v10;
	v51 =	vmul.f32 v24, v24;
	v13 =	vadd.f32 v15, v13;
	[tilespmem:$0x1FFC0] =	vst v21  }
0x2f1: {  	v52 =	vmul.f32 v22, v22;
	v38 =	vmul.f32 v23, v23;
	v8 =	vadd.f32 v8, v12;
	v33 =	vld [tilespmem:s12+$0x8CB0];
	[tilespmem:$0x1FFD0] =	vst v20  }
0x2f2: {  	v55 =	vadd.f32 v37, v17;
	v9 =	vadd.f32 v9, v13;
	v53 =	vmul.f32 v25, v25;
	v26 =	vld [tilespmem:s12+$0x8C40]  }
0x2f3: {  	v54 =	vmul.f32 v21, v21;
	v0 =	vadd.f32 v0, v8;
	v61 =	vadd.f32 v38, v51;
	v43 =	vld [tilespmem:s12+$0x8D00]  }
0x2f4: {  	v39 =	vmul.f32 v20, v20;
	v8 =	vadd.f32 v11, v55;
	v1 =	vadd.f32 v1, v9;
	v21 =	vld [tilespmem:s12+$0x8D20]  }
0x2f5: {  	v62 =	vmul.f32 v59, v59;
	v12 =	vadd.f32 v53, v52;
	v37 =	vmul.f32 v28, v28;
	v27 =	vld [tilespmem:s12+$0x8C50]  }
0x2f6: {  	v38 =	vmul.f32 v42, v42;
	v45 =	vld [tilespmem:s12+$0x8D10];
	[tilespmem:$0x1FFE0] =	vst v18;
	v3 =	vadd.f32 v3, v8;
	v9 =	vadd.f32 v46, v61  }
0x2f7: {  	v23 =	vld [tilespmem:s12+$0x8D30];
	[tilespmem:$0x1FFF0] =	vst v19;
	v0 =	vadd.f32 v1, v0;
	v13 =	vadd.f32 v62, v54;
	v54 =	vmul.f32 v19, v19  }
0x2f8: {  	v51 =	vmul.f32 v40, v40;
	v1 =	vadd.f32 v37, v39;
	v39 =	vld [tilespmem:s12+$0x8CC0];
	v52 =	vmul.f32 v34, v34  }
0x2f9: {  	v61 =	vld [tilespmem:s12+$0x8D40];
	v2 =	vadd.f32 v3, v2;
	v53 =	vmul.f32 v33, v33;
	v19 =	vadd.f32 v54, v12  }
0x2fa: {  	v15 =	vadd.f32 v52, v38;
	v55 =	vmul.f32 v26, v26;
	v38 =	vld [tilespmem:s12+$0x8CD0];
	v18 =	vmul.f32 v43, v43  }
0x2fb: {  	v30 =	vld [tilespmem:s12+$0x8D60];
	v4 =	vadd.f32 v4, v9;
	v46 =	vmul.f32 v21, v21;
	v52 =	vmul.f32 v45, v45  }
0x2fc: {  	v29 =	vld [tilespmem:s12+$0x8D50];
	v14 =	vadd.f32 v53, v51;
	v51 =	vmul.f32 v27, v27;
	v5 =	vadd.f32 v5, v19  }
0x2fd: {  	v37 =	vld [tilespmem:s12+$0x8CF0];
	v53 =	vmul.f32 v23, v23;
	v54 =	vadd.f32 v55, v13;
	v55 =	vmul.f32 v32, v32  }
0x2fe: {  	v31 =	vld [tilespmem:s12+$0x8D70];
	v8 =	vadd.f32 v46, v18;
	v62 =	vmul.f32 v39, v39;
	v13 =	vmul.f32 v61, v61  }
0x2ff: {  	(xrf2) =	vadd.scan.msk.f32 $0xffff, v0;
	v1 =	vadd.f32 v51, v1;
	v4 =	vadd.f32 v5, v4;
	v12 =	vmul.f32 v38, v38  }
0x300: {  	(xrf2) =	vadd.scan.msk.f32 $0xffff, v2;
	v17 =	vmul.f32 v30, v30;
	v3 =	vadd.f32 v53, v52;
	v6 =	vadd.f32 v6, v54  }
0x301: {  	v1 =	vadd.f32 v7, v1;
	v9 =	vadd.f32 v12, v14;
	v14 =	vmul.f32 v29, v29  }
0x302: {  	v5 =	vadd.f32 v62, v15;
	v15 =	vmul.f32 v37, v37;
	v16 =	vadd.f32 v13, v8  }
0x303: {  	v18 =	vmul.f32 v31, v31;
	v1 =	vadd.f32 v1, v6;
	v3 =	vadd.f32 v14, v3  }
0x304: {  	(xrf2) =	vadd.scan.msk.f32 $0xffff, v4;
	v5 =	vadd.f32 v55, v5;
	v0 =	vadd.f32 v15, v9  }
0x305: {  	v19 =	vadd.f32 v17, v16;
	(xrf2) =	vadd.scan.msk.f32 $0xffff, v1;
	v3 =	vadd.f32 v18, v3  }
0x306: {  	v0 =	vadd.f32 v0, v5  }
0x307: {  	v46 =	vadd.f32 v3, v19  }
0x308: {  	(xrf2) =	vadd.scan.msk.f32 $0xffff, v0  }
0x309: {  	v51, _, _ =	vpop (xrf2);
	(xrf2) =	vadd.scan.msk.f32 $0xffff, v46  }
0x30a: {  	(v2sf) =	vpush v51, $0xF;
	v52, _, _ =	vpop (xrf2)  }
0x30b: {  	(v2sf) =	vpush v52, $0xF;
	_ =	sdelay $0x2  }
0x30c: {  	v53, _, _ =	vpop (xrf2)  }
0x30d: {  	(v2sf) =	vpush v53, $0xF;
	v54, _, _ =	vpop (xrf2)  }
0x30e: {  	(v2sf) =	vpush v54, $0xF;
	_ =	sdelay $0x1  }
0x30f: {  	v55, _, _ =	vpop (xrf2)  }
0x310: {  	(v2sf) =	vpush v55, $0xF;
	v62, _, _ =	vpop (xrf2)  }
0x311: {  	(v2sf) =	vpush v62, $0xF;
	_ =	sdelay $0x4  }
0x312: {  	s13 =	spop (v2sf)  }
0x313: {  	s14 =	sshrl.u32 s13, $0x1;
	s13 =	smul.f32 $5.000000000e-01, s13;
	s15 =	spop (v2sf)  }
0x314: {  	s14 =	ssub.s32 $0x5F3759DF, s14;
	s9 =	smul.f32 $5.000000000e-01, s15;
	s6 =	sshrl.u32 s15, $0x1  }
0x315: {  	s2 =	smul.f32 s14, s13;
	s15 =	ssub.s32 $0x5F3759DF, s6  }
0x316: {  	s19 =	smul.f32 s15, s9  }
0x317: {  	s2 =	smul.f32 s14, s2;
	s7 =	spop (v2sf)  }
0x318: {  	s12 =	smul.f32 $5.000000000e-01, s7;
	s16 =	sshrl.u32 s7, $0x1;
	s17 =	spop (v2sf)  }
0x319: {  	s16 =	ssub.s32 $0x5F3759DF, s16;
	s10 =	smul.f32 $5.000000000e-01, s17;
	s17 =	sshrl.u32 s17, $0x1  }
0x31a: {  	s21 =	smul.f32 s16, s12;
	s17 =	ssub.s32 $0x5F3759DF, s17  }
0x31b: {  	s28 =	smul.f32 s17, s10;
	s18 =	spop (v2sf)  }
0x31c: {  	s8 =	smul.f32 $5.000000000e-01, s18;
	s30 =	sshrl.u32 s18, $0x1;
	s20 =	spop (v2sf)  }
0x31d: {  	s18 =	ssub.s32 $0x5F3759DF, s30;
	s11 =	smul.f32 $5.000000000e-01, s20;
	s31 =	sshrl.u32 s20, $0x1  }
0x31e: {  	s6 =	simm.s32 $0x600;
	s29 =	smul.f32 s18, s8;
	s20 =	ssub.s32 $0x5F3759DF, s31  }
.LBB2_35:
0x31f: {  	s30 =	smul.f32 s20, s11  }
0x320: {  	s19 =	smul.f32 s15, s19  }
0x321: {  	s21 =	smul.f32 s16, s21  }
0x322: {  	s2 =	ssub.f32 $1.500000000e+00, s2;
	s28 =	smul.f32 s17, s28  }
0x323: {  	s29 =	smul.f32 s18, s29  }
0x324: {  	s2 =	smul.f32 s14, s2  }
0x325: {  	s30 =	smul.f32 s20, s30;
	s14 =	ssub.f32 $1.500000000e+00, s19  }
0x326: {  	s19 =	ssub.f32 $1.500000000e+00, s21;
	s31 =	smul.f32 s2, s13  }
0x327: {  	s21 =	smul.f32 s15, s14;
	s15 =	ssub.f32 $1.500000000e+00, s28  }
0x328: {  	s19 =	smul.f32 s16, s19;
	s16 =	ssub.f32 $1.500000000e+00, s29  }
0x329: {  	s30 =	ssub.f32 $1.500000000e+00, s30;
	s17 =	smul.f32 s17, s15  }
0x32a: {  	s7 =	sshra.s32 s6, $0x2;
	s14 =	smul.f32 s18, s16  }
0x32b: {  	v46 =	vld [tilespmem:s7+$0x8C70];
	s16 =	smul.f32 s20, s30  }
0x32c: {  	v4 =	vld [tilespmem:s7+$0x2CD0];
	s18 =	smul.f32 s31, s2  }
0x32d: {  	s31 =	smul.f32 s21, s9  }
0x32e: {  	s29 =	smul.f32 s17, s10  }
0x32f: {  	v13 =	vld [tilespmem:s7+$0x2C60];
	s30 =	smul.f32 s16, s11  }
0x330: {  	[tilespmem:$0x1FD50] =	vst v50;
	v1 =	vld [tilespmem:s7+$0x8CE0];
	v51 =	vmul.f32 v46, v46;
	s20 =	smul.f32 s31, s21;
	s18 =	ssub.f32 $1.500000000e+00, s18  }
0x331: {  	[tilespmem:$0x1FDD0] =	vst v34;
	v17 =	vld [tilespmem:s7+$0x2D40];
	v54 =	vmul.f32 v4, v4;
	s29 =	smul.f32 s29, s17  }
0x332: {  	[tilespmem:$0x1FEF0] =	vst v51;
	v51 =	vld [tilespmem:s7+$0x8C00];
	s18 =	smul.f32 s18, s2  }
0x333: {  	[tilespmem:$0x1FE70] =	vst v54;
	v54 =	vld [tilespmem:s7+$0x8C10];
	s31 =	ssub.f32 $1.500000000e+00, s20;
	s20 =	smul.f32 s30, s16  }
0x334: {  	[tilespmem:$0x1FD70] =	vst v47;
	v7 =	vld [tilespmem:s7+$0x2C70];
	s30 =	smul.f32 s18, s13  }
0x335: {  	[tilespmem:$0x1FDA0] =	vst v42;
	v2 =	vld [tilespmem:s7+$0x2CF0];
	s13 =	smul.f32 s31, s21  }
0x336: {  	[tilespmem:$0x1FD30] =	vst v21;
	v20 =	vld [tilespmem:s7+$0x2C00];
	v5 =	vmul.f32 v17, v17;
	s31 =	ssub.f32 $1.500000000e+00, s29;
	s21 =	smul.f32 s30, s18  }
0x337: {  	v22 =	vld [tilespmem:s7+$0x2C20];
	[tilespmem:$0x1FE20] =	vst v1;
	v52 =	vmul.f32 v1, v1;
	s28 =	smul.f32 s19, s12;
	s20 =	ssub.f32 $1.500000000e+00, s20  }
0x338: {  	v0 =	vld [tilespmem:s7+$0x2CE0];
	[tilespmem:$0x1FEA0] =	vst v5;
	v5 =	vmul.f32 v51, v51;
	v1 =	vmul.f32 v54, v54;
	s17 =	smul.f32 s31, s17;
	s31 =	ssub.f32 $1.500000000e+00, s21  }
0x339: {  	[tilespmem:$0x1FDB0] =	vst v40;
	v18 =	vld [tilespmem:s7+$0x2C40];
	s2 =	smul.f32 s20, s16  }
0x33a: {  	v21 =	vld [tilespmem:s7+$0x2C10];
	[tilespmem:$0x1FD90] =	vst v2;
	s20 =	smul.f32 s31, s18  }
0x33b: {  	v14 =	vmov v23;
	v23 =	vld [tilespmem:s7+$0x2C30];
	v40 =	vmul.f32 v2, v2;
	[tilespmem:$0x1FE40] =	vst v5  }
0x33c: {  	v2 =	vmovc v29;
	v29 =	vmul.f32 v20, v20;
	s28 =	smul.f32 s28, s19;
	[tilespmem:$0x1FE60] =	vst v1;
	v5 =	vmovc v20;
	v1 =	vmov v22;
	v20 =	vmul.f32 s20, v60;
	v60 =	vld [tilespmem:$0x1FF60]  }
0x33d: {  	[tilespmem:$0x1FF60] =	vst v1;
	v1 =	vld [tilespmem:$0x1FF70]  }
0x33e: {  	[tilespmem:$0x1FDF0] =	vst v39;
	v19 =	vld [tilespmem:s7+$0x2C50];
	s28 =	ssub.f32 $1.500000000e+00, s28  }
0x33f: {  	[tilespmem:$0x1FE00] =	vst v38;
	v8 =	vld [tilespmem:s7+$0x2D60]  }
0x340: {  	v6 =	vld [tilespmem:s7+$0x2D70];
	v24 =	vmul.f32 v18, v18;
	v18 =	vmov v18;
	[tilespmem:$0x1FE90] =	vst v40;
	s19 =	smul.f32 s28, s19  }
0x341: {  	v38 =	vmov v31;
	v39 =	vld [tilespmem:s7+$0x8C60];
	v31 =	vmul.f32 v21, v21;
	[tilespmem:$0x1FF00] =	vst v52;
	v52 =	vmul.f32 v23, v23  }
0x342: {  	s30 =	smul.f32 s19, s12;
	[tilespmem:$0x1FDC0] =	vst v5;
	v5 =	vmovc v36;
	v36 =	vmul.f32 s20, v60;
	v60 =	vmov v21;
	v21 =	vmul.f32 s20, v1;
	v1 =	vld [tilespmem:$0x1FF40]  }
0x343: {  	v40 =	vmovc v26;
	v26 =	vmul.f32 v19, v19;
	[tilespmem:$0x1FF40] =	vst v18;
	v18 =	vmovc v23;
	v23 =	vmul.f32 s20, v41;
	v41 =	vmov v19;
	v19 =	vld [tilespmem:$0x1FF80]  }
0x344: {  	s12 =	smul.f32 s30, s19;
	[tilespmem:$0x1FF70] =	vst v18;
	v18 =	vld [tilespmem:$0x1FF50]  }
0x345: {  	[tilespmem:$0x1FF50] =	vst v41;
	v41 =	vld [tilespmem:$0x1FF10]  }
0x346: {  	[tilespmem:$0x1FDE0] =	vst v33;
	v62 =	vld [tilespmem:s7+$0x2CC0];
	v15 =	vmul.f32 v13, v13;
	s12 =	ssub.f32 $1.500000000e+00, s12  }
0x347: {  	[tilespmem:$0x1FE10] =	vst v32;
	v16 =	vld [tilespmem:s7+$0x2D50];
	v3 =	vmul.f32 v7, v7;
	v50 =	vmul.f32 v39, v39  }
0x348: {  	[tilespmem:$0x1FE30] =	vst v37;
	v25 =	vld [tilespmem:s7+$0x2D00];
	v42 =	vmul.f32 v8, v8;
	v47 =	vmul.f32 v6, v6;
	s12 =	smul.f32 s12, s19  }
0x349: {  	v11 =	vld [tilespmem:s7+$0x2C80];
	[tilespmem:$0x1FEE0] =	vst v50;
	v50 =	vmul.f32 v22, v22;
	v22 =	vmul.f32 s20, v1  }
0x34a: {  	v10 =	vld [tilespmem:s7+$0x2CA0];
	[tilespmem:$0x1FD40] =	vst v3;
	v1 =	vmovc v13;
	v13 =	vmul.f32 s12, v19;
	v19 =	vmul.f32 s20, v41;
	v41 =	vmov v7  }
0x34b: {  	v9 =	vld [tilespmem:s7+$0x2C90];
	[tilespmem:$0x1FEC0] =	vst v42  }
0x34c: {  	[tilespmem:$0x1FED0] =	vst v47;
	v3 =	vmov v27;
	v27 =	vld [tilespmem:s7+$0x2D10]  }
0x34d: {  	v53 =	vmul.f32 v62, v62;
	v42 =	vmov v28;
	v28 =	vld [tilespmem:s7+$0x2D20];
	[tilespmem:$0x1FF10] =	vst v41;
	v41 =	vmov v25  }
0x34e: {  	[tilespmem:$0x1FF80] =	vst v41;
	v41 =	vld [tilespmem:$0x1FF90]  }
0x34f: {  	v12 =	vld [tilespmem:s7+$0x2CB0];
	[tilespmem:$0x1FE50] =	vst v53;
	v53 =	vmul.f32 v11, v11;
	v47 =	vmov v56;
	v56 =	vmul.f32 v10, v10  }
0x350: {  	[tilespmem:$0x1FD60] =	vst v4;
	v4 =	vmov v30;
	v30 =	vld [tilespmem:s7+$0x2D30];
	s21 =	smul.f32 s17, s10  }
0x351: {  	v37 =	vmovc v44;
	v44 =	vmov v58;
	[tilespmem:$0x1FD80] =	vst v0;
	v0 =	vmul.f32 v0, v0;
	s30 =	smul.f32 s2, s11;
	v7 =	vadd.f32 v56, v53;
	v56 =	vld [tilespmem:$0x1FFF0]  }
0x352: {  	v58 =	vmul.f32 v25, v25;
	v32 =	vmul.f32 v27, v27;
	v27 =	vmovc v27;
	s10 =	smul.f32 s21, s17;
	v25 =	vadd.f32 v50, v29;
	v50 =	vld [tilespmem:$0x1FFA0]  }
0x353: {  	v55 =	vmul.f32 v16, v16;
	[tilespmem:$0x1FF90] =	vst v27;
	v27 =	vadd.f32 v52, v31;
	v52 =	vld [tilespmem:$0x1FFB0];
	v29 =	vmul.f32 s12, v41;
	v41 =	vmovc v28  }
0x354: {  	s11 =	smul.f32 s30, s2;
	s10 =	ssub.f32 $1.500000000e+00, s10;
	[tilespmem:$0x1FFA0] =	vst v41;
	v41 =	vld [tilespmem:$0x1FFE0]  }
0x355: {  	[tilespmem:$0x1FEB0] =	vst v55;
	v55 =	vmul.f32 v9, v9;
	s31 =	smul.f32 s13, s9  }
0x356: {  	[tilespmem:$0x1FE80] =	vst v0;
	v0 =	vmovc v57;
	v57 =	vmul.f32 v12, v12;
	v34 =	vmul.f32 v30, v30;
	s10 =	smul.f32 s10, s17;
	v53 =	vmov v16  }
0x357: {  	v33 =	vmul.f32 v28, v28;
	v35 =	vmul.f32 s20, v35;
	s11 =	ssub.f32 $1.500000000e+00, s11;
	[tilespmem:$0x1FFF0] =	vst v53;
	v53 =	vld [tilespmem:$0x1FD60]  }
0x358: {  	v17 =	vmovc v17;
	s9 =	smul.f32 s31, s13;
	v42 =	vmul.f32 s10, v42;
	v28 =	vmul.f32 s12, v52;
	v52 =	vmov v30;
	v30 =	vld [tilespmem:$0x1FF20]  }
0x359: {  	s2 =	smul.f32 s11, s2;
	[tilespmem:$0x1FFE0] =	vst v17;
	v17 =	vmul.f32 s12, v56;
	v56 =	vld [tilespmem:$0x1FF30];
	v31 =	vmul.f32 s12, v41;
	v41 =	vmov v8  }
0x35a: {  	v40 =	vmul.f32 s10, v40;
	v24 =	vadd.f32 v24, v25;
	v8 =	vadd.f32 v57, v55;
	v57 =	vld [tilespmem:$0x1FFC0]  }
0x35b: {  	s9 =	ssub.f32 $1.500000000e+00, s9;
	v25 =	vmul.f32 s2, v45;
	v45 =	vmul.f32 s10, v59;
	v59 =	vld [tilespmem:$0x1FD70]  }
0x35c: {  	s15 =	smul.f32 s14, s8;
	v26 =	vadd.f32 v26, v27;
	v27 =	vld [tilespmem:$0x1FD30];
	v15 =	vadd.f32 v15, v24;
	v24 =	vmul.f32 s2, v14;
	[tilespmem:$0x1FF20] =	vst v41;
	v41 =	vmovc v6  }
0x35d: {  	s9 =	smul.f32 s9, s13;
	v18 =	vmul.f32 s20, v18;
	v50 =	vmul.f32 s12, v50;
	[tilespmem:$0x1FF30] =	vst v41;
	v41 =	vld [tilespmem:$0x1FD40]  }
0x35e: {  	s15 =	smul.f32 s15, s14;
	v24 =	vadd.f32 v24, v42;
	v42 =	vld [tilespmem:$0x1FDD0];
	v30 =	vmul.f32 s12, v30;
	v6 =	vadd.f32 v33, v58;
	v58 =	vmovc v54  }
0x35f: {  	s9 =	ssub.f32 $0.0e+00, s9;
	[tilespmem:$0x1FFB0] =	vst v52;
	v16 =	vmul.f32 s12, v56;
	v56 =	vmov v51;
	v52 =	vmul.f32 s10, v57;
	v57 =	vld [tilespmem:$0x1FFD0]  }
0x360: {  	v21 =	vadd.f32 v28, v21;
	v17 =	vadd.f32 v17, v18;
	s12 =	ssub.f32 $1.500000000e+00, s15;
	v51 =	vld [tilespmem:$0x1FD50];
	[tilespmem:$0x1FFC0] =	vst v56;
	v33 =	vmul.f32 s2, v43  }
0x361: {  	v27 =	vmul.f32 s2, v27;
	v55 =	vadd.f32 v34, v32;
	v18 =	vadd.f32 v30, v23;
	[tilespmem:$0x1FFD0] =	vst v58;
	v58 =	vmovc v39;
	v39 =	vld [tilespmem:$0x1FDA0]  }
0x362: {  	s11 =	smul.f32 s12, s14;
	v56 =	vmovc v12;
	v12 =	vmul.f32 s9, v63;
	v63 =	vmovc v62;
	v62 =	vadd.f32 v33, v52;
	v52 =	vld [tilespmem:$0x1FE00];
	v14 =	vadd.f32 v41, v26  }
0x363: {  	v23 =	vmul.f32 s9, v5;
	v16 =	vadd.f32 v16, v19;
	v33 =	vld [tilespmem:s7+$0x8CB0];
	v26 =	vmul.f32 s2, v61  }
0x364: {  	s13 =	smul.f32 s11, s8;
	v61 =	vmul.f32 s9, v59;
	v59 =	vld [tilespmem:s7+$0x8C20];
	v43 =	vmul.f32 s10, v57;
	v54 =	vadd.f32 v14, v15  }
0x365: {  	v57 =	vmovc v46;
	v46 =	vld [tilespmem:$0x1FDF0];
	v14 =	vmul.f32 s2, v4;
	v4 =	vadd.f32 v13, v35;
	v13 =	vmul.f32 s9, v49  }
0x366: {  	s8 =	smul.f32 s13, s11;
	v49 =	vmovc v11;
	v11 =	vadd.f32 v29, v20;
	v20 =	vmul.f32 s9, v48;
	v48 =	vmovc v9;
	v9 =	vmul.f32 s9, v37;
	v37 =	vld [tilespmem:$0x1FD80]  }
0x367: {  	v34 =	vmul.f32 s10, v44;
	v44 =	vmovc v10;
	v10 =	vadd.f32 v31, v22;
	v35 =	vmul.f32 s2, v38;
	v38 =	vld [tilespmem:$0x1FD90]  }
0x368: {  	v28 =	vmul.f32 s9, v47;
	v16 =	vadd.f32 v16, v23;
	s14 =	ssub.f32 $1.500000000e+00, s8;
	v26 =	vadd.f32 v26, v40;
	v40 =	vld [tilespmem:$0x1FDB0]  }
0x369: {  	v22 =	vadd.f32 v25, v43;
	v25 =	vadd.f32 v27, v45;
	v45 =	vld [tilespmem:$0x1FDE0]  }
0x36a: {  	v32 =	vmul.f32 s2, v2;
	s2 =	smul.f32 s14, s11;
	v11 =	vadd.f32 v11, v20;
	v20 =	vadd.f32 v21, v28;
	v28 =	vld [tilespmem:s7+$0x8C30]  }
0x36b: {  	v29 =	vadd.f32 v50, v36;
	v14 =	vadd.f32 v14, v34;
	v34 =	vld [tilespmem:$0x1FE10]  }
0x36c: {  	v41 =	vmul.f32 s10, v3;
	v3 =	vmul.f32 s9, v51;
	s2 =	ssub.f32 $0.0e+00, s2;
	(xrf2) =	vadd.scan.msk.f32 $0xffff, v54;
	v54 =	vld [tilespmem:$0x1FE40]  }
0x36d: {  	v10 =	vadd.f32 v10, v12;
	v16 =	vand.u32 $0x7FFFFFFF, v16;
	v9 =	vadd.f32 v29, v9;
	v29 =	vld [tilespmem:s7+$0x8D50]  }
0x36e: {  	v3 =	vadd.f32 v17, v3;
	v2 =	vadd.f32 v18, v61;
	v43 =	vmul.f32 s2, v42;
	v42 =	vld [tilespmem:s7+$0x8C80]  }
0x36f: {  	v10 =	vand.u32 $0x7FFFFFFF, v10;
	v30 =	vadd.f32 v32, v41;
	v4 =	vadd.f32 v4, v13;
	v47 =	vmovc v37;
	v37 =	vld [tilespmem:$0x1FE20]  }
0x370: {  	v3 =	vand.u32 $0x7FFFFFFF, v3;
	v2 =	vand.u32 $0x7FFFFFFF, v2;
	v51 =	vmul.f32 s2, v46;
	v36 =	vmovc v38;
	v38 =	vld [tilespmem:$0x1FE30]  }
0x371: {  	v27 =	vmul.f32 s2, v39;
	v9 =	vand.u32 $0x7FFFFFFF, v9;
	v31 =	vmul.f32 s2, v40;
	v40 =	vld [tilespmem:s7+$0x8C90]  }
0x372: {  	v50 =	vmovc v53;
	v53 =	vmul.f32 s2, v52;
	v2 =	vadd.f32 v2, v9;
	v12 =	vadd.f32 v26, v51;
	v26 =	vld [tilespmem:s7+$0x8C40]  }
0x373: {  	v20 =	vand.u32 $0x7FFFFFFF, v20;
	v61 =	vadd.f32 v62, v27;
	v13 =	vadd.f32 v25, v43;
	v27 =	vld [tilespmem:s7+$0x8C50]  }
0x374: {  	v4 =	vand.u32 $0x7FFFFFFF, v4;
	v17 =	vadd.f32 v30, v53;
	v43 =	vadd.f32 v16, v20;
	v30 =	vld [tilespmem:s7+$0x8D60]  }
0x375: {  	v11 =	vand.u32 $0x7FFFFFFF, v11;
	v62 =	vadd.f32 v22, v31;
	v22 =	vmul.f32 s2, v34;
	v34 =	vld [tilespmem:s7+$0x8CA0]  }
0x376: {  	v4 =	vadd.f32 v10, v4;
	v21 =	vmul.f32 s2, v45;
	v2 =	vadd.f32 v43, v2;
	v43 =	vld [tilespmem:s7+$0x8D00]  }
0x377: {  	v18 =	vand.u32 $0x7FFFFFFF, v61;
	v39 =	vand.u32 $0x7FFFFFFF, v12;
	v45 =	vand.u32 $0x7FFFFFFF, v17;
	v17 =	vld [tilespmem:$0x1FE70]  }
0x378: {  	v3 =	vadd.f32 v3, v11;
	v19 =	vand.u32 $0x7FFFFFFF, v62;
	v10 =	vadd.f32 v39, v18;
	v39 =	vld [tilespmem:s7+$0x8CC0]  }
0x379: {  	v21 =	vadd.f32 v24, v21;
	v24 =	vmul.f32 v59, v59;
	v11 =	vadd.f32 v45, v19;
	v45 =	vld [tilespmem:s7+$0x8D10]  }
0x37a: {  	v15 =	vmul.f32 s10, v0;
	v14 =	vadd.f32 v14, v22;
	v23 =	vmul.f32 s2, v38;
	v38 =	vld [tilespmem:s7+$0x8CD0]  }
0x37b: {  	v0 =	vadd.f32 v24, v54;
	v54 =	vld [tilespmem:$0x1FEB0]  }
0x37c: {  	v15 =	vadd.f32 v35, v15;
	v13 =	vand.u32 $0x7FFFFFFF, v13;
	v32 =	vmovc v37;
	v37 =	vld [tilespmem:s7+$0x8CF0];
	v46 =	vand.u32 $0x7FFFFFFF, v14  }
0x37d: {  	v53 =	vadd.f32 v46, v13;
	v13 =	vld [tilespmem:$0x1FE50]  }
0x37e: {  	v3 =	vadd.f32 v3, v4;
	v15 =	vadd.f32 v15, v23;
	v23 =	vld [tilespmem:s7+$0x8D30]  }
0x37f: {  	v16 =	vmul.f32 v33, v33;
	v52 =	vmul.f32 v42, v42;
	v21 =	vand.u32 $0x7FFFFFFF, v21;
	v46 =	vld [tilespmem:$0x1FE80]  }
0x380: {  	v2 =	vadd.f32 v2, v3;
	v18 =	vmul.f32 v26, v26;
	v51 =	vand.u32 $0x7FFFFFFF, v15;
	v15 =	vld [tilespmem:$0x1FE60]  }
0x381: {  	v62 =	vmul.f32 v34, v34;
	v10 =	vadd.f32 v11, v10;
	v4 =	vadd.f32 v51, v21;
	v21 =	vld [tilespmem:s7+$0x8D20]  }
0x382: {  	v61 =	vmul.f32 v40, v40;
	(xrf2) =	vadd.scan.msk.f32 $0xffff, v2;
	v2 =	vadd.f32 v17, v8;
	v0 =	vadd.f32 v18, v0;
	v51 =	vld [tilespmem:$0x1FE90]  }
0x383: {  	v25 =	vmul.f32 v28, v28;
	v3 =	vadd.f32 v62, v52;
	v4 =	vadd.f32 v4, v53;
	v53 =	vld [tilespmem:$0x1FEA0]  }
0x384: {  	v18 =	vmul.f32 v39, v39;
	v14 =	vadd.f32 v13, v7;
	v7 =	vadd.f32 v16, v61;
	v61 =	vld [tilespmem:s7+$0x8D40]  }
0x385: {  	v41 =	vmov v1;
	v1 =	vadd.f32 v25, v15;
	v4 =	vadd.f32 v4, v10;
	v15 =	vld [tilespmem:$0x1FEC0]  }
0x386: {  	v19 =	vmul.f32 v43, v43;
	v3 =	vadd.f32 v18, v3;
	v16 =	vld [tilespmem:$0x1FED0];
	v52 =	vmul.f32 v21, v21  }
0x387: {  	v62 =	vmul.f32 v45, v45;
	v5 =	vadd.f32 v46, v14;
	v2 =	vadd.f32 v51, v2;
	v51 =	vld [tilespmem:$0x1FEE0];
	(xrf2) =	vadd.scan.msk.f32 $0xffff, v4  }
0x388: {  	v17 =	vmul.f32 v23, v23;
	v4 =	vadd.f32 v53, v6;
	v9 =	vadd.f32 v52, v19;
	v52 =	vld [tilespmem:$0x1FEF0]  }
0x389: {  	v14 =	vld [tilespmem:$0x1FF00];
	v6 =	vadd.f32 v54, v55;
	v55 =	vmul.f32 v27, v27;
	v2 =	vadd.f32 v2, v5  }
0x38a: {  	v31 =	vld [tilespmem:s7+$0x8D70];
	v5 =	vadd.f32 v17, v62;
	v53 =	vmul.f32 v61, v61;
	v4 =	vadd.f32 v15, v4  }
0x38b: {  	v13 =	vmul.f32 v29, v29;
	v6 =	vadd.f32 v16, v6;
	v1 =	vadd.f32 v55, v1  }
0x38c: {  	v11, _, _ =	vpop (xrf2);
	v46 =	vmul.f32 v38, v38;
	(xrf2) =	vadd.scan.msk.f32 $0xffff, v2;
	v12 =	vadd.f32 v53, v9;
	v0 =	vadd.f32 v51, v0  }
0x38d: {  	v54 =	vmul.f32 v37, v37;
	v19 =	vadd.f32 v6, v4;
	v1 =	vadd.f32 v52, v1  }
0x38e: {  	v3 =	vadd.f32 v14, v3;
	v15 =	vmul.f32 v30, v30;
	v4 =	vadd.f32 v46, v7  }
0x38f: {  	v5 =	vadd.f32 v13, v5;
	v16 =	vmul.f32 v31, v31;
	v55, _, _ =	vpop (xrf2);
	(xrf2) =	vadd.scan.msk.f32 $0xffff, v19;
	v62 =	vadd.f32 v1, v0  }
0x390: {  	(v2sf) =	vpush v55, $0xF;
	v4 =	vadd.f32 v54, v4  }
0x391: {  	v46 =	vadd.f32 v16, v5;
	v19 =	vadd.f32 v15, v12;
	(xrf2) =	vadd.scan.msk.f32 $0xffff, v62;
	v17, _, _ =	vpop (xrf2)  }
0x392: {  	v18 =	vadd.f32 v4, v3;
	(v2sf) =	vpush v17, $0xF;
	_ =	sdelay $0x1  }
0x393: {  	v51 =	vadd.f32 v46, v19;
	(xrf2) =	vadd.scan.msk.f32 $0xffff, v18  }
0x394: {  	(v2sf) =	vpush v11, $0xF  }
0x395: {  	v52, _, _ =	vpop (xrf2);
	(xrf2) =	vadd.scan.msk.f32 $0xffff, v51  }
0x396: {  	(v2sf) =	vpush v52, $0xF;
	_ =	sdelay $0x1  }
0x397: {  	v53, _, _ =	vpop (xrf2)  }
0x398: {  	(v2sf) =	vpush v53, $0xF  }
0x399: {  	v54, _, _ =	vpop (xrf2)  }
0x39a: {  	(v2sf) =	vpush v54, $0xF;
	_ =	sdelay $0x1  }
0x39b: {  	v55, _, _ =	vpop (xrf2)  }
0x39c: {  	s15 =	spop (v2sf);
	(v2sf) =	vpush v55, $0xF  }
0x39d: {  	v62, _, _ =	vpop (xrf2)  }
0x39e: {  	s16 =	spop (v2sf);
	(v2sf) =	vpush v62, $0xF;
	_ =	sdelay $0x1  }
0x39f: {  	s2 =	ssub.f32 s16, s15  }
0x3a0: {  	s17 =	spop (v2sf)  }
0x3a1: {  	s18 =	sshrl.u32 s17, $0x1;
	s2 =	sadd.f32 $5.000000000e-01, s2  }
0x3a2: {  	s13 =	smul.f32 $5.000000000e-01, s17;
	s14 =	ssub.s32 $0x5F3759DF, s18;
	s19 =	spop (v2sf)  }
0x3a3: {  	s9 =	smul.f32 $5.000000000e-01, s19;
	s7 =	sshrl.u32 s19, $0x1;
	s2 =	smax.f32 s2, $0.0e+00  }
0x3a4: {  	s15 =	ssub.s32 $0x5F3759DF, s7;
	s4 =	sadd.f32 s2, s4;
	s2 =	smul.f32 s14, s13  }
0x3a5: {  	s19 =	smul.f32 s15, s9;
	s20 =	spop (v2sf)  }
0x3a6: {  	s12 =	smul.f32 $5.000000000e-01, s20  }
0x3a7: {  	s2 =	smul.f32 s14, s2;
	s16 =	sshrl.u32 s20, $0x1;
	s21 =	spop (v2sf)  }
0x3a8: {  	s16 =	ssub.s32 $0x5F3759DF, s16;
	s10 =	smul.f32 $5.000000000e-01, s21  }
0x3a9: {  	p0 =	sne.s32 s6, $0x17A00;
	s17 =	sshrl.u32 s21, $0x1;
	s21 =	smul.f32 s16, s12  }
.Ltmp16:
0x3aa: {  	s30 =	spop (v2sf);
	(pc) =	sbr.rel @p0 .LBB2_35-.Ltmp16, $4  }
0x3ab: {  	s8 =	smul.f32 $5.000000000e-01, s30;
	s17 =	ssub.s32 $0x5F3759DF, s17  }
0x3ac: {  	s30 =	sshrl.u32 s30, $0x1;
	s28 =	smul.f32 s17, s10;
	s31 =	spop (v2sf)  }
0x3ad: {  	s18 =	ssub.s32 $0x5F3759DF, s30;
	s11 =	smul.f32 $5.000000000e-01, s31;
	s31 =	sshrl.u32 s31, $0x1  }
0x3ae: {  	s6 =	sadd.s32 $0x600, s6;
	v35 =	vld [tilespmem:$0x1FDC0];
	s29 =	smul.f32 s18, s8;
	s20 =	ssub.s32 $0x5F3759DF, s31  }
0x3af: {  	s6 =	smul.f32 s20, s11  }
0x3b0: {  	s7 =	smul.f32 s15, s19  }
0x3b1: {  	s30 =	smul.f32 s16, s21  }
0x3b2: {  	s2 =	ssub.f32 $1.500000000e+00, s2;
	s31 =	smul.f32 s17, s28  }
0x3b3: {  	s28 =	smul.f32 s18, s29  }
0x3b4: {  	s2 =	smul.f32 s14, s2  }
0x3b5: {  	s7 =	ssub.f32 $1.500000000e+00, s7;
	s6 =	smul.f32 s20, s6  }
0x3b6: {  	s19 =	ssub.f32 $1.500000000e+00, s30;
	s14 =	smul.f32 s2, s13  }
0x3b7: {  	s29 =	ssub.f32 $1.500000000e+00, s31;
	s7 =	smul.f32 s15, s7  }
0x3b8: {  	s30 =	ssub.f32 $1.500000000e+00, s28;
	s16 =	smul.f32 s16, s19  }
0x3b9: {  	s15 =	smul.f32 s17, s29;
	s31 =	ssub.f32 $1.500000000e+00, s6  }
0x3ba: {  	s6 =	smul.f32 s18, s30  }
0x3bb: {  	s17 =	smul.f32 s20, s31  }
0x3bc: {  	s14 =	smul.f32 s14, s2  }
0x3bd: {  	s19 =	smul.f32 s7, s9  }
0x3be: {  	s20 =	smul.f32 s16, s12  }
0x3bf: {  	s29 =	smul.f32 s15, s10  }
0x3c0: {  	s28 =	smul.f32 s17, s11  }
0x3c1: {  	s18 =	smul.f32 s19, s7  }
0x3c2: {  	s14 =	ssub.f32 $1.500000000e+00, s14;
	s19 =	smul.f32 s20, s16  }
0x3c3: {  	s20 =	smul.f32 s29, s15  }
0x3c4: {  	s2 =	smul.f32 s14, s2  }
0x3c5: {  	s30 =	ssub.f32 $1.500000000e+00, s18;
	s31 =	smul.f32 s28, s17  }
0x3c6: {  	s19 =	ssub.f32 $1.500000000e+00, s19;
	s29 =	smul.f32 s2, s13  }
0x3c7: {  	v2 =	vld [tilespmem:$0x1FF60];
	s7 =	smul.f32 s30, s7;
	s30 =	ssub.f32 $1.500000000e+00, s20  }
0x3c8: {  	v3 =	vld [tilespmem:$0x1FF70];
	s16 =	smul.f32 s19, s16  }
0x3c9: {  	v4 =	vld [tilespmem:$0x1FF40];
	s14 =	smul.f32 s30, s15  }
0x3ca: {  	v5 =	vld [tilespmem:$0x1FF50];
	s31 =	ssub.f32 $1.500000000e+00, s31;
	s13 =	smul.f32 s29, s2  }
0x3cb: {  	v7 =	vld [tilespmem:$0x1FF80];
	s18 =	smul.f32 s16, s12  }
0x3cc: {  	v8 =	vld [tilespmem:$0x1FF10];
	s15 =	smul.f32 s31, s17  }
0x3cd: {  	v9 =	vld [tilespmem:$0x1FF90];
	s13 =	ssub.f32 $1.500000000e+00, s13;
	s12 =	smul.f32 s18, s16  }
0x3ce: {  	v10 =	vld [tilespmem:$0x1FFA0];
	s19 =	smul.f32 s14, s10  }
0x3cf: {  	v11 =	vld [tilespmem:$0x1FFB0];
	s2 =	smul.f32 s13, s2  }
0x3d0: {  	v12 =	vld [tilespmem:$0x1FFE0];
	s20 =	smul.f32 s15, s11  }
0x3d1: {  	v13 =	vld [tilespmem:$0x1FFF0];
	s12 =	ssub.f32 $1.500000000e+00, s12;
	s10 =	smul.f32 s19, s14;
	v0 =	vmul.f32 s2, v35;
	v1 =	vmul.f32 s2, v60  }
0x3d2: {  	v14 =	vld [tilespmem:$0x1FF20];
	s11 =	smul.f32 s20, s15;
	v2 =	vmul.f32 s2, v2;
	v3 =	vmul.f32 s2, v3  }
0x3d3: {  	v15 =	vld [tilespmem:$0x1FF30];
	s12 =	smul.f32 s12, s16;
	v4 =	vmul.f32 s2, v4;
	v5 =	vmul.f32 s2, v5  }
0x3d4: {  	v16 =	vld [tilespmem:$0x1FFC0];
	v6 =	vmul.f32 s2, v41;
	v8 =	vmul.f32 s2, v8;
	s29 =	ssub.f32 $1.500000000e+00, s10  }
0x3d5: {  	v18 =	vld [tilespmem:$0x1FFD0];
	s31 =	smul.f32 s7, s9;
	s11 =	ssub.f32 $1.500000000e+00, s11;
	v7 =	vmul.f32 s12, v7;
	v9 =	vmul.f32 s12, v9  }
0x3d6: {  	v10 =	vmul.f32 s12, v10;
	v11 =	vmul.f32 s12, v11;
	s2 =	smul.f32 s29, s14  }
0x3d7: {  	v12 =	vmul.f32 s12, v12;
	v13 =	vmul.f32 s12, v13;
	s11 =	smul.f32 s11, s15  }
0x3d8: {  	v14 =	vmul.f32 s12, v14;
	v15 =	vmul.f32 s12, v15  }
0x3d9: {  	s9 =	smul.f32 s31, s7;
	v16 =	vmul.f32 s2, v16;
	v17 =	vmul.f32 s11, v43  }
0x3da: {  	v18 =	vmul.f32 s2, v18;
	v19 =	vmul.f32 s11, v45  }
0x3db: {  	s9 =	ssub.f32 $1.500000000e+00, s9;
	v20 =	vmul.f32 s2, v59;
	v21 =	vmul.f32 s11, v21  }
0x3dc: {  	s21 =	smul.f32 s6, s8;
	v22 =	vmul.f32 s2, v28;
	v23 =	vmul.f32 s11, v23  }
0x3dd: {  	s7 =	smul.f32 s9, s7;
	v24 =	vmul.f32 s2, v26;
	v25 =	vmul.f32 s11, v61  }
0x3de: {  	v26 =	vmul.f32 s2, v27;
	v27 =	vmul.f32 s11, v29  }
0x3df: {  	s30 =	smul.f32 s21, s6;
	s7 =	ssub.f32 $0.0e+00, s7;
	v28 =	vmul.f32 s2, v58;
	v29 =	vmul.f32 s11, v30  }
0x3e0: {  	v30 =	vmul.f32 s2, v57;
	v0 =	vadd.f32 v7, v0;
	v1 =	vadd.f32 v9, v1  }
0x3e1: {  	s10 =	ssub.f32 $1.500000000e+00, s30;
	v53 =	vmul.f32 s7, v49;
	v2 =	vadd.f32 v10, v2;
	v3 =	vadd.f32 v11, v3  }
0x3e2: {  	v31 =	vmul.f32 s11, v31;
	v4 =	vadd.f32 v12, v4;
	v5 =	vadd.f32 v13, v5  }
0x3e3: {  	s6 =	smul.f32 s10, s6;
	v54 =	vmul.f32 s7, v48;
	v6 =	vadd.f32 v14, v6;
	v8 =	vadd.f32 v15, v8  }
0x3e4: {  	v58 =	vmul.f32 s7, v63;
	v61 =	vadd.f32 v17, v16;
	v62 =	vadd.f32 v19, v18  }
0x3e5: {  	s12 =	smul.f32 s6, s8;
	v63 =	vmul.f32 s7, v36;
	v35 =	vadd.f32 v21, v20;
	v36 =	vadd.f32 v23, v22  }
0x3e6: {  	v55 =	vmul.f32 s7, v44;
	v21 =	vadd.f32 v25, v24;
	v22 =	vadd.f32 v27, v26  }
0x3e7: {  	v57 =	vmul.f32 s7, v56;
	s8 =	smul.f32 s12, s6;
	v24 =	vadd.f32 v29, v28;
	v25 =	vadd.f32 v31, v30  }
0x3e8: {  	v59 =	vmul.f32 s7, v50;
	v0 =	vadd.f32 v0, v53;
	v1 =	vadd.f32 v1, v54  }
0x3e9: {  	v60 =	vmul.f32 s7, v47;
	v2 =	vadd.f32 v2, v55;
	v3 =	vadd.f32 v3, v57;
	s13 =	ssub.f32 $1.500000000e+00, s8  }
0x3ea: {  	v4 =	vadd.f32 v4, v58;
	v5 =	vadd.f32 v5, v59  }
0x3eb: {  	v6 =	vadd.f32 v6, v60;
	v8 =	vadd.f32 v8, v63;
	s2 =	smul.f32 s13, s6  }
0x3ec: {  	v0 =	vand.u32 $0x7FFFFFFF, v0;
	v1 =	vand.u32 $0x7FFFFFFF, v1;
	v2 =	vand.u32 $0x7FFFFFFF, v2  }
0x3ed: {  	v3 =	vand.u32 $0x7FFFFFFF, v3;
	v4 =	vand.u32 $0x7FFFFFFF, v4;
	v5 =	vand.u32 $0x7FFFFFFF, v5;
	s2 =	ssub.f32 $0.0e+00, s2  }
0x3ee: {  	v6 =	vand.u32 $0x7FFFFFFF, v6;
	v8 =	vand.u32 $0x7FFFFFFF, v8;
	v0 =	vadd.f32 v4, v0  }
0x3ef: {  	v1 =	vadd.f32 v5, v1;
	v20 =	vmul.f32 s2, v42;
	v23 =	vmul.f32 s2, v40  }
0x3f0: {  	v2 =	vadd.f32 v6, v2;
	v41 =	vmul.f32 s2, v34;
	v42 =	vmul.f32 s2, v33  }
0x3f1: {  	v3 =	vadd.f32 v8, v3;
	v43 =	vmul.f32 s2, v39;
	v44 =	vmul.f32 s2, v38  }
0x3f2: {  	v47 =	vmul.f32 s2, v32;
	v45 =	vadd.f32 v61, v20;
	v46 =	vadd.f32 v62, v23  }
0x3f3: {  	v48 =	vmul.f32 s2, v37;
	v7 =	vadd.f32 v35, v41;
	v9 =	vadd.f32 v36, v42  }
0x3f4: {  	v10 =	vadd.f32 v21, v43;
	v11 =	vadd.f32 v22, v44  }
0x3f5: {  	v14 =	vadd.f32 v24, v47;
	v15 =	vadd.f32 v25, v48;
	v12 =	vand.u32 $0x7FFFFFFF, v45  }
0x3f6: {  	v13 =	vand.u32 $0x7FFFFFFF, v46;
	v7 =	vand.u32 $0x7FFFFFFF, v7;
	v9 =	vand.u32 $0x7FFFFFFF, v9  }
0x3f7: {  	v49 =	vand.u32 $0x7FFFFFFF, v10;
	v50 =	vand.u32 $0x7FFFFFFF, v11;
	v51 =	vand.u32 $0x7FFFFFFF, v14  }
0x3f8: {  	v52 =	vand.u32 $0x7FFFFFFF, v15;
	v4 =	vadd.f32 v49, v12;
	v5 =	vadd.f32 v50, v13  }
0x3f9: {  	v6 =	vadd.f32 v51, v7;
	v53 =	vadd.f32 v52, v9  }
0x3fa: {  	v0 =	vadd.f32 v1, v0;
	v54 =	vadd.f32 v3, v2  }
0x3fb: {  	v55 =	vadd.f32 v5, v4;
	v56 =	vadd.f32 v53, v6  }
0x3fc: {  	v0 =	vadd.f32 v54, v0  }
0x3fd: {  	v57 =	vadd.f32 v56, v55  }
0x3fe: {  	(xrf2) =	vadd.scan.msk.f32 $0xffff, v0  }
0x3ff: {  	(xrf2) =	vadd.scan.msk.f32 $0xffff, v57;
	_ =	sdelay $0x8  }
0x400: {  	v0, _, _ =	vpop (xrf2)  }
0x401: {  	(v2sf) =	vpush v0, $0xF;
	v58, _, _ =	vpop (xrf2)  }
0x402: {  	(v2sf) =	vpush v58, $0xF;
	_ =	sdelay $0xd  }
0x403: {  	s14 =	spop (v2sf)  }
0x404: {  	s15 =	spop (v2sf)  }
0x405: {  	_ =	swait.ge [sflag:s0], $0x4000  }
0x406: {  	[sflag:s0] =	ssyncset.done $0x0  }
0x407: {  	[sflag:s0] =	ssyncadd.s32 $0xFFFFC000  }
0x408: {  	_ =	swait.ge [sflag:s0], $0x2000  }
0x409: {  	[sflag:s0] =	ssyncset.done $0x0  }
0x40a: {  	[sflag:s0] =	ssyncadd.s32 $0xFFFFE000  }
0x40b: {  	_ =	swait.ge [sflag:s0], $0x4000  }
0x40c: {  	[sflag:s0] =	ssyncset.done $0x0  }
0x40d: {  	[sflag:s0] =	ssyncadd.s32 $0xFFFFC000  }
0x40e: {  	p0 =	seq.s32 s24, $0x3;
	_ =	swait.ge [sflag:s0], $0x2000  }
0x40f: {  	s9 =	simm.s32 @!p0 $0x2C00;
	[sflag:s0] =	ssyncset.done $0x0  }
0x410: {  	s8 =	simm.s32 @!p0 $0x80;
	s2 =	sadd.s32 @!p0 $0x2180, s5;
	[sflag:s0] =	ssyncadd.s32 $0xFFFFE000  }
0x411: {  	[tilespmem:s9], [sflag:$0x1] =	stream.indirect.gather @!p0 [hbm4b:s1+s8], $0x80, s2, s8, $0xb8;
	[tilespmem:$0x1AC80] =	vst v63  }
0x412: {  	s10 =	simm.s32 @!p0 $0x6C00;
	s2 =	sadd.s32 @!p0 $0x2200, s5;
	s9 =	simm.s32 @!p0 $0x40  }
0x413: {  	[tilespmem:s10], [sflag:$0x1] =	stream.indirect.gather @!p0 [hbm4b:s1+s9], $0x80, s2, s9, $0xb8;
	[tilespmem:$0x1AC80] =	vst v63  }
0x414: {  	s2 =	sadd.s32 @!p0 $0x2780, s5;
	s10 =	simm.s32 @!p0 $0x8C00  }
0x415: {  	[tilespmem:s10], [sflag:$0x1] =	stream.indirect.gather @!p0 [hbm4b:s1+s8], $0x80, s2, s8, $0xb8;
	[tilespmem:$0x1AC80] =	vst v63  }
0x416: {  	s16 =	simm.s32 $0x0;
	s2 =	sadd.s32 @!p0 $0x2800, s5;
	s5 =	simm.s32 @!p0 $0xCC00  }
0x417: {  	[tilespmem:s5], [sflag:$0x1] =	stream.indirect.gather @!p0 [hbm4b:s1+s9], $0x80, s2, s9, $0xb8;
	[tilespmem:$0x1AC80] =	vst v63  }
0x418: {  	v41 =	vld [tilespmem:s16+$0xEC60]  }
0x419: {  	v59 =	vld [tilespmem:s16+$0xEC70]  }
0x41a: {  	v47 =	vld [tilespmem:s16+$0xECE0]  }
0x41b: {  	v36 =	vld [tilespmem:s16+$0xECF0]  }
0x41c: {  	v4 =	vld [tilespmem:s16+$0xED60]  }
0x41d: {  	v5 =	vld [tilespmem:s16+$0xED70]  }
0x41e: {  	v52 =	vld [tilespmem:s16+$0x14C60]  }
0x41f: {  	v53 =	vld [tilespmem:s16+$0x14C70]  }
0x420: {  	v32 =	vld [tilespmem:s16+$0x14CE0]  }
0x421: {  	v37 =	vld [tilespmem:s16+$0xEC40]  }
0x422: {  	v38 =	vld [tilespmem:s16+$0xEC50]  }
0x423: {  	v63 =	vld [tilespmem:s16+$0xECC0]  }
0x424: {  	v50 =	vld [tilespmem:s16+$0xECD0]  }
0x425: {  	v18 =	vld [tilespmem:s16+$0xED40]  }
0x426: {  	v19 =	vld [tilespmem:s16+$0xED50]  }
0x427: {  	v35 =	vld [tilespmem:s16+$0xEC00]  }
0x428: {  	v60 =	vld [tilespmem:s16+$0xEC10]  }
0x429: {  	v39 =	vld [tilespmem:s16+$0xEC20]  }
0x42a: {  	v40 =	vld [tilespmem:s16+$0xEC30]  }
0x42b: {  	v49 =	vld [tilespmem:s16+$0xEC80]  }
0x42c: {  	v48 =	vld [tilespmem:s16+$0xEC90]  }
0x42d: {  	v44 =	vld [tilespmem:s16+$0xECA0];
	[tilespmem:$0x1FC40] =	vst v59  }
0x42e: {  	v56 =	vld [tilespmem:s16+$0xECB0];
	[tilespmem:$0x1FC50] =	vst v4  }
0x42f: {  	v24 =	vld [tilespmem:s16+$0xED00];
	[tilespmem:$0x1FC60] =	vst v5  }
0x430: {  	v22 =	vld [tilespmem:s16+$0xED10];
	[tilespmem:$0x1FC70] =	vst v37  }
0x431: {  	v0 =	vmul.f32 v41, v41;
	v1 =	vmul.f32 v59, v59;
	v23 =	vld [tilespmem:s16+$0xED20];
	[tilespmem:$0x1FC80] =	vst v38  }
0x432: {  	v2 =	vmul.f32 v47, v47;
	v3 =	vmul.f32 v36, v36;
	v25 =	vld [tilespmem:s16+$0xED30]  }
0x433: {  	v6 =	vmul.f32 v52, v52;
	v7 =	vmul.f32 v53, v53;
	v21 =	vld [tilespmem:s16+$0x14C00];
	[tilespmem:$0x1FC90] =	vst v39  }
0x434: {  	v58 =	vmovc v52;
	v57 =	vmov v53;
	v52 =	vmul.f32 v35, v35;
	v53 =	vmul.f32 v60, v60;
	v20 =	vld [tilespmem:s16+$0x14C10];
	[tilespmem:$0x1FCA0] =	vst v40  }
0x435: {  	v14 =	vmul.f32 v39, v39;
	v15 =	vmul.f32 v40, v40;
	v59 =	vld [tilespmem:s16+$0x14C20]  }
0x436: {  	v54 =	vmul.f32 v49, v49;
	v61 =	vmul.f32 v44, v44;
	v28 =	vld [tilespmem:s16+$0x14C30]  }
0x437: {  	v8 =	vmul.f32 v37, v37;
	v9 =	vmul.f32 v38, v38;
	v12 =	vadd.f32 v14, v52;
	v42 =	vld [tilespmem:s16+$0x14C80];
	[tilespmem:$0x1FCB0] =	vst v24  }
0x438: {  	v10 =	vmul.f32 v63, v63;
	v13 =	vadd.f32 v15, v53;
	v16 =	vadd.f32 v61, v54;
	[tilespmem:$0x1FCC0] =	vst v22  }
0x439: {  	v11 =	vmul.f32 v50, v50;
	v55 =	vmul.f32 v48, v48;
	v8 =	vadd.f32 v8, v12;
	v40 =	vld [tilespmem:s16+$0x14C90];
	[tilespmem:$0x1FCD0] =	vst v23  }
0x43a: {  	v4 =	vmul.f32 v4, v4;
	v9 =	vadd.f32 v9, v13;
	v10 =	vadd.f32 v10, v16;
	v34 =	vld [tilespmem:s16+$0x14CA0];
	[tilespmem:$0x1FCE0] =	vst v25  }
0x43b: {  	v5 =	vmul.f32 v5, v5;
	v62 =	vmul.f32 v56, v56;
	v0 =	vadd.f32 v0, v8;
	[tilespmem:$0x1FCF0] =	vst v21  }
0x43c: {  	v1 =	vadd.f32 v1, v9;
	v2 =	vadd.f32 v2, v10;
	v45 =	vmul.f32 v24, v24;
	v33 =	vld [tilespmem:s16+$0x14CB0];
	[tilespmem:$0x1FD00] =	vst v20  }
0x43d: {  	v46 =	vmul.f32 v22, v22;
	v55 =	vadd.f32 v62, v55;
	v51 =	vmul.f32 v23, v23;
	v26 =	vld [tilespmem:s16+$0x14C40]  }
0x43e: {  	v0 =	vadd.f32 v1, v0;
	v52 =	vmul.f32 v25, v25;
	v53 =	vmul.f32 v21, v21;
	v43 =	vld [tilespmem:s16+$0x14D00]  }
0x43f: {  	v8 =	vadd.f32 v11, v55;
	v54 =	vmul.f32 v20, v20;
	v61 =	vadd.f32 v51, v45;
	v21 =	vld [tilespmem:s16+$0x14D20]  }
0x440: {  	v62 =	vmul.f32 v59, v59;
	v12 =	vadd.f32 v52, v46;
	v37 =	vmul.f32 v28, v28;
	v27 =	vld [tilespmem:s16+$0x14C50]  }
0x441: {  	v38 =	vmul.f32 v42, v42;
	v45 =	vld [tilespmem:s16+$0x14D10];
	[tilespmem:$0x1FD10] =	vst v18;
	v46 =	vmul.f32 v18, v18;
	v3 =	vadd.f32 v3, v8  }
0x442: {  	v23 =	vld [tilespmem:s16+$0x14D30];
	[tilespmem:$0x1FD20] =	vst v19;
	v13 =	vadd.f32 v62, v53;
	v1 =	vadd.f32 v37, v54;
	v54 =	vmul.f32 v19, v19  }
0x443: {  	v51 =	vmul.f32 v40, v40;
	v39 =	vld [tilespmem:s16+$0x14CC0];
	v9 =	vadd.f32 v46, v61;
	v52 =	vmul.f32 v34, v34  }
0x444: {  	v61 =	vld [tilespmem:s16+$0x14D40];
	v2 =	vadd.f32 v3, v2;
	v53 =	vmul.f32 v33, v33;
	v19 =	vadd.f32 v54, v12  }
0x445: {  	v15 =	vadd.f32 v52, v38;
	v55 =	vmul.f32 v26, v26;
	v38 =	vld [tilespmem:s16+$0x14CD0];
	v18 =	vmul.f32 v43, v43  }
0x446: {  	v30 =	vld [tilespmem:s16+$0x14D60];
	v4 =	vadd.f32 v4, v9;
	v46 =	vmul.f32 v21, v21;
	v52 =	vmul.f32 v45, v45  }
0x447: {  	v29 =	vld [tilespmem:s16+$0x14D50];
	v14 =	vadd.f32 v53, v51;
	v51 =	vmul.f32 v27, v27;
	v5 =	vadd.f32 v5, v19  }
0x448: {  	v37 =	vld [tilespmem:s16+$0x14CF0];
	v53 =	vmul.f32 v23, v23;
	v54 =	vadd.f32 v55, v13;
	v55 =	vmul.f32 v32, v32  }
0x449: {  	(xrf2) =	vadd.scan.msk.f32 $0xffff, v0;
	v31 =	vld [tilespmem:s16+$0x14D70];
	v8 =	vadd.f32 v46, v18;
	v62 =	vmul.f32 v39, v39;
	v13 =	vmul.f32 v61, v61  }
0x44a: {  	v1 =	vadd.f32 v51, v1;
	v4 =	vadd.f32 v5, v4;
	v12 =	vmul.f32 v38, v38  }
0x44b: {  	v17 =	vmul.f32 v30, v30;
	v3 =	vadd.f32 v53, v52;
	v6 =	vadd.f32 v6, v54  }
0x44c: {  	(xrf2) =	vadd.scan.msk.f32 $0xffff, v2;
	v1 =	vadd.f32 v7, v1;
	v9 =	vadd.f32 v12, v14;
	v14 =	vmul.f32 v29, v29  }
0x44d: {  	v5 =	vadd.f32 v62, v15;
	v15 =	vmul.f32 v37, v37;
	v16 =	vadd.f32 v13, v8  }
0x44e: {  	v18 =	vmul.f32 v31, v31;
	v1 =	vadd.f32 v1, v6;
	v3 =	vadd.f32 v14, v3  }
0x44f: {  	(xrf2) =	vadd.scan.msk.f32 $0xffff, v4;
	v5 =	vadd.f32 v55, v5;
	v0 =	vadd.f32 v15, v9  }
0x450: {  	v19 =	vadd.f32 v17, v16;
	(xrf2) =	vadd.scan.msk.f32 $0xffff, v1;
	v3 =	vadd.f32 v18, v3  }
0x451: {  	v0 =	vadd.f32 v0, v5  }
0x452: {  	v46 =	vadd.f32 v3, v19  }
0x453: {  	v51, _, _ =	vpop (xrf2);
	(xrf2) =	vadd.scan.msk.f32 $0xffff, v0  }
0x454: {  	(v2sf) =	vpush v51, $0xF;
	(xrf2) =	vadd.scan.msk.f32 $0xffff, v46;
	_ =	sdelay $0x1  }
0x455: {  	v52, _, _ =	vpop (xrf2)  }
0x456: {  	(v2sf) =	vpush v52, $0xF;
	_ =	sdelay $0x1  }
0x457: {  	v53, _, _ =	vpop (xrf2)  }
0x458: {  	(v2sf) =	vpush v53, $0xF;
	v54, _, _ =	vpop (xrf2)  }
0x459: {  	(v2sf) =	vpush v54, $0xF;
	_ =	sdelay $0x1  }
0x45a: {  	v55, _, _ =	vpop (xrf2)  }
0x45b: {  	(v2sf) =	vpush v55, $0xF;
	v62, _, _ =	vpop (xrf2)  }
0x45c: {  	(v2sf) =	vpush v62, $0xF;
	_ =	sdelay $0x3  }
0x45d: {  	s17 =	ssub.f32 s15, s14;
	s18 =	spop (v2sf)  }
0x45e: {  	s19 =	sshrl.u32 s18, $0x1;
	s12 =	smul.f32 $5.000000000e-01, s18  }
0x45f: {  	s2 =	sadd.f32 $5.000000000e-01, s17;
	s13 =	ssub.s32 $0x5F3759DF, s19  }
0x460: {  	s5 =	smul.f32 s13, s12;
	s20 =	spop (v2sf)  }
0x461: {  	s2 =	smax.f32 s2, $0.0e+00;
	s8 =	smul.f32 $5.000000000e-01, s20;
	s6 =	sshrl.u32 s20, $0x1  }
0x462: {  	s4 =	sadd.f32 s2, s4;
	s2 =	smul.f32 s13, s5;
	s14 =	ssub.s32 $0x5F3759DF, s6  }
0x463: {  	s18 =	smul.f32 s14, s8;
	s21 =	spop (v2sf)  }
0x464: {  	s11 =	smul.f32 $5.000000000e-01, s21;
	s21 =	sshrl.u32 s21, $0x1;
	s29 =	spop (v2sf)  }
0x465: {  	s15 =	ssub.s32 $0x5F3759DF, s21;
	s9 =	smul.f32 $5.000000000e-01, s29;
	s29 =	sshrl.u32 s29, $0x1  }
0x466: {  	s20 =	smul.f32 s15, s11;
	s16 =	ssub.s32 $0x5F3759DF, s29  }
0x467: {  	s21 =	smul.f32 s16, s9;
	s30 =	spop (v2sf)  }
0x468: {  	s7 =	smul.f32 $5.000000000e-01, s30;
	s30 =	sshrl.u32 s30, $0x1;
	s31 =	spop (v2sf)  }
0x469: {  	s17 =	ssub.s32 $0x5F3759DF, s30;
	s10 =	smul.f32 $5.000000000e-01, s31;
	s31 =	sshrl.u32 s31, $0x1  }
0x46a: {  	s5 =	simm.s32 $0x600;
	s28 =	smul.f32 s17, s7;
	s19 =	ssub.s32 $0x5F3759DF, s31  }
.LBB2_37:
0x46b: {  	s29 =	smul.f32 s19, s10  }
0x46c: {  	s18 =	smul.f32 s14, s18  }
0x46d: {  	s20 =	smul.f32 s15, s20  }
0x46e: {  	s21 =	smul.f32 s16, s21  }
0x46f: {  	s2 =	ssub.f32 $1.500000000e+00, s2;
	s28 =	smul.f32 s17, s28  }
0x470: {  	s29 =	smul.f32 s19, s29;
	s18 =	ssub.f32 $1.500000000e+00, s18  }
0x471: {  	s2 =	smul.f32 s13, s2;
	s31 =	ssub.f32 $1.500000000e+00, s20  }
0x472: {  	s20 =	smul.f32 s14, s18;
	s14 =	ssub.f32 $1.500000000e+00, s21  }
0x473: {  	s30 =	smul.f32 s2, s12;
	s21 =	ssub.f32 $1.500000000e+00, s28  }
0x474: {  	s18 =	smul.f32 s15, s31;
	s31 =	ssub.f32 $1.500000000e+00, s29  }
0x475: {  	s6 =	sshra.s32 s5, $0x2;
	s13 =	smul.f32 s17, s21  }
0x476: {  	v46 =	vld [tilespmem:s6+$0x14C70];
	s15 =	smul.f32 s19, s31  }
0x477: {  	v4 =	vld [tilespmem:s6+$0xECD0];
	s17 =	smul.f32 s30, s2  }
0x478: {  	s21 =	smul.f32 s20, s8  }
0x479: {  	s30 =	smul.f32 s18, s11  }
0x47a: {  	v13 =	vld [tilespmem:s6+$0xEC60];
	s31 =	smul.f32 s15, s10  }
0x47b: {  	[tilespmem:$0x1FA80] =	vst v50;
	v1 =	vld [tilespmem:s6+$0x14CE0];
	v51 =	vmul.f32 v46, v46;
	s19 =	smul.f32 s21, s20;
	s17 =	ssub.f32 $1.500000000e+00, s17  }
0x47c: {  	[tilespmem:$0x1FB00] =	vst v34;
	v17 =	vld [tilespmem:s6+$0xED40];
	v54 =	vmul.f32 v4, v4;
	s21 =	smul.f32 s30, s18  }
0x47d: {  	[tilespmem:$0x1FC20] =	vst v51;
	v51 =	vld [tilespmem:s6+$0x14C00];
	s17 =	smul.f32 s17, s2  }
0x47e: {  	[tilespmem:$0x1FBA0] =	vst v54;
	v54 =	vld [tilespmem:s6+$0x14C10];
	s30 =	ssub.f32 $1.500000000e+00, s19;
	s19 =	smul.f32 s31, s15  }
0x47f: {  	[tilespmem:$0x1FAA0] =	vst v47;
	v7 =	vld [tilespmem:s6+$0xEC70];
	s31 =	smul.f32 s17, s12  }
0x480: {  	[tilespmem:$0x1FAD0] =	vst v42;
	v2 =	vld [tilespmem:s6+$0xECF0];
	s12 =	smul.f32 s30, s20  }
0x481: {  	[tilespmem:$0x1FA60] =	vst v21;
	v20 =	vld [tilespmem:s6+$0xEC00];
	v5 =	vmul.f32 v17, v17;
	s30 =	smul.f32 s31, s17  }
0x482: {  	v22 =	vld [tilespmem:s6+$0xEC20];
	[tilespmem:$0x1FB50] =	vst v1;
	v52 =	vmul.f32 v1, v1;
	s21 =	ssub.f32 $1.500000000e+00, s21  }
0x483: {  	v0 =	vld [tilespmem:s6+$0xECE0];
	[tilespmem:$0x1FBD0] =	vst v5;
	v5 =	vmul.f32 v51, v51;
	v1 =	vmul.f32 v54, v54;
	s2 =	ssub.f32 $1.500000000e+00, s30  }
0x484: {  	[tilespmem:$0x1FAE0] =	vst v40;
	v18 =	vld [tilespmem:s6+$0xEC40];
	s18 =	smul.f32 s21, s18  }
0x485: {  	v21 =	vld [tilespmem:s6+$0xEC10];
	[tilespmem:$0x1FAC0] =	vst v2;
	s21 =	smul.f32 s2, s17  }
0x486: {  	v14 =	vmov v23;
	v23 =	vld [tilespmem:s6+$0xEC30];
	v40 =	vmul.f32 v2, v2;
	[tilespmem:$0x1FB70] =	vst v5  }
0x487: {  	v2 =	vmovc v29;
	v29 =	vmul.f32 v20, v20;
	[tilespmem:$0x1FB90] =	vst v1;
	v5 =	vmovc v20;
	v1 =	vmov v22;
	v20 =	vmul.f32 s21, v60;
	v60 =	vld [tilespmem:$0x1FC90]  }
0x488: {  	[tilespmem:$0x1FC90] =	vst v1;
	v1 =	vld [tilespmem:$0x1FCA0]  }
0x489: {  	[tilespmem:$0x1FB20] =	vst v39;
	v19 =	vld [tilespmem:s6+$0xEC50]  }
0x48a: {  	[tilespmem:$0x1FB30] =	vst v38;
	v8 =	vld [tilespmem:s6+$0xED60]  }
0x48b: {  	v6 =	vld [tilespmem:s6+$0xED70];
	v24 =	vmul.f32 v18, v18;
	v18 =	vmov v18;
	[tilespmem:$0x1FBC0] =	vst v40  }
0x48c: {  	v38 =	vmov v31;
	v39 =	vld [tilespmem:s6+$0x14C60];
	v31 =	vmul.f32 v21, v21;
	[tilespmem:$0x1FC30] =	vst v52;
	v52 =	vmul.f32 v23, v23  }
0x48d: {  	s31 =	smul.f32 s18, s11;
	[tilespmem:$0x1FAF0] =	vst v5;
	v5 =	vmovc v36;
	v36 =	vmul.f32 s21, v60;
	v60 =	vmov v21;
	v21 =	vmul.f32 s21, v1;
	v1 =	vld [tilespmem:$0x1FC70]  }
0x48e: {  	v40 =	vmovc v26;
	v26 =	vmul.f32 v19, v19;
	[tilespmem:$0x1FC70] =	vst v18;
	v18 =	vmovc v23;
	v23 =	vmul.f32 s21, v41;
	v41 =	vmov v19;
	v19 =	vld [tilespmem:$0x1FCB0]  }
0x48f: {  	s11 =	smul.f32 s31, s18;
	[tilespmem:$0x1FCA0] =	vst v18;
	v18 =	vld [tilespmem:$0x1FC80]  }
0x490: {  	s16 =	smul.f32 s16, s14;
	[tilespmem:$0x1FC80] =	vst v41;
	v41 =	vld [tilespmem:$0x1FC40]  }
0x491: {  	[tilespmem:$0x1FB10] =	vst v33;
	v62 =	vld [tilespmem:s6+$0xECC0];
	v15 =	vmul.f32 v13, v13;
	s11 =	ssub.f32 $1.500000000e+00, s11  }
0x492: {  	[tilespmem:$0x1FB40] =	vst v32;
	v16 =	vld [tilespmem:s6+$0xED50];
	v3 =	vmul.f32 v7, v7;
	v50 =	vmul.f32 v39, v39;
	s28 =	smul.f32 s16, s9  }
0x493: {  	[tilespmem:$0x1FB60] =	vst v37;
	v25 =	vld [tilespmem:s6+$0xED00];
	v42 =	vmul.f32 v8, v8;
	v47 =	vmul.f32 v6, v6;
	s11 =	smul.f32 s11, s18  }
0x494: {  	v11 =	vld [tilespmem:s6+$0xEC80];
	[tilespmem:$0x1FC10] =	vst v50;
	v50 =	vmul.f32 v22, v22;
	v22 =	vmul.f32 s21, v1  }
0x495: {  	v10 =	vld [tilespmem:s6+$0xECA0];
	[tilespmem:$0x1FA70] =	vst v3;
	s28 =	smul.f32 s28, s16;
	v1 =	vmovc v13;
	v13 =	vmul.f32 s11, v19;
	v19 =	vmul.f32 s21, v41;
	v41 =	vmov v7  }
0x496: {  	v9 =	vld [tilespmem:s6+$0xEC90];
	[tilespmem:$0x1FBF0] =	vst v42  }
0x497: {  	[tilespmem:$0x1FC00] =	vst v47;
	v3 =	vmov v27;
	v27 =	vld [tilespmem:s6+$0xED10];
	s20 =	ssub.f32 $1.500000000e+00, s28  }
0x498: {  	v53 =	vmul.f32 v62, v62;
	v42 =	vmov v28;
	v28 =	vld [tilespmem:s6+$0xED20];
	[tilespmem:$0x1FC40] =	vst v41;
	v41 =	vmov v25  }
0x499: {  	s16 =	smul.f32 s20, s16;
	[tilespmem:$0x1FCB0] =	vst v41;
	v41 =	vld [tilespmem:$0x1FCC0]  }
0x49a: {  	v12 =	vld [tilespmem:s6+$0xECB0];
	[tilespmem:$0x1FB80] =	vst v53;
	v53 =	vmul.f32 v11, v11;
	v47 =	vmov v56;
	v56 =	vmul.f32 v10, v10;
	s19 =	ssub.f32 $1.500000000e+00, s19  }
0x49b: {  	[tilespmem:$0x1FA90] =	vst v4;
	v4 =	vmov v30;
	v30 =	vld [tilespmem:s6+$0xED30];
	s29 =	smul.f32 s16, s9  }
0x49c: {  	v37 =	vmovc v44;
	v44 =	vmov v58;
	[tilespmem:$0x1FAB0] =	vst v0;
	v0 =	vmul.f32 v0, v0;
	s19 =	smul.f32 s19, s15;
	v7 =	vadd.f32 v56, v53;
	v56 =	vld [tilespmem:$0x1FD20]  }
0x49d: {  	v58 =	vmul.f32 v25, v25;
	v32 =	vmul.f32 v27, v27;
	v27 =	vmovc v27;
	s9 =	smul.f32 s29, s16;
	v25 =	vadd.f32 v50, v29;
	v50 =	vld [tilespmem:$0x1FCD0]  }
0x49e: {  	v55 =	vmul.f32 v16, v16;
	s30 =	smul.f32 s19, s10;
	[tilespmem:$0x1FCC0] =	vst v27;
	v27 =	vadd.f32 v52, v31;
	v52 =	vld [tilespmem:$0x1FCE0];
	v29 =	vmul.f32 s11, v41;
	v41 =	vmovc v28  }
0x49f: {  	s31 =	smul.f32 s12, s8;
	s9 =	ssub.f32 $1.500000000e+00, s9;
	[tilespmem:$0x1FCD0] =	vst v41;
	v41 =	vld [tilespmem:$0x1FD10]  }
0x4a0: {  	[tilespmem:$0x1FBE0] =	vst v55;
	v55 =	vmul.f32 v9, v9;
	s10 =	smul.f32 s30, s19  }
0x4a1: {  	[tilespmem:$0x1FBB0] =	vst v0;
	v0 =	vmovc v57;
	v57 =	vmul.f32 v12, v12;
	v34 =	vmul.f32 v30, v30;
	s9 =	smul.f32 s9, s16;
	v53 =	vmov v16  }
0x4a2: {  	v33 =	vmul.f32 v28, v28;
	v35 =	vmul.f32 s21, v35;
	s10 =	ssub.f32 $1.500000000e+00, s10;
	[tilespmem:$0x1FD20] =	vst v53;
	v53 =	vld [tilespmem:$0x1FA90]  }
0x4a3: {  	v17 =	vmovc v17;
	s8 =	smul.f32 s31, s12;
	v42 =	vmul.f32 s9, v42;
	v28 =	vmul.f32 s11, v52;
	v52 =	vmov v30;
	v30 =	vld [tilespmem:$0x1FC50]  }
0x4a4: {  	s2 =	smul.f32 s10, s19;
	[tilespmem:$0x1FD10] =	vst v17;
	v17 =	vmul.f32 s11, v56;
	v56 =	vld [tilespmem:$0x1FC60];
	v31 =	vmul.f32 s11, v41;
	v41 =	vmov v8  }
0x4a5: {  	v40 =	vmul.f32 s9, v40;
	v24 =	vadd.f32 v24, v25;
	v8 =	vadd.f32 v57, v55;
	v57 =	vld [tilespmem:$0x1FCF0]  }
0x4a6: {  	s8 =	ssub.f32 $1.500000000e+00, s8;
	v25 =	vmul.f32 s2, v45;
	v45 =	vmul.f32 s9, v59;
	v59 =	vld [tilespmem:$0x1FAA0]  }
0x4a7: {  	s14 =	smul.f32 s13, s7;
	v26 =	vadd.f32 v26, v27;
	v27 =	vld [tilespmem:$0x1FA60];
	v15 =	vadd.f32 v15, v24;
	v24 =	vmul.f32 s2, v14;
	[tilespmem:$0x1FC50] =	vst v41;
	v41 =	vmovc v6  }
0x4a8: {  	s8 =	smul.f32 s8, s12;
	v18 =	vmul.f32 s21, v18;
	v50 =	vmul.f32 s11, v50;
	[tilespmem:$0x1FC60] =	vst v41;
	v41 =	vld [tilespmem:$0x1FA70]  }
0x4a9: {  	s14 =	smul.f32 s14, s13;
	v24 =	vadd.f32 v24, v42;
	v42 =	vld [tilespmem:$0x1FB00];
	v30 =	vmul.f32 s11, v30;
	v6 =	vadd.f32 v33, v58;
	v58 =	vmovc v54  }
0x4aa: {  	s8 =	ssub.f32 $0.0e+00, s8;
	[tilespmem:$0x1FCE0] =	vst v52;
	v16 =	vmul.f32 s11, v56;
	v56 =	vmov v51;
	v52 =	vmul.f32 s9, v57;
	v57 =	vld [tilespmem:$0x1FD00]  }
0x4ab: {  	v21 =	vadd.f32 v28, v21;
	v17 =	vadd.f32 v17, v18;
	s11 =	ssub.f32 $1.500000000e+00, s14;
	v51 =	vld [tilespmem:$0x1FA80];
	[tilespmem:$0x1FCF0] =	vst v56;
	v33 =	vmul.f32 s2, v43  }
0x4ac: {  	v27 =	vmul.f32 s2, v27;
	v55 =	vadd.f32 v34, v32;
	v18 =	vadd.f32 v30, v23;
	[tilespmem:$0x1FD00] =	vst v58;
	v58 =	vmovc v39;
	v39 =	vld [tilespmem:$0x1FAD0]  }
0x4ad: {  	s10 =	smul.f32 s11, s13;
	v56 =	vmovc v12;
	v12 =	vmul.f32 s8, v63;
	v63 =	vmovc v62;
	v62 =	vadd.f32 v33, v52;
	v52 =	vld [tilespmem:$0x1FB30];
	v14 =	vadd.f32 v41, v26  }
0x4ae: {  	v23 =	vmul.f32 s8, v5;
	v16 =	vadd.f32 v16, v19;
	v33 =	vld [tilespmem:s6+$0x14CB0];
	v26 =	vmul.f32 s2, v61  }
0x4af: {  	s14 =	smul.f32 s10, s7;
	v61 =	vmul.f32 s8, v59;
	v59 =	vld [tilespmem:s6+$0x14C20];
	v43 =	vmul.f32 s9, v57;
	v54 =	vadd.f32 v14, v15  }
0x4b0: {  	v57 =	vmovc v46;
	v46 =	vld [tilespmem:$0x1FB20];
	v14 =	vmul.f32 s2, v4;
	v4 =	vadd.f32 v13, v35;
	v13 =	vmul.f32 s8, v49  }
0x4b1: {  	s7 =	smul.f32 s14, s10;
	v49 =	vmovc v11;
	v11 =	vadd.f32 v29, v20;
	v20 =	vmul.f32 s8, v48;
	v48 =	vmovc v9;
	v9 =	vmul.f32 s8, v37;
	v37 =	vld [tilespmem:$0x1FAB0]  }
0x4b2: {  	v34 =	vmul.f32 s9, v44;
	v44 =	vmovc v10;
	v10 =	vadd.f32 v31, v22;
	v35 =	vmul.f32 s2, v38;
	v38 =	vld [tilespmem:$0x1FAC0]  }
0x4b3: {  	v28 =	vmul.f32 s8, v47;
	v16 =	vadd.f32 v16, v23;
	s15 =	ssub.f32 $1.500000000e+00, s7;
	v26 =	vadd.f32 v26, v40;
	v40 =	vld [tilespmem:$0x1FAE0]  }
0x4b4: {  	v22 =	vadd.f32 v25, v43;
	v25 =	vadd.f32 v27, v45;
	v45 =	vld [tilespmem:$0x1FB10]  }
0x4b5: {  	v32 =	vmul.f32 s2, v2;
	s2 =	smul.f32 s15, s10;
	v11 =	vadd.f32 v11, v20;
	v20 =	vadd.f32 v21, v28;
	v28 =	vld [tilespmem:s6+$0x14C30]  }
0x4b6: {  	v29 =	vadd.f32 v50, v36;
	v14 =	vadd.f32 v14, v34;
	v34 =	vld [tilespmem:$0x1FB40]  }
0x4b7: {  	v41 =	vmul.f32 s9, v3;
	v3 =	vmul.f32 s8, v51;
	s2 =	ssub.f32 $0.0e+00, s2;
	(xrf2) =	vadd.scan.msk.f32 $0xffff, v54;
	v54 =	vld [tilespmem:$0x1FB70]  }
0x4b8: {  	v10 =	vadd.f32 v10, v12;
	v16 =	vand.u32 $0x7FFFFFFF, v16;
	v9 =	vadd.f32 v29, v9;
	v29 =	vld [tilespmem:s6+$0x14D50]  }
0x4b9: {  	v3 =	vadd.f32 v17, v3;
	v2 =	vadd.f32 v18, v61;
	v43 =	vmul.f32 s2, v42;
	v42 =	vld [tilespmem:s6+$0x14C80]  }
0x4ba: {  	v10 =	vand.u32 $0x7FFFFFFF, v10;
	v30 =	vadd.f32 v32, v41;
	v4 =	vadd.f32 v4, v13;
	v47 =	vmovc v37;
	v37 =	vld [tilespmem:$0x1FB50]  }
0x4bb: {  	v3 =	vand.u32 $0x7FFFFFFF, v3;
	v2 =	vand.u32 $0x7FFFFFFF, v2;
	v51 =	vmul.f32 s2, v46;
	v36 =	vmovc v38;
	v38 =	vld [tilespmem:$0x1FB60]  }
0x4bc: {  	v27 =	vmul.f32 s2, v39;
	v9 =	vand.u32 $0x7FFFFFFF, v9;
	v31 =	vmul.f32 s2, v40;
	v40 =	vld [tilespmem:s6+$0x14C90]  }
0x4bd: {  	v50 =	vmovc v53;
	v53 =	vmul.f32 s2, v52;
	v2 =	vadd.f32 v2, v9;
	v12 =	vadd.f32 v26, v51;
	v26 =	vld [tilespmem:s6+$0x14C40]  }
0x4be: {  	v20 =	vand.u32 $0x7FFFFFFF, v20;
	v61 =	vadd.f32 v62, v27;
	v13 =	vadd.f32 v25, v43;
	v27 =	vld [tilespmem:s6+$0x14C50]  }
0x4bf: {  	v4 =	vand.u32 $0x7FFFFFFF, v4;
	v17 =	vadd.f32 v30, v53;
	v43 =	vadd.f32 v16, v20;
	v30 =	vld [tilespmem:s6+$0x14D60]  }
0x4c0: {  	v11 =	vand.u32 $0x7FFFFFFF, v11;
	v62 =	vadd.f32 v22, v31;
	v22 =	vmul.f32 s2, v34;
	v34 =	vld [tilespmem:s6+$0x14CA0]  }
0x4c1: {  	v4 =	vadd.f32 v10, v4;
	v21 =	vmul.f32 s2, v45;
	v2 =	vadd.f32 v43, v2;
	v43 =	vld [tilespmem:s6+$0x14D00]  }
0x4c2: {  	v18 =	vand.u32 $0x7FFFFFFF, v61;
	v39 =	vand.u32 $0x7FFFFFFF, v12;
	v45 =	vand.u32 $0x7FFFFFFF, v17;
	v17 =	vld [tilespmem:$0x1FBA0]  }
0x4c3: {  	v3 =	vadd.f32 v3, v11;
	v19 =	vand.u32 $0x7FFFFFFF, v62;
	v10 =	vadd.f32 v39, v18;
	v39 =	vld [tilespmem:s6+$0x14CC0]  }
0x4c4: {  	v21 =	vadd.f32 v24, v21;
	v24 =	vmul.f32 v59, v59;
	v11 =	vadd.f32 v45, v19;
	v45 =	vld [tilespmem:s6+$0x14D10]  }
0x4c5: {  	v15 =	vmul.f32 s9, v0;
	v14 =	vadd.f32 v14, v22;
	v23 =	vmul.f32 s2, v38;
	v38 =	vld [tilespmem:s6+$0x14CD0]  }
0x4c6: {  	v0 =	vadd.f32 v24, v54;
	v54 =	vld [tilespmem:$0x1FBE0]  }
0x4c7: {  	v15 =	vadd.f32 v35, v15;
	v13 =	vand.u32 $0x7FFFFFFF, v13;
	v32 =	vmovc v37;
	v37 =	vld [tilespmem:s6+$0x14CF0];
	v46 =	vand.u32 $0x7FFFFFFF, v14  }
0x4c8: {  	v53 =	vadd.f32 v46, v13;
	v13 =	vld [tilespmem:$0x1FB80]  }
0x4c9: {  	v3 =	vadd.f32 v3, v4;
	v15 =	vadd.f32 v15, v23;
	v23 =	vld [tilespmem:s6+$0x14D30]  }
0x4ca: {  	v16 =	vmul.f32 v33, v33;
	v52 =	vmul.f32 v42, v42;
	v21 =	vand.u32 $0x7FFFFFFF, v21;
	v46 =	vld [tilespmem:$0x1FBB0]  }
0x4cb: {  	v2 =	vadd.f32 v2, v3;
	v18 =	vmul.f32 v26, v26;
	v51 =	vand.u32 $0x7FFFFFFF, v15;
	v15 =	vld [tilespmem:$0x1FB90]  }
0x4cc: {  	v62 =	vmul.f32 v34, v34;
	v10 =	vadd.f32 v11, v10;
	v4 =	vadd.f32 v51, v21;
	v21 =	vld [tilespmem:s6+$0x14D20]  }
0x4cd: {  	v61 =	vmul.f32 v40, v40;
	(xrf2) =	vadd.scan.msk.f32 $0xffff, v2;
	v2 =	vadd.f32 v17, v8;
	v0 =	vadd.f32 v18, v0;
	v51 =	vld [tilespmem:$0x1FBC0]  }
0x4ce: {  	v25 =	vmul.f32 v28, v28;
	v3 =	vadd.f32 v62, v52;
	v4 =	vadd.f32 v4, v53;
	v53 =	vld [tilespmem:$0x1FBD0]  }
0x4cf: {  	v18 =	vmul.f32 v39, v39;
	v14 =	vadd.f32 v13, v7;
	v7 =	vadd.f32 v16, v61;
	v61 =	vld [tilespmem:s6+$0x14D40]  }
0x4d0: {  	v41 =	vmov v1;
	v1 =	vadd.f32 v25, v15;
	v4 =	vadd.f32 v4, v10;
	v15 =	vld [tilespmem:$0x1FBF0]  }
0x4d1: {  	v19 =	vmul.f32 v43, v43;
	v62 =	vmul.f32 v45, v45;
	v3 =	vadd.f32 v18, v3;
	v16 =	vld [tilespmem:$0x1FC00]  }
0x4d2: {  	v5 =	vadd.f32 v46, v14;
	v14 =	vld [tilespmem:$0x1FC30];
	v2 =	vadd.f32 v51, v2;
	v52 =	vmul.f32 v21, v21;
	(xrf2) =	vadd.scan.msk.f32 $0xffff, v4  }
0x4d3: {  	v17 =	vmul.f32 v23, v23;
	v51 =	vld [tilespmem:$0x1FC10];
	v4 =	vadd.f32 v53, v6;
	v6 =	vadd.f32 v54, v55  }
0x4d4: {  	v55 =	vmul.f32 v27, v27;
	v2 =	vadd.f32 v2, v5;
	v9 =	vadd.f32 v52, v19;
	v52 =	vld [tilespmem:$0x1FC20]  }
0x4d5: {  	v31 =	vld [tilespmem:s6+$0x14D70];
	v5 =	vadd.f32 v17, v62;
	v53 =	vmul.f32 v61, v61;
	v4 =	vadd.f32 v15, v4  }
0x4d6: {  	v13 =	vmul.f32 v29, v29;
	v6 =	vadd.f32 v16, v6;
	v1 =	vadd.f32 v55, v1  }
0x4d7: {  	v11, _, _ =	vpop (xrf2);
	v46 =	vmul.f32 v38, v38;
	(xrf2) =	vadd.scan.msk.f32 $0xffff, v2;
	v12 =	vadd.f32 v53, v9;
	v3 =	vadd.f32 v14, v3  }
0x4d8: {  	v54 =	vmul.f32 v37, v37;
	v0 =	vadd.f32 v51, v0;
	v19 =	vadd.f32 v6, v4  }
0x4d9: {  	v15 =	vmul.f32 v30, v30;
	v4 =	vadd.f32 v46, v7;
	v55, _, _ =	vpop (xrf2);
	v1 =	vadd.f32 v52, v1  }
0x4da: {  	v5 =	vadd.f32 v13, v5;
	v16 =	vmul.f32 v31, v31;
	(v2sf) =	vpush v55, $0xF;
	(xrf2) =	vadd.scan.msk.f32 $0xffff, v19  }
0x4db: {  	v4 =	vadd.f32 v54, v4;
	v62 =	vadd.f32 v1, v0  }
0x4dc: {  	v46 =	vadd.f32 v16, v5;
	v19 =	vadd.f32 v15, v12;
	v17, _, _ =	vpop (xrf2)  }
0x4dd: {  	v18 =	vadd.f32 v4, v3;
	(xrf2) =	vadd.scan.msk.f32 $0xffff, v62;
	(v2sf) =	vpush v17, $0xF;
	_ =	sdelay $0x1  }
0x4de: {  	v51 =	vadd.f32 v46, v19;
	(xrf2) =	vadd.scan.msk.f32 $0xffff, v18  }
0x4df: {  	(v2sf) =	vpush v11, $0xF  }
0x4e0: {  	v52, _, _ =	vpop (xrf2);
	(xrf2) =	vadd.scan.msk.f32 $0xffff, v51  }
0x4e1: {  	(v2sf) =	vpush v52, $0xF;
	_ =	sdelay $0x1  }
0x4e2: {  	v53, _, _ =	vpop (xrf2)  }
0x4e3: {  	(v2sf) =	vpush v53, $0xF;
	_ =	sdelay $0x1  }
0x4e4: {  	v54, _, _ =	vpop (xrf2)  }
0x4e5: {  	(v2sf) =	vpush v54, $0xF  }
0x4e6: {  	v55, _, _ =	vpop (xrf2)  }
0x4e7: {  	s16 =	spop (v2sf);
	(v2sf) =	vpush v55, $0xF  }
0x4e8: {  	v62, _, _ =	vpop (xrf2)  }
0x4e9: {  	s17 =	spop (v2sf);
	(v2sf) =	vpush v62, $0xF;
	_ =	sdelay $0x1  }
0x4ea: {  	s2 =	ssub.f32 s17, s16  }
0x4eb: {  	s18 =	spop (v2sf)  }
0x4ec: {  	s19 =	sshrl.u32 s18, $0x1;
	s2 =	sadd.f32 $5.000000000e-01, s2  }
0x4ed: {  	s12 =	smul.f32 $5.000000000e-01, s18;
	s13 =	ssub.s32 $0x5F3759DF, s19;
	s20 =	spop (v2sf)  }
0x4ee: {  	s8 =	smul.f32 $5.000000000e-01, s20;
	s6 =	sshrl.u32 s20, $0x1;
	s2 =	smax.f32 s2, $0.0e+00  }
0x4ef: {  	s14 =	ssub.s32 $0x5F3759DF, s6;
	s4 =	sadd.f32 s2, s4;
	s2 =	smul.f32 s13, s12  }
0x4f0: {  	s18 =	smul.f32 s14, s8;
	s21 =	spop (v2sf)  }
0x4f1: {  	s11 =	smul.f32 $5.000000000e-01, s21;
	s21 =	sshrl.u32 s21, $0x1  }
0x4f2: {  	s2 =	smul.f32 s13, s2;
	s15 =	ssub.s32 $0x5F3759DF, s21  }
0x4f3: {  	s29 =	spop (v2sf);
	s20 =	smul.f32 s15, s11  }
0x4f4: {  	p0 =	sne.s32 s5, $0x17A00;
	s9 =	smul.f32 $5.000000000e-01, s29  }
.Ltmp17:
0x4f5: {  	s30 =	spop (v2sf);
	s29 =	sshrl.u32 s29, $0x1;
	(pc) =	sbr.rel @p0 .LBB2_37-.Ltmp17, $4  }
0x4f6: {  	s7 =	smul.f32 $5.000000000e-01, s30;
	s16 =	ssub.s32 $0x5F3759DF, s29  }
0x4f7: {  	s30 =	sshrl.u32 s30, $0x1;
	s21 =	smul.f32 s16, s9;
	s31 =	spop (v2sf)  }
0x4f8: {  	s17 =	ssub.s32 $0x5F3759DF, s30;
	s10 =	smul.f32 $5.000000000e-01, s31;
	s31 =	sshrl.u32 s31, $0x1  }
0x4f9: {  	s5 =	sadd.s32 $0x600, s5;
	v35 =	vld [tilespmem:$0x1FAF0];
	s28 =	smul.f32 s17, s7;
	s19 =	ssub.s32 $0x5F3759DF, s31  }
0x4fa: {  	s5 =	smul.f32 s19, s10  }
0x4fb: {  	s6 =	smul.f32 s14, s18  }
0x4fc: {  	s20 =	smul.f32 s15, s20  }
0x4fd: {  	s2 =	ssub.f32 $1.500000000e+00, s2;
	s29 =	smul.f32 s16, s21  }
0x4fe: {  	s30 =	smul.f32 s17, s28  }
0x4ff: {  	s2 =	smul.f32 s13, s2  }
0x500: {  	s6 =	ssub.f32 $1.500000000e+00, s6;
	s5 =	smul.f32 s19, s5  }
0x501: {  	s18 =	ssub.f32 $1.500000000e+00, s20;
	s13 =	smul.f32 s2, s12  }
0x502: {  	s31 =	ssub.f32 $1.500000000e+00, s29;
	s6 =	smul.f32 s14, s6  }
0x503: {  	s20 =	ssub.f32 $1.500000000e+00, s30;
	s15 =	smul.f32 s15, s18  }
0x504: {  	s14 =	smul.f32 s16, s31;
	s21 =	ssub.f32 $1.500000000e+00, s5  }
0x505: {  	s5 =	smul.f32 s17, s20  }
0x506: {  	s16 =	smul.f32 s19, s21  }
0x507: {  	s13 =	smul.f32 s13, s2  }
0x508: {  	s28 =	smul.f32 s6, s8  }
0x509: {  	s29 =	smul.f32 s15, s11  }
0x50a: {  	s30 =	smul.f32 s14, s9  }
0x50b: {  	s31 =	smul.f32 s16, s10  }
0x50c: {  	s17 =	smul.f32 s28, s6  }
0x50d: {  	s13 =	ssub.f32 $1.500000000e+00, s13;
	s18 =	smul.f32 s29, s15  }
0x50e: {  	s19 =	smul.f32 s30, s14  }
0x50f: {  	v2 =	vld [tilespmem:$0x1FC90];
	s2 =	smul.f32 s13, s2  }
0x510: {  	v3 =	vld [tilespmem:$0x1FCA0];
	s17 =	ssub.f32 $1.500000000e+00, s17;
	s21 =	smul.f32 s31, s16  }
0x511: {  	v4 =	vld [tilespmem:$0x1FC70];
	s18 =	ssub.f32 $1.500000000e+00, s18;
	s28 =	smul.f32 s2, s12  }
0x512: {  	v5 =	vld [tilespmem:$0x1FC80];
	s6 =	smul.f32 s17, s6  }
0x513: {  	v7 =	vld [tilespmem:$0x1FCB0];
	s15 =	smul.f32 s18, s15  }
0x514: {  	v8 =	vld [tilespmem:$0x1FC40];
	s29 =	ssub.f32 $1.500000000e+00, s19;
	s12 =	smul.f32 s28, s2  }
0x515: {  	v9 =	vld [tilespmem:$0x1FCC0];
	s31 =	smul.f32 s15, s11  }
0x516: {  	v10 =	vld [tilespmem:$0x1FCD0];
	s13 =	smul.f32 s29, s14;
	s12 =	ssub.f32 $1.500000000e+00, s12  }
0x517: {  	v11 =	vld [tilespmem:$0x1FCE0];
	s11 =	smul.f32 s31, s15  }
0x518: {  	v12 =	vld [tilespmem:$0x1FD10];
	s30 =	ssub.f32 $1.500000000e+00, s21;
	s2 =	smul.f32 s12, s2  }
0x519: {  	v13 =	vld [tilespmem:$0x1FD20];
	s17 =	smul.f32 s13, s9  }
0x51a: {  	v14 =	vld [tilespmem:$0x1FC50];
	s14 =	smul.f32 s30, s16;
	s11 =	ssub.f32 $1.500000000e+00, s11;
	v0 =	vmul.f32 s2, v35;
	v1 =	vmul.f32 s2, v60  }
0x51b: {  	v15 =	vld [tilespmem:$0x1FC60];
	s9 =	smul.f32 s17, s13;
	v2 =	vmul.f32 s2, v2;
	v3 =	vmul.f32 s2, v3  }
0x51c: {  	v16 =	vld [tilespmem:$0x1FCF0];
	s11 =	smul.f32 s11, s15;
	v4 =	vmul.f32 s2, v4;
	v5 =	vmul.f32 s2, v5  }
0x51d: {  	v18 =	vld [tilespmem:$0x1FD00];
	s18 =	smul.f32 s14, s10;
	v6 =	vmul.f32 s2, v41;
	v8 =	vmul.f32 s2, v8  }
0x51e: {  	s21 =	smul.f32 s6, s8;
	s19 =	ssub.f32 $1.500000000e+00, s9;
	v7 =	vmul.f32 s11, v7;
	v9 =	vmul.f32 s11, v9  }
0x51f: {  	s10 =	smul.f32 s18, s14;
	v10 =	vmul.f32 s11, v10;
	v11 =	vmul.f32 s11, v11  }
0x520: {  	s2 =	smul.f32 s19, s13;
	v12 =	vmul.f32 s11, v12;
	v13 =	vmul.f32 s11, v13  }
0x521: {  	s10 =	ssub.f32 $1.500000000e+00, s10;
	v14 =	vmul.f32 s11, v14;
	v15 =	vmul.f32 s11, v15  }
0x522: {  	s8 =	smul.f32 s21, s6;
	v16 =	vmul.f32 s2, v16;
	v18 =	vmul.f32 s2, v18  }
0x523: {  	s10 =	smul.f32 s10, s14;
	v20 =	vmul.f32 s2, v59;
	v22 =	vmul.f32 s2, v28  }
0x524: {  	s8 =	ssub.f32 $1.500000000e+00, s8;
	v24 =	vmul.f32 s2, v26;
	v46 =	vmul.f32 s2, v58  }
0x525: {  	s20 =	smul.f32 s5, s7;
	v52 =	vmul.f32 s2, v57;
	v17 =	vmul.f32 s10, v43  }
0x526: {  	s6 =	smul.f32 s8, s6;
	v19 =	vmul.f32 s10, v45;
	v21 =	vmul.f32 s10, v21  }
0x527: {  	s20 =	smul.f32 s20, s5;
	v23 =	vmul.f32 s10, v23;
	v25 =	vmul.f32 s10, v61  }
0x528: {  	s6 =	ssub.f32 $0.0e+00, s6;
	v43 =	vmul.f32 s2, v27;
	v45 =	vmul.f32 s10, v29;
	v0 =	vadd.f32 v7, v0  }
0x529: {  	s9 =	ssub.f32 $1.500000000e+00, s20;
	v51 =	vmul.f32 s10, v30;
	v1 =	vadd.f32 v9, v1;
	v2 =	vadd.f32 v10, v2  }
0x52a: {  	v53 =	vmul.f32 s6, v49;
	v3 =	vadd.f32 v11, v3;
	v4 =	vadd.f32 v12, v4  }
0x52b: {  	s5 =	smul.f32 s9, s5;
	v54 =	vmul.f32 s6, v48;
	v5 =	vadd.f32 v13, v5;
	v6 =	vadd.f32 v14, v6  }
0x52c: {  	v55 =	vmul.f32 s6, v44;
	v8 =	vadd.f32 v15, v8;
	v60 =	vadd.f32 v17, v16  }
0x52d: {  	s28 =	smul.f32 s5, s7;
	v57 =	vmul.f32 s6, v63;
	v61 =	vadd.f32 v19, v18;
	v63 =	vadd.f32 v21, v20  }
0x52e: {  	v56 =	vmul.f32 s6, v56;
	v35 =	vadd.f32 v23, v22;
	v41 =	vadd.f32 v25, v24  }
0x52f: {  	s7 =	smul.f32 s28, s5;
	v58 =	vmul.f32 s6, v50;
	v44 =	vadd.f32 v51, v46;
	v0 =	vadd.f32 v0, v53  }
0x530: {  	v59 =	vmul.f32 s6, v47;
	v1 =	vadd.f32 v1, v54;
	v2 =	vadd.f32 v2, v55  }
0x531: {  	v62 =	vmul.f32 s6, v36;
	s29 =	ssub.f32 $1.500000000e+00, s7;
	v3 =	vadd.f32 v3, v56;
	v4 =	vadd.f32 v4, v57  }
0x532: {  	v31 =	vmul.f32 s10, v31;
	v5 =	vadd.f32 v5, v58;
	v6 =	vadd.f32 v6, v59  }
0x533: {  	v8 =	vadd.f32 v8, v62;
	s2 =	smul.f32 s29, s5;
	v0 =	vand.u32 $0x7FFFFFFF, v0;
	v1 =	vand.u32 $0x7FFFFFFF, v1  }
0x534: {  	v2 =	vand.u32 $0x7FFFFFFF, v2;
	v3 =	vand.u32 $0x7FFFFFFF, v3;
	v4 =	vand.u32 $0x7FFFFFFF, v4  }
0x535: {  	v5 =	vand.u32 $0x7FFFFFFF, v5;
	v6 =	vand.u32 $0x7FFFFFFF, v6;
	v0 =	vadd.f32 v4, v0;
	s2 =	ssub.f32 $0.0e+00, s2  }
0x536: {  	v8 =	vand.u32 $0x7FFFFFFF, v8;
	v1 =	vadd.f32 v5, v1;
	v2 =	vadd.f32 v6, v2  }
0x537: {  	v36 =	vmul.f32 s2, v42;
	v42 =	vadd.f32 v45, v43;
	v43 =	vmul.f32 s2, v40  }
0x538: {  	v3 =	vadd.f32 v8, v3;
	v46 =	vmul.f32 s2, v34;
	v47 =	vmul.f32 s2, v33  }
0x539: {  	v45 =	vadd.f32 v31, v52;
	v48 =	vmul.f32 s2, v39;
	v49 =	vmul.f32 s2, v38  }
0x53a: {  	v52 =	vmul.f32 s2, v32;
	v50 =	vadd.f32 v60, v36;
	v51 =	vadd.f32 v61, v43  }
0x53b: {  	v53 =	vmul.f32 s2, v37;
	v7 =	vadd.f32 v63, v46;
	v9 =	vadd.f32 v35, v47  }
0x53c: {  	v10 =	vadd.f32 v41, v48;
	v11 =	vadd.f32 v42, v49  }
0x53d: {  	v14 =	vadd.f32 v44, v52;
	v15 =	vadd.f32 v45, v53;
	v12 =	vand.u32 $0x7FFFFFFF, v50  }
0x53e: {  	v13 =	vand.u32 $0x7FFFFFFF, v51;
	v7 =	vand.u32 $0x7FFFFFFF, v7;
	v9 =	vand.u32 $0x7FFFFFFF, v9  }
0x53f: {  	v54 =	vand.u32 $0x7FFFFFFF, v10;
	v55 =	vand.u32 $0x7FFFFFFF, v11;
	v56 =	vand.u32 $0x7FFFFFFF, v14  }
0x540: {  	v57 =	vand.u32 $0x7FFFFFFF, v15;
	v4 =	vadd.f32 v54, v12;
	v5 =	vadd.f32 v55, v13  }
0x541: {  	v6 =	vadd.f32 v56, v7;
	v58 =	vadd.f32 v57, v9  }
0x542: {  	v0 =	vadd.f32 v1, v0;
	v59 =	vadd.f32 v3, v2  }
0x543: {  	v60 =	vadd.f32 v5, v4;
	v61 =	vadd.f32 v58, v6  }
0x544: {  	v0 =	vadd.f32 v59, v0  }
0x545: {  	v62 =	vadd.f32 v61, v60  }
0x546: {  	(xrf2) =	vadd.scan.msk.f32 $0xffff, v0  }
0x547: {  	(xrf2) =	vadd.scan.msk.f32 $0xffff, v62;
	_ =	sdelay $0x8  }
0x548: {  	v0, _, _ =	vpop (xrf2)  }
0x549: {  	(v2sf) =	vpush v0, $0xF;
	v63, _, _ =	vpop (xrf2)  }
0x54a: {  	(v2sf) =	vpush v63, $0xF;
	_ =	sdelay $0xd  }
0x54b: {  	s30 =	spop (v2sf)  }
0x54c: {  	s24 =	sadd.s32 $0x1, s24;
	s31 =	spop (v2sf)  }
0x54d: {  	p0 =	sne.s32 s24, $0x4;
	s2 =	ssub.f32 s31, s30  }
.Ltmp18:
0x54e: {  	_ = 	snop;
	(pc) =	sbr.rel @p0 .LBB2_34-.Ltmp18, $3  }
0x54f: {  	s2 =	sadd.f32 $5.000000000e-01, s2;
	_ =	sdelay $0x1  }
0x550: {  	s2 =	smax.f32 s2, $0.0e+00  }
0x551: {  	s4 =	sadd.f32 s2, s4  }
0x552: {  	_ = 	snop  }
0x553: {  	v0 =	vmov s4  }
0x554: {  	s2 =	rddreg [dreg:$0x13];
	s29 =	simm.s32 $0x1AC00;
	[tilespmem:$0x1AC00] =	vst v0  }
0x555: {  	[hbm4b:s2+s3] =	stream.linear.scatter [tilespmem:s29], [sflag:$0x3], $0x80, $0x38;
	[tilespmem:$0x1AC80] =	vst v63  }
0x556: {  	_ =	swait.ge [sflag:s22], $0x80  }
0x557: {  	s30 =	rddreg [dreg:$0x15]  }
0x558: {  	s31 =	rddreg [dreg:$0x14];
	s4 =	sadd.s32 $0x1, s30  }
0x559: {  	p0 =	sne.s32 s4, s31  }
.Ltmp19:
0x55a: {  	_ = 	snop;
	(pc) =	sbr.rel @p0 .LBB2_1-.Ltmp19, $3  }
0x55b: {  	_ =	sdelay $0x1  }
0x55c: {  	[sflag:s22] =	ssyncset.done $0x0  }
0x55d: {  	s9 =	simm.s32 $0x2000;
	v10 =	vlaneseq.u32;
	v11 =	vimm.s32 $0x0;
	[sflag:s22] =	ssyncadd.s32 $0xFFFFFF80  }
0x55e: {  	_ =	sfence.sel $0x180000  }
0x55f: {  	[bflag:$0x0] =	sbarrier.arrive $0xFFFF  }
0x560: {  	_ =	strace $0x90000047  }
0x561: {  	s0 =	stileid.u32;
	[bflag:$0x2] =	sbarrier.arrive $0xFFFF  }
0x562: {  	p0 =	sne.s32 s0, $0x0;
	s0 =	rddreg [dreg:$0x2]  }
0x563: {  	s0 =	sadd.s32 @!p0 $0x100000, s0  }
0x564: {  	[sflag:s0] =	ssyncadd.tile.s32 @!p0 $0x1;
	_ =	shalt  }
.Lfunc_end2:
_tile_overlayer_lowered:
.L_overlay_start_2:
0x565: {  	(tag) =	ssettag $0x2  }
0x566: {  	s0 =	rddreg [dreg:$0x0];
	s2 =	stileid.u32  }
0x567: {  	s1 =	rddreg [dreg:$0x1];
	p0 =	sne.s32 s2, $0x0  }
0x568: {  	s3 =	rddreg [dreg:$0x2];
	[bflag:$0x3] =	sbarrier.arrive $0xFFFF;
	s2 =	simm.s32 @!p0 $0x1C03  }
0x569: {  	[timem:s3], [sflag:s2] =	dma.local @!p0 [hbm:s0], s1  }
0x56a: {  	s0 =	simm.s32 @!p0 $0x3  }
0x56b: {  	_ =	swait.ge @!p0 [sflag:s0], s1  }
0x56c: {  	s1 =	ssub.s32 @!p0 $0x0, s1;
	[sflag:s0] =	ssyncset.done @!p0 $0x0  }
0x56d: {  	[sflag:s0] =	ssyncadd.s32 @!p0 s1  }
0x56e: {  	[bflag:$0x3] =	sbarrier.arrive $0xFFFF  }
0x56f: {  	_ =	shalt  }

</sc_bundles>
